<compile_context>
chip_gen: v7x
topology: tpu7x:2x2x1
jax: 0.10.2.dev20260603
libtpu: 0.0.44.dev20260713+nightly
codegen_flags: <defaults>
</compile_context>

<pallas_src>
import functools

import jax
import jax.numpy as jnp
from jax import lax
from jax.experimental import pallas as pl
from jax.experimental.pallas import tpu as pltpu
from jax.experimental.pallas import tpu_sc as plsc

N = 10000
D = 128
NC = 2
NS = 16
NW = NC * NS
CHUNK = 128
NPAD = 10240
ZTILE = NPAD // NS
ZROWS = ZTILE // CHUNK
ZREM = ZTILE - ZROWS * CHUNK
OUTR = 624
DCNT = 16
SUB = 4

NCH0 = 80
NCH1 = 80
NCHMAX = max(NCH0, NCH1)


def _gather_sub(g_hbm, isrc, rows, sem):
    for m in range(SUB):
        sl = pl.ds(m * (CHUNK // SUB), CHUNK // SUB)
        pltpu.async_copy(g_hbm.at[isrc.at[sl]], rows.at[sl], sem)


def _gwait_sub(g_hbm, isrc, rows, sem):
    for m in range(SUB):
        sl = pl.ds(m * (CHUNK // SUB), CHUNK // SUB)
        pltpu.make_async_copy(g_hbm.at[isrc.at[sl]], rows.at[sl], sem).wait()


def _run_pipeline(g_hbm, srcp_hbm, dstp_hbm, idx_d, isrc0, isrc1,
                  rows0, rows1, acc, sg0, sg1, ss0, ss1, si0, si1,
                  start, nch):
    nhalf = nch // 2
    pltpu.sync_copy(dstp_hbm.at[pl.ds(start, nch)], idx_d)
    pltpu.sync_copy(srcp_hbm.at[start], isrc0)
    _gather_sub(g_hbm, isrc0, rows0, sg0)
    pltpu.async_copy(srcp_hbm.at[start + 1], isrc1, si1)

    def body(i, c):
        k0 = 2 * i
        gk0 = start + k0
        _gwait_sub(g_hbm, isrc0, rows0, sg0)
        pltpu.async_copy(rows0, acc.at[idx_d.at[k0]], ss0, add=True)

        @pl.when(i + 1 < nhalf)
        def _():
            pltpu.async_copy(srcp_hbm.at[gk0 + 2], isrc0, si0)

        @pl.when(i > 0)
        def _():
            pltpu.make_async_copy(rows1, acc.at[idx_d.at[k0]], ss1).wait()

        pltpu.make_async_copy(srcp_hbm.at[gk0 + 1], isrc1, si1).wait()
        _gather_sub(g_hbm, isrc1, rows1, sg1)
        _gwait_sub(g_hbm, isrc1, rows1, sg1)
        pltpu.async_copy(rows1, acc.at[idx_d.at[k0 + 1]], ss1, add=True)

        @pl.when(i + 1 < nhalf)
        def _():
            pltpu.async_copy(srcp_hbm.at[gk0 + 3], isrc1, si1)

        pltpu.make_async_copy(rows0, acc.at[idx_d.at[k0]], ss0).wait()

        @pl.when(i + 1 < nhalf)
        def _():
            pltpu.make_async_copy(srcp_hbm.at[gk0 + 2], isrc0, si0).wait()
            _gather_sub(g_hbm, isrc0, rows0, sg0)

        return c

    lax.fori_loop(0, nhalf, body, 0)
    pltpu.make_async_copy(rows1, acc.at[idx_d.at[0]], ss1).wait()


def _sc_layer(g, srcp, dstp):
    mesh = plsc.VectorSubcoreMesh(core_axis_name="c", subcore_axis_name="s")

    @functools.partial(
        pl.kernel,
        out_type=jax.ShapeDtypeStruct((NC, N, D), jnp.float32),
        mesh=mesh,
        scratch_types=[
            pltpu.VMEM((NCHMAX, CHUNK), jnp.int32),
            pltpu.VMEM((CHUNK,), jnp.int32),
            pltpu.VMEM((CHUNK,), jnp.int32),
            pltpu.VMEM((CHUNK, D), jnp.float32),
            pltpu.VMEM((CHUNK, D), jnp.float32),
            pltpu.VMEM_SHARED((NPAD, D), jnp.float32),
            pltpu.SemaphoreType.DMA,
            pltpu.SemaphoreType.DMA,
            pltpu.SemaphoreType.DMA,
            pltpu.SemaphoreType.DMA,
            pltpu.SemaphoreType.DMA,
            pltpu.SemaphoreType.DMA,
        ],
    )
    def k(g_hbm, srcp_hbm, dstp_hbm, out_hbm, idx_d, isrc0, isrc1,
          rows0, rows1, acc,
          sg0, sg1, ss0, ss1, si0, si1):
        cid = lax.axis_index("c")
        sid = lax.axis_index("s")

        zero16 = jnp.zeros((16,), jnp.float32)

        def zrow(i, c):
            for j in range(D // 16):
                rows0[i, pl.ds(j * 16, 16)] = zero16
            return c

        lax.fori_loop(0, CHUNK, zrow, 0)

        def zcp(t, c):
            pltpu.sync_copy(rows0, acc.at[pl.ds(sid * ZTILE + t * CHUNK, CHUNK)])
            return c

        lax.fori_loop(0, ZROWS, zcp, 0)
        if ZREM:
            pltpu.sync_copy(rows0.at[pl.ds(0, ZREM)],
                            acc.at[pl.ds(sid * ZTILE + ZROWS * CHUNK, ZREM)])
        plsc.subcore_barrier()

        if NCH0 > 0:
            @pl.when(cid == 0)
            def _():
                _run_pipeline(g_hbm, srcp_hbm, dstp_hbm, idx_d, isrc0, isrc1,
                              rows0, rows1, acc, sg0, sg1, ss0, ss1,
                              si0, si1, sid * NCH0, NCH0)

        if NCH1 > 0:
            @pl.when(cid == 1)
            def _():
                _run_pipeline(g_hbm, srcp_hbm, dstp_hbm, idx_d, isrc0, isrc1,
                              rows0, rows1, acc, sg0, sg1, ss0, ss1,
                              si0, si1, NS * NCH0 + sid * NCH1, NCH1)

        plsc.subcore_barrier()
        pltpu.sync_copy(acc.at[pl.ds(sid * OUTR, OUTR)],
                        out_hbm.at[cid, pl.ds(sid * OUTR, OUTR)])

        @pl.when(sid == NS - 1)
        def _():
            pltpu.sync_copy(acc.at[pl.ds(NS * OUTR, N - NS * OUTR)],
                            out_hbm.at[cid, pl.ds(NS * OUTR, N - NS * OUTR)])

    return k(g, srcp, dstp)


def _sc_deg(dstp, totch):
    mesh = plsc.VectorSubcoreMesh(core_axis_name="c", subcore_axis_name="s")
    nch = totch // NW

    @functools.partial(
        pl.kernel,
        out_type=jax.ShapeDtypeStruct((NC, N, DCNT), jnp.float32),
        mesh=mesh,
        scratch_types=[
            pltpu.VMEM((nch, CHUNK), jnp.int32),
            pltpu.VMEM((CHUNK, DCNT), jnp.float32),
            pltpu.VMEM((CHUNK, DCNT), jnp.float32),
            pltpu.VMEM_SHARED((NPAD, DCNT), jnp.float32),
            pltpu.SemaphoreType.DMA,
        ],
    )
    def k(dstp_hbm, out_hbm, idx_d, ones_v, zbuf, accd, sem):
        cid = lax.axis_index("c")
        sid = lax.axis_index("s")
        wid = sid * NC + cid

        one16 = jnp.ones((16,), jnp.float32)
        zero16 = jnp.zeros((16,), jnp.float32)

        def frow(i, c):
            ones_v[i, :] = one16
            zbuf[i, :] = zero16
            return c

        lax.fori_loop(0, CHUNK, frow, 0)

        def zcp(t, c):
            pltpu.sync_copy(zbuf, accd.at[pl.ds(sid * ZTILE + t * CHUNK, CHUNK)])
            return c

        lax.fori_loop(0, ZROWS, zcp, 0)
        if ZREM:
            pltpu.sync_copy(zbuf.at[pl.ds(0, ZREM)],
                            accd.at[pl.ds(sid * ZTILE + ZROWS * CHUNK, ZREM)])

        pltpu.sync_copy(dstp_hbm.at[pl.ds(wid * nch, nch)], idx_d)
        plsc.subcore_barrier()

        def fire(j, c):
            pltpu.async_copy(ones_v, accd.at[idx_d.at[j]], sem, add=True)
            return c

        lax.fori_loop(0, nch, fire, 0)

        def drain(j, c):
            pltpu.make_async_copy(ones_v, accd.at[idx_d.at[0]], sem).wait()
            return c

        lax.fori_loop(0, nch, drain, 0)

        plsc.subcore_barrier()
        pltpu.sync_copy(accd.at[pl.ds(sid * OUTR, OUTR)],
                        out_hbm.at[cid, pl.ds(sid * OUTR, OUTR)])

        @pl.when(sid == NS - 1)
        def _():
            pltpu.sync_copy(accd.at[pl.ds(NS * OUTR, N - NS * OUTR)],
                            out_hbm.at[cid, pl.ds(NS * OUTR, N - NS * OUTR)])

    return k(dstp)


_R = 1000


def _tc_head(cnt0, cnt1, x, W1):
    def body(c0, c1, xr, wr, dis_ref, g_ref):
        cnt = c0[:, 0:1] + c1[:, 0:1]
        dis = lax.rsqrt(1.0 + cnt)
        dis_ref[...] = dis
        g_ref[...] = dis * jnp.dot(xr[...], wr[...],
                                   preferred_element_type=jnp.float32)

    return pl.pallas_call(
        body,
        grid=(N // _R,),
        in_specs=[
            pl.BlockSpec((_R, DCNT), lambda i: (i, 0)),
            pl.BlockSpec((_R, DCNT), lambda i: (i, 0)),
            pl.BlockSpec((_R, D), lambda i: (i, 0)),
            pl.BlockSpec((D, D), lambda i: (0, 0)),
        ],
        out_specs=[
            pl.BlockSpec((_R, 1), lambda i: (i, 0)),
            pl.BlockSpec((_R, D), lambda i: (i, 0)),
        ],
        out_shape=[
            jax.ShapeDtypeStruct((N, 1), jnp.float32),
            jax.ShapeDtypeStruct((N, D), jnp.float32),
        ],
    )(cnt0, cnt1, x, W1)


def _tc_mid(p0, p1, g, resid, dis, b, W):
    def body(p0r, p1r, gr, rr, dr, br, wr, h_ref, gout_ref):
        dis = dr[...]
        conv = dis * (p0r[...] + p1r[...] + gr[...]) + br[...]
        h = jnp.maximum(conv, 0.0) + rr[...]
        h_ref[...] = h
        gout_ref[...] = dis * jnp.dot(h, wr[...],
                                      preferred_element_type=jnp.float32)

    return pl.pallas_call(
        body,
        grid=(N // _R,),
        in_specs=[
            pl.BlockSpec((_R, D), lambda i: (i, 0)),
            pl.BlockSpec((_R, D), lambda i: (i, 0)),
            pl.BlockSpec((_R, D), lambda i: (i, 0)),
            pl.BlockSpec((_R, D), lambda i: (i, 0)),
            pl.BlockSpec((_R, 1), lambda i: (i, 0)),
            pl.BlockSpec((1, D), lambda i: (0, 0)),
            pl.BlockSpec((D, D), lambda i: (0, 0)),
        ],
        out_specs=[
            pl.BlockSpec((_R, D), lambda i: (i, 0)),
            pl.BlockSpec((_R, D), lambda i: (i, 0)),
        ],
        out_shape=[
            jax.ShapeDtypeStruct((N, D), jnp.float32),
            jax.ShapeDtypeStruct((N, D), jnp.float32),
        ],
    )(p0, p1, g, resid, dis, b, W)


def _tc_tail(p0, p1, g, resid, dis, b):
    def body(p0r, p1r, gr, rr, dr, br, out_ref):
        out_ref[...] = dr[...] * (p0r[...] + p1r[...] + gr[...]) + br[...] + rr[...]

    return pl.pallas_call(
        body,
        grid=(N // _R,),
        in_specs=[
            pl.BlockSpec((_R, D), lambda i: (i, 0)),
            pl.BlockSpec((_R, D), lambda i: (i, 0)),
            pl.BlockSpec((_R, D), lambda i: (i, 0)),
            pl.BlockSpec((_R, D), lambda i: (i, 0)),
            pl.BlockSpec((_R, 1), lambda i: (i, 0)),
            pl.BlockSpec((1, D), lambda i: (0, 0)),
        ],
        out_specs=pl.BlockSpec((_R, D), lambda i: (i, 0)),
        out_shape=jax.ShapeDtypeStruct((N, D), jnp.float32),
    )(p0, p1, g, resid, dis, b)


def kernel(graph_x, graph_edge, W1, b1, W2, b2):
    e = graph_edge.shape[1]
    totch = NS * (NCH0 + NCH1)
    ep = totch * CHUNK
    src = graph_edge[0]
    dst = graph_edge[1]
    srcp = jnp.concatenate(
        [src, jnp.zeros((ep - e,), jnp.int32)]).reshape(totch, CHUNK)
    dstp = jnp.concatenate(
        [dst, jnp.full((ep - e + NCHMAX * CHUNK,), N, jnp.int32)]
    ).reshape(totch + NCHMAX, CHUNK)
    b1r = b1.reshape(1, D)
    b2r = b2.reshape(1, D)

    cntp = _sc_deg(dstp, totch)
    dis, g1 = _tc_head(cntp[0], cntp[1], graph_x, W1)
    p = _sc_layer(g1, srcp, dstp)
    h2, g2 = _tc_mid(p[0], p[1], g1, graph_x, dis, b1r, W2)
    p = _sc_layer(g2, srcp, dstp)
    h3, g3 = _tc_mid(p[0], p[1], g2, h2, dis, b2r, W2)
    p = _sc_layer(g3, srcp, dstp)
    return _tc_tail(p[0], p[1], g3, h3, dis, b2r)

# --- scband reference (transcript-rebuilt; emitter-appended) ---
"""Pipeline reference for scband-graph-emb-9663676416454 (READ-ONLY COPY).

The authoritative reference and input builder live on the scoring server;
editing this copy changes nothing except your own understanding.
"""

import jax, jax.numpy as jnp
import numpy as np

N = 10000
E = 320000
D = 128


def gcn_conv(x, edge_index, W, b):
    n = x.shape[0]
    loop = jnp.arange(n, dtype=edge_index.dtype)
    src = jnp.concatenate([edge_index[0], loop])
    dst = jnp.concatenate([edge_index[1], loop])
    deg = jnp.zeros((n,), x.dtype).at[dst].add(1.0)
    dis = jnp.where(deg > 0, deg ** -0.5, 0.0)
    norm = dis[src] * dis[dst]
    h = x @ W
    msg = h[src] * norm[:, None]
    out = jnp.zeros_like(h).at[dst].add(msg)
    return out + b


def glorot(key, fan_in, fan_out):
    s = (6.0 / (fan_in + fan_out)) ** 0.5
    return jax.random.uniform(key, (fan_in, fan_out), jnp.float32, -s, s)


def setup_inputs(seed: int = 0):
    key = jax.random.key(seed)
    ks = jax.random.split(key, 6)
    graph_x = jax.random.normal(ks[0], (N, D), jnp.float32)
    graph_edge = jax.random.randint(ks[1], (2, E), 0, N, jnp.int32)
    W1 = glorot(ks[2], D, D)
    b1 = jnp.zeros((D,), jnp.float32)
    W2 = glorot(ks[3], D, D)
    b2 = jnp.zeros((D,), jnp.float32)
    return {"graph_x": graph_x, "graph_edge": graph_edge, "W1": W1, "b1": b1, "W2": W2, "b2": b2}


def reference(graph_x, graph_edge, W1, b1, W2, b2):
    # dropout layers are identity in eval mode
    h_1 = graph_x
    h = jax.nn.relu(gcn_conv(graph_x, graph_edge, W1, b1))
    h_2 = h + h_1
    h = jax.nn.relu(gcn_conv(h_2, graph_edge, W2, b2))
    h_3 = h + h_2
    h = gcn_conv(h_3, graph_edge, W2, b2)  # forward reuses conv2 (conv3 unused)
    h = h + h_3
    return h

if __name__ == "__main__":
    import jax
    _d = setup_inputs()
    print(jax.jit(kernel)(*tuple(_d.values())))

</pallas_src>

<mosaic_0001>
#map = affine_map<(d0, d1) -> (0, 0)>
#map1 = affine_map<(d0, d1) -> (0, 0, 0)>
module attributes {stable_mosaic.version = 14 : i64} {
  func.func @k(%arg0: i32, %arg1: i32, %arg2: memref<10000x128xf32, #tpu.memory_space<hbm>>, %arg3: memref<2560x128xi32, #tpu.memory_space<hbm>>, %arg4: memref<2640x128xi32, #tpu.memory_space<hbm>>, %arg5: memref<2x10000x128xf32, #tpu.memory_space<hbm>>, %arg6: memref<80x128xi32, #tpu.memory_space<vmem>>, %arg7: memref<128xi32, #tpu.memory_space<vmem>>, %arg8: memref<128xi32, #tpu.memory_space<vmem>>, %arg9: memref<128x128xf32, #tpu.memory_space<vmem>>, %arg10: memref<128x128xf32, #tpu.memory_space<vmem>>, %arg11: memref<10240x128xf32, #tpu.memory_space<vmem_shared>>, %arg12: memref<!tpu.dma_semaphore, #tpu.memory_space<semaphore_mem>>, %arg13: memref<!tpu.dma_semaphore, #tpu.memory_space<semaphore_mem>>, %arg14: memref<!tpu.dma_semaphore, #tpu.memory_space<semaphore_mem>>, %arg15: memref<!tpu.dma_semaphore, #tpu.memory_space<semaphore_mem>>, %arg16: memref<!tpu.dma_semaphore, #tpu.memory_space<semaphore_mem>>, %arg17: memref<!tpu.dma_semaphore, #tpu.memory_space<semaphore_mem>>) attributes {dimension_semantics = [#tpu.dimension_semantics<core_parallel>, #tpu.dimension_semantics<subcore_parallel>], iteration_bounds = array<i64: 2, 16>, scalar_prefetch = 0 : i64, scratch_operands = 12 : i64, tpu.core_type = #tpu.core_type<sc_vector_subcore>, window_params = [{transform_indices = #map}, {transform_indices = #map}, {transform_indices = #map}, {transform_indices = #map1}]} {
    %broadcast_in_dim3A = arith.constant 0.000000e+00 : f32
    %broadcast_in_dim3A_0 = vector.broadcast %broadcast_in_dim3A : f32 to vector<16xf32>
    %scan3A = arith.constant 0 : i32
    %scan3A_1 = arith.constant 0 : i32
    %scan3A_2 = arith.constant 128 : i32
    %scan3A_3 = arith.addi %scan3A_1, %scan3A_2 : i32
    %scan3A_4 = arith.constant 1 : i32
    scf.for %scan3A_28 = %scan3A_1 to %scan3A_3 step %scan3A_4  : i32 {
      %swap3A = arith.index_cast %scan3A_28 : i32 to index
      %swap3A_29 = arith.constant 0 : index
      %swap3A_30 = tpu.vector_load %arg9[%swap3A, %swap3A_29] {strides = array<i32>} : memref<128x128xf32, #tpu.memory_space<vmem>>, vector<1x16xf32>,
      %swap3A_31 = vector.shape_cast %swap3A_30 : vector<1x16xf32> to vector<16xf32>
      %swap3A_32 = vector.shape_cast %broadcast_in_dim3A_0 : vector<16xf32> to vector<1x16xf32>
      tpu.vector_store %arg9[%swap3A, %swap3A_29], %swap3A_32 {strides = array<i32>} : memref<128x128xf32, #tpu.memory_space<vmem>>, vector<1x16xf32>,
      %swap3A_33 = arith.index_cast %scan3A_28 : i32 to index
      %swap3A_34 = arith.constant 16 : index
      %swap3A_35 = tpu.vector_load %arg9[%swap3A_33, %swap3A_34] {strides = array<i32>} : memref<128x128xf32, #tpu.memory_space<vmem>>, vector<1x16xf32>,
      %swap3A_36 = vector.shape_cast %swap3A_35 : vector<1x16xf32> to vector<16xf32>
      %swap3A_37 = vector.shape_cast %broadcast_in_dim3A_0 : vector<16xf32> to vector<1x16xf32>
      tpu.vector_store %arg9[%swap3A_33, %swap3A_34], %swap3A_37 {strides = array<i32>} : memref<128x128xf32, #tpu.memory_space<vmem>>, vector<1x16xf32>,
      %swap3A_38 = arith.index_cast %scan3A_28 : i32 to index
      %swap3A_39 = arith.constant 32 : index
      %swap3A_40 = tpu.vector_load %arg9[%swap3A_38, %swap3A_39] {strides = array<i32>} : memref<128x128xf32, #tpu.memory_space<vmem>>, vector<1x16xf32>,
      %swap3A_41 = vector.shape_cast %swap3A_40 : vector<1x16xf32> to vector<16xf32>
      %swap3A_42 = vector.shape_cast %broadcast_in_dim3A_0 : vector<16xf32> to vector<1x16xf32>
      tpu.vector_store %arg9[%swap3A_38, %swap3A_39], %swap3A_42 {strides = array<i32>} : memref<128x128xf32, #tpu.memory_space<vmem>>, vector<1x16xf32>,
      %swap3A_43 = arith.index_cast %scan3A_28 : i32 to index
      %swap3A_44 = arith.constant 48 : index
      %swap3A_45 = tpu.vector_load %arg9[%swap3A_43, %swap3A_44] {strides = array<i32>} : memref<128x128xf32, #tpu.memory_space<vmem>>, vector<1x16xf32>,
      %swap3A_46 = vector.shape_cast %swap3A_45 : vector<1x16xf32> to vector<16xf32>
      %swap3A_47 = vector.shape_cast %broadcast_in_dim3A_0 : vector<16xf32> to vector<1x16xf32>
      tpu.vector_store %arg9[%swap3A_43, %swap3A_44], %swap3A_47 {strides = array<i32>} : memref<128x128xf32, #tpu.memory_space<vmem>>, vector<1x16xf32>,
      %swap3A_48 = arith.index_cast %scan3A_28 : i32 to index
      %swap3A_49 = arith.constant 64 : index
      %swap3A_50 = tpu.vector_load %arg9[%swap3A_48, %swap3A_49] {strides = array<i32>} : memref<128x128xf32, #tpu.memory_space<vmem>>, vector<1x16xf32>,
      %swap3A_51 = vector.shape_cast %swap3A_50 : vector<1x16xf32> to vector<16xf32>
      %swap3A_52 = vector.shape_cast %broadcast_in_dim3A_0 : vector<16xf32> to vector<1x16xf32>
      tpu.vector_store %arg9[%swap3A_48, %swap3A_49], %swap3A_52 {strides = array<i32>} : memref<128x128xf32, #tpu.memory_space<vmem>>, vector<1x16xf32>,
      %swap3A_53 = arith.index_cast %scan3A_28 : i32 to index
      %swap3A_54 = arith.constant 80 : index
      %swap3A_55 = tpu.vector_load %arg9[%swap3A_53, %swap3A_54] {strides = array<i32>} : memref<128x128xf32, #tpu.memory_space<vmem>>, vector<1x16xf32>,
      %swap3A_56 = vector.shape_cast %swap3A_55 : vector<1x16xf32> to vector<16xf32>
      %swap3A_57 = vector.shape_cast %broadcast_in_dim3A_0 : vector<16xf32> to vector<1x16xf32>
      tpu.vector_store %arg9[%swap3A_53, %swap3A_54], %swap3A_57 {strides = array<i32>} : memref<128x128xf32, #tpu.memory_space<vmem>>, vector<1x16xf32>,
      %swap3A_58 = arith.index_cast %scan3A_28 : i32 to index
      %swap3A_59 = arith.constant 96 : index
      %swap3A_60 = tpu.vector_load %arg9[%swap3A_58, %swap3A_59] {strides = array<i32>} : memref<128x128xf32, #tpu.memory_space<vmem>>, vector<1x16xf32>,
      %swap3A_61 = vector.shape_cast %swap3A_60 : vector<1x16xf32> to vector<16xf32>
      %swap3A_62 = vector.shape_cast %broadcast_in_dim3A_0 : vector<16xf32> to vector<1x16xf32>
      tpu.vector_store %arg9[%swap3A_58, %swap3A_59], %swap3A_62 {strides = array<i32>} : memref<128x128xf32, #tpu.memory_space<vmem>>, vector<1x16xf32>,
      %swap3A_63 = arith.index_cast %scan3A_28 : i32 to index
      %swap3A_64 = arith.constant 112 : index
      %swap3A_65 = tpu.vector_load %arg9[%swap3A_63, %swap3A_64] {strides = array<i32>} : memref<128x128xf32, #tpu.memory_space<vmem>>, vector<1x16xf32>,
      %swap3A_66 = vector.shape_cast %swap3A_65 : vector<1x16xf32> to vector<16xf32>
      %swap3A_67 = vector.shape_cast %broadcast_in_dim3A_0 : vector<16xf32> to vector<1x16xf32>
      tpu.vector_store %arg9[%swap3A_63, %swap3A_64], %swap3A_67 {strides = array<i32>} : memref<128x128xf32, #tpu.memory_space<vmem>>, vector<1x16xf32>,
    }
    %scan3A_5 = arith.constant 128 : i32
    %scan3A_6 = arith.constant 0 : i32
    %scan3A_7 = arith.constant 0 : i32
    %scan3A_8 = arith.constant 5 : i32
    %scan3A_9 = arith.addi %scan3A_7, %scan3A_8 : i32
    %scan3A_10 = arith.constant 1 : i32
    scf.for %scan3A_28 = %scan3A_7 to %scan3A_9 step %scan3A_10  : i32 {
      %mul3A_29 = arith.constant 640 : i32
      %mul3A_30 = arith.muli %arg1, %mul3A_29 : i32
      %mul3A_31 = arith.constant 128 : i32
      %mul3A_32 = arith.muli %scan3A_28, %mul3A_31 : i32
      %add3A = arith.addi %mul3A_30, %mul3A_32 : i32
      "tpu.region"() ({
        %run_scoped3A = tpu.sem_alloc : memref<!tpu.dma_semaphore, #tpu.memory_space<semaphore_mem>>
        %dma_start3A = arith.constant 0 : i32
        %dma_start3A_33 = tpu.memref_slice %arg11[%add3A, %dma_start3A] : memref<10240x128xf32, #tpu.memory_space<vmem_shared>> -> memref<128x128xf32, #tpu.memory_space<vmem_shared>>
        %dma_start3A_34 = arith.constant 0 : i32
        %dma_start3A_35 = tpu.memref_slice %arg11[%add3A, %dma_start3A_34] : memref<10240x128xf32, #tpu.memory_space<vmem_shared>> -> memref<128x128xf32, #tpu.memory_space<vmem_shared>>
        tpu.enqueue_dma source(%arg9 : memref<128x128xf32, #tpu.memory_space<vmem>>) target(%dma_start3A_35 : memref<128x128xf32, #tpu.memory_space<vmem_shared>>) target_semaphore(%run_scoped3A : memref<!tpu.dma_semaphore, #tpu.memory_space<semaphore_mem>>)
        %dma_wait3A = arith.constant 0 : i32
        %dma_wait3A_36 = tpu.memref_slice %arg11[%add3A, %dma_wait3A] : memref<10240x128xf32, #tpu.memory_space<vmem_shared>> -> memref<128x128xf32, #tpu.memory_space<vmem_shared>>
        %dma_wait3A_37 = arith.constant 0 : i32
        %dma_wait3A_38 = tpu.memref_slice %arg11[%add3A, %dma_wait3A_37] : memref<10240x128xf32, #tpu.memory_space<vmem_shared>> -> memref<128x128xf32, #tpu.memory_space<vmem_shared>>
        tpu.wait_dma2 semaphore(%run_scoped3A : memref<!tpu.dma_semaphore, #tpu.memory_space<semaphore_mem>>) src(%arg9 : memref<128x128xf32, #tpu.memory_space<vmem>>) dst(%dma_wait3A_38 : memref<128x128xf32, #tpu.memory_space<vmem_shared>>)
        tpu.yield
      }) : () -> ()
    }
    %scan3A_11 = arith.constant 5 : i32
    %barrier3A = arith.constant 0 : index
    tpu.barrier barrier_id(%barrier3A)
    %eq3A = arith.constant 0 : i32
    %eq3A_12 = arith.cmpi eq, %arg0, %eq3A : i32
    %convert_element_type3A = arith.extui %eq3A_12 : i1 to i32
    %cond3A = arith.constant 0 : i32
    %cond3A_13 = arith.cmpi ne, %convert_element_type3A, %cond3A : i32
    scf.if %cond3A_13 {
      %mul3A_28 = arith.constant 80 : i32
      %mul3A_29 = arith.muli %arg1, %mul3A_28 : i32
      "tpu.region"() ({
        %run_scoped3A = tpu.sem_alloc : memref<!tpu.dma_semaphore, #tpu.memory_space<semaphore_mem>>
        %dma_start3A_80 = arith.constant 0 : i32
        %dma_start3A_81 = tpu.memref_slice %arg4[%mul3A_29, %dma_start3A_80] : memref<2640x128xi32, #tpu.memory_space<hbm>> -> memref<80x128xi32, #tpu.memory_space<hbm>>
        %dma_start3A_82 = arith.constant 0 : i32
        %dma_start3A_83 = tpu.memref_slice %arg4[%mul3A_29, %dma_start3A_82] : memref<2640x128xi32, #tpu.memory_space<hbm>> -> memref<80x128xi32, #tpu.memory_space<hbm>>
        tpu.enqueue_dma source(%dma_start3A_83 : memref<80x128xi32, #tpu.memory_space<hbm>>) target(%arg6 : memref<80x128xi32, #tpu.memory_space<vmem>>) target_semaphore(%run_scoped3A : memref<!tpu.dma_semaphore, #tpu.memory_space<semaphore_mem>>)
        %dma_wait3A_84 = arith.constant 0 : i32
        %dma_wait3A_85 = tpu.memref_slice %arg4[%mul3A_29, %dma_wait3A_84] : memref<2640x128xi32, #tpu.memory_space<hbm>> -> memref<80x128xi32, #tpu.memory_space<hbm>>
        %dma_wait3A_86 = arith.constant 0 : i32
        %dma_wait3A_87 = tpu.memref_slice %arg4[%mul3A_29, %dma_wait3A_86] : memref<2640x128xi32, #tpu.memory_space<hbm>> -> memref<80x128xi32, #tpu.memory_space<hbm>>
        tpu.wait_dma2 semaphore(%run_scoped3A : memref<!tpu.dma_semaphore, #tpu.memory_space<semaphore_mem>>) src(%dma_wait3A_87 : memref<80x128xi32, #tpu.memory_space<hbm>>) dst(%arg6 : memref<80x128xi32, #tpu.memory_space<vmem>>)
        tpu.yield
      }) : () -> ()
      "tpu.region"() ({
        %run_scoped3A = tpu.sem_alloc : memref<!tpu.dma_semaphore, #tpu.memory_space<semaphore_mem>>
        %dma_start3A_80 = arith.constant 0 : i32
        %dma_start3A_81 = tpu.memref_slice %arg3[%mul3A_29, %dma_start3A_80] : memref<2560x128xi32, #tpu.memory_space<hbm>> -> memref<1x128xi32, #tpu.memory_space<hbm>>
        %dma_start3A_82 = tpu.memref_squeeze %dma_start3A_81 : memref<1x128xi32, #tpu.memory_space<hbm>> -> memref<128xi32, #tpu.memory_space<hbm>>
        %dma_start3A_83 = arith.constant 0 : i32
        %dma_start3A_84 = tpu.memref_slice %arg3[%mul3A_29, %dma_start3A_83] : memref<2560x128xi32, #tpu.memory_space<hbm>> -> memref<1x128xi32, #tpu.memory_space<hbm>>
        %dma_start3A_85 = tpu.memref_squeeze %dma_start3A_84 : memref<1x128xi32, #tpu.memory_space<hbm>> -> memref<128xi32, #tpu.memory_space<hbm>>
        tpu.enqueue_dma source(%dma_start3A_85 : memref<128xi32, #tpu.memory_space<hbm>>) target(%arg7 : memref<128xi32, #tpu.memory_space<vmem>>) target_semaphore(%run_scoped3A : memref<!tpu.dma_semaphore, #tpu.memory_space<semaphore_mem>>)
        %dma_wait3A_86 = arith.constant 0 : i32
        %dma_wait3A_87 = tpu.memref_slice %arg3[%mul3A_29, %dma_wait3A_86] : memref<2560x128xi32, #tpu.memory_space<hbm>> -> memref<1x128xi32, #tpu.memory_space<hbm>>
        %dma_wait3A_88 = tpu.memref_squeeze %dma_wait3A_87 : memref<1x128xi32, #tpu.memory_space<hbm>> -> memref<128xi32, #tpu.memory_space<hbm>>
        %dma_wait3A_89 = arith.constant 0 : i32
        %dma_wait3A_90 = tpu.memref_slice %arg3[%mul3A_29, %dma_wait3A_89] : memref<2560x128xi32, #tpu.memory_space<hbm>> -> memref<1x128xi32, #tpu.memory_space<hbm>>
        %dma_wait3A_91 = tpu.memref_squeeze %dma_wait3A_90 : memref<1x128xi32, #tpu.memory_space<hbm>> -> memref<128xi32, #tpu.memory_space<hbm>>
        tpu.wait_dma2 semaphore(%run_scoped3A : memref<!tpu.dma_semaphore, #tpu.memory_space<semaphore_mem>>) src(%dma_wait3A_91 : memref<128xi32, #tpu.memory_space<hbm>>) dst(%arg7 : memref<128xi32, #tpu.memory_space<vmem>>)
        tpu.yield
      }) : () -> ()
      %dma_start3A = arith.constant 0 : i32
      %dma_start3A_30 = arith.constant 0 : i32
      %dma_start3A_31 = tpu.memref_slice %arg9[%dma_start3A, %dma_start3A_30] : memref<128x128xf32, #tpu.memory_space<vmem>> -> memref<32x128xf32, #tpu.memory_space<vmem>>
      %dma_start3A_32 = arith.constant 0 : i32
      %dma_start3A_33 = tpu.memref_slice %arg7[%dma_start3A_32] : memref<128xi32, #tpu.memory_space<vmem>> -> memref<32xi32, #tpu.memory_space<vmem>>
      %dma_start3A_34 = arith.constant 0 : i32
      %dma_start3A_35 = arith.constant 0 : i32
      %dma_start3A_36 = tpu.memref_slice %arg2[%dma_start3A_34, %dma_start3A_35] : memref<10000x128xf32, #tpu.memory_space<hbm>> -> memref<10000x128xf32, #tpu.memory_space<hbm>>
      tpu.enqueue_indirect_dma source(%dma_start3A_36 : memref<10000x128xf32, #tpu.memory_space<hbm>>) target(%dma_start3A_31 : memref<32x128xf32, #tpu.memory_space<vmem>>) offsets(%dma_start3A_33 : memref<32xi32, #tpu.memory_space<vmem>>) semaphore(%arg12 : memref<!tpu.dma_semaphore, #tpu.memory_space<semaphore_mem>>)
      %dma_start3A_37 = arith.constant 32 : i32
      %dma_start3A_38 = arith.constant 0 : i32
      %dma_start3A_39 = tpu.memref_slice %arg9[%dma_start3A_37, %dma_start3A_38] : memref<128x128xf32, #tpu.memory_space<vmem>> -> memref<32x128xf32, #tpu.memory_space<vmem>>
      %dma_start3A_40 = arith.constant 32 : i32
      %dma_start3A_41 = tpu.memref_slice %arg7[%dma_start3A_40] : memref<128xi32, #tpu.memory_space<vmem>> -> memref<32xi32, #tpu.memory_space<vmem>>
      %dma_start3A_42 = arith.constant 0 : i32
      %dma_start3A_43 = arith.constant 0 : i32
      %dma_start3A_44 = tpu.memref_slice %arg2[%dma_start3A_42, %dma_start3A_43] : memref<10000x128xf32, #tpu.memory_space<hbm>> -> memref<10000x128xf32, #tpu.memory_space<hbm>>
      tpu.enqueue_indirect_dma source(%dma_start3A_44 : memref<10000x128xf32, #tpu.memory_space<hbm>>) target(%dma_start3A_39 : memref<32x128xf32, #tpu.memory_space<vmem>>) offsets(%dma_start3A_41 : memref<32xi32, #tpu.memory_space<vmem>>) semaphore(%arg12 : memref<!tpu.dma_semaphore, #tpu.memory_space<semaphore_mem>>)
      %dma_start3A_45 = arith.constant 64 : i32
      %dma_start3A_46 = arith.constant 0 : i32
      %dma_start3A_47 = tpu.memref_slice %arg9[%dma_start3A_45, %dma_start3A_46] : memref<128x128xf32, #tpu.memory_space<vmem>> -> memref<32x128xf32, #tpu.memory_space<vmem>>
      %dma_start3A_48 = arith.constant 64 : i32
      %dma_start3A_49 = tpu.memref_slice %arg7[%dma_start3A_48] : memref<128xi32, #tpu.memory_space<vmem>> -> memref<32xi32, #tpu.memory_space<vmem>>
      %dma_start3A_50 = arith.constant 0 : i32
      %dma_start3A_51 = arith.constant 0 : i32
      %dma_start3A_52 = tpu.memref_slice %arg2[%dma_start3A_50, %dma_start3A_51] : memref<10000x128xf32, #tpu.memory_space<hbm>> -> memref<10000x128xf32, #tpu.memory_space<hbm>>
      tpu.enqueue_indirect_dma source(%dma_start3A_52 : memref<10000x128xf32, #tpu.memory_space<hbm>>) target(%dma_start3A_47 : memref<32x128xf32, #tpu.memory_space<vmem>>) offsets(%dma_start3A_49 : memref<32xi32, #tpu.memory_space<vmem>>) semaphore(%arg12 : memref<!tpu.dma_semaphore, #tpu.memory_space<semaphore_mem>>)
      %dma_start3A_53 = arith.constant 96 : i32
      %dma_start3A_54 = arith.constant 0 : i32
      %dma_start3A_55 = tpu.memref_slice %arg9[%dma_start3A_53, %dma_start3A_54] : memref<128x128xf32, #tpu.memory_space<vmem>> -> memref<32x128xf32, #tpu.memory_space<vmem>>
      %dma_start3A_56 = arith.constant 96 : i32
      %dma_start3A_57 = tpu.memref_slice %arg7[%dma_start3A_56] : memref<128xi32, #tpu.memory_space<vmem>> -> memref<32xi32, #tpu.memory_space<vmem>>
      %dma_start3A_58 = arith.constant 0 : i32
      %dma_start3A_59 = arith.constant 0 : i32
      %dma_start3A_60 = tpu.memref_slice %arg2[%dma_start3A_58, %dma_start3A_59] : memref<10000x128xf32, #tpu.memory_space<hbm>> -> memref<10000x128xf32, #tpu.memory_space<hbm>>
      tpu.enqueue_indirect_dma source(%dma_start3A_60 : memref<10000x128xf32, #tpu.memory_space<hbm>>) target(%dma_start3A_55 : memref<32x128xf32, #tpu.memory_space<vmem>>) offsets(%dma_start3A_57 : memref<32xi32, #tpu.memory_space<vmem>>) semaphore(%arg12 : memref<!tpu.dma_semaphore, #tpu.memory_space<semaphore_mem>>)
      %add3A = arith.constant 1 : i32
      %add3A_61 = arith.addi %mul3A_29, %add3A : i32
      %dma_start3A_62 = arith.constant 0 : i32
      %dma_start3A_63 = tpu.memref_slice %arg3[%add3A_61, %dma_start3A_62] : memref<2560x128xi32, #tpu.memory_space<hbm>> -> memref<1x128xi32, #tpu.memory_space<hbm>>
      %dma_start3A_64 = tpu.memref_squeeze %dma_start3A_63 : memref<1x128xi32, #tpu.memory_space<hbm>> -> memref<128xi32, #tpu.memory_space<hbm>>
      %dma_start3A_65 = arith.constant 0 : i32
      %dma_start3A_66 = tpu.memref_slice %arg3[%add3A_61, %dma_start3A_65] : memref<2560x128xi32, #tpu.memory_space<hbm>> -> memref<1x128xi32, #tpu.memory_space<hbm>>
      %dma_start3A_67 = tpu.memref_squeeze %dma_start3A_66 : memref<1x128xi32, #tpu.memory_space<hbm>> -> memref<128xi32, #tpu.memory_space<hbm>>
      tpu.enqueue_dma source(%dma_start3A_67 : memref<128xi32, #tpu.memory_space<hbm>>) target(%arg8 : memref<128xi32, #tpu.memory_space<vmem>>) target_semaphore(%arg17 : memref<!tpu.dma_semaphore, #tpu.memory_space<semaphore_mem>>)
      %scan3A_68 = arith.constant 0 : i32
      %scan3A_69 = arith.constant 0 : i32
      %scan3A_70 = arith.constant 40 : i32
      %scan3A_71 = arith.addi %scan3A_69, %scan3A_70 : i32
      %scan3A_72 = arith.constant 1 : i32
      scf.for %scan3A_80 = %scan3A_69 to %scan3A_71 step %scan3A_72  : i32 {
        %mul3A_81 = arith.constant 2 : i32
        %mul3A_82 = arith.muli %mul3A_81, %scan3A_80 : i32
        %add3A_83 = arith.addi %mul3A_29, %mul3A_82 : i32
        %dma_wait3A_84 = arith.constant 0 : i32
        %dma_wait3A_85 = arith.constant 0 : i32
        %dma_wait3A_86 = tpu.memref_slice %arg9[%dma_wait3A_84, %dma_wait3A_85] : memref<128x128xf32, #tpu.memory_space<vmem>> -> memref<32x128xf32, #tpu.memory_space<vmem>>
        %dma_wait3A_87 = arith.constant 0 : i32
        %dma_wait3A_88 = tpu.memref_slice %arg7[%dma_wait3A_87] : memref<128xi32, #tpu.memory_space<vmem>> -> memref<32xi32, #tpu.memory_space<vmem>>
        %dma_wait3A_89 = arith.constant 0 : i32
        %dma_wait3A_90 = arith.constant 0 : i32
        %dma_wait3A_91 = tpu.memref_slice %arg2[%dma_wait3A_89, %dma_wait3A_90] : memref<10000x128xf32, #tpu.memory_space<hbm>> -> memref<10000x128xf32, #tpu.memory_space<hbm>>
        tpu.wait_indirect_dma semaphore(%arg12 : memref<!tpu.dma_semaphore, #tpu.memory_space<semaphore_mem>>) src(%dma_wait3A_91 : memref<10000x128xf32, #tpu.memory_space<hbm>>) dst(%dma_wait3A_86 : memref<32x128xf32, #tpu.memory_space<vmem>>)
        %dma_wait3A_92 = arith.constant 32 : i32
        %dma_wait3A_93 = arith.constant 0 : i32
        %dma_wait3A_94 = tpu.memref_slice %arg9[%dma_wait3A_92, %dma_wait3A_93] : memref<128x128xf32, #tpu.memory_space<vmem>> -> memref<32x128xf32, #tpu.memory_space<vmem>>
        %dma_wait3A_95 = arith.constant 32 : i32
        %dma_wait3A_96 = tpu.memref_slice %arg7[%dma_wait3A_95] : memref<128xi32, #tpu.memory_space<vmem>> -> memref<32xi32, #tpu.memory_space<vmem>>
        %dma_wait3A_97 = arith.constant 0 : i32
        %dma_wait3A_98 = arith.constant 0 : i32
        %dma_wait3A_99 = tpu.memref_slice %arg2[%dma_wait3A_97, %dma_wait3A_98] : memref<10000x128xf32, #tpu.memory_space<hbm>> -> memref<10000x128xf32, #tpu.memory_space<hbm>>
        tpu.wait_indirect_dma semaphore(%arg12 : memref<!tpu.dma_semaphore, #tpu.memory_space<semaphore_mem>>) src(%dma_wait3A_99 : memref<10000x128xf32, #tpu.memory_space<hbm>>) dst(%dma_wait3A_94 : memref<32x128xf32, #tpu.memory_space<vmem>>)
        %dma_wait3A_100 = arith.constant 64 : i32
        %dma_wait3A_101 = arith.constant 0 : i32
        %dma_wait3A_102 = tpu.memref_slice %arg9[%dma_wait3A_100, %dma_wait3A_101] : memref<128x128xf32, #tpu.memory_space<vmem>> -> memref<32x128xf32, #tpu.memory_space<vmem>>
        %dma_wait3A_103 = arith.constant 64 : i32
        %dma_wait3A_104 = tpu.memref_slice %arg7[%dma_wait3A_103] : memref<128xi32, #tpu.memory_space<vmem>> -> memref<32xi32, #tpu.memory_space<vmem>>
        %dma_wait3A_105 = arith.constant 0 : i32
        %dma_wait3A_106 = arith.constant 0 : i32
        %dma_wait3A_107 = tpu.memref_slice %arg2[%dma_wait3A_105, %dma_wait3A_106] : memref<10000x128xf32, #tpu.memory_space<hbm>> -> memref<10000x128xf32, #tpu.memory_space<hbm>>
        tpu.wait_indirect_dma semaphore(%arg12 : memref<!tpu.dma_semaphore, #tpu.memory_space<semaphore_mem>>) src(%dma_wait3A_107 : memref<10000x128xf32, #tpu.memory_space<hbm>>) dst(%dma_wait3A_102 : memref<32x128xf32, #tpu.memory_space<vmem>>)
        %dma_wait3A_108 = arith.constant 96 : i32
        %dma_wait3A_109 = arith.constant 0 : i32
        %dma_wait3A_110 = tpu.memref_slice %arg9[%dma_wait3A_108, %dma_wait3A_109] : memref<128x128xf32, #tpu.memory_space<vmem>> -> memref<32x128xf32, #tpu.memory_space<vmem>>
        %dma_wait3A_111 = arith.constant 96 : i32
        %dma_wait3A_112 = tpu.memref_slice %arg7[%dma_wait3A_111] : memref<128xi32, #tpu.memory_space<vmem>> -> memref<32xi32, #tpu.memory_space<vmem>>
        %dma_wait3A_113 = arith.constant 0 : i32
        %dma_wait3A_114 = arith.constant 0 : i32
        %dma_wait3A_115 = tpu.memref_slice %arg2[%dma_wait3A_113, %dma_wait3A_114] : memref<10000x128xf32, #tpu.memory_space<hbm>> -> memref<10000x128xf32, #tpu.memory_space<hbm>>
        tpu.wait_indirect_dma semaphore(%arg12 : memref<!tpu.dma_semaphore, #tpu.memory_space<semaphore_mem>>) src(%dma_wait3A_115 : memref<10000x128xf32, #tpu.memory_space<hbm>>) dst(%dma_wait3A_110 : memref<32x128xf32, #tpu.memory_space<vmem>>)
        %dma_start3A_116 = arith.constant 0 : i32
        %dma_start3A_117 = tpu.memref_slice %arg6[%mul3A_82, %dma_start3A_116] : memref<80x128xi32, #tpu.memory_space<vmem>> -> memref<1x128xi32, #tpu.memory_space<vmem>>
        %dma_start3A_118 = tpu.memref_squeeze %dma_start3A_117 : memref<1x128xi32, #tpu.memory_space<vmem>> -> memref<128xi32, #tpu.memory_space<vmem>>
        %dma_start3A_119 = arith.constant 0 : i32
        %dma_start3A_120 = arith.constant 0 : i32
        %dma_start3A_121 = tpu.memref_slice %arg11[%dma_start3A_119, %dma_start3A_120] : memref<10240x128xf32, #tpu.memory_space<vmem_shared>> -> memref<10240x128xf32, #tpu.memory_space<vmem_shared>>
        tpu.enqueue_indirect_dma source(%arg9 : memref<128x128xf32, #tpu.memory_space<vmem>>) target(%dma_start3A_121 : memref<10240x128xf32, #tpu.memory_space<vmem_shared>>) offsets(%dma_start3A_118 : memref<128xi32, #tpu.memory_space<vmem>>) semaphore(%arg14 : memref<!tpu.dma_semaphore, #tpu.memory_space<semaphore_mem>>) {add = true}
        %add3A_122 = arith.constant 1 : i32
        %add3A_123 = arith.addi %scan3A_80, %add3A_122 : i32
        %lt3A = arith.constant 40 : i32
        %lt3A_124 = arith.cmpi slt, %add3A_123, %lt3A : i32
        %convert_element_type3A_125 = arith.extui %lt3A_124 : i1 to i32
        %cond3A_126 = arith.constant 0 : i32
        %cond3A_127 = arith.cmpi ne, %convert_element_type3A_125, %cond3A_126 : i32
        scf.if %cond3A_127 {
          %add3A_232 = arith.constant 2 : i32
          %add3A_233 = arith.addi %add3A_83, %add3A_232 : i32
          %dma_start3A_234 = arith.constant 0 : i32
          %dma_start3A_235 = tpu.memref_slice %arg3[%add3A_233, %dma_start3A_234] : memref<2560x128xi32, #tpu.memory_space<hbm>> -> memref<1x128xi32, #tpu.memory_space<hbm>>
          %dma_start3A_236 = tpu.memref_squeeze %dma_start3A_235 : memref<1x128xi32, #tpu.memory_space<hbm>> -> memref<128xi32, #tpu.memory_space<hbm>>
          %dma_start3A_237 = arith.constant 0 : i32
          %dma_start3A_238 = tpu.memref_slice %arg3[%add3A_233, %dma_start3A_237] : memref<2560x128xi32, #tpu.memory_space<hbm>> -> memref<1x128xi32, #tpu.memory_space<hbm>>
          %dma_start3A_239 = tpu.memref_squeeze %dma_start3A_238 : memref<1x128xi32, #tpu.memory_space<hbm>> -> memref<128xi32, #tpu.memory_space<hbm>>
          tpu.enqueue_dma source(%dma_start3A_239 : memref<128xi32, #tpu.memory_space<hbm>>) target(%arg7 : memref<128xi32, #tpu.memory_space<vmem>>) target_semaphore(%arg16 : memref<!tpu.dma_semaphore, #tpu.memory_space<semaphore_mem>>)
        } else {
        }
        %gt3A = arith.constant 0 : i32
        %gt3A_128 = arith.cmpi sgt, %scan3A_80, %gt3A : i32
        %convert_element_type3A_129 = arith.extui %gt3A_128 : i1 to i32
        %cond3A_130 = arith.constant 0 : i32
        %cond3A_131 = arith.cmpi ne, %convert_element_type3A_129, %cond3A_130 : i32
        scf.if %cond3A_131 {
          %dma_wait3A_232 = arith.constant 0 : i32
          %dma_wait3A_233 = tpu.memref_slice %arg6[%mul3A_82, %dma_wait3A_232] : memref<80x128xi32, #tpu.memory_space<vmem>> -> memref<1x128xi32, #tpu.memory_space<vmem>>
          %dma_wait3A_234 = tpu.memref_squeeze %dma_wait3A_233 : memref<1x128xi32, #tpu.memory_space<vmem>> -> memref<128xi32, #tpu.memory_space<vmem>>
          %dma_wait3A_235 = arith.constant 0 : i32
          %dma_wait3A_236 = arith.constant 0 : i32
          %dma_wait3A_237 = tpu.memref_slice %arg11[%dma_wait3A_235, %dma_wait3A_236] : memref<10240x128xf32, #tpu.memory_space<vmem_shared>> -> memref<10240x128xf32, #tpu.memory_space<vmem_shared>>
          tpu.wait_indirect_dma semaphore(%arg15 : memref<!tpu.dma_semaphore, #tpu.memory_space<semaphore_mem>>) src(%arg10 : memref<128x128xf32, #tpu.memory_space<vmem>>) dst(%dma_wait3A_237 : memref<10240x128xf32, #tpu.memory_space<vmem_shared>>)
        } else {
        }
        %add3A_132 = arith.constant 1 : i32
        %add3A_133 = arith.addi %add3A_83, %add3A_132 : i32
        %dma_wait3A_134 = arith.constant 0 : i32
        %dma_wait3A_135 = tpu.memref_slice %arg3[%add3A_133, %dma_wait3A_134] : memref<2560x128xi32, #tpu.memory_space<hbm>> -> memref<1x128xi32, #tpu.memory_space<hbm>>
        %dma_wait3A_136 = tpu.memref_squeeze %dma_wait3A_135 : memref<1x128xi32, #tpu.memory_space<hbm>> -> memref<128xi32, #tpu.memory_space<hbm>>
        %dma_wait3A_137 = arith.constant 0 : i32
        %dma_wait3A_138 = tpu.memref_slice %arg3[%add3A_133, %dma_wait3A_137] : memref<2560x128xi32, #tpu.memory_space<hbm>> -> memref<1x128xi32, #tpu.memory_space<hbm>>
        %dma_wait3A_139 = tpu.memref_squeeze %dma_wait3A_138 : memref<1x128xi32, #tpu.memory_space<hbm>> -> memref<128xi32, #tpu.memory_space<hbm>>
        tpu.wait_dma2 semaphore(%arg17 : memref<!tpu.dma_semaphore, #tpu.memory_space<semaphore_mem>>) src(%dma_wait3A_139 : memref<128xi32, #tpu.memory_space<hbm>>) dst(%arg8 : memref<128xi32, #tpu.memory_space<vmem>>)
        %dma_start3A_140 = arith.constant 0 : i32
        %dma_start3A_141 = arith.constant 0 : i32
        %dma_start3A_142 = tpu.memref_slice %arg10[%dma_start3A_140, %dma_start3A_141] : memref<128x128xf32, #tpu.memory_space<vmem>> -> memref<32x128xf32, #tpu.memory_space<vmem>>
        %dma_start3A_143 = arith.constant 0 : i32
        %dma_start3A_144 = tpu.memref_slice %arg8[%dma_start3A_143] : memref<128xi32, #tpu.memory_space<vmem>> -> memref<32xi32, #tpu.memory_space<vmem>>
        %dma_start3A_145 = arith.constant 0 : i32
        %dma_start3A_146 = arith.constant 0 : i32
        %dma_start3A_147 = tpu.memref_slice %arg2[%dma_start3A_145, %dma_start3A_146] : memref<10000x128xf32, #tpu.memory_space<hbm>> -> memref<10000x128xf32, #tpu.memory_space<hbm>>
        tpu.enqueue_indirect_dma source(%dma_start3A_147 : memref<10000x128xf32, #tpu.memory_space<hbm>>) target(%dma_start3A_142 : memref<32x128xf32, #tpu.memory_space<vmem>>) offsets(%dma_start3A_144 : memref<32xi32, #tpu.memory_space<vmem>>) semaphore(%arg13 : memref<!tpu.dma_semaphore, #tpu.memory_space<semaphore_mem>>)
        %dma_start3A_148 = arith.constant 32 : i32
        %dma_start3A_149 = arith.constant 0 : i32
        %dma_start3A_150 = tpu.memref_slice %arg10[%dma_start3A_148, %dma_start3A_149] : memref<128x128xf32, #tpu.memory_space<vmem>> -> memref<32x128xf32, #tpu.memory_space<vmem>>
        %dma_start3A_151 = arith.constant 32 : i32
        %dma_start3A_152 = tpu.memref_slice %arg8[%dma_start3A_151] : memref<128xi32, #tpu.memory_space<vmem>> -> memref<32xi32, #tpu.memory_space<vmem>>
        %dma_start3A_153 = arith.constant 0 : i32
        %dma_start3A_154 = arith.constant 0 : i32
        %dma_start3A_155 = tpu.memref_slice %arg2[%dma_start3A_153, %dma_start3A_154] : memref<10000x128xf32, #tpu.memory_space<hbm>> -> memref<10000x128xf32, #tpu.memory_space<hbm>>
        tpu.enqueue_indirect_dma source(%dma_start3A_155 : memref<10000x128xf32, #tpu.memory_space<hbm>>) target(%dma_start3A_150 : memref<32x128xf32, #tpu.memory_space<vmem>>) offsets(%dma_start3A_152 : memref<32xi32, #tpu.memory_space<vmem>>) semaphore(%arg13 : memref<!tpu.dma_semaphore, #tpu.memory_space<semaphore_mem>>)
        %dma_start3A_156 = arith.constant 64 : i32
        %dma_start3A_157 = arith.constant 0 : i32
        %dma_start3A_158 = tpu.memref_slice %arg10[%dma_start3A_156, %dma_start3A_157] : memref<128x128xf32, #tpu.memory_space<vmem>> -> memref<32x128xf32, #tpu.memory_space<vmem>>
        %dma_start3A_159 = arith.constant 64 : i32
        %dma_start3A_160 = tpu.memref_slice %arg8[%dma_start3A_159] : memref<128xi32, #tpu.memory_space<vmem>> -> memref<32xi32, #tpu.memory_space<vmem>>
        %dma_start3A_161 = arith.constant 0 : i32
        %dma_start3A_162 = arith.constant 0 : i32
        %dma_start3A_163 = tpu.memref_slice %arg2[%dma_start3A_161, %dma_start3A_162] : memref<10000x128xf32, #tpu.memory_space<hbm>> -> memref<10000x128xf32, #tpu.memory_space<hbm>>
        tpu.enqueue_indirect_dma source(%dma_start3A_163 : memref<10000x128xf32, #tpu.memory_space<hbm>>) target(%dma_start3A_158 : memref<32x128xf32, #tpu.memory_space<vmem>>) offsets(%dma_start3A_160 : memref<32xi32, #tpu.memory_space<vmem>>) semaphore(%arg13 : memref<!tpu.dma_semaphore, #tpu.memory_space<semaphore_mem>>)
        %dma_start3A_164 = arith.constant 96 : i32
        %dma_start3A_165 = arith.constant 0 : i32
        %dma_start3A_166 = tpu.memref_slice %arg10[%dma_start3A_164, %dma_start3A_165] : memref<128x128xf32, #tpu.memory_space<vmem>> -> memref<32x128xf32, #tpu.memory_space<vmem>>
        %dma_start3A_167 = arith.constant 96 : i32
        %dma_start3A_168 = tpu.memref_slice %arg8[%dma_start3A_167] : memref<128xi32, #tpu.memory_space<vmem>> -> memref<32xi32, #tpu.memory_space<vmem>>
        %dma_start3A_169 = arith.constant 0 : i32
        %dma_start3A_170 = arith.constant 0 : i32
        %dma_start3A_171 = tpu.memref_slice %arg2[%dma_start3A_169, %dma_start3A_170] : memref<10000x128xf32, #tpu.memory_space<hbm>> -> memref<10000x128xf32, #tpu.memory_space<hbm>>
        tpu.enqueue_indirect_dma source(%dma_start3A_171 : memref<10000x128xf32, #tpu.memory_space<hbm>>) target(%dma_start3A_166 : memref<32x128xf32, #tpu.memory_space<vmem>>) offsets(%dma_start3A_168 : memref<32xi32, #tpu.memory_space<vmem>>) semaphore(%arg13 : memref<!tpu.dma_semaphore, #tpu.memory_space<semaphore_mem>>)
        %dma_wait3A_172 = arith.constant 0 : i32
        %dma_wait3A_173 = arith.constant 0 : i32
        %dma_wait3A_174 = tpu.memref_slice %arg10[%dma_wait3A_172, %dma_wait3A_173] : memref<128x128xf32, #tpu.memory_space<vmem>> -> memref<32x128xf32, #tpu.memory_space<vmem>>
        %dma_wait3A_175 = arith.constant 0 : i32
        %dma_wait3A_176 = tpu.memref_slice %arg8[%dma_wait3A_175] : memref<128xi32, #tpu.memory_space<vmem>> -> memref<32xi32, #tpu.memory_space<vmem>>
        %dma_wait3A_177 = arith.constant 0 : i32
        %dma_wait3A_178 = arith.constant 0 : i32
        %dma_wait3A_179 = tpu.memref_slice %arg2[%dma_wait3A_177, %dma_wait3A_178] : memref<10000x128xf32, #tpu.memory_space<hbm>> -> memref<10000x128xf32, #tpu.memory_space<hbm>>
        tpu.wait_indirect_dma semaphore(%arg13 : memref<!tpu.dma_semaphore, #tpu.memory_space<semaphore_mem>>) src(%dma_wait3A_179 : memref<10000x128xf32, #tpu.memory_space<hbm>>) dst(%dma_wait3A_174 : memref<32x128xf32, #tpu.memory_space<vmem>>)
        %dma_wait3A_180 = arith.constant 32 : i32
        %dma_wait3A_181 = arith.constant 0 : i32
        %dma_wait3A_182 = tpu.memref_slice %arg10[%dma_wait3A_180, %dma_wait3A_181] : memref<128x128xf32, #tpu.memory_space<vmem>> -> memref<32x128xf32, #tpu.memory_space<vmem>>
        %dma_wait3A_183 = arith.constant 32 : i32
        %dma_wait3A_184 = tpu.memref_slice %arg8[%dma_wait3A_183] : memref<128xi32, #tpu.memory_space<vmem>> -> memref<32xi32, #tpu.memory_space<vmem>>
        %dma_wait3A_185 = arith.constant 0 : i32
        %dma_wait3A_186 = arith.constant 0 : i32
        %dma_wait3A_187 = tpu.memref_slice %arg2[%dma_wait3A_185, %dma_wait3A_186] : memref<10000x128xf32, #tpu.memory_space<hbm>> -> memref<10000x128xf32, #tpu.memory_space<hbm>>
        tpu.wait_indirect_dma semaphore(%arg13 : memref<!tpu.dma_semaphore, #tpu.memory_space<semaphore_mem>>) src(%dma_wait3A_187 : memref<10000x128xf32, #tpu.memory_space<hbm>>) dst(%dma_wait3A_182 : memref<32x128xf32, #tpu.memory_space<vmem>>)
        %dma_wait3A_188 = arith.constant 64 : i32
        %dma_wait3A_189 = arith.constant 0 : i32
        %dma_wait3A_190 = tpu.memref_slice %arg10[%dma_wait3A_188, %dma_wait3A_189] : memref<128x128xf32, #tpu.memory_space<vmem>> -> memref<32x128xf32, #tpu.memory_space<vmem>>
        %dma_wait3A_191 = arith.constant 64 : i32
        %dma_wait3A_192 = tpu.memref_slice %arg8[%dma_wait3A_191] : memref<128xi32, #tpu.memory_space<vmem>> -> memref<32xi32, #tpu.memory_space<vmem>>
        %dma_wait3A_193 = arith.constant 0 : i32
        %dma_wait3A_194 = arith.constant 0 : i32
        %dma_wait3A_195 = tpu.memref_slice %arg2[%dma_wait3A_193, %dma_wait3A_194] : memref<10000x128xf32, #tpu.memory_space<hbm>> -> memref<10000x128xf32, #tpu.memory_space<hbm>>
        tpu.wait_indirect_dma semaphore(%arg13 : memref<!tpu.dma_semaphore, #tpu.memory_space<semaphore_mem>>) src(%dma_wait3A_195 : memref<10000x128xf32, #tpu.memory_space<hbm>>) dst(%dma_wait3A_190 : memref<32x128xf32, #tpu.memory_space<vmem>>)
        %dma_wait3A_196 = arith.constant 96 : i32
        %dma_wait3A_197 = arith.constant 0 : i32
        %dma_wait3A_198 = tpu.memref_slice %arg10[%dma_wait3A_196, %dma_wait3A_197] : memref<128x128xf32, #tpu.memory_space<vmem>> -> memref<32x128xf32, #tpu.memory_space<vmem>>
        %dma_wait3A_199 = arith.constant 96 : i32
        %dma_wait3A_200 = tpu.memref_slice %arg8[%dma_wait3A_199] : memref<128xi32, #tpu.memory_space<vmem>> -> memref<32xi32, #tpu.memory_space<vmem>>
        %dma_wait3A_201 = arith.constant 0 : i32
        %dma_wait3A_202 = arith.constant 0 : i32
        %dma_wait3A_203 = tpu.memref_slice %arg2[%dma_wait3A_201, %dma_wait3A_202] : memref<10000x128xf32, #tpu.memory_space<hbm>> -> memref<10000x128xf32, #tpu.memory_space<hbm>>
        tpu.wait_indirect_dma semaphore(%arg13 : memref<!tpu.dma_semaphore, #tpu.memory_space<semaphore_mem>>) src(%dma_wait3A_203 : memref<10000x128xf32, #tpu.memory_space<hbm>>) dst(%dma_wait3A_198 : memref<32x128xf32, #tpu.memory_space<vmem>>)
        %add3A_204 = arith.constant 1 : i32
        %add3A_205 = arith.addi %mul3A_82, %add3A_204 : i32
        %dma_start3A_206 = arith.constant 0 : i32
        %dma_start3A_207 = tpu.memref_slice %arg6[%add3A_205, %dma_start3A_206] : memref<80x128xi32, #tpu.memory_space<vmem>> -> memref<1x128xi32, #tpu.memory_space<vmem>>
        %dma_start3A_208 = tpu.memref_squeeze %dma_start3A_207 : memref<1x128xi32, #tpu.memory_space<vmem>> -> memref<128xi32, #tpu.memory_space<vmem>>
        %dma_start3A_209 = arith.constant 0 : i32
        %dma_start3A_210 = arith.constant 0 : i32
        %dma_start3A_211 = tpu.memref_slice %arg11[%dma_start3A_209, %dma_start3A_210] : memref<10240x128xf32, #tpu.memory_space<vmem_shared>> -> memref<10240x128xf32, #tpu.memory_space<vmem_shared>>
        tpu.enqueue_indirect_dma source(%arg10 : memref<128x128xf32, #tpu.memory_space<vmem>>) target(%dma_start3A_211 : memref<10240x128xf32, #tpu.memory_space<vmem_shared>>) offsets(%dma_start3A_208 : memref<128xi32, #tpu.memory_space<vmem>>) semaphore(%arg15 : memref<!tpu.dma_semaphore, #tpu.memory_space<semaphore_mem>>) {add = true}
        %add3A_212 = arith.constant 1 : i32
        %add3A_213 = arith.addi %scan3A_80, %add3A_212 : i32
        %lt3A_214 = arith.constant 40 : i32
        %lt3A_215 = arith.cmpi slt, %add3A_213, %lt3A_214 : i32
        %convert_element_type3A_216 = arith.extui %lt3A_215 : i1 to i32
        %cond3A_217 = arith.constant 0 : i32
        %cond3A_218 = arith.cmpi ne, %convert_element_type3A_216, %cond3A_217 : i32
        scf.if %cond3A_218 {
          %add3A_232 = arith.constant 3 : i32
          %add3A_233 = arith.addi %add3A_83, %add3A_232 : i32
          %dma_start3A_234 = arith.constant 0 : i32
          %dma_start3A_235 = tpu.memref_slice %arg3[%add3A_233, %dma_start3A_234] : memref<2560x128xi32, #tpu.memory_space<hbm>> -> memref<1x128xi32, #tpu.memory_space<hbm>>
          %dma_start3A_236 = tpu.memref_squeeze %dma_start3A_235 : memref<1x128xi32, #tpu.memory_space<hbm>> -> memref<128xi32, #tpu.memory_space<hbm>>
          %dma_start3A_237 = arith.constant 0 : i32
          %dma_start3A_238 = tpu.memref_slice %arg3[%add3A_233, %dma_start3A_237] : memref<2560x128xi32, #tpu.memory_space<hbm>> -> memref<1x128xi32, #tpu.memory_space<hbm>>
          %dma_start3A_239 = tpu.memref_squeeze %dma_start3A_238 : memref<1x128xi32, #tpu.memory_space<hbm>> -> memref<128xi32, #tpu.memory_space<hbm>>
          tpu.enqueue_dma source(%dma_start3A_239 : memref<128xi32, #tpu.memory_space<hbm>>) target(%arg8 : memref<128xi32, #tpu.memory_space<vmem>>) target_semaphore(%arg17 : memref<!tpu.dma_semaphore, #tpu.memory_space<semaphore_mem>>)
        } else {
        }
        %dma_wait3A_219 = arith.constant 0 : i32
        %dma_wait3A_220 = tpu.memref_slice %arg6[%mul3A_82, %dma_wait3A_219] : memref<80x128xi32, #tpu.memory_space<vmem>> -> memref<1x128xi32, #tpu.memory_space<vmem>>
        %dma_wait3A_221 = tpu.memref_squeeze %dma_wait3A_220 : memref<1x128xi32, #tpu.memory_space<vmem>> -> memref<128xi32, #tpu.memory_space<vmem>>
        %dma_wait3A_222 = arith.constant 0 : i32
        %dma_wait3A_223 = arith.constant 0 : i32
        %dma_wait3A_224 = tpu.memref_slice %arg11[%dma_wait3A_222, %dma_wait3A_223] : memref<10240x128xf32, #tpu.memory_space<vmem_shared>> -> memref<10240x128xf32, #tpu.memory_space<vmem_shared>>
        tpu.wait_indirect_dma semaphore(%arg14 : memref<!tpu.dma_semaphore, #tpu.memory_space<semaphore_mem>>) src(%arg9 : memref<128x128xf32, #tpu.memory_space<vmem>>) dst(%dma_wait3A_224 : memref<10240x128xf32, #tpu.memory_space<vmem_shared>>)
        %add3A_225 = arith.constant 1 : i32
        %add3A_226 = arith.addi %scan3A_80, %add3A_225 : i32
        %lt3A_227 = arith.constant 40 : i32
        %lt3A_228 = arith.cmpi slt, %add3A_226, %lt3A_227 : i32
        %convert_element_type3A_229 = arith.extui %lt3A_228 : i1 to i32
        %cond3A_230 = arith.constant 0 : i32
        %cond3A_231 = arith.cmpi ne, %convert_element_type3A_229, %cond3A_230 : i32
        scf.if %cond3A_231 {
          %add3A_232 = arith.constant 2 : i32
          %add3A_233 = arith.addi %add3A_83, %add3A_232 : i32
          %dma_wait3A_234 = arith.constant 0 : i32
          %dma_wait3A_235 = tpu.memref_slice %arg3[%add3A_233, %dma_wait3A_234] : memref<2560x128xi32, #tpu.memory_space<hbm>> -> memref<1x128xi32, #tpu.memory_space<hbm>>
          %dma_wait3A_236 = tpu.memref_squeeze %dma_wait3A_235 : memref<1x128xi32, #tpu.memory_space<hbm>> -> memref<128xi32, #tpu.memory_space<hbm>>
          %dma_wait3A_237 = arith.constant 0 : i32
          %dma_wait3A_238 = tpu.memref_slice %arg3[%add3A_233, %dma_wait3A_237] : memref<2560x128xi32, #tpu.memory_space<hbm>> -> memref<1x128xi32, #tpu.memory_space<hbm>>
          %dma_wait3A_239 = tpu.memref_squeeze %dma_wait3A_238 : memref<1x128xi32, #tpu.memory_space<hbm>> -> memref<128xi32, #tpu.memory_space<hbm>>
          tpu.wait_dma2 semaphore(%arg16 : memref<!tpu.dma_semaphore, #tpu.memory_space<semaphore_mem>>) src(%dma_wait3A_239 : memref<128xi32, #tpu.memory_space<hbm>>) dst(%arg7 : memref<128xi32, #tpu.memory_space<vmem>>)
          %dma_start3A_240 = arith.constant 0 : i32
          %dma_start3A_241 = arith.constant 0 : i32
          %dma_start3A_242 = tpu.memref_slice %arg9[%dma_start3A_240, %dma_start3A_241] : memref<128x128xf32, #tpu.memory_space<vmem>> -> memref<32x128xf32, #tpu.memory_space<vmem>>
          %dma_start3A_243 = arith.constant 0 : i32
          %dma_start3A_244 = tpu.memref_slice %arg7[%dma_start3A_243] : memref<128xi32, #tpu.memory_space<vmem>> -> memref<32xi32, #tpu.memory_space<vmem>>
          %dma_start3A_245 = arith.constant 0 : i32
          %dma_start3A_246 = arith.constant 0 : i32
          %dma_start3A_247 = tpu.memref_slice %arg2[%dma_start3A_245, %dma_start3A_246] : memref<10000x128xf32, #tpu.memory_space<hbm>> -> memref<10000x128xf32, #tpu.memory_space<hbm>>
          tpu.enqueue_indirect_dma source(%dma_start3A_247 : memref<10000x128xf32, #tpu.memory_space<hbm>>) target(%dma_start3A_242 : memref<32x128xf32, #tpu.memory_space<vmem>>) offsets(%dma_start3A_244 : memref<32xi32, #tpu.memory_space<vmem>>) semaphore(%arg12 : memref<!tpu.dma_semaphore, #tpu.memory_space<semaphore_mem>>)
          %dma_start3A_248 = arith.constant 32 : i32
          %dma_start3A_249 = arith.constant 0 : i32
          %dma_start3A_250 = tpu.memref_slice %arg9[%dma_start3A_248, %dma_start3A_249] : memref<128x128xf32, #tpu.memory_space<vmem>> -> memref<32x128xf32, #tpu.memory_space<vmem>>
          %dma_start3A_251 = arith.constant 32 : i32
          %dma_start3A_252 = tpu.memref_slice %arg7[%dma_start3A_251] : memref<128xi32, #tpu.memory_space<vmem>> -> memref<32xi32, #tpu.memory_space<vmem>>
          %dma_start3A_253 = arith.constant 0 : i32
          %dma_start3A_254 = arith.constant 0 : i32
          %dma_start3A_255 = tpu.memref_slice %arg2[%dma_start3A_253, %dma_start3A_254] : memref<10000x128xf32, #tpu.memory_space<hbm>> -> memref<10000x128xf32, #tpu.memory_space<hbm>>
          tpu.enqueue_indirect_dma source(%dma_start3A_255 : memref<10000x128xf32, #tpu.memory_space<hbm>>) target(%dma_start3A_250 : memref<32x128xf32, #tpu.memory_space<vmem>>) offsets(%dma_start3A_252 : memref<32xi32, #tpu.memory_space<vmem>>) semaphore(%arg12 : memref<!tpu.dma_semaphore, #tpu.memory_space<semaphore_mem>>)
          %dma_start3A_256 = arith.constant 64 : i32
          %dma_start3A_257 = arith.constant 0 : i32
          %dma_start3A_258 = tpu.memref_slice %arg9[%dma_start3A_256, %dma_start3A_257] : memref<128x128xf32, #tpu.memory_space<vmem>> -> memref<32x128xf32, #tpu.memory_space<vmem>>
          %dma_start3A_259 = arith.constant 64 : i32
          %dma_start3A_260 = tpu.memref_slice %arg7[%dma_start3A_259] : memref<128xi32, #tpu.memory_space<vmem>> -> memref<32xi32, #tpu.memory_space<vmem>>
          %dma_start3A_261 = arith.constant 0 : i32
          %dma_start3A_262 = arith.constant 0 : i32
          %dma_start3A_263 = tpu.memref_slice %arg2[%dma_start3A_261, %dma_start3A_262] : memref<10000x128xf32, #tpu.memory_space<hbm>> -> memref<10000x128xf32, #tpu.memory_space<hbm>>
          tpu.enqueue_indirect_dma source(%dma_start3A_263 : memref<10000x128xf32, #tpu.memory_space<hbm>>) target(%dma_start3A_258 : memref<32x128xf32, #tpu.memory_space<vmem>>) offsets(%dma_start3A_260 : memref<32xi32, #tpu.memory_space<vmem>>) semaphore(%arg12 : memref<!tpu.dma_semaphore, #tpu.memory_space<semaphore_mem>>)
          %dma_start3A_264 = arith.constant 96 : i32
          %dma_start3A_265 = arith.constant 0 : i32
          %dma_start3A_266 = tpu.memref_slice %arg9[%dma_start3A_264, %dma_start3A_265] : memref<128x128xf32, #tpu.memory_space<vmem>> -> memref<32x128xf32, #tpu.memory_space<vmem>>
          %dma_start3A_267 = arith.constant 96 : i32
          %dma_start3A_268 = tpu.memref_slice %arg7[%dma_start3A_267] : memref<128xi32, #tpu.memory_space<vmem>> -> memref<32xi32, #tpu.memory_space<vmem>>
          %dma_start3A_269 = arith.constant 0 : i32
          %dma_start3A_270 = arith.constant 0 : i32
          %dma_start3A_271 = tpu.memref_slice %arg2[%dma_start3A_269, %dma_start3A_270] : memref<10000x128xf32, #tpu.memory_space<hbm>> -> memref<10000x128xf32, #tpu.memory_space<hbm>>
          tpu.enqueue_indirect_dma source(%dma_start3A_271 : memref<10000x128xf32, #tpu.memory_space<hbm>>) target(%dma_start3A_266 : memref<32x128xf32, #tpu.memory_space<vmem>>) offsets(%dma_start3A_268 : memref<32xi32, #tpu.memory_space<vmem>>) semaphore(%arg12 : memref<!tpu.dma_semaphore, #tpu.memory_space<semaphore_mem>>)
        } else {
        }
      }
      %scan3A_73 = arith.constant 40 : i32
      %dma_wait3A = arith.constant 0 : i32
      %dma_wait3A_74 = arith.constant 0 : i32
      %dma_wait3A_75 = tpu.memref_slice %arg6[%dma_wait3A, %dma_wait3A_74] : memref<80x128xi32, #tpu.memory_space<vmem>> -> memref<1x128xi32, #tpu.memory_space<vmem>>
      %dma_wait3A_76 = tpu.memref_squeeze %dma_wait3A_75 : memref<1x128xi32, #tpu.memory_space<vmem>> -> memref<128xi32, #tpu.memory_space<vmem>>
      %dma_wait3A_77 = arith.constant 0 : i32
      %dma_wait3A_78 = arith.constant 0 : i32
      %dma_wait3A_79 = tpu.memref_slice %arg11[%dma_wait3A_77, %dma_wait3A_78] : memref<10240x128xf32, #tpu.memory_space<vmem_shared>> -> memref<10240x128xf32, #tpu.memory_space<vmem_shared>>
      tpu.wait_indirect_dma semaphore(%arg15 : memref<!tpu.dma_semaphore, #tpu.memory_space<semaphore_mem>>) src(%arg10 : memref<128x128xf32, #tpu.memory_space<vmem>>) dst(%dma_wait3A_79 : memref<10240x128xf32, #tpu.memory_space<vmem_shared>>)
    } else {
    }
    %eq3A_14 = arith.constant 1 : i32
    %eq3A_15 = arith.cmpi eq, %arg0, %eq3A_14 : i32
    %convert_element_type3A_16 = arith.extui %eq3A_15 : i1 to i32
    %cond3A_17 = arith.constant 0 : i32
    %cond3A_18 = arith.cmpi ne, %convert_element_type3A_16, %cond3A_17 : i32
    scf.if %cond3A_18 {
      %mul3A_28 = arith.constant 80 : i32
      %mul3A_29 = arith.muli %arg1, %mul3A_28 : i32
      %add3A = arith.constant 1280 : i32
      %add3A_30 = arith.addi %add3A, %mul3A_29 : i32
      "tpu.region"() ({
        %run_scoped3A = tpu.sem_alloc : memref<!tpu.dma_semaphore, #tpu.memory_space<semaphore_mem>>
        %dma_start3A_82 = arith.constant 0 : i32
        %dma_start3A_83 = tpu.memref_slice %arg4[%add3A_30, %dma_start3A_82] : memref<2640x128xi32, #tpu.memory_space<hbm>> -> memref<80x128xi32, #tpu.memory_space<hbm>>
        %dma_start3A_84 = arith.constant 0 : i32
        %dma_start3A_85 = tpu.memref_slice %arg4[%add3A_30, %dma_start3A_84] : memref<2640x128xi32, #tpu.memory_space<hbm>> -> memref<80x128xi32, #tpu.memory_space<hbm>>
        tpu.enqueue_dma source(%dma_start3A_85 : memref<80x128xi32, #tpu.memory_space<hbm>>) target(%arg6 : memref<80x128xi32, #tpu.memory_space<vmem>>) target_semaphore(%run_scoped3A : memref<!tpu.dma_semaphore, #tpu.memory_space<semaphore_mem>>)
        %dma_wait3A_86 = arith.constant 0 : i32
        %dma_wait3A_87 = tpu.memref_slice %arg4[%add3A_30, %dma_wait3A_86] : memref<2640x128xi32, #tpu.memory_space<hbm>> -> memref<80x128xi32, #tpu.memory_space<hbm>>
        %dma_wait3A_88 = arith.constant 0 : i32
        %dma_wait3A_89 = tpu.memref_slice %arg4[%add3A_30, %dma_wait3A_88] : memref<2640x128xi32, #tpu.memory_space<hbm>> -> memref<80x128xi32, #tpu.memory_space<hbm>>
        tpu.wait_dma2 semaphore(%run_scoped3A : memref<!tpu.dma_semaphore, #tpu.memory_space<semaphore_mem>>) src(%dma_wait3A_89 : memref<80x128xi32, #tpu.memory_space<hbm>>) dst(%arg6 : memref<80x128xi32, #tpu.memory_space<vmem>>)
        tpu.yield
      }) : () -> ()
      "tpu.region"() ({
        %run_scoped3A = tpu.sem_alloc : memref<!tpu.dma_semaphore, #tpu.memory_space<semaphore_mem>>
        %dma_start3A_82 = arith.constant 0 : i32
        %dma_start3A_83 = tpu.memref_slice %arg3[%add3A_30, %dma_start3A_82] : memref<2560x128xi32, #tpu.memory_space<hbm>> -> memref<1x128xi32, #tpu.memory_space<hbm>>
        %dma_start3A_84 = tpu.memref_squeeze %dma_start3A_83 : memref<1x128xi32, #tpu.memory_space<hbm>> -> memref<128xi32, #tpu.memory_space<hbm>>
        %dma_start3A_85 = arith.constant 0 : i32
        %dma_start3A_86 = tpu.memref_slice %arg3[%add3A_30, %dma_start3A_85] : memref<2560x128xi32, #tpu.memory_space<hbm>> -> memref<1x128xi32, #tpu.memory_space<hbm>>
        %dma_start3A_87 = tpu.memref_squeeze %dma_start3A_86 : memref<1x128xi32, #tpu.memory_space<hbm>> -> memref<128xi32, #tpu.memory_space<hbm>>
        tpu.enqueue_dma source(%dma_start3A_87 : memref<128xi32, #tpu.memory_space<hbm>>) target(%arg7 : memref<128xi32, #tpu.memory_space<vmem>>) target_semaphore(%run_scoped3A : memref<!tpu.dma_semaphore, #tpu.memory_space<semaphore_mem>>)
        %dma_wait3A_88 = arith.constant 0 : i32
        %dma_wait3A_89 = tpu.memref_slice %arg3[%add3A_30, %dma_wait3A_88] : memref<2560x128xi32, #tpu.memory_space<hbm>> -> memref<1x128xi32, #tpu.memory_space<hbm>>
        %dma_wait3A_90 = tpu.memref_squeeze %dma_wait3A_89 : memref<1x128xi32, #tpu.memory_space<hbm>> -> memref<128xi32, #tpu.memory_space<hbm>>
        %dma_wait3A_91 = arith.constant 0 : i32
        %dma_wait3A_92 = tpu.memref_slice %arg3[%add3A_30, %dma_wait3A_91] : memref<2560x128xi32, #tpu.memory_space<hbm>> -> memref<1x128xi32, #tpu.memory_space<hbm>>
        %dma_wait3A_93 = tpu.memref_squeeze %dma_wait3A_92 : memref<1x128xi32, #tpu.memory_space<hbm>> -> memref<128xi32, #tpu.memory_space<hbm>>
        tpu.wait_dma2 semaphore(%run_scoped3A : memref<!tpu.dma_semaphore, #tpu.memory_space<semaphore_mem>>) src(%dma_wait3A_93 : memref<128xi32, #tpu.memory_space<hbm>>) dst(%arg7 : memref<128xi32, #tpu.memory_space<vmem>>)
        tpu.yield
      }) : () -> ()
      %dma_start3A = arith.constant 0 : i32
      %dma_start3A_31 = arith.constant 0 : i32
      %dma_start3A_32 = tpu.memref_slice %arg9[%dma_start3A, %dma_start3A_31] : memref<128x128xf32, #tpu.memory_space<vmem>> -> memref<32x128xf32, #tpu.memory_space<vmem>>
      %dma_start3A_33 = arith.constant 0 : i32
      %dma_start3A_34 = tpu.memref_slice %arg7[%dma_start3A_33] : memref<128xi32, #tpu.memory_space<vmem>> -> memref<32xi32, #tpu.memory_space<vmem>>
      %dma_start3A_35 = arith.constant 0 : i32
      %dma_start3A_36 = arith.constant 0 : i32
      %dma_start3A_37 = tpu.memref_slice %arg2[%dma_start3A_35, %dma_start3A_36] : memref<10000x128xf32, #tpu.memory_space<hbm>> -> memref<10000x128xf32, #tpu.memory_space<hbm>>
      tpu.enqueue_indirect_dma source(%dma_start3A_37 : memref<10000x128xf32, #tpu.memory_space<hbm>>) target(%dma_start3A_32 : memref<32x128xf32, #tpu.memory_space<vmem>>) offsets(%dma_start3A_34 : memref<32xi32, #tpu.memory_space<vmem>>) semaphore(%arg12 : memref<!tpu.dma_semaphore, #tpu.memory_space<semaphore_mem>>)
      %dma_start3A_38 = arith.constant 32 : i32
      %dma_start3A_39 = arith.constant 0 : i32
      %dma_start3A_40 = tpu.memref_slice %arg9[%dma_start3A_38, %dma_start3A_39] : memref<128x128xf32, #tpu.memory_space<vmem>> -> memref<32x128xf32, #tpu.memory_space<vmem>>
      %dma_start3A_41 = arith.constant 32 : i32
      %dma_start3A_42 = tpu.memref_slice %arg7[%dma_start3A_41] : memref<128xi32, #tpu.memory_space<vmem>> -> memref<32xi32, #tpu.memory_space<vmem>>
      %dma_start3A_43 = arith.constant 0 : i32
      %dma_start3A_44 = arith.constant 0 : i32
      %dma_start3A_45 = tpu.memref_slice %arg2[%dma_start3A_43, %dma_start3A_44] : memref<10000x128xf32, #tpu.memory_space<hbm>> -> memref<10000x128xf32, #tpu.memory_space<hbm>>
      tpu.enqueue_indirect_dma source(%dma_start3A_45 : memref<10000x128xf32, #tpu.memory_space<hbm>>) target(%dma_start3A_40 : memref<32x128xf32, #tpu.memory_space<vmem>>) offsets(%dma_start3A_42 : memref<32xi32, #tpu.memory_space<vmem>>) semaphore(%arg12 : memref<!tpu.dma_semaphore, #tpu.memory_space<semaphore_mem>>)
      %dma_start3A_46 = arith.constant 64 : i32
      %dma_start3A_47 = arith.constant 0 : i32
      %dma_start3A_48 = tpu.memref_slice %arg9[%dma_start3A_46, %dma_start3A_47] : memref<128x128xf32, #tpu.memory_space<vmem>> -> memref<32x128xf32, #tpu.memory_space<vmem>>
      %dma_start3A_49 = arith.constant 64 : i32
      %dma_start3A_50 = tpu.memref_slice %arg7[%dma_start3A_49] : memref<128xi32, #tpu.memory_space<vmem>> -> memref<32xi32, #tpu.memory_space<vmem>>
      %dma_start3A_51 = arith.constant 0 : i32
      %dma_start3A_52 = arith.constant 0 : i32
      %dma_start3A_53 = tpu.memref_slice %arg2[%dma_start3A_51, %dma_start3A_52] : memref<10000x128xf32, #tpu.memory_space<hbm>> -> memref<10000x128xf32, #tpu.memory_space<hbm>>
      tpu.enqueue_indirect_dma source(%dma_start3A_53 : memref<10000x128xf32, #tpu.memory_space<hbm>>) target(%dma_start3A_48 : memref<32x128xf32, #tpu.memory_space<vmem>>) offsets(%dma_start3A_50 : memref<32xi32, #tpu.memory_space<vmem>>) semaphore(%arg12 : memref<!tpu.dma_semaphore, #tpu.memory_space<semaphore_mem>>)
      %dma_start3A_54 = arith.constant 96 : i32
      %dma_start3A_55 = arith.constant 0 : i32
      %dma_start3A_56 = tpu.memref_slice %arg9[%dma_start3A_54, %dma_start3A_55] : memref<128x128xf32, #tpu.memory_space<vmem>> -> memref<32x128xf32, #tpu.memory_space<vmem>>
      %dma_start3A_57 = arith.constant 96 : i32
      %dma_start3A_58 = tpu.memref_slice %arg7[%dma_start3A_57] : memref<128xi32, #tpu.memory_space<vmem>> -> memref<32xi32, #tpu.memory_space<vmem>>
      %dma_start3A_59 = arith.constant 0 : i32
      %dma_start3A_60 = arith.constant 0 : i32
      %dma_start3A_61 = tpu.memref_slice %arg2[%dma_start3A_59, %dma_start3A_60] : memref<10000x128xf32, #tpu.memory_space<hbm>> -> memref<10000x128xf32, #tpu.memory_space<hbm>>
      tpu.enqueue_indirect_dma source(%dma_start3A_61 : memref<10000x128xf32, #tpu.memory_space<hbm>>) target(%dma_start3A_56 : memref<32x128xf32, #tpu.memory_space<vmem>>) offsets(%dma_start3A_58 : memref<32xi32, #tpu.memory_space<vmem>>) semaphore(%arg12 : memref<!tpu.dma_semaphore, #tpu.memory_space<semaphore_mem>>)
      %add3A_62 = arith.constant 1 : i32
      %add3A_63 = arith.addi %add3A_30, %add3A_62 : i32
      %dma_start3A_64 = arith.constant 0 : i32
      %dma_start3A_65 = tpu.memref_slice %arg3[%add3A_63, %dma_start3A_64] : memref<2560x128xi32, #tpu.memory_space<hbm>> -> memref<1x128xi32, #tpu.memory_space<hbm>>
      %dma_start3A_66 = tpu.memref_squeeze %dma_start3A_65 : memref<1x128xi32, #tpu.memory_space<hbm>> -> memref<128xi32, #tpu.memory_space<hbm>>
      %dma_start3A_67 = arith.constant 0 : i32
      %dma_start3A_68 = tpu.memref_slice %arg3[%add3A_63, %dma_start3A_67] : memref<2560x128xi32, #tpu.memory_space<hbm>> -> memref<1x128xi32, #tpu.memory_space<hbm>>
      %dma_start3A_69 = tpu.memref_squeeze %dma_start3A_68 : memref<1x128xi32, #tpu.memory_space<hbm>> -> memref<128xi32, #tpu.memory_space<hbm>>
      tpu.enqueue_dma source(%dma_start3A_69 : memref<128xi32, #tpu.memory_space<hbm>>) target(%arg8 : memref<128xi32, #tpu.memory_space<vmem>>) target_semaphore(%arg17 : memref<!tpu.dma_semaphore, #tpu.memory_space<semaphore_mem>>)
      %scan3A_70 = arith.constant 0 : i32
      %scan3A_71 = arith.constant 0 : i32
      %scan3A_72 = arith.constant 40 : i32
      %scan3A_73 = arith.addi %scan3A_71, %scan3A_72 : i32
      %scan3A_74 = arith.constant 1 : i32
      scf.for %scan3A_82 = %scan3A_71 to %scan3A_73 step %scan3A_74  : i32 {
        %mul3A_83 = arith.constant 2 : i32
        %mul3A_84 = arith.muli %mul3A_83, %scan3A_82 : i32
        %add3A_85 = arith.addi %add3A_30, %mul3A_84 : i32
        %dma_wait3A_86 = arith.constant 0 : i32
        %dma_wait3A_87 = arith.constant 0 : i32
        %dma_wait3A_88 = tpu.memref_slice %arg9[%dma_wait3A_86, %dma_wait3A_87] : memref<128x128xf32, #tpu.memory_space<vmem>> -> memref<32x128xf32, #tpu.memory_space<vmem>>
        %dma_wait3A_89 = arith.constant 0 : i32
        %dma_wait3A_90 = tpu.memref_slice %arg7[%dma_wait3A_89] : memref<128xi32, #tpu.memory_space<vmem>> -> memref<32xi32, #tpu.memory_space<vmem>>
        %dma_wait3A_91 = arith.constant 0 : i32
        %dma_wait3A_92 = arith.constant 0 : i32
        %dma_wait3A_93 = tpu.memref_slice %arg2[%dma_wait3A_91, %dma_wait3A_92] : memref<10000x128xf32, #tpu.memory_space<hbm>> -> memref<10000x128xf32, #tpu.memory_space<hbm>>
        tpu.wait_indirect_dma semaphore(%arg12 : memref<!tpu.dma_semaphore, #tpu.memory_space<semaphore_mem>>) src(%dma_wait3A_93 : memref<10000x128xf32, #tpu.memory_space<hbm>>) dst(%dma_wait3A_88 : memref<32x128xf32, #tpu.memory_space<vmem>>)
        %dma_wait3A_94 = arith.constant 32 : i32
        %dma_wait3A_95 = arith.constant 0 : i32
        %dma_wait3A_96 = tpu.memref_slice %arg9[%dma_wait3A_94, %dma_wait3A_95] : memref<128x128xf32, #tpu.memory_space<vmem>> -> memref<32x128xf32, #tpu.memory_space<vmem>>
        %dma_wait3A_97 = arith.constant 32 : i32
        %dma_wait3A_98 = tpu.memref_slice %arg7[%dma_wait3A_97] : memref<128xi32, #tpu.memory_space<vmem>> -> memref<32xi32, #tpu.memory_space<vmem>>
        %dma_wait3A_99 = arith.constant 0 : i32
        %dma_wait3A_100 = arith.constant 0 : i32
        %dma_wait3A_101 = tpu.memref_slice %arg2[%dma_wait3A_99, %dma_wait3A_100] : memref<10000x128xf32, #tpu.memory_space<hbm>> -> memref<10000x128xf32, #tpu.memory_space<hbm>>
        tpu.wait_indirect_dma semaphore(%arg12 : memref<!tpu.dma_semaphore, #tpu.memory_space<semaphore_mem>>) src(%dma_wait3A_101 : memref<10000x128xf32, #tpu.memory_space<hbm>>) dst(%dma_wait3A_96 : memref<32x128xf32, #tpu.memory_space<vmem>>)
        %dma_wait3A_102 = arith.constant 64 : i32
        %dma_wait3A_103 = arith.constant 0 : i32
        %dma_wait3A_104 = tpu.memref_slice %arg9[%dma_wait3A_102, %dma_wait3A_103] : memref<128x128xf32, #tpu.memory_space<vmem>> -> memref<32x128xf32, #tpu.memory_space<vmem>>
        %dma_wait3A_105 = arith.constant 64 : i32
        %dma_wait3A_106 = tpu.memref_slice %arg7[%dma_wait3A_105] : memref<128xi32, #tpu.memory_space<vmem>> -> memref<32xi32, #tpu.memory_space<vmem>>
        %dma_wait3A_107 = arith.constant 0 : i32
        %dma_wait3A_108 = arith.constant 0 : i32
        %dma_wait3A_109 = tpu.memref_slice %arg2[%dma_wait3A_107, %dma_wait3A_108] : memref<10000x128xf32, #tpu.memory_space<hbm>> -> memref<10000x128xf32, #tpu.memory_space<hbm>>
        tpu.wait_indirect_dma semaphore(%arg12 : memref<!tpu.dma_semaphore, #tpu.memory_space<semaphore_mem>>) src(%dma_wait3A_109 : memref<10000x128xf32, #tpu.memory_space<hbm>>) dst(%dma_wait3A_104 : memref<32x128xf32, #tpu.memory_space<vmem>>)
        %dma_wait3A_110 = arith.constant 96 : i32
        %dma_wait3A_111 = arith.constant 0 : i32
        %dma_wait3A_112 = tpu.memref_slice %arg9[%dma_wait3A_110, %dma_wait3A_111] : memref<128x128xf32, #tpu.memory_space<vmem>> -> memref<32x128xf32, #tpu.memory_space<vmem>>
        %dma_wait3A_113 = arith.constant 96 : i32
        %dma_wait3A_114 = tpu.memref_slice %arg7[%dma_wait3A_113] : memref<128xi32, #tpu.memory_space<vmem>> -> memref<32xi32, #tpu.memory_space<vmem>>
        %dma_wait3A_115 = arith.constant 0 : i32
        %dma_wait3A_116 = arith.constant 0 : i32
        %dma_wait3A_117 = tpu.memref_slice %arg2[%dma_wait3A_115, %dma_wait3A_116] : memref<10000x128xf32, #tpu.memory_space<hbm>> -> memref<10000x128xf32, #tpu.memory_space<hbm>>
        tpu.wait_indirect_dma semaphore(%arg12 : memref<!tpu.dma_semaphore, #tpu.memory_space<semaphore_mem>>) src(%dma_wait3A_117 : memref<10000x128xf32, #tpu.memory_space<hbm>>) dst(%dma_wait3A_112 : memref<32x128xf32, #tpu.memory_space<vmem>>)
        %dma_start3A_118 = arith.constant 0 : i32
        %dma_start3A_119 = tpu.memref_slice %arg6[%mul3A_84, %dma_start3A_118] : memref<80x128xi32, #tpu.memory_space<vmem>> -> memref<1x128xi32, #tpu.memory_space<vmem>>
        %dma_start3A_120 = tpu.memref_squeeze %dma_start3A_119 : memref<1x128xi32, #tpu.memory_space<vmem>> -> memref<128xi32, #tpu.memory_space<vmem>>
        %dma_start3A_121 = arith.constant 0 : i32
        %dma_start3A_122 = arith.constant 0 : i32
        %dma_start3A_123 = tpu.memref_slice %arg11[%dma_start3A_121, %dma_start3A_122] : memref<10240x128xf32, #tpu.memory_space<vmem_shared>> -> memref<10240x128xf32, #tpu.memory_space<vmem_shared>>
        tpu.enqueue_indirect_dma source(%arg9 : memref<128x128xf32, #tpu.memory_space<vmem>>) target(%dma_start3A_123 : memref<10240x128xf32, #tpu.memory_space<vmem_shared>>) offsets(%dma_start3A_120 : memref<128xi32, #tpu.memory_space<vmem>>) semaphore(%arg14 : memref<!tpu.dma_semaphore, #tpu.memory_space<semaphore_mem>>) {add = true}
        %add3A_124 = arith.constant 1 : i32
        %add3A_125 = arith.addi %scan3A_82, %add3A_124 : i32
        %lt3A = arith.constant 40 : i32
        %lt3A_126 = arith.cmpi slt, %add3A_125, %lt3A : i32
        %convert_element_type3A_127 = arith.extui %lt3A_126 : i1 to i32
        %cond3A_128 = arith.constant 0 : i32
        %cond3A_129 = arith.cmpi ne, %convert_element_type3A_127, %cond3A_128 : i32
        scf.if %cond3A_129 {
          %add3A_234 = arith.constant 2 : i32
          %add3A_235 = arith.addi %add3A_85, %add3A_234 : i32
          %dma_start3A_236 = arith.constant 0 : i32
          %dma_start3A_237 = tpu.memref_slice %arg3[%add3A_235, %dma_start3A_236] : memref<2560x128xi32, #tpu.memory_space<hbm>> -> memref<1x128xi32, #tpu.memory_space<hbm>>
          %dma_start3A_238 = tpu.memref_squeeze %dma_start3A_237 : memref<1x128xi32, #tpu.memory_space<hbm>> -> memref<128xi32, #tpu.memory_space<hbm>>
          %dma_start3A_239 = arith.constant 0 : i32
          %dma_start3A_240 = tpu.memref_slice %arg3[%add3A_235, %dma_start3A_239] : memref<2560x128xi32, #tpu.memory_space<hbm>> -> memref<1x128xi32, #tpu.memory_space<hbm>>
          %dma_start3A_241 = tpu.memref_squeeze %dma_start3A_240 : memref<1x128xi32, #tpu.memory_space<hbm>> -> memref<128xi32, #tpu.memory_space<hbm>>
          tpu.enqueue_dma source(%dma_start3A_241 : memref<128xi32, #tpu.memory_space<hbm>>) target(%arg7 : memref<128xi32, #tpu.memory_space<vmem>>) target_semaphore(%arg16 : memref<!tpu.dma_semaphore, #tpu.memory_space<semaphore_mem>>)
        } else {
        }
        %gt3A = arith.constant 0 : i32
        %gt3A_130 = arith.cmpi sgt, %scan3A_82, %gt3A : i32
        %convert_element_type3A_131 = arith.extui %gt3A_130 : i1 to i32
        %cond3A_132 = arith.constant 0 : i32
        %cond3A_133 = arith.cmpi ne, %convert_element_type3A_131, %cond3A_132 : i32
        scf.if %cond3A_133 {
          %dma_wait3A_234 = arith.constant 0 : i32
          %dma_wait3A_235 = tpu.memref_slice %arg6[%mul3A_84, %dma_wait3A_234] : memref<80x128xi32, #tpu.memory_space<vmem>> -> memref<1x128xi32, #tpu.memory_space<vmem>>
          %dma_wait3A_236 = tpu.memref_squeeze %dma_wait3A_235 : memref<1x128xi32, #tpu.memory_space<vmem>> -> memref<128xi32, #tpu.memory_space<vmem>>
          %dma_wait3A_237 = arith.constant 0 : i32
          %dma_wait3A_238 = arith.constant 0 : i32
          %dma_wait3A_239 = tpu.memref_slice %arg11[%dma_wait3A_237, %dma_wait3A_238] : memref<10240x128xf32, #tpu.memory_space<vmem_shared>> -> memref<10240x128xf32, #tpu.memory_space<vmem_shared>>
          tpu.wait_indirect_dma semaphore(%arg15 : memref<!tpu.dma_semaphore, #tpu.memory_space<semaphore_mem>>) src(%arg10 : memref<128x128xf32, #tpu.memory_space<vmem>>) dst(%dma_wait3A_239 : memref<10240x128xf32, #tpu.memory_space<vmem_shared>>)
        } else {
        }
        %add3A_134 = arith.constant 1 : i32
        %add3A_135 = arith.addi %add3A_85, %add3A_134 : i32
        %dma_wait3A_136 = arith.constant 0 : i32
        %dma_wait3A_137 = tpu.memref_slice %arg3[%add3A_135, %dma_wait3A_136] : memref<2560x128xi32, #tpu.memory_space<hbm>> -> memref<1x128xi32, #tpu.memory_space<hbm>>
        %dma_wait3A_138 = tpu.memref_squeeze %dma_wait3A_137 : memref<1x128xi32, #tpu.memory_space<hbm>> -> memref<128xi32, #tpu.memory_space<hbm>>
        %dma_wait3A_139 = arith.constant 0 : i32
        %dma_wait3A_140 = tpu.memref_slice %arg3[%add3A_135, %dma_wait3A_139] : memref<2560x128xi32, #tpu.memory_space<hbm>> -> memref<1x128xi32, #tpu.memory_space<hbm>>
        %dma_wait3A_141 = tpu.memref_squeeze %dma_wait3A_140 : memref<1x128xi32, #tpu.memory_space<hbm>> -> memref<128xi32, #tpu.memory_space<hbm>>
        tpu.wait_dma2 semaphore(%arg17 : memref<!tpu.dma_semaphore, #tpu.memory_space<semaphore_mem>>) src(%dma_wait3A_141 : memref<128xi32, #tpu.memory_space<hbm>>) dst(%arg8 : memref<128xi32, #tpu.memory_space<vmem>>)
        %dma_start3A_142 = arith.constant 0 : i32
        %dma_start3A_143 = arith.constant 0 : i32
        %dma_start3A_144 = tpu.memref_slice %arg10[%dma_start3A_142, %dma_start3A_143] : memref<128x128xf32, #tpu.memory_space<vmem>> -> memref<32x128xf32, #tpu.memory_space<vmem>>
        %dma_start3A_145 = arith.constant 0 : i32
        %dma_start3A_146 = tpu.memref_slice %arg8[%dma_start3A_145] : memref<128xi32, #tpu.memory_space<vmem>> -> memref<32xi32, #tpu.memory_space<vmem>>
        %dma_start3A_147 = arith.constant 0 : i32
        %dma_start3A_148 = arith.constant 0 : i32
        %dma_start3A_149 = tpu.memref_slice %arg2[%dma_start3A_147, %dma_start3A_148] : memref<10000x128xf32, #tpu.memory_space<hbm>> -> memref<10000x128xf32, #tpu.memory_space<hbm>>
        tpu.enqueue_indirect_dma source(%dma_start3A_149 : memref<10000x128xf32, #tpu.memory_space<hbm>>) target(%dma_start3A_144 : memref<32x128xf32, #tpu.memory_space<vmem>>) offsets(%dma_start3A_146 : memref<32xi32, #tpu.memory_space<vmem>>) semaphore(%arg13 : memref<!tpu.dma_semaphore, #tpu.memory_space<semaphore_mem>>)
        %dma_start3A_150 = arith.constant 32 : i32
        %dma_start3A_151 = arith.constant 0 : i32
        %dma_start3A_152 = tpu.memref_slice %arg10[%dma_start3A_150, %dma_start3A_151] : memref<128x128xf32, #tpu.memory_space<vmem>> -> memref<32x128xf32, #tpu.memory_space<vmem>>
        %dma_start3A_153 = arith.constant 32 : i32
        %dma_start3A_154 = tpu.memref_slice %arg8[%dma_start3A_153] : memref<128xi32, #tpu.memory_space<vmem>> -> memref<32xi32, #tpu.memory_space<vmem>>
        %dma_start3A_155 = arith.constant 0 : i32
        %dma_start3A_156 = arith.constant 0 : i32
        %dma_start3A_157 = tpu.memref_slice %arg2[%dma_start3A_155, %dma_start3A_156] : memref<10000x128xf32, #tpu.memory_space<hbm>> -> memref<10000x128xf32, #tpu.memory_space<hbm>>
        tpu.enqueue_indirect_dma source(%dma_start3A_157 : memref<10000x128xf32, #tpu.memory_space<hbm>>) target(%dma_start3A_152 : memref<32x128xf32, #tpu.memory_space<vmem>>) offsets(%dma_start3A_154 : memref<32xi32, #tpu.memory_space<vmem>>) semaphore(%arg13 : memref<!tpu.dma_semaphore, #tpu.memory_space<semaphore_mem>>)
        %dma_start3A_158 = arith.constant 64 : i32
        %dma_start3A_159 = arith.constant 0 : i32
        %dma_start3A_160 = tpu.memref_slice %arg10[%dma_start3A_158, %dma_start3A_159] : memref<128x128xf32, #tpu.memory_space<vmem>> -> memref<32x128xf32, #tpu.memory_space<vmem>>
        %dma_start3A_161 = arith.constant 64 : i32
        %dma_start3A_162 = tpu.memref_slice %arg8[%dma_start3A_161] : memref<128xi32, #tpu.memory_space<vmem>> -> memref<32xi32, #tpu.memory_space<vmem>>
        %dma_start3A_163 = arith.constant 0 : i32
        %dma_start3A_164 = arith.constant 0 : i32
        %dma_start3A_165 = tpu.memref_slice %arg2[%dma_start3A_163, %dma_start3A_164] : memref<10000x128xf32, #tpu.memory_space<hbm>> -> memref<10000x128xf32, #tpu.memory_space<hbm>>
        tpu.enqueue_indirect_dma source(%dma_start3A_165 : memref<10000x128xf32, #tpu.memory_space<hbm>>) target(%dma_start3A_160 : memref<32x128xf32, #tpu.memory_space<vmem>>) offsets(%dma_start3A_162 : memref<32xi32, #tpu.memory_space<vmem>>) semaphore(%arg13 : memref<!tpu.dma_semaphore, #tpu.memory_space<semaphore_mem>>)
        %dma_start3A_166 = arith.constant 96 : i32
        %dma_start3A_167 = arith.constant 0 : i32
        %dma_start3A_168 = tpu.memref_slice %arg10[%dma_start3A_166, %dma_start3A_167] : memref<128x128xf32, #tpu.memory_space<vmem>> -> memref<32x128xf32, #tpu.memory_space<vmem>>
        %dma_start3A_169 = arith.constant 96 : i32
        %dma_start3A_170 = tpu.memref_slice %arg8[%dma_start3A_169] : memref<128xi32, #tpu.memory_space<vmem>> -> memref<32xi32, #tpu.memory_space<vmem>>
        %dma_start3A_171 = arith.constant 0 : i32
        %dma_start3A_172 = arith.constant 0 : i32
        %dma_start3A_173 = tpu.memref_slice %arg2[%dma_start3A_171, %dma_start3A_172] : memref<10000x128xf32, #tpu.memory_space<hbm>> -> memref<10000x128xf32, #tpu.memory_space<hbm>>
        tpu.enqueue_indirect_dma source(%dma_start3A_173 : memref<10000x128xf32, #tpu.memory_space<hbm>>) target(%dma_start3A_168 : memref<32x128xf32, #tpu.memory_space<vmem>>) offsets(%dma_start3A_170 : memref<32xi32, #tpu.memory_space<vmem>>) semaphore(%arg13 : memref<!tpu.dma_semaphore, #tpu.memory_space<semaphore_mem>>)
        %dma_wait3A_174 = arith.constant 0 : i32
        %dma_wait3A_175 = arith.constant 0 : i32
        %dma_wait3A_176 = tpu.memref_slice %arg10[%dma_wait3A_174, %dma_wait3A_175] : memref<128x128xf32, #tpu.memory_space<vmem>> -> memref<32x128xf32, #tpu.memory_space<vmem>>
        %dma_wait3A_177 = arith.constant 0 : i32
        %dma_wait3A_178 = tpu.memref_slice %arg8[%dma_wait3A_177] : memref<128xi32, #tpu.memory_space<vmem>> -> memref<32xi32, #tpu.memory_space<vmem>>
        %dma_wait3A_179 = arith.constant 0 : i32
        %dma_wait3A_180 = arith.constant 0 : i32
        %dma_wait3A_181 = tpu.memref_slice %arg2[%dma_wait3A_179, %dma_wait3A_180] : memref<10000x128xf32, #tpu.memory_space<hbm>> -> memref<10000x128xf32, #tpu.memory_space<hbm>>
        tpu.wait_indirect_dma semaphore(%arg13 : memref<!tpu.dma_semaphore, #tpu.memory_space<semaphore_mem>>) src(%dma_wait3A_181 : memref<10000x128xf32, #tpu.memory_space<hbm>>) dst(%dma_wait3A_176 : memref<32x128xf32, #tpu.memory_space<vmem>>)
        %dma_wait3A_182 = arith.constant 32 : i32
        %dma_wait3A_183 = arith.constant 0 : i32
        %dma_wait3A_184 = tpu.memref_slice %arg10[%dma_wait3A_182, %dma_wait3A_183] : memref<128x128xf32, #tpu.memory_space<vmem>> -> memref<32x128xf32, #tpu.memory_space<vmem>>
        %dma_wait3A_185 = arith.constant 32 : i32
        %dma_wait3A_186 = tpu.memref_slice %arg8[%dma_wait3A_185] : memref<128xi32, #tpu.memory_space<vmem>> -> memref<32xi32, #tpu.memory_space<vmem>>
        %dma_wait3A_187 = arith.constant 0 : i32
        %dma_wait3A_188 = arith.constant 0 : i32
        %dma_wait3A_189 = tpu.memref_slice %arg2[%dma_wait3A_187, %dma_wait3A_188] : memref<10000x128xf32, #tpu.memory_space<hbm>> -> memref<10000x128xf32, #tpu.memory_space<hbm>>
        tpu.wait_indirect_dma semaphore(%arg13 : memref<!tpu.dma_semaphore, #tpu.memory_space<semaphore_mem>>) src(%dma_wait3A_189 : memref<10000x128xf32, #tpu.memory_space<hbm>>) dst(%dma_wait3A_184 : memref<32x128xf32, #tpu.memory_space<vmem>>)
        %dma_wait3A_190 = arith.constant 64 : i32
        %dma_wait3A_191 = arith.constant 0 : i32
        %dma_wait3A_192 = tpu.memref_slice %arg10[%dma_wait3A_190, %dma_wait3A_191] : memref<128x128xf32, #tpu.memory_space<vmem>> -> memref<32x128xf32, #tpu.memory_space<vmem>>
        %dma_wait3A_193 = arith.constant 64 : i32
        %dma_wait3A_194 = tpu.memref_slice %arg8[%dma_wait3A_193] : memref<128xi32, #tpu.memory_space<vmem>> -> memref<32xi32, #tpu.memory_space<vmem>>
        %dma_wait3A_195 = arith.constant 0 : i32
        %dma_wait3A_196 = arith.constant 0 : i32
        %dma_wait3A_197 = tpu.memref_slice %arg2[%dma_wait3A_195, %dma_wait3A_196] : memref<10000x128xf32, #tpu.memory_space<hbm>> -> memref<10000x128xf32, #tpu.memory_space<hbm>>
        tpu.wait_indirect_dma semaphore(%arg13 : memref<!tpu.dma_semaphore, #tpu.memory_space<semaphore_mem>>) src(%dma_wait3A_197 : memref<10000x128xf32, #tpu.memory_space<hbm>>) dst(%dma_wait3A_192 : memref<32x128xf32, #tpu.memory_space<vmem>>)
        %dma_wait3A_198 = arith.constant 96 : i32
        %dma_wait3A_199 = arith.constant 0 : i32
        %dma_wait3A_200 = tpu.memref_slice %arg10[%dma_wait3A_198, %dma_wait3A_199] : memref<128x128xf32, #tpu.memory_space<vmem>> -> memref<32x128xf32, #tpu.memory_space<vmem>>
        %dma_wait3A_201 = arith.constant 96 : i32
        %dma_wait3A_202 = tpu.memref_slice %arg8[%dma_wait3A_201] : memref<128xi32, #tpu.memory_space<vmem>> -> memref<32xi32, #tpu.memory_space<vmem>>
        %dma_wait3A_203 = arith.constant 0 : i32
        %dma_wait3A_204 = arith.constant 0 : i32
        %dma_wait3A_205 = tpu.memref_slice %arg2[%dma_wait3A_203, %dma_wait3A_204] : memref<10000x128xf32, #tpu.memory_space<hbm>> -> memref<10000x128xf32, #tpu.memory_space<hbm>>
        tpu.wait_indirect_dma semaphore(%arg13 : memref<!tpu.dma_semaphore, #tpu.memory_space<semaphore_mem>>) src(%dma_wait3A_205 : memref<10000x128xf32, #tpu.memory_space<hbm>>) dst(%dma_wait3A_200 : memref<32x128xf32, #tpu.memory_space<vmem>>)
        %add3A_206 = arith.constant 1 : i32
        %add3A_207 = arith.addi %mul3A_84, %add3A_206 : i32
        %dma_start3A_208 = arith.constant 0 : i32
        %dma_start3A_209 = tpu.memref_slice %arg6[%add3A_207, %dma_start3A_208] : memref<80x128xi32, #tpu.memory_space<vmem>> -> memref<1x128xi32, #tpu.memory_space<vmem>>
        %dma_start3A_210 = tpu.memref_squeeze %dma_start3A_209 : memref<1x128xi32, #tpu.memory_space<vmem>> -> memref<128xi32, #tpu.memory_space<vmem>>
        %dma_start3A_211 = arith.constant 0 : i32
        %dma_start3A_212 = arith.constant 0 : i32
        %dma_start3A_213 = tpu.memref_slice %arg11[%dma_start3A_211, %dma_start3A_212] : memref<10240x128xf32, #tpu.memory_space<vmem_shared>> -> memref<10240x128xf32, #tpu.memory_space<vmem_shared>>
        tpu.enqueue_indirect_dma source(%arg10 : memref<128x128xf32, #tpu.memory_space<vmem>>) target(%dma_start3A_213 : memref<10240x128xf32, #tpu.memory_space<vmem_shared>>) offsets(%dma_start3A_210 : memref<128xi32, #tpu.memory_space<vmem>>) semaphore(%arg15 : memref<!tpu.dma_semaphore, #tpu.memory_space<semaphore_mem>>) {add = true}
        %add3A_214 = arith.constant 1 : i32
        %add3A_215 = arith.addi %scan3A_82, %add3A_214 : i32
        %lt3A_216 = arith.constant 40 : i32
        %lt3A_217 = arith.cmpi slt, %add3A_215, %lt3A_216 : i32
        %convert_element_type3A_218 = arith.extui %lt3A_217 : i1 to i32
        %cond3A_219 = arith.constant 0 : i32
        %cond3A_220 = arith.cmpi ne, %convert_element_type3A_218, %cond3A_219 : i32
        scf.if %cond3A_220 {
          %add3A_234 = arith.constant 3 : i32
          %add3A_235 = arith.addi %add3A_85, %add3A_234 : i32
          %dma_start3A_236 = arith.constant 0 : i32
          %dma_start3A_237 = tpu.memref_slice %arg3[%add3A_235, %dma_start3A_236] : memref<2560x128xi32, #tpu.memory_space<hbm>> -> memref<1x128xi32, #tpu.memory_space<hbm>>
          %dma_start3A_238 = tpu.memref_squeeze %dma_start3A_237 : memref<1x128xi32, #tpu.memory_space<hbm>> -> memref<128xi32, #tpu.memory_space<hbm>>
          %dma_start3A_239 = arith.constant 0 : i32
          %dma_start3A_240 = tpu.memref_slice %arg3[%add3A_235, %dma_start3A_239] : memref<2560x128xi32, #tpu.memory_space<hbm>> -> memref<1x128xi32, #tpu.memory_space<hbm>>
          %dma_start3A_241 = tpu.memref_squeeze %dma_start3A_240 : memref<1x128xi32, #tpu.memory_space<hbm>> -> memref<128xi32, #tpu.memory_space<hbm>>
          tpu.enqueue_dma source(%dma_start3A_241 : memref<128xi32, #tpu.memory_space<hbm>>) target(%arg8 : memref<128xi32, #tpu.memory_space<vmem>>) target_semaphore(%arg17 : memref<!tpu.dma_semaphore, #tpu.memory_space<semaphore_mem>>)
        } else {
        }
        %dma_wait3A_221 = arith.constant 0 : i32
        %dma_wait3A_222 = tpu.memref_slice %arg6[%mul3A_84, %dma_wait3A_221] : memref<80x128xi32, #tpu.memory_space<vmem>> -> memref<1x128xi32, #tpu.memory_space<vmem>>
        %dma_wait3A_223 = tpu.memref_squeeze %dma_wait3A_222 : memref<1x128xi32, #tpu.memory_space<vmem>> -> memref<128xi32, #tpu.memory_space<vmem>>
        %dma_wait3A_224 = arith.constant 0 : i32
        %dma_wait3A_225 = arith.constant 0 : i32
        %dma_wait3A_226 = tpu.memref_slice %arg11[%dma_wait3A_224, %dma_wait3A_225] : memref<10240x128xf32, #tpu.memory_space<vmem_shared>> -> memref<10240x128xf32, #tpu.memory_space<vmem_shared>>
        tpu.wait_indirect_dma semaphore(%arg14 : memref<!tpu.dma_semaphore, #tpu.memory_space<semaphore_mem>>) src(%arg9 : memref<128x128xf32, #tpu.memory_space<vmem>>) dst(%dma_wait3A_226 : memref<10240x128xf32, #tpu.memory_space<vmem_shared>>)
        %add3A_227 = arith.constant 1 : i32
        %add3A_228 = arith.addi %scan3A_82, %add3A_227 : i32
        %lt3A_229 = arith.constant 40 : i32
        %lt3A_230 = arith.cmpi slt, %add3A_228, %lt3A_229 : i32
        %convert_element_type3A_231 = arith.extui %lt3A_230 : i1 to i32
        %cond3A_232 = arith.constant 0 : i32
        %cond3A_233 = arith.cmpi ne, %convert_element_type3A_231, %cond3A_232 : i32
        scf.if %cond3A_233 {
          %add3A_234 = arith.constant 2 : i32
          %add3A_235 = arith.addi %add3A_85, %add3A_234 : i32
          %dma_wait3A_236 = arith.constant 0 : i32
          %dma_wait3A_237 = tpu.memref_slice %arg3[%add3A_235, %dma_wait3A_236] : memref<2560x128xi32, #tpu.memory_space<hbm>> -> memref<1x128xi32, #tpu.memory_space<hbm>>
          %dma_wait3A_238 = tpu.memref_squeeze %dma_wait3A_237 : memref<1x128xi32, #tpu.memory_space<hbm>> -> memref<128xi32, #tpu.memory_space<hbm>>
          %dma_wait3A_239 = arith.constant 0 : i32
          %dma_wait3A_240 = tpu.memref_slice %arg3[%add3A_235, %dma_wait3A_239] : memref<2560x128xi32, #tpu.memory_space<hbm>> -> memref<1x128xi32, #tpu.memory_space<hbm>>
          %dma_wait3A_241 = tpu.memref_squeeze %dma_wait3A_240 : memref<1x128xi32, #tpu.memory_space<hbm>> -> memref<128xi32, #tpu.memory_space<hbm>>
          tpu.wait_dma2 semaphore(%arg16 : memref<!tpu.dma_semaphore, #tpu.memory_space<semaphore_mem>>) src(%dma_wait3A_241 : memref<128xi32, #tpu.memory_space<hbm>>) dst(%arg7 : memref<128xi32, #tpu.memory_space<vmem>>)
          %dma_start3A_242 = arith.constant 0 : i32
          %dma_start3A_243 = arith.constant 0 : i32
          %dma_start3A_244 = tpu.memref_slice %arg9[%dma_start3A_242, %dma_start3A_243] : memref<128x128xf32, #tpu.memory_space<vmem>> -> memref<32x128xf32, #tpu.memory_space<vmem>>
          %dma_start3A_245 = arith.constant 0 : i32
          %dma_start3A_246 = tpu.memref_slice %arg7[%dma_start3A_245] : memref<128xi32, #tpu.memory_space<vmem>> -> memref<32xi32, #tpu.memory_space<vmem>>
          %dma_start3A_247 = arith.constant 0 : i32
          %dma_start3A_248 = arith.constant 0 : i32
          %dma_start3A_249 = tpu.memref_slice %arg2[%dma_start3A_247, %dma_start3A_248] : memref<10000x128xf32, #tpu.memory_space<hbm>> -> memref<10000x128xf32, #tpu.memory_space<hbm>>
          tpu.enqueue_indirect_dma source(%dma_start3A_249 : memref<10000x128xf32, #tpu.memory_space<hbm>>) target(%dma_start3A_244 : memref<32x128xf32, #tpu.memory_space<vmem>>) offsets(%dma_start3A_246 : memref<32xi32, #tpu.memory_space<vmem>>) semaphore(%arg12 : memref<!tpu.dma_semaphore, #tpu.memory_space<semaphore_mem>>)
          %dma_start3A_250 = arith.constant 32 : i32
          %dma_start3A_251 = arith.constant 0 : i32
          %dma_start3A_252 = tpu.memref_slice %arg9[%dma_start3A_250, %dma_start3A_251] : memref<128x128xf32, #tpu.memory_space<vmem>> -> memref<32x128xf32, #tpu.memory_space<vmem>>
          %dma_start3A_253 = arith.constant 32 : i32
          %dma_start3A_254 = tpu.memref_slice %arg7[%dma_start3A_253] : memref<128xi32, #tpu.memory_space<vmem>> -> memref<32xi32, #tpu.memory_space<vmem>>
          %dma_start3A_255 = arith.constant 0 : i32
          %dma_start3A_256 = arith.constant 0 : i32
          %dma_start3A_257 = tpu.memref_slice %arg2[%dma_start3A_255, %dma_start3A_256] : memref<10000x128xf32, #tpu.memory_space<hbm>> -> memref<10000x128xf32, #tpu.memory_space<hbm>>
          tpu.enqueue_indirect_dma source(%dma_start3A_257 : memref<10000x128xf32, #tpu.memory_space<hbm>>) target(%dma_start3A_252 : memref<32x128xf32, #tpu.memory_space<vmem>>) offsets(%dma_start3A_254 : memref<32xi32, #tpu.memory_space<vmem>>) semaphore(%arg12 : memref<!tpu.dma_semaphore, #tpu.memory_space<semaphore_mem>>)
          %dma_start3A_258 = arith.constant 64 : i32
          %dma_start3A_259 = arith.constant 0 : i32
          %dma_start3A_260 = tpu.memref_slice %arg9[%dma_start3A_258, %dma_start3A_259] : memref<128x128xf32, #tpu.memory_space<vmem>> -> memref<32x128xf32, #tpu.memory_space<vmem>>
          %dma_start3A_261 = arith.constant 64 : i32
          %dma_start3A_262 = tpu.memref_slice %arg7[%dma_start3A_261] : memref<128xi32, #tpu.memory_space<vmem>> -> memref<32xi32, #tpu.memory_space<vmem>>
          %dma_start3A_263 = arith.constant 0 : i32
          %dma_start3A_264 = arith.constant 0 : i32
          %dma_start3A_265 = tpu.memref_slice %arg2[%dma_start3A_263, %dma_start3A_264] : memref<10000x128xf32, #tpu.memory_space<hbm>> -> memref<10000x128xf32, #tpu.memory_space<hbm>>
          tpu.enqueue_indirect_dma source(%dma_start3A_265 : memref<10000x128xf32, #tpu.memory_space<hbm>>) target(%dma_start3A_260 : memref<32x128xf32, #tpu.memory_space<vmem>>) offsets(%dma_start3A_262 : memref<32xi32, #tpu.memory_space<vmem>>) semaphore(%arg12 : memref<!tpu.dma_semaphore, #tpu.memory_space<semaphore_mem>>)
          %dma_start3A_266 = arith.constant 96 : i32
          %dma_start3A_267 = arith.constant 0 : i32
          %dma_start3A_268 = tpu.memref_slice %arg9[%dma_start3A_266, %dma_start3A_267] : memref<128x128xf32, #tpu.memory_space<vmem>> -> memref<32x128xf32, #tpu.memory_space<vmem>>
          %dma_start3A_269 = arith.constant 96 : i32
          %dma_start3A_270 = tpu.memref_slice %arg7[%dma_start3A_269] : memref<128xi32, #tpu.memory_space<vmem>> -> memref<32xi32, #tpu.memory_space<vmem>>
          %dma_start3A_271 = arith.constant 0 : i32
          %dma_start3A_272 = arith.constant 0 : i32
          %dma_start3A_273 = tpu.memref_slice %arg2[%dma_start3A_271, %dma_start3A_272] : memref<10000x128xf32, #tpu.memory_space<hbm>> -> memref<10000x128xf32, #tpu.memory_space<hbm>>
          tpu.enqueue_indirect_dma source(%dma_start3A_273 : memref<10000x128xf32, #tpu.memory_space<hbm>>) target(%dma_start3A_268 : memref<32x128xf32, #tpu.memory_space<vmem>>) offsets(%dma_start3A_270 : memref<32xi32, #tpu.memory_space<vmem>>) semaphore(%arg12 : memref<!tpu.dma_semaphore, #tpu.memory_space<semaphore_mem>>)
        } else {
        }
      }
      %scan3A_75 = arith.constant 40 : i32
      %dma_wait3A = arith.constant 0 : i32
      %dma_wait3A_76 = arith.constant 0 : i32
      %dma_wait3A_77 = tpu.memref_slice %arg6[%dma_wait3A, %dma_wait3A_76] : memref<80x128xi32, #tpu.memory_space<vmem>> -> memref<1x128xi32, #tpu.memory_space<vmem>>
      %dma_wait3A_78 = tpu.memref_squeeze %dma_wait3A_77 : memref<1x128xi32, #tpu.memory_space<vmem>> -> memref<128xi32, #tpu.memory_space<vmem>>
      %dma_wait3A_79 = arith.constant 0 : i32
      %dma_wait3A_80 = arith.constant 0 : i32
      %dma_wait3A_81 = tpu.memref_slice %arg11[%dma_wait3A_79, %dma_wait3A_80] : memref<10240x128xf32, #tpu.memory_space<vmem_shared>> -> memref<10240x128xf32, #tpu.memory_space<vmem_shared>>
      tpu.wait_indirect_dma semaphore(%arg15 : memref<!tpu.dma_semaphore, #tpu.memory_space<semaphore_mem>>) src(%arg10 : memref<128x128xf32, #tpu.memory_space<vmem>>) dst(%dma_wait3A_81 : memref<10240x128xf32, #tpu.memory_space<vmem_shared>>)
    } else {
    }
    %barrier3A_19 = arith.constant 0 : index
    tpu.barrier barrier_id(%barrier3A_19)
    %mul3A = arith.constant 624 : i32
    %mul3A_20 = arith.muli %arg1, %mul3A : i32
    %mul3A_21 = arith.constant 624 : i32
    %mul3A_22 = arith.muli %arg1, %mul3A_21 : i32
    "tpu.region"() ({
      %run_scoped3A = tpu.sem_alloc : memref<!tpu.dma_semaphore, #tpu.memory_space<semaphore_mem>>
      %dma_start3A = arith.constant 0 : i32
      %dma_start3A_28 = tpu.memref_slice %arg5[%arg0, %mul3A_22, %dma_start3A] : memref<2x10000x128xf32, #tpu.memory_space<hbm>> -> memref<1x624x128xf32, #tpu.memory_space<hbm>>
      %dma_start3A_29 = tpu.memref_squeeze %dma_start3A_28 : memref<1x624x128xf32, #tpu.memory_space<hbm>> -> memref<624x128xf32, #tpu.memory_space<hbm>>
      %dma_start3A_30 = arith.constant 0 : i32
      %dma_start3A_31 = tpu.memref_slice %arg11[%mul3A_20, %dma_start3A_30] : memref<10240x128xf32, #tpu.memory_space<vmem_shared>> -> memref<624x128xf32, #tpu.memory_space<vmem_shared>>
      tpu.enqueue_dma source(%dma_start3A_31 : memref<624x128xf32, #tpu.memory_space<vmem_shared>>) target(%dma_start3A_29 : memref<624x128xf32, #tpu.memory_space<hbm>>) target_semaphore(%run_scoped3A : memref<!tpu.dma_semaphore, #tpu.memory_space<semaphore_mem>>)
      %dma_wait3A = arith.constant 0 : i32
      %dma_wait3A_32 = tpu.memref_slice %arg5[%arg0, %mul3A_22, %dma_wait3A] : memref<2x10000x128xf32, #tpu.memory_space<hbm>> -> memref<1x624x128xf32, #tpu.memory_space<hbm>>
      %dma_wait3A_33 = tpu.memref_squeeze %dma_wait3A_32 : memref<1x624x128xf32, #tpu.memory_space<hbm>> -> memref<624x128xf32, #tpu.memory_space<hbm>>
      %dma_wait3A_34 = arith.constant 0 : i32
      %dma_wait3A_35 = tpu.memref_slice %arg11[%mul3A_20, %dma_wait3A_34] : memref<10240x128xf32, #tpu.memory_space<vmem_shared>> -> memref<624x128xf32, #tpu.memory_space<vmem_shared>>
      tpu.wait_dma2 semaphore(%run_scoped3A : memref<!tpu.dma_semaphore, #tpu.memory_space<semaphore_mem>>) src(%dma_wait3A_35 : memref<624x128xf32, #tpu.memory_space<vmem_shared>>) dst(%dma_wait3A_33 : memref<624x128xf32, #tpu.memory_space<hbm>>)
      tpu.yield
    }) : () -> ()
    %eq3A_23 = arith.constant 15 : i32
    %eq3A_24 = arith.cmpi eq, %arg1, %eq3A_23 : i32
    %convert_element_type3A_25 = arith.extui %eq3A_24 : i1 to i32
    %cond3A_26 = arith.constant 0 : i32
    %cond3A_27 = arith.cmpi ne, %convert_element_type3A_25, %cond3A_26 : i32
    scf.if %cond3A_27 {
      "tpu.region"() ({
        %run_scoped3A = tpu.sem_alloc : memref<!tpu.dma_semaphore, #tpu.memory_space<semaphore_mem>>
        %dma_start3A = arith.constant 9984 : i32
        %dma_start3A_28 = arith.constant 0 : i32
        %dma_start3A_29 = tpu.memref_slice %arg5[%arg0, %dma_start3A, %dma_start3A_28] : memref<2x10000x128xf32, #tpu.memory_space<hbm>> -> memref<1x16x128xf32, #tpu.memory_space<hbm>>
        %dma_start3A_30 = tpu.memref_squeeze %dma_start3A_29 : memref<1x16x128xf32, #tpu.memory_space<hbm>> -> memref<16x128xf32, #tpu.memory_space<hbm>>
        %dma_start3A_31 = arith.constant 9984 : i32
        %dma_start3A_32 = arith.constant 0 : i32
        %dma_start3A_33 = tpu.memref_slice %arg11[%dma_start3A_31, %dma_start3A_32] : memref<10240x128xf32, #tpu.memory_space<vmem_shared>> -> memref<16x128xf32, #tpu.memory_space<vmem_shared>>
        tpu.enqueue_dma source(%dma_start3A_33 : memref<16x128xf32, #tpu.memory_space<vmem_shared>>) target(%dma_start3A_30 : memref<16x128xf32, #tpu.memory_space<hbm>>) target_semaphore(%run_scoped3A : memref<!tpu.dma_semaphore, #tpu.memory_space<semaphore_mem>>)
        %dma_wait3A = arith.constant 9984 : i32
        %dma_wait3A_34 = arith.constant 0 : i32
        %dma_wait3A_35 = tpu.memref_slice %arg5[%arg0, %dma_wait3A, %dma_wait3A_34] : memref<2x10000x128xf32, #tpu.memory_space<hbm>> -> memref<1x16x128xf32, #tpu.memory_space<hbm>>
        %dma_wait3A_36 = tpu.memref_squeeze %dma_wait3A_35 : memref<1x16x128xf32, #tpu.memory_space<hbm>> -> memref<16x128xf32, #tpu.memory_space<hbm>>
        %dma_wait3A_37 = arith.constant 9984 : i32
        %dma_wait3A_38 = arith.constant 0 : i32
        %dma_wait3A_39 = tpu.memref_slice %arg11[%dma_wait3A_37, %dma_wait3A_38] : memref<10240x128xf32, #tpu.memory_space<vmem_shared>> -> memref<16x128xf32, #tpu.memory_space<vmem_shared>>
        tpu.wait_dma2 semaphore(%run_scoped3A : memref<!tpu.dma_semaphore, #tpu.memory_space<semaphore_mem>>) src(%dma_wait3A_39 : memref<16x128xf32, #tpu.memory_space<vmem_shared>>) dst(%dma_wait3A_36 : memref<16x128xf32, #tpu.memory_space<hbm>>)
        tpu.yield
      }) : () -> ()
    } else {
    }
    return
  }
}

#map = affine_map<(d0, d1) -> (0, 0)>
#map1 = affine_map<(d0, d1) -> (0, 0, 0)>
module attributes {stable_mosaic.version = 14 : i64} {
  func.func @k(%arg0: i32, %arg1: i32, %arg2: memref<2640x128xi32, #tpu.memory_space<hbm>>, %arg3: memref<2x10000x16xf32, #tpu.memory_space<hbm>>, %arg4: memref<80x128xi32, #tpu.memory_space<vmem>>, %arg5: memref<128x16xf32, #tpu.memory_space<vmem>>, %arg6: memref<128x16xf32, #tpu.memory_space<vmem>>, %arg7: memref<10240x16xf32, #tpu.memory_space<vmem_shared>>, %arg8: memref<!tpu.dma_semaphore, #tpu.memory_space<semaphore_mem>>) attributes {dimension_semantics = [#tpu.dimension_semantics<core_parallel>, #tpu.dimension_semantics<subcore_parallel>], iteration_bounds = array<i64: 2, 16>, scalar_prefetch = 0 : i64, scratch_operands = 5 : i64, tpu.core_type = #tpu.core_type<sc_vector_subcore>, window_params = [{transform_indices = #map}, {transform_indices = #map1}]} {
    %mul3A = arith.constant 2 : i32
    %mul3A_0 = arith.muli %arg1, %mul3A : i32
    %add3A = arith.addi %mul3A_0, %arg0 : i32
    %broadcast_in_dim3A = arith.constant 1.000000e+00 : f32
    %broadcast_in_dim3A_1 = vector.broadcast %broadcast_in_dim3A : f32 to vector<16xf32>
    %broadcast_in_dim3A_2 = arith.constant 0.000000e+00 : f32
    %broadcast_in_dim3A_3 = vector.broadcast %broadcast_in_dim3A_2 : f32 to vector<16xf32>
    %scan3A = arith.constant 0 : i32
    %scan3A_4 = arith.constant 0 : i32
    %scan3A_5 = arith.constant 128 : i32
    %scan3A_6 = arith.addi %scan3A_4, %scan3A_5 : i32
    %scan3A_7 = arith.constant 1 : i32
    scf.for %scan3A_36 = %scan3A_4 to %scan3A_6 step %scan3A_7  : i32 {
      %swap3A = arith.index_cast %scan3A_36 : i32 to index
      %swap3A_37 = arith.constant 0 : index
      %swap3A_38 = tpu.vector_load %arg5[%swap3A, %swap3A_37] {strides = array<i32>} : memref<128x16xf32, #tpu.memory_space<vmem>>, vector<1x16xf32>,
      %swap3A_39 = vector.shape_cast %swap3A_38 : vector<1x16xf32> to vector<16xf32>
      %swap3A_40 = vector.shape_cast %broadcast_in_dim3A_1 : vector<16xf32> to vector<1x16xf32>
      tpu.vector_store %arg5[%swap3A, %swap3A_37], %swap3A_40 {strides = array<i32>} : memref<128x16xf32, #tpu.memory_space<vmem>>, vector<1x16xf32>,
      %swap3A_41 = arith.index_cast %scan3A_36 : i32 to index
      %swap3A_42 = arith.constant 0 : index
      %swap3A_43 = tpu.vector_load %arg6[%swap3A_41, %swap3A_42] {strides = array<i32>} : memref<128x16xf32, #tpu.memory_space<vmem>>, vector<1x16xf32>,
      %swap3A_44 = vector.shape_cast %swap3A_43 : vector<1x16xf32> to vector<16xf32>
      %swap3A_45 = vector.shape_cast %broadcast_in_dim3A_3 : vector<16xf32> to vector<1x16xf32>
      tpu.vector_store %arg6[%swap3A_41, %swap3A_42], %swap3A_45 {strides = array<i32>} : memref<128x16xf32, #tpu.memory_space<vmem>>, vector<1x16xf32>,
    }
    %scan3A_8 = arith.constant 128 : i32
    %scan3A_9 = arith.constant 0 : i32
    %scan3A_10 = arith.constant 0 : i32
    %scan3A_11 = arith.constant 5 : i32
    %scan3A_12 = arith.addi %scan3A_10, %scan3A_11 : i32
    %scan3A_13 = arith.constant 1 : i32
    scf.for %scan3A_36 = %scan3A_10 to %scan3A_12 step %scan3A_13  : i32 {
      %mul3A_37 = arith.constant 640 : i32
      %mul3A_38 = arith.muli %arg1, %mul3A_37 : i32
      %mul3A_39 = arith.constant 128 : i32
      %mul3A_40 = arith.muli %scan3A_36, %mul3A_39 : i32
      %add3A_41 = arith.addi %mul3A_38, %mul3A_40 : i32
      "tpu.region"() ({
        %run_scoped3A = tpu.sem_alloc : memref<!tpu.dma_semaphore, #tpu.memory_space<semaphore_mem>>
        %dma_start3A = arith.constant 0 : i32
        %dma_start3A_42 = tpu.memref_slice %arg7[%add3A_41, %dma_start3A] : memref<10240x16xf32, #tpu.memory_space<vmem_shared>> -> memref<128x16xf32, #tpu.memory_space<vmem_shared>>
        %dma_start3A_43 = arith.constant 0 : i32
        %dma_start3A_44 = tpu.memref_slice %arg7[%add3A_41, %dma_start3A_43] : memref<10240x16xf32, #tpu.memory_space<vmem_shared>> -> memref<128x16xf32, #tpu.memory_space<vmem_shared>>
        tpu.enqueue_dma source(%arg6 : memref<128x16xf32, #tpu.memory_space<vmem>>) target(%dma_start3A_44 : memref<128x16xf32, #tpu.memory_space<vmem_shared>>) target_semaphore(%run_scoped3A : memref<!tpu.dma_semaphore, #tpu.memory_space<semaphore_mem>>)
        %dma_wait3A = arith.constant 0 : i32
        %dma_wait3A_45 = tpu.memref_slice %arg7[%add3A_41, %dma_wait3A] : memref<10240x16xf32, #tpu.memory_space<vmem_shared>> -> memref<128x16xf32, #tpu.memory_space<vmem_shared>>
        %dma_wait3A_46 = arith.constant 0 : i32
        %dma_wait3A_47 = tpu.memref_slice %arg7[%add3A_41, %dma_wait3A_46] : memref<10240x16xf32, #tpu.memory_space<vmem_shared>> -> memref<128x16xf32, #tpu.memory_space<vmem_shared>>
        tpu.wait_dma2 semaphore(%run_scoped3A : memref<!tpu.dma_semaphore, #tpu.memory_space<semaphore_mem>>) src(%arg6 : memref<128x16xf32, #tpu.memory_space<vmem>>) dst(%dma_wait3A_47 : memref<128x16xf32, #tpu.memory_space<vmem_shared>>)
        tpu.yield
      }) : () -> ()
    }
    %scan3A_14 = arith.constant 5 : i32
    %mul3A_15 = arith.constant 80 : i32
    %mul3A_16 = arith.muli %add3A, %mul3A_15 : i32
    "tpu.region"() ({
      %run_scoped3A = tpu.sem_alloc : memref<!tpu.dma_semaphore, #tpu.memory_space<semaphore_mem>>
      %dma_start3A = arith.constant 0 : i32
      %dma_start3A_36 = tpu.memref_slice %arg2[%mul3A_16, %dma_start3A] : memref<2640x128xi32, #tpu.memory_space<hbm>> -> memref<80x128xi32, #tpu.memory_space<hbm>>
      %dma_start3A_37 = arith.constant 0 : i32
      %dma_start3A_38 = tpu.memref_slice %arg2[%mul3A_16, %dma_start3A_37] : memref<2640x128xi32, #tpu.memory_space<hbm>> -> memref<80x128xi32, #tpu.memory_space<hbm>>
      tpu.enqueue_dma source(%dma_start3A_38 : memref<80x128xi32, #tpu.memory_space<hbm>>) target(%arg4 : memref<80x128xi32, #tpu.memory_space<vmem>>) target_semaphore(%run_scoped3A : memref<!tpu.dma_semaphore, #tpu.memory_space<semaphore_mem>>)
      %dma_wait3A = arith.constant 0 : i32
      %dma_wait3A_39 = tpu.memref_slice %arg2[%mul3A_16, %dma_wait3A] : memref<2640x128xi32, #tpu.memory_space<hbm>> -> memref<80x128xi32, #tpu.memory_space<hbm>>
      %dma_wait3A_40 = arith.constant 0 : i32
      %dma_wait3A_41 = tpu.memref_slice %arg2[%mul3A_16, %dma_wait3A_40] : memref<2640x128xi32, #tpu.memory_space<hbm>> -> memref<80x128xi32, #tpu.memory_space<hbm>>
      tpu.wait_dma2 semaphore(%run_scoped3A : memref<!tpu.dma_semaphore, #tpu.memory_space<semaphore_mem>>) src(%dma_wait3A_41 : memref<80x128xi32, #tpu.memory_space<hbm>>) dst(%arg4 : memref<80x128xi32, #tpu.memory_space<vmem>>)
      tpu.yield
    }) : () -> ()
    %barrier3A = arith.constant 0 : index
    tpu.barrier barrier_id(%barrier3A)
    %scan3A_17 = arith.constant 0 : i32
    %scan3A_18 = arith.constant 0 : i32
    %scan3A_19 = arith.constant 80 : i32
    %scan3A_20 = arith.addi %scan3A_18, %scan3A_19 : i32
    %scan3A_21 = arith.constant 1 : i32
    scf.for %scan3A_36 = %scan3A_18 to %scan3A_20 step %scan3A_21  : i32 {
      %dma_start3A = arith.constant 0 : i32
      %dma_start3A_37 = tpu.memref_slice %arg4[%scan3A_36, %dma_start3A] : memref<80x128xi32, #tpu.memory_space<vmem>> -> memref<1x128xi32, #tpu.memory_space<vmem>>
      %dma_start3A_38 = tpu.memref_squeeze %dma_start3A_37 : memref<1x128xi32, #tpu.memory_space<vmem>> -> memref<128xi32, #tpu.memory_space<vmem>>
      %dma_start3A_39 = arith.constant 0 : i32
      %dma_start3A_40 = arith.constant 0 : i32
      %dma_start3A_41 = tpu.memref_slice %arg7[%dma_start3A_39, %dma_start3A_40] : memref<10240x16xf32, #tpu.memory_space<vmem_shared>> -> memref<10240x16xf32, #tpu.memory_space<vmem_shared>>
      tpu.enqueue_indirect_dma source(%arg5 : memref<128x16xf32, #tpu.memory_space<vmem>>) target(%dma_start3A_41 : memref<10240x16xf32, #tpu.memory_space<vmem_shared>>) offsets(%dma_start3A_38 : memref<128xi32, #tpu.memory_space<vmem>>) semaphore(%arg8 : memref<!tpu.dma_semaphore, #tpu.memory_space<semaphore_mem>>) {add = true}
    }
    %scan3A_22 = arith.constant 80 : i32
    %scan3A_23 = arith.constant 0 : i32
    %scan3A_24 = arith.constant 0 : i32
    %scan3A_25 = arith.constant 80 : i32
    %scan3A_26 = arith.addi %scan3A_24, %scan3A_25 : i32
    %scan3A_27 = arith.constant 1 : i32
    scf.for %scan3A_36 = %scan3A_24 to %scan3A_26 step %scan3A_27  : i32 {
      %dma_wait3A = arith.constant 0 : i32
      %dma_wait3A_37 = arith.constant 0 : i32
      %dma_wait3A_38 = tpu.memref_slice %arg4[%dma_wait3A, %dma_wait3A_37] : memref<80x128xi32, #tpu.memory_space<vmem>> -> memref<1x128xi32, #tpu.memory_space<vmem>>
      %dma_wait3A_39 = tpu.memref_squeeze %dma_wait3A_38 : memref<1x128xi32, #tpu.memory_space<vmem>> -> memref<128xi32, #tpu.memory_space<vmem>>
      %dma_wait3A_40 = arith.constant 0 : i32
      %dma_wait3A_41 = arith.constant 0 : i32
      %dma_wait3A_42 = tpu.memref_slice %arg7[%dma_wait3A_40, %dma_wait3A_41] : memref<10240x16xf32, #tpu.memory_space<vmem_shared>> -> memref<10240x16xf32, #tpu.memory_space<vmem_shared>>
      tpu.wait_indirect_dma semaphore(%arg8 : memref<!tpu.dma_semaphore, #tpu.memory_space<semaphore_mem>>) src(%arg5 : memref<128x16xf32, #tpu.memory_space<vmem>>) dst(%dma_wait3A_42 : memref<10240x16xf32, #tpu.memory_space<vmem_shared>>)
    }
    %scan3A_28 = arith.constant 80 : i32
    %barrier3A_29 = arith.constant 0 : index
    tpu.barrier barrier_id(%barrier3A_29)
    %mul3A_30 = arith.constant 624 : i32
    %mul3A_31 = arith.muli %arg1, %mul3A_30 : i32
    %mul3A_32 = arith.constant 624 : i32
    %mul3A_33 = arith.muli %arg1, %mul3A_32 : i32
    "tpu.region"() ({
      %run_scoped3A = tpu.sem_alloc : memref<!tpu.dma_semaphore, #tpu.memory_space<semaphore_mem>>
      %dma_start3A = arith.constant 0 : i32
      %dma_start3A_36 = tpu.memref_slice %arg3[%arg0, %mul3A_33, %dma_start3A] : memref<2x10000x16xf32, #tpu.memory_space<hbm>> -> memref<1x624x16xf32, #tpu.memory_space<hbm>>
      %dma_start3A_37 = tpu.memref_squeeze %dma_start3A_36 : memref<1x624x16xf32, #tpu.memory_space<hbm>> -> memref<624x16xf32, #tpu.memory_space<hbm>>
      %dma_start3A_38 = arith.constant 0 : i32
      %dma_start3A_39 = tpu.memref_slice %arg7[%mul3A_31, %dma_start3A_38] : memref<10240x16xf32, #tpu.memory_space<vmem_shared>> -> memref<624x16xf32, #tpu.memory_space<vmem_shared>>
      tpu.enqueue_dma source(%dma_start3A_39 : memref<624x16xf32, #tpu.memory_space<vmem_shared>>) target(%dma_start3A_37 : memref<624x16xf32, #tpu.memory_space<hbm>>) target_semaphore(%run_scoped3A : memref<!tpu.dma_semaphore, #tpu.memory_space<semaphore_mem>>)
      %dma_wait3A = arith.constant 0 : i32
      %dma_wait3A_40 = tpu.memref_slice %arg3[%arg0, %mul3A_33, %dma_wait3A] : memref<2x10000x16xf32, #tpu.memory_space<hbm>> -> memref<1x624x16xf32, #tpu.memory_space<hbm>>
      %dma_wait3A_41 = tpu.memref_squeeze %dma_wait3A_40 : memref<1x624x16xf32, #tpu.memory_space<hbm>> -> memref<624x16xf32, #tpu.memory_space<hbm>>
      %dma_wait3A_42 = arith.constant 0 : i32
      %dma_wait3A_43 = tpu.memref_slice %arg7[%mul3A_31, %dma_wait3A_42] : memref<10240x16xf32, #tpu.memory_space<vmem_shared>> -> memref<624x16xf32, #tpu.memory_space<vmem_shared>>
      tpu.wait_dma2 semaphore(%run_scoped3A : memref<!tpu.dma_semaphore, #tpu.memory_space<semaphore_mem>>) src(%dma_wait3A_43 : memref<624x16xf32, #tpu.memory_space<vmem_shared>>) dst(%dma_wait3A_41 : memref<624x16xf32, #tpu.memory_space<hbm>>)
      tpu.yield
    }) : () -> ()
    %eq3A = arith.constant 15 : i32
    %eq3A_34 = arith.cmpi eq, %arg1, %eq3A : i32
    %convert_element_type3A = arith.extui %eq3A_34 : i1 to i32
    %cond3A = arith.constant 0 : i32
    %cond3A_35 = arith.cmpi ne, %convert_element_type3A, %cond3A : i32
    scf.if %cond3A_35 {
      "tpu.region"() ({
        %run_scoped3A = tpu.sem_alloc : memref<!tpu.dma_semaphore, #tpu.memory_space<semaphore_mem>>
        %dma_start3A = arith.constant 9984 : i32
        %dma_start3A_36 = arith.constant 0 : i32
        %dma_start3A_37 = tpu.memref_slice %arg3[%arg0, %dma_start3A, %dma_start3A_36] : memref<2x10000x16xf32, #tpu.memory_space<hbm>> -> memref<1x16x16xf32, #tpu.memory_space<hbm>>
        %dma_start3A_38 = tpu.memref_squeeze %dma_start3A_37 : memref<1x16x16xf32, #tpu.memory_space<hbm>> -> memref<16x16xf32, #tpu.memory_space<hbm>>
        %dma_start3A_39 = arith.constant 9984 : i32
        %dma_start3A_40 = arith.constant 0 : i32
        %dma_start3A_41 = tpu.memref_slice %arg7[%dma_start3A_39, %dma_start3A_40] : memref<10240x16xf32, #tpu.memory_space<vmem_shared>> -> memref<16x16xf32, #tpu.memory_space<vmem_shared>>
        tpu.enqueue_dma source(%dma_start3A_41 : memref<16x16xf32, #tpu.memory_space<vmem_shared>>) target(%dma_start3A_38 : memref<16x16xf32, #tpu.memory_space<hbm>>) target_semaphore(%run_scoped3A : memref<!tpu.dma_semaphore, #tpu.memory_space<semaphore_mem>>)
        %dma_wait3A = arith.constant 9984 : i32
        %dma_wait3A_42 = arith.constant 0 : i32
        %dma_wait3A_43 = tpu.memref_slice %arg3[%arg0, %dma_wait3A, %dma_wait3A_42] : memref<2x10000x16xf32, #tpu.memory_space<hbm>> -> memref<1x16x16xf32, #tpu.memory_space<hbm>>
        %dma_wait3A_44 = tpu.memref_squeeze %dma_wait3A_43 : memref<1x16x16xf32, #tpu.memory_space<hbm>> -> memref<16x16xf32, #tpu.memory_space<hbm>>
        %dma_wait3A_45 = arith.constant 9984 : i32
        %dma_wait3A_46 = arith.constant 0 : i32
        %dma_wait3A_47 = tpu.memref_slice %arg7[%dma_wait3A_45, %dma_wait3A_46] : memref<10240x16xf32, #tpu.memory_space<vmem_shared>> -> memref<16x16xf32, #tpu.memory_space<vmem_shared>>
        tpu.wait_dma2 semaphore(%run_scoped3A : memref<!tpu.dma_semaphore, #tpu.memory_space<semaphore_mem>>) src(%dma_wait3A_47 : memref<16x16xf32, #tpu.memory_space<vmem_shared>>) dst(%dma_wait3A_44 : memref<16x16xf32, #tpu.memory_space<hbm>>)
        tpu.yield
      }) : () -> ()
    } else {
    }
    return
  }
}

#map = affine_map<(d0, d1) -> (0, 0)>
#map1 = affine_map<(d0, d1) -> (0, 0, 0)>
module attributes {stable_mosaic.version = 14 : i64} {
  func.func @k(%arg0: i32, %arg1: i32, %arg2: memref<10000x128xf32, #tpu.memory_space<hbm>>, %arg3: memref<2560x128xi32, #tpu.memory_space<hbm>>, %arg4: memref<2640x128xi32, #tpu.memory_space<hbm>>, %arg5: memref<2x10000x128xf32, #tpu.memory_space<hbm>>, %arg6: memref<80x128xi32, #tpu.memory_space<vmem>>, %arg7: memref<128xi32, #tpu.memory_space<vmem>>, %arg8: memref<128xi32, #tpu.memory_space<vmem>>, %arg9: memref<128x128xf32, #tpu.memory_space<vmem>>, %arg10: memref<128x128xf32, #tpu.memory_space<vmem>>, %arg11: memref<10240x128xf32, #tpu.memory_space<vmem_shared>>, %arg12: memref<!tpu.dma_semaphore, #tpu.memory_space<semaphore_mem>>, %arg13: memref<!tpu.dma_semaphore, #tpu.memory_space<semaphore_mem>>, %arg14: memref<!tpu.dma_semaphore, #tpu.memory_space<semaphore_mem>>, %arg15: memref<!tpu.dma_semaphore, #tpu.memory_space<semaphore_mem>>, %arg16: memref<!tpu.dma_semaphore, #tpu.memory_space<semaphore_mem>>, %arg17: memref<!tpu.dma_semaphore, #tpu.memory_space<semaphore_mem>>) attributes {dimension_semantics = [#tpu.dimension_semantics<core_parallel>, #tpu.dimension_semantics<subcore_parallel>], iteration_bounds = array<i64: 2, 16>, scalar_prefetch = 0 : i64, scratch_operands = 12 : i64, tpu.core_type = #tpu.core_type<sc_vector_subcore>, window_params = [{transform_indices = #map}, {transform_indices = #map}, {transform_indices = #map}, {transform_indices = #map1}]} {
    %broadcast_in_dim3A = arith.constant 0.000000e+00 : f32
    %broadcast_in_dim3A_0 = vector.broadcast %broadcast_in_dim3A : f32 to vector<16xf32>
    %scan3A = arith.constant 0 : i32
    %scan3A_1 = arith.constant 0 : i32
    %scan3A_2 = arith.constant 128 : i32
    %scan3A_3 = arith.addi %scan3A_1, %scan3A_2 : i32
    %scan3A_4 = arith.constant 1 : i32
    scf.for %scan3A_28 = %scan3A_1 to %scan3A_3 step %scan3A_4  : i32 {
      %swap3A = arith.index_cast %scan3A_28 : i32 to index
      %swap3A_29 = arith.constant 0 : index
      %swap3A_30 = tpu.vector_load %arg9[%swap3A, %swap3A_29] {strides = array<i32>} : memref<128x128xf32, #tpu.memory_space<vmem>>, vector<1x16xf32>,
      %swap3A_31 = vector.shape_cast %swap3A_30 : vector<1x16xf32> to vector<16xf32>
      %swap3A_32 = vector.shape_cast %broadcast_in_dim3A_0 : vector<16xf32> to vector<1x16xf32>
      tpu.vector_store %arg9[%swap3A, %swap3A_29], %swap3A_32 {strides = array<i32>} : memref<128x128xf32, #tpu.memory_space<vmem>>, vector<1x16xf32>,
      %swap3A_33 = arith.index_cast %scan3A_28 : i32 to index
      %swap3A_34 = arith.constant 16 : index
      %swap3A_35 = tpu.vector_load %arg9[%swap3A_33, %swap3A_34] {strides = array<i32>} : memref<128x128xf32, #tpu.memory_space<vmem>>, vector<1x16xf32>,
      %swap3A_36 = vector.shape_cast %swap3A_35 : vector<1x16xf32> to vector<16xf32>
      %swap3A_37 = vector.shape_cast %broadcast_in_dim3A_0 : vector<16xf32> to vector<1x16xf32>
      tpu.vector_store %arg9[%swap3A_33, %swap3A_34], %swap3A_37 {strides = array<i32>} : memref<128x128xf32, #tpu.memory_space<vmem>>, vector<1x16xf32>,
      %swap3A_38 = arith.index_cast %scan3A_28 : i32 to index
      %swap3A_39 = arith.constant 32 : index
      %swap3A_40 = tpu.vector_load %arg9[%swap3A_38, %swap3A_39] {strides = array<i32>} : memref<128x128xf32, #tpu.memory_space<vmem>>, vector<1x16xf32>,
      %swap3A_41 = vector.shape_cast %swap3A_40 : vector<1x16xf32> to vector<16xf32>
      %swap3A_42 = vector.shape_cast %broadcast_in_dim3A_0 : vector<16xf32> to vector<1x16xf32>
      tpu.vector_store %arg9[%swap3A_38, %swap3A_39], %swap3A_42 {strides = array<i32>} : memref<128x128xf32, #tpu.memory_space<vmem>>, vector<1x16xf32>,
      %swap3A_43 = arith.index_cast %scan3A_28 : i32 to index
      %swap3A_44 = arith.constant 48 : index
      %swap3A_45 = tpu.vector_load %arg9[%swap3A_43, %swap3A_44] {strides = array<i32>} : memref<128x128xf32, #tpu.memory_space<vmem>>, vector<1x16xf32>,
      %swap3A_46 = vector.shape_cast %swap3A_45 : vector<1x16xf32> to vector<16xf32>
      %swap3A_47 = vector.shape_cast %broadcast_in_dim3A_0 : vector<16xf32> to vector<1x16xf32>
      tpu.vector_store %arg9[%swap3A_43, %swap3A_44], %swap3A_47 {strides = array<i32>} : memref<128x128xf32, #tpu.memory_space<vmem>>, vector<1x16xf32>,
      %swap3A_48 = arith.index_cast %scan3A_28 : i32 to index
      %swap3A_49 = arith.constant 64 : index
      %swap3A_50 = tpu.vector_load %arg9[%swap3A_48, %swap3A_49] {strides = array<i32>} : memref<128x128xf32, #tpu.memory_space<vmem>>, vector<1x16xf32>,
      %swap3A_51 = vector.shape_cast %swap3A_50 : vector<1x16xf32> to vector<16xf32>
      %swap3A_52 = vector.shape_cast %broadcast_in_dim3A_0 : vector<16xf32> to vector<1x16xf32>
      tpu.vector_store %arg9[%swap3A_48, %swap3A_49], %swap3A_52 {strides = array<i32>} : memref<128x128xf32, #tpu.memory_space<vmem>>, vector<1x16xf32>,
      %swap3A_53 = arith.index_cast %scan3A_28 : i32 to index
      %swap3A_54 = arith.constant 80 : index
      %swap3A_55 = tpu.vector_load %arg9[%swap3A_53, %swap3A_54] {strides = array<i32>} : memref<128x128xf32, #tpu.memory_space<vmem>>, vector<1x16xf32>,
      %swap3A_56 = vector.shape_cast %swap3A_55 : vector<1x16xf32> to vector<16xf32>
      %swap3A_57 = vector.shape_cast %broadcast_in_dim3A_0 : vector<16xf32> to vector<1x16xf32>
      tpu.vector_store %arg9[%swap3A_53, %swap3A_54], %swap3A_57 {strides = array<i32>} : memref<128x128xf32, #tpu.memory_space<vmem>>, vector<1x16xf32>,
      %swap3A_58 = arith.index_cast %scan3A_28 : i32 to index
      %swap3A_59 = arith.constant 96 : index
      %swap3A_60 = tpu.vector_load %arg9[%swap3A_58, %swap3A_59] {strides = array<i32>} : memref<128x128xf32, #tpu.memory_space<vmem>>, vector<1x16xf32>,
      %swap3A_61 = vector.shape_cast %swap3A_60 : vector<1x16xf32> to vector<16xf32>
      %swap3A_62 = vector.shape_cast %broadcast_in_dim3A_0 : vector<16xf32> to vector<1x16xf32>
      tpu.vector_store %arg9[%swap3A_58, %swap3A_59], %swap3A_62 {strides = array<i32>} : memref<128x128xf32, #tpu.memory_space<vmem>>, vector<1x16xf32>,
      %swap3A_63 = arith.index_cast %scan3A_28 : i32 to index
      %swap3A_64 = arith.constant 112 : index
      %swap3A_65 = tpu.vector_load %arg9[%swap3A_63, %swap3A_64] {strides = array<i32>} : memref<128x128xf32, #tpu.memory_space<vmem>>, vector<1x16xf32>,
      %swap3A_66 = vector.shape_cast %swap3A_65 : vector<1x16xf32> to vector<16xf32>
      %swap3A_67 = vector.shape_cast %broadcast_in_dim3A_0 : vector<16xf32> to vector<1x16xf32>
      tpu.vector_store %arg9[%swap3A_63, %swap3A_64], %swap3A_67 {strides = array<i32>} : memref<128x128xf32, #tpu.memory_space<vmem>>, vector<1x16xf32>,
    }
    %scan3A_5 = arith.constant 128 : i32
    %scan3A_6 = arith.constant 0 : i32
    %scan3A_7 = arith.constant 0 : i32
    %scan3A_8 = arith.constant 5 : i32
    %scan3A_9 = arith.addi %scan3A_7, %scan3A_8 : i32
    %scan3A_10 = arith.constant 1 : i32
    scf.for %scan3A_28 = %scan3A_7 to %scan3A_9 step %scan3A_10  : i32 {
      %mul3A_29 = arith.constant 640 : i32
      %mul3A_30 = arith.muli %arg1, %mul3A_29 : i32
      %mul3A_31 = arith.constant 128 : i32
      %mul3A_32 = arith.muli %scan3A_28, %mul3A_31 : i32
      %add3A = arith.addi %mul3A_30, %mul3A_32 : i32
      "tpu.region"() ({
        %run_scoped3A = tpu.sem_alloc : memref<!tpu.dma_semaphore, #tpu.memory_space<semaphore_mem>>
        %dma_start3A = arith.constant 0 : i32
        %dma_start3A_33 = tpu.memref_slice %arg11[%add3A, %dma_start3A] : memref<10240x128xf32, #tpu.memory_space<vmem_shared>> -> memref<128x128xf32, #tpu.memory_space<vmem_shared>>
        %dma_start3A_34 = arith.constant 0 : i32
        %dma_start3A_35 = tpu.memref_slice %arg11[%add3A, %dma_start3A_34] : memref<10240x128xf32, #tpu.memory_space<vmem_shared>> -> memref<128x128xf32, #tpu.memory_space<vmem_shared>>
        tpu.enqueue_dma source(%arg9 : memref<128x128xf32, #tpu.memory_space<vmem>>) target(%dma_start3A_35 : memref<128x128xf32, #tpu.memory_space<vmem_shared>>) target_semaphore(%run_scoped3A : memref<!tpu.dma_semaphore, #tpu.memory_space<semaphore_mem>>)
        %dma_wait3A = arith.constant 0 : i32
        %dma_wait3A_36 = tpu.memref_slice %arg11[%add3A, %dma_wait3A] : memref<10240x128xf32, #tpu.memory_space<vmem_shared>> -> memref<128x128xf32, #tpu.memory_space<vmem_shared>>
        %dma_wait3A_37 = arith.constant 0 : i32
        %dma_wait3A_38 = tpu.memref_slice %arg11[%add3A, %dma_wait3A_37] : memref<10240x128xf32, #tpu.memory_space<vmem_shared>> -> memref<128x128xf32, #tpu.memory_space<vmem_shared>>
        tpu.wait_dma2 semaphore(%run_scoped3A : memref<!tpu.dma_semaphore, #tpu.memory_space<semaphore_mem>>) src(%arg9 : memref<128x128xf32, #tpu.memory_space<vmem>>) dst(%dma_wait3A_38 : memref<128x128xf32, #tpu.memory_space<vmem_shared>>)
        tpu.yield
      }) : () -> ()
    }
    %scan3A_11 = arith.constant 5 : i32
    %barrier3A = arith.constant 0 : index
    tpu.barrier barrier_id(%barrier3A)
    %eq3A = arith.constant 0 : i32
    %eq3A_12 = arith.cmpi eq, %arg0, %eq3A : i32
    %convert_element_type3A = arith.extui %eq3A_12 : i1 to i32
    %cond3A = arith.constant 0 : i32
    %cond3A_13 = arith.cmpi ne, %convert_element_type3A, %cond3A : i32
    scf.if %cond3A_13 {
      %mul3A_28 = arith.constant 80 : i32
      %mul3A_29 = arith.muli %arg1, %mul3A_28 : i32
      "tpu.region"() ({
        %run_scoped3A = tpu.sem_alloc : memref<!tpu.dma_semaphore, #tpu.memory_space<semaphore_mem>>
        %dma_start3A_80 = arith.constant 0 : i32
        %dma_start3A_81 = tpu.memref_slice %arg4[%mul3A_29, %dma_start3A_80] : memref<2640x128xi32, #tpu.memory_space<hbm>> -> memref<80x128xi32, #tpu.memory_space<hbm>>
        %dma_start3A_82 = arith.constant 0 : i32
        %dma_start3A_83 = tpu.memref_slice %arg4[%mul3A_29, %dma_start3A_82] : memref<2640x128xi32, #tpu.memory_space<hbm>> -> memref<80x128xi32, #tpu.memory_space<hbm>>
        tpu.enqueue_dma source(%dma_start3A_83 : memref<80x128xi32, #tpu.memory_space<hbm>>) target(%arg6 : memref<80x128xi32, #tpu.memory_space<vmem>>) target_semaphore(%run_scoped3A : memref<!tpu.dma_semaphore, #tpu.memory_space<semaphore_mem>>)
        %dma_wait3A_84 = arith.constant 0 : i32
        %dma_wait3A_85 = tpu.memref_slice %arg4[%mul3A_29, %dma_wait3A_84] : memref<2640x128xi32, #tpu.memory_space<hbm>> -> memref<80x128xi32, #tpu.memory_space<hbm>>
        %dma_wait3A_86 = arith.constant 0 : i32
        %dma_wait3A_87 = tpu.memref_slice %arg4[%mul3A_29, %dma_wait3A_86] : memref<2640x128xi32, #tpu.memory_space<hbm>> -> memref<80x128xi32, #tpu.memory_space<hbm>>
        tpu.wait_dma2 semaphore(%run_scoped3A : memref<!tpu.dma_semaphore, #tpu.memory_space<semaphore_mem>>) src(%dma_wait3A_87 : memref<80x128xi32, #tpu.memory_space<hbm>>) dst(%arg6 : memref<80x128xi32, #tpu.memory_space<vmem>>)
        tpu.yield
      }) : () -> ()
      "tpu.region"() ({
        %run_scoped3A = tpu.sem_alloc : memref<!tpu.dma_semaphore, #tpu.memory_space<semaphore_mem>>
        %dma_start3A_80 = arith.constant 0 : i32
        %dma_start3A_81 = tpu.memref_slice %arg3[%mul3A_29, %dma_start3A_80] : memref<2560x128xi32, #tpu.memory_space<hbm>> -> memref<1x128xi32, #tpu.memory_space<hbm>>
        %dma_start3A_82 = tpu.memref_squeeze %dma_start3A_81 : memref<1x128xi32, #tpu.memory_space<hbm>> -> memref<128xi32, #tpu.memory_space<hbm>>
        %dma_start3A_83 = arith.constant 0 : i32
        %dma_start3A_84 = tpu.memref_slice %arg3[%mul3A_29, %dma_start3A_83] : memref<2560x128xi32, #tpu.memory_space<hbm>> -> memref<1x128xi32, #tpu.memory_space<hbm>>
        %dma_start3A_85 = tpu.memref_squeeze %dma_start3A_84 : memref<1x128xi32, #tpu.memory_space<hbm>> -> memref<128xi32, #tpu.memory_space<hbm>>
        tpu.enqueue_dma source(%dma_start3A_85 : memref<128xi32, #tpu.memory_space<hbm>>) target(%arg7 : memref<128xi32, #tpu.memory_space<vmem>>) target_semaphore(%run_scoped3A : memref<!tpu.dma_semaphore, #tpu.memory_space<semaphore_mem>>)
        %dma_wait3A_86 = arith.constant 0 : i32
        %dma_wait3A_87 = tpu.memref_slice %arg3[%mul3A_29, %dma_wait3A_86] : memref<2560x128xi32, #tpu.memory_space<hbm>> -> memref<1x128xi32, #tpu.memory_space<hbm>>
        %dma_wait3A_88 = tpu.memref_squeeze %dma_wait3A_87 : memref<1x128xi32, #tpu.memory_space<hbm>> -> memref<128xi32, #tpu.memory_space<hbm>>
        %dma_wait3A_89 = arith.constant 0 : i32
        %dma_wait3A_90 = tpu.memref_slice %arg3[%mul3A_29, %dma_wait3A_89] : memref<2560x128xi32, #tpu.memory_space<hbm>> -> memref<1x128xi32, #tpu.memory_space<hbm>>
        %dma_wait3A_91 = tpu.memref_squeeze %dma_wait3A_90 : memref<1x128xi32, #tpu.memory_space<hbm>> -> memref<128xi32, #tpu.memory_space<hbm>>
        tpu.wait_dma2 semaphore(%run_scoped3A : memref<!tpu.dma_semaphore, #tpu.memory_space<semaphore_mem>>) src(%dma_wait3A_91 : memref<128xi32, #tpu.memory_space<hbm>>) dst(%arg7 : memref<128xi32, #tpu.memory_space<vmem>>)
        tpu.yield
      }) : () -> ()
      %dma_start3A = arith.constant 0 : i32
      %dma_start3A_30 = arith.constant 0 : i32
      %dma_start3A_31 = tpu.memref_slice %arg9[%dma_start3A, %dma_start3A_30] : memref<128x128xf32, #tpu.memory_space<vmem>> -> memref<32x128xf32, #tpu.memory_space<vmem>>
      %dma_start3A_32 = arith.constant 0 : i32
      %dma_start3A_33 = tpu.memref_slice %arg7[%dma_start3A_32] : memref<128xi32, #tpu.memory_space<vmem>> -> memref<32xi32, #tpu.memory_space<vmem>>
      %dma_start3A_34 = arith.constant 0 : i32
      %dma_start3A_35 = arith.constant 0 : i32
      %dma_start3A_36 = tpu.memref_slice %arg2[%dma_start3A_34, %dma_start3A_35] : memref<10000x128xf32, #tpu.memory_space<hbm>> -> memref<10000x128xf32, #tpu.memory_space<hbm>>
      tpu.enqueue_indirect_dma source(%dma_start3A_36 : memref<10000x128xf32, #tpu.memory_space<hbm>>) target(%dma_start3A_31 : memref<32x128xf32, #tpu.memory_space<vmem>>) offsets(%dma_start3A_33 : memref<32xi32, #tpu.memory_space<vmem>>) semaphore(%arg12 : memref<!tpu.dma_semaphore, #tpu.memory_space<semaphore_mem>>)
      %dma_start3A_37 = arith.constant 32 : i32
      %dma_start3A_38 = arith.constant 0 : i32
      %dma_start3A_39 = tpu.memref_slice %arg9[%dma_start3A_37, %dma_start3A_38] : memref<128x128xf32, #tpu.memory_space<vmem>> -> memref<32x128xf32, #tpu.memory_space<vmem>>
      %dma_start3A_40 = arith.constant 32 : i32
      %dma_start3A_41 = tpu.memref_slice %arg7[%dma_start3A_40] : memref<128xi32, #tpu.memory_space<vmem>> -> memref<32xi32, #tpu.memory_space<vmem>>
      %dma_start3A_42 = arith.constant 0 : i32
      %dma_start3A_43 = arith.constant 0 : i32
      %dma_start3A_44 = tpu.memref_slice %arg2[%dma_start3A_42, %dma_start3A_43] : memref<10000x128xf32, #tpu.memory_space<hbm>> -> memref<10000x128xf32, #tpu.memory_space<hbm>>
      tpu.enqueue_indirect_dma source(%dma_start3A_44 : memref<10000x128xf32, #tpu.memory_space<hbm>>) target(%dma_start3A_39 : memref<32x128xf32, #tpu.memory_space<vmem>>) offsets(%dma_start3A_41 : memref<32xi32, #tpu.memory_space<vmem>>) semaphore(%arg12 : memref<!tpu.dma_semaphore, #tpu.memory_space<semaphore_mem>>)
      %dma_start3A_45 = arith.constant 64 : i32
      %dma_start3A_46 = arith.constant 0 : i32
      %dma_start3A_47 = tpu.memref_slice %arg9[%dma_start3A_45, %dma_start3A_46] : memref<128x128xf32, #tpu.memory_space<vmem>> -> memref<32x128xf32, #tpu.memory_space<vmem>>
      %dma_start3A_48 = arith.constant 64 : i32
      %dma_start3A_49 = tpu.memref_slice %arg7[%dma_start3A_48] : memref<128xi32, #tpu.memory_space<vmem>> -> memref<32xi32, #tpu.memory_space<vmem>>
      %dma_start3A_50 = arith.constant 0 : i32
      %dma_start3A_51 = arith.constant 0 : i32
      %dma_start3A_52 = tpu.memref_slice %arg2[%dma_start3A_50, %dma_start3A_51] : memref<10000x128xf32, #tpu.memory_space<hbm>> -> memref<10000x128xf32, #tpu.memory_space<hbm>>
      tpu.enqueue_indirect_dma source(%dma_start3A_52 : memref<10000x128xf32, #tpu.memory_space<hbm>>) target(%dma_start3A_47 : memref<32x128xf32, #tpu.memory_space<vmem>>) offsets(%dma_start3A_49 : memref<32xi32, #tpu.memory_space<vmem>>) semaphore(%arg12 : memref<!tpu.dma_semaphore, #tpu.memory_space<semaphore_mem>>)
      %dma_start3A_53 = arith.constant 96 : i32
      %dma_start3A_54 = arith.constant 0 : i32
      %dma_start3A_55 = tpu.memref_slice %arg9[%dma_start3A_53, %dma_start3A_54] : memref<128x128xf32, #tpu.memory_space<vmem>> -> memref<32x128xf32, #tpu.memory_space<vmem>>
      %dma_start3A_56 = arith.constant 96 : i32
      %dma_start3A_57 = tpu.memref_slice %arg7[%dma_start3A_56] : memref<128xi32, #tpu.memory_space<vmem>> -> memref<32xi32, #tpu.memory_space<vmem>>
      %dma_start3A_58 = arith.constant 0 : i32
      %dma_start3A_59 = arith.constant 0 : i32
      %dma_start3A_60 = tpu.memref_slice %arg2[%dma_start3A_58, %dma_start3A_59] : memref<10000x128xf32, #tpu.memory_space<hbm>> -> memref<10000x128xf32, #tpu.memory_space<hbm>>
      tpu.enqueue_indirect_dma source(%dma_start3A_60 : memref<10000x128xf32, #tpu.memory_space<hbm>>) target(%dma_start3A_55 : memref<32x128xf32, #tpu.memory_space<vmem>>) offsets(%dma_start3A_57 : memref<32xi32, #tpu.memory_space<vmem>>) semaphore(%arg12 : memref<!tpu.dma_semaphore, #tpu.memory_space<semaphore_mem>>)
      %add3A = arith.constant 1 : i32
      %add3A_61 = arith.addi %mul3A_29, %add3A : i32
      %dma_start3A_62 = arith.constant 0 : i32
      %dma_start3A_63 = tpu.memref_slice %arg3[%add3A_61, %dma_start3A_62] : memref<2560x128xi32, #tpu.memory_space<hbm>> -> memref<1x128xi32, #tpu.memory_space<hbm>>
      %dma_start3A_64 = tpu.memref_squeeze %dma_start3A_63 : memref<1x128xi32, #tpu.memory_space<hbm>> -> memref<128xi32, #tpu.memory_space<hbm>>
      %dma_start3A_65 = arith.constant 0 : i32
      %dma_start3A_66 = tpu.memref_slice %arg3[%add3A_61, %dma_start3A_65] : memref<2560x128xi32, #tpu.memory_space<hbm>> -> memref<1x128xi32, #tpu.memory_space<hbm>>
      %dma_start3A_67 = tpu.memref_squeeze %dma_start3A_66 : memref<1x128xi32, #tpu.memory_space<hbm>> -> memref<128xi32, #tpu.memory_space<hbm>>
      tpu.enqueue_dma source(%dma_start3A_67 : memref<128xi32, #tpu.memory_space<hbm>>) target(%arg8 : memref<128xi32, #tpu.memory_space<vmem>>) target_semaphore(%arg17 : memref<!tpu.dma_semaphore, #tpu.memory_space<semaphore_mem>>)
      %scan3A_68 = arith.constant 0 : i32
      %scan3A_69 = arith.constant 0 : i32
      %scan3A_70 = arith.constant 40 : i32
      %scan3A_71 = arith.addi %scan3A_69, %scan3A_70 : i32
      %scan3A_72 = arith.constant 1 : i32
      scf.for %scan3A_80 = %scan3A_69 to %scan3A_71 step %scan3A_72  : i32 {
        %mul3A_81 = arith.constant 2 : i32
        %mul3A_82 = arith.muli %mul3A_81, %scan3A_80 : i32
        %add3A_83 = arith.addi %mul3A_29, %mul3A_82 : i32
        %dma_wait3A_84 = arith.constant 0 : i32
        %dma_wait3A_85 = arith.constant 0 : i32
        %dma_wait3A_86 = tpu.memref_slice %arg9[%dma_wait3A_84, %dma_wait3A_85] : memref<128x128xf32, #tpu.memory_space<vmem>> -> memref<32x128xf32, #tpu.memory_space<vmem>>
        %dma_wait3A_87 = arith.constant 0 : i32
        %dma_wait3A_88 = tpu.memref_slice %arg7[%dma_wait3A_87] : memref<128xi32, #tpu.memory_space<vmem>> -> memref<32xi32, #tpu.memory_space<vmem>>
        %dma_wait3A_89 = arith.constant 0 : i32
        %dma_wait3A_90 = arith.constant 0 : i32
        %dma_wait3A_91 = tpu.memref_slice %arg2[%dma_wait3A_89, %dma_wait3A_90] : memref<10000x128xf32, #tpu.memory_space<hbm>> -> memref<10000x128xf32, #tpu.memory_space<hbm>>
        tpu.wait_indirect_dma semaphore(%arg12 : memref<!tpu.dma_semaphore, #tpu.memory_space<semaphore_mem>>) src(%dma_wait3A_91 : memref<10000x128xf32, #tpu.memory_space<hbm>>) dst(%dma_wait3A_86 : memref<32x128xf32, #tpu.memory_space<vmem>>)
        %dma_wait3A_92 = arith.constant 32 : i32
        %dma_wait3A_93 = arith.constant 0 : i32
        %dma_wait3A_94 = tpu.memref_slice %arg9[%dma_wait3A_92, %dma_wait3A_93] : memref<128x128xf32, #tpu.memory_space<vmem>> -> memref<32x128xf32, #tpu.memory_space<vmem>>
        %dma_wait3A_95 = arith.constant 32 : i32
        %dma_wait3A_96 = tpu.memref_slice %arg7[%dma_wait3A_95] : memref<128xi32, #tpu.memory_space<vmem>> -> memref<32xi32, #tpu.memory_space<vmem>>
        %dma_wait3A_97 = arith.constant 0 : i32
        %dma_wait3A_98 = arith.constant 0 : i32
        %dma_wait3A_99 = tpu.memref_slice %arg2[%dma_wait3A_97, %dma_wait3A_98] : memref<10000x128xf32, #tpu.memory_space<hbm>> -> memref<10000x128xf32, #tpu.memory_space<hbm>>
        tpu.wait_indirect_dma semaphore(%arg12 : memref<!tpu.dma_semaphore, #tpu.memory_space<semaphore_mem>>) src(%dma_wait3A_99 : memref<10000x128xf32, #tpu.memory_space<hbm>>) dst(%dma_wait3A_94 : memref<32x128xf32, #tpu.memory_space<vmem>>)
        %dma_wait3A_100 = arith.constant 64 : i32
        %dma_wait3A_101 = arith.constant 0 : i32
        %dma_wait3A_102 = tpu.memref_slice %arg9[%dma_wait3A_100, %dma_wait3A_101] : memref<128x128xf32, #tpu.memory_space<vmem>> -> memref<32x128xf32, #tpu.memory_space<vmem>>
        %dma_wait3A_103 = arith.constant 64 : i32
        %dma_wait3A_104 = tpu.memref_slice %arg7[%dma_wait3A_103] : memref<128xi32, #tpu.memory_space<vmem>> -> memref<32xi32, #tpu.memory_space<vmem>>
        %dma_wait3A_105 = arith.constant 0 : i32
        %dma_wait3A_106 = arith.constant 0 : i32
        %dma_wait3A_107 = tpu.memref_slice %arg2[%dma_wait3A_105, %dma_wait3A_106] : memref<10000x128xf32, #tpu.memory_space<hbm>> -> memref<10000x128xf32, #tpu.memory_space<hbm>>
        tpu.wait_indirect_dma semaphore(%arg12 : memref<!tpu.dma_semaphore, #tpu.memory_space<semaphore_mem>>) src(%dma_wait3A_107 : memref<10000x128xf32, #tpu.memory_space<hbm>>) dst(%dma_wait3A_102 : memref<32x128xf32, #tpu.memory_space<vmem>>)
        %dma_wait3A_108 = arith.constant 96 : i32
        %dma_wait3A_109 = arith.constant 0 : i32
        %dma_wait3A_110 = tpu.memref_slice %arg9[%dma_wait3A_108, %dma_wait3A_109] : memref<128x128xf32, #tpu.memory_space<vmem>> -> memref<32x128xf32, #tpu.memory_space<vmem>>
        %dma_wait3A_111 = arith.constant 96 : i32
        %dma_wait3A_112 = tpu.memref_slice %arg7[%dma_wait3A_111] : memref<128xi32, #tpu.memory_space<vmem>> -> memref<32xi32, #tpu.memory_space<vmem>>
        %dma_wait3A_113 = arith.constant 0 : i32
        %dma_wait3A_114 = arith.constant 0 : i32
        %dma_wait3A_115 = tpu.memref_slice %arg2[%dma_wait3A_113, %dma_wait3A_114] : memref<10000x128xf32, #tpu.memory_space<hbm>> -> memref<10000x128xf32, #tpu.memory_space<hbm>>
        tpu.wait_indirect_dma semaphore(%arg12 : memref<!tpu.dma_semaphore, #tpu.memory_space<semaphore_mem>>) src(%dma_wait3A_115 : memref<10000x128xf32, #tpu.memory_space<hbm>>) dst(%dma_wait3A_110 : memref<32x128xf32, #tpu.memory_space<vmem>>)
        %dma_start3A_116 = arith.constant 0 : i32
        %dma_start3A_117 = tpu.memref_slice %arg6[%mul3A_82, %dma_start3A_116] : memref<80x128xi32, #tpu.memory_space<vmem>> -> memref<1x128xi32, #tpu.memory_space<vmem>>
        %dma_start3A_118 = tpu.memref_squeeze %dma_start3A_117 : memref<1x128xi32, #tpu.memory_space<vmem>> -> memref<128xi32, #tpu.memory_space<vmem>>
        %dma_start3A_119 = arith.constant 0 : i32
        %dma_start3A_120 = arith.constant 0 : i32
        %dma_start3A_121 = tpu.memref_slice %arg11[%dma_start3A_119, %dma_start3A_120] : memref<10240x128xf32, #tpu.memory_space<vmem_shared>> -> memref<10240x128xf32, #tpu.memory_space<vmem_shared>>
        tpu.enqueue_indirect_dma source(%arg9 : memref<128x128xf32, #tpu.memory_space<vmem>>) target(%dma_start3A_121 : memref<10240x128xf32, #tpu.memory_space<vmem_shared>>) offsets(%dma_start3A_118 : memref<128xi32, #tpu.memory_space<vmem>>) semaphore(%arg14 : memref<!tpu.dma_semaphore, #tpu.memory_space<semaphore_mem>>) {add = true}
        %add3A_122 = arith.constant 1 : i32
        %add3A_123 = arith.addi %scan3A_80, %add3A_122 : i32
        %lt3A = arith.constant 40 : i32
        %lt3A_124 = arith.cmpi slt, %add3A_123, %lt3A : i32
        %convert_element_type3A_125 = arith.extui %lt3A_124 : i1 to i32
        %cond3A_126 = arith.constant 0 : i32
        %cond3A_127 = arith.cmpi ne, %convert_element_type3A_125, %cond3A_126 : i32
        scf.if %cond3A_127 {
          %add3A_232 = arith.constant 2 : i32
          %add3A_233 = arith.addi %add3A_83, %add3A_232 : i32
          %dma_start3A_234 = arith.constant 0 : i32
          %dma_start3A_235 = tpu.memref_slice %arg3[%add3A_233, %dma_start3A_234] : memref<2560x128xi32, #tpu.memory_space<hbm>> -> memref<1x128xi32, #tpu.memory_space<hbm>>
          %dma_start3A_236 = tpu.memref_squeeze %dma_start3A_235 : memref<1x128xi32, #tpu.memory_space<hbm>> -> memref<128xi32, #tpu.memory_space<hbm>>
          %dma_start3A_237 = arith.constant 0 : i32
          %dma_start3A_238 = tpu.memref_slice %arg3[%add3A_233, %dma_start3A_237] : memref<2560x128xi32, #tpu.memory_space<hbm>> -> memref<1x128xi32, #tpu.memory_space<hbm>>
          %dma_start3A_239 = tpu.memref_squeeze %dma_start3A_238 : memref<1x128xi32, #tpu.memory_space<hbm>> -> memref<128xi32, #tpu.memory_space<hbm>>
          tpu.enqueue_dma source(%dma_start3A_239 : memref<128xi32, #tpu.memory_space<hbm>>) target(%arg7 : memref<128xi32, #tpu.memory_space<vmem>>) target_semaphore(%arg16 : memref<!tpu.dma_semaphore, #tpu.memory_space<semaphore_mem>>)
        } else {
        }
        %gt3A = arith.constant 0 : i32
        %gt3A_128 = arith.cmpi sgt, %scan3A_80, %gt3A : i32
        %convert_element_type3A_129 = arith.extui %gt3A_128 : i1 to i32
        %cond3A_130 = arith.constant 0 : i32
        %cond3A_131 = arith.cmpi ne, %convert_element_type3A_129, %cond3A_130 : i32
        scf.if %cond3A_131 {
          %dma_wait3A_232 = arith.constant 0 : i32
          %dma_wait3A_233 = tpu.memref_slice %arg6[%mul3A_82, %dma_wait3A_232] : memref<80x128xi32, #tpu.memory_space<vmem>> -> memref<1x128xi32, #tpu.memory_space<vmem>>
          %dma_wait3A_234 = tpu.memref_squeeze %dma_wait3A_233 : memref<1x128xi32, #tpu.memory_space<vmem>> -> memref<128xi32, #tpu.memory_space<vmem>>
          %dma_wait3A_235 = arith.constant 0 : i32
          %dma_wait3A_236 = arith.constant 0 : i32
          %dma_wait3A_237 = tpu.memref_slice %arg11[%dma_wait3A_235, %dma_wait3A_236] : memref<10240x128xf32, #tpu.memory_space<vmem_shared>> -> memref<10240x128xf32, #tpu.memory_space<vmem_shared>>
          tpu.wait_indirect_dma semaphore(%arg15 : memref<!tpu.dma_semaphore, #tpu.memory_space<semaphore_mem>>) src(%arg10 : memref<128x128xf32, #tpu.memory_space<vmem>>) dst(%dma_wait3A_237 : memref<10240x128xf32, #tpu.memory_space<vmem_shared>>)
        } else {
        }
        %add3A_132 = arith.constant 1 : i32
        %add3A_133 = arith.addi %add3A_83, %add3A_132 : i32
        %dma_wait3A_134 = arith.constant 0 : i32
        %dma_wait3A_135 = tpu.memref_slice %arg3[%add3A_133, %dma_wait3A_134] : memref<2560x128xi32, #tpu.memory_space<hbm>> -> memref<1x128xi32, #tpu.memory_space<hbm>>
        %dma_wait3A_136 = tpu.memref_squeeze %dma_wait3A_135 : memref<1x128xi32, #tpu.memory_space<hbm>> -> memref<128xi32, #tpu.memory_space<hbm>>
        %dma_wait3A_137 = arith.constant 0 : i32
        %dma_wait3A_138 = tpu.memref_slice %arg3[%add3A_133, %dma_wait3A_137] : memref<2560x128xi32, #tpu.memory_space<hbm>> -> memref<1x128xi32, #tpu.memory_space<hbm>>
        %dma_wait3A_139 = tpu.memref_squeeze %dma_wait3A_138 : memref<1x128xi32, #tpu.memory_space<hbm>> -> memref<128xi32, #tpu.memory_space<hbm>>
        tpu.wait_dma2 semaphore(%arg17 : memref<!tpu.dma_semaphore, #tpu.memory_space<semaphore_mem>>) src(%dma_wait3A_139 : memref<128xi32, #tpu.memory_space<hbm>>) dst(%arg8 : memref<128xi32, #tpu.memory_space<vmem>>)
        %dma_start3A_140 = arith.constant 0 : i32
        %dma_start3A_141 = arith.constant 0 : i32
        %dma_start3A_142 = tpu.memref_slice %arg10[%dma_start3A_140, %dma_start3A_141] : memref<128x128xf32, #tpu.memory_space<vmem>> -> memref<32x128xf32, #tpu.memory_space<vmem>>
        %dma_start3A_143 = arith.constant 0 : i32
        %dma_start3A_144 = tpu.memref_slice %arg8[%dma_start3A_143] : memref<128xi32, #tpu.memory_space<vmem>> -> memref<32xi32, #tpu.memory_space<vmem>>
        %dma_start3A_145 = arith.constant 0 : i32
        %dma_start3A_146 = arith.constant 0 : i32
        %dma_start3A_147 = tpu.memref_slice %arg2[%dma_start3A_145, %dma_start3A_146] : memref<10000x128xf32, #tpu.memory_space<hbm>> -> memref<10000x128xf32, #tpu.memory_space<hbm>>
        tpu.enqueue_indirect_dma source(%dma_start3A_147 : memref<10000x128xf32, #tpu.memory_space<hbm>>) target(%dma_start3A_142 : memref<32x128xf32, #tpu.memory_space<vmem>>) offsets(%dma_start3A_144 : memref<32xi32, #tpu.memory_space<vmem>>) semaphore(%arg13 : memref<!tpu.dma_semaphore, #tpu.memory_space<semaphore_mem>>)
        %dma_start3A_148 = arith.constant 32 : i32
        %dma_start3A_149 = arith.constant 0 : i32
        %dma_start3A_150 = tpu.memref_slice %arg10[%dma_start3A_148, %dma_start3A_149] : memref<128x128xf32, #tpu.memory_space<vmem>> -> memref<32x128xf32, #tpu.memory_space<vmem>>
        %dma_start3A_151 = arith.constant 32 : i32
        %dma_start3A_152 = tpu.memref_slice %arg8[%dma_start3A_151] : memref<128xi32, #tpu.memory_space<vmem>> -> memref<32xi32, #tpu.memory_space<vmem>>
        %dma_start3A_153 = arith.constant 0 : i32
        %dma_start3A_154 = arith.constant 0 : i32
        %dma_start3A_155 = tpu.memref_slice %arg2[%dma_start3A_153, %dma_start3A_154] : memref<10000x128xf32, #tpu.memory_space<hbm>> -> memref<10000x128xf32, #tpu.memory_space<hbm>>
        tpu.enqueue_indirect_dma source(%dma_start3A_155 : memref<10000x128xf32, #tpu.memory_space<hbm>>) target(%dma_start3A_150 : memref<32x128xf32, #tpu.memory_space<vmem>>) offsets(%dma_start3A_152 : memref<32xi32, #tpu.memory_space<vmem>>) semaphore(%arg13 : memref<!tpu.dma_semaphore, #tpu.memory_space<semaphore_mem>>)
        %dma_start3A_156 = arith.constant 64 : i32
        %dma_start3A_157 = arith.constant 0 : i32
        %dma_start3A_158 = tpu.memref_slice %arg10[%dma_start3A_156, %dma_start3A_157] : memref<128x128xf32, #tpu.memory_space<vmem>> -> memref<32x128xf32, #tpu.memory_space<vmem>>
        %dma_start3A_159 = arith.constant 64 : i32
        %dma_start3A_160 = tpu.memref_slice %arg8[%dma_start3A_159] : memref<128xi32, #tpu.memory_space<vmem>> -> memref<32xi32, #tpu.memory_space<vmem>>
        %dma_start3A_161 = arith.constant 0 : i32
        %dma_start3A_162 = arith.constant 0 : i32
        %dma_start3A_163 = tpu.memref_slice %arg2[%dma_start3A_161, %dma_start3A_162] : memref<10000x128xf32, #tpu.memory_space<hbm>> -> memref<10000x128xf32, #tpu.memory_space<hbm>>
        tpu.enqueue_indirect_dma source(%dma_start3A_163 : memref<10000x128xf32, #tpu.memory_space<hbm>>) target(%dma_start3A_158 : memref<32x128xf32, #tpu.memory_space<vmem>>) offsets(%dma_start3A_160 : memref<32xi32, #tpu.memory_space<vmem>>) semaphore(%arg13 : memref<!tpu.dma_semaphore, #tpu.memory_space<semaphore_mem>>)
        %dma_start3A_164 = arith.constant 96 : i32
        %dma_start3A_165 = arith.constant 0 : i32
        %dma_start3A_166 = tpu.memref_slice %arg10[%dma_start3A_164, %dma_start3A_165] : memref<128x128xf32, #tpu.memory_space<vmem>> -> memref<32x128xf32, #tpu.memory_space<vmem>>
        %dma_start3A_167 = arith.constant 96 : i32
        %dma_start3A_168 = tpu.memref_slice %arg8[%dma_start3A_167] : memref<128xi32, #tpu.memory_space<vmem>> -> memref<32xi32, #tpu.memory_space<vmem>>
        %dma_start3A_169 = arith.constant 0 : i32
        %dma_start3A_170 = arith.constant 0 : i32
        %dma_start3A_171 = tpu.memref_slice %arg2[%dma_start3A_169, %dma_start3A_170] : memref<10000x128xf32, #tpu.memory_space<hbm>> -> memref<10000x128xf32, #tpu.memory_space<hbm>>
        tpu.enqueue_indirect_dma source(%dma_start3A_171 : memref<10000x128xf32, #tpu.memory_space<hbm>>) target(%dma_start3A_166 : memref<32x128xf32, #tpu.memory_space<vmem>>) offsets(%dma_start3A_168 : memref<32xi32, #tpu.memory_space<vmem>>) semaphore(%arg13 : memref<!tpu.dma_semaphore, #tpu.memory_space<semaphore_mem>>)
        %dma_wait3A_172 = arith.constant 0 : i32
        %dma_wait3A_173 = arith.constant 0 : i32
        %dma_wait3A_174 = tpu.memref_slice %arg10[%dma_wait3A_172, %dma_wait3A_173] : memref<128x128xf32, #tpu.memory_space<vmem>> -> memref<32x128xf32, #tpu.memory_space<vmem>>
        %dma_wait3A_175 = arith.constant 0 : i32
        %dma_wait3A_176 = tpu.memref_slice %arg8[%dma_wait3A_175] : memref<128xi32, #tpu.memory_space<vmem>> -> memref<32xi32, #tpu.memory_space<vmem>>
        %dma_wait3A_177 = arith.constant 0 : i32
        %dma_wait3A_178 = arith.constant 0 : i32
        %dma_wait3A_179 = tpu.memref_slice %arg2[%dma_wait3A_177, %dma_wait3A_178] : memref<10000x128xf32, #tpu.memory_space<hbm>> -> memref<10000x128xf32, #tpu.memory_space<hbm>>
        tpu.wait_indirect_dma semaphore(%arg13 : memref<!tpu.dma_semaphore, #tpu.memory_space<semaphore_mem>>) src(%dma_wait3A_179 : memref<10000x128xf32, #tpu.memory_space<hbm>>) dst(%dma_wait3A_174 : memref<32x128xf32, #tpu.memory_space<vmem>>)
        %dma_wait3A_180 = arith.constant 32 : i32
        %dma_wait3A_181 = arith.constant 0 : i32
        %dma_wait3A_182 = tpu.memref_slice %arg10[%dma_wait3A_180, %dma_wait3A_181] : memref<128x128xf32, #tpu.memory_space<vmem>> -> memref<32x128xf32, #tpu.memory_space<vmem>>
        %dma_wait3A_183 = arith.constant 32 : i32
        %dma_wait3A_184 = tpu.memref_slice %arg8[%dma_wait3A_183] : memref<128xi32, #tpu.memory_space<vmem>> -> memref<32xi32, #tpu.memory_space<vmem>>
        %dma_wait3A_185 = arith.constant 0 : i32
        %dma_wait3A_186 = arith.constant 0 : i32
        %dma_wait3A_187 = tpu.memref_slice %arg2[%dma_wait3A_185, %dma_wait3A_186] : memref<10000x128xf32, #tpu.memory_space<hbm>> -> memref<10000x128xf32, #tpu.memory_space<hbm>>
        tpu.wait_indirect_dma semaphore(%arg13 : memref<!tpu.dma_semaphore, #tpu.memory_space<semaphore_mem>>) src(%dma_wait3A_187 : memref<10000x128xf32, #tpu.memory_space<hbm>>) dst(%dma_wait3A_182 : memref<32x128xf32, #tpu.memory_space<vmem>>)
        %dma_wait3A_188 = arith.constant 64 : i32
        %dma_wait3A_189 = arith.constant 0 : i32
        %dma_wait3A_190 = tpu.memref_slice %arg10[%dma_wait3A_188, %dma_wait3A_189] : memref<128x128xf32, #tpu.memory_space<vmem>> -> memref<32x128xf32, #tpu.memory_space<vmem>>
        %dma_wait3A_191 = arith.constant 64 : i32
        %dma_wait3A_192 = tpu.memref_slice %arg8[%dma_wait3A_191] : memref<128xi32, #tpu.memory_space<vmem>> -> memref<32xi32, #tpu.memory_space<vmem>>
        %dma_wait3A_193 = arith.constant 0 : i32
        %dma_wait3A_194 = arith.constant 0 : i32
        %dma_wait3A_195 = tpu.memref_slice %arg2[%dma_wait3A_193, %dma_wait3A_194] : memref<10000x128xf32, #tpu.memory_space<hbm>> -> memref<10000x128xf32, #tpu.memory_space<hbm>>
        tpu.wait_indirect_dma semaphore(%arg13 : memref<!tpu.dma_semaphore, #tpu.memory_space<semaphore_mem>>) src(%dma_wait3A_195 : memref<10000x128xf32, #tpu.memory_space<hbm>>) dst(%dma_wait3A_190 : memref<32x128xf32, #tpu.memory_space<vmem>>)
        %dma_wait3A_196 = arith.constant 96 : i32
        %dma_wait3A_197 = arith.constant 0 : i32
        %dma_wait3A_198 = tpu.memref_slice %arg10[%dma_wait3A_196, %dma_wait3A_197] : memref<128x128xf32, #tpu.memory_space<vmem>> -> memref<32x128xf32, #tpu.memory_space<vmem>>
        %dma_wait3A_199 = arith.constant 96 : i32
        %dma_wait3A_200 = tpu.memref_slice %arg8[%dma_wait3A_199] : memref<128xi32, #tpu.memory_space<vmem>> -> memref<32xi32, #tpu.memory_space<vmem>>
        %dma_wait3A_201 = arith.constant 0 : i32
        %dma_wait3A_202 = arith.constant 0 : i32
        %dma_wait3A_203 = tpu.memref_slice %arg2[%dma_wait3A_201, %dma_wait3A_202] : memref<10000x128xf32, #tpu.memory_space<hbm>> -> memref<10000x128xf32, #tpu.memory_space<hbm>>
        tpu.wait_indirect_dma semaphore(%arg13 : memref<!tpu.dma_semaphore, #tpu.memory_space<semaphore_mem>>) src(%dma_wait3A_203 : memref<10000x128xf32, #tpu.memory_space<hbm>>) dst(%dma_wait3A_198 : memref<32x128xf32, #tpu.memory_space<vmem>>)
        %add3A_204 = arith.constant 1 : i32
        %add3A_205 = arith.addi %mul3A_82, %add3A_204 : i32
        %dma_start3A_206 = arith.constant 0 : i32
        %dma_start3A_207 = tpu.memref_slice %arg6[%add3A_205, %dma_start3A_206] : memref<80x128xi32, #tpu.memory_space<vmem>> -> memref<1x128xi32, #tpu.memory_space<vmem>>
        %dma_start3A_208 = tpu.memref_squeeze %dma_start3A_207 : memref<1x128xi32, #tpu.memory_space<vmem>> -> memref<128xi32, #tpu.memory_space<vmem>>
        %dma_start3A_209 = arith.constant 0 : i32
        %dma_start3A_210 = arith.constant 0 : i32
        %dma_start3A_211 = tpu.memref_slice %arg11[%dma_start3A_209, %dma_start3A_210] : memref<10240x128xf32, #tpu.memory_space<vmem_shared>> -> memref<10240x128xf32, #tpu.memory_space<vmem_shared>>
        tpu.enqueue_indirect_dma source(%arg10 : memref<128x128xf32, #tpu.memory_space<vmem>>) target(%dma_start3A_211 : memref<10240x128xf32, #tpu.memory_space<vmem_shared>>) offsets(%dma_start3A_208 : memref<128xi32, #tpu.memory_space<vmem>>) semaphore(%arg15 : memref<!tpu.dma_semaphore, #tpu.memory_space<semaphore_mem>>) {add = true}
        %add3A_212 = arith.constant 1 : i32
        %add3A_213 = arith.addi %scan3A_80, %add3A_212 : i32
        %lt3A_214 = arith.constant 40 : i32
        %lt3A_215 = arith.cmpi slt, %add3A_213, %lt3A_214 : i32
        %convert_element_type3A_216 = arith.extui %lt3A_215 : i1 to i32
        %cond3A_217 = arith.constant 0 : i32
        %cond3A_218 = arith.cmpi ne, %convert_element_type3A_216, %cond3A_217 : i32
        scf.if %cond3A_218 {
          %add3A_232 = arith.constant 3 : i32
          %add3A_233 = arith.addi %add3A_83, %add3A_232 : i32
          %dma_start3A_234 = arith.constant 0 : i32
          %dma_start3A_235 = tpu.memref_slice %arg3[%add3A_233, %dma_start3A_234] : memref<2560x128xi32, #tpu.memory_space<hbm>> -> memref<1x128xi32, #tpu.memory_space<hbm>>
          %dma_start3A_236 = tpu.memref_squeeze %dma_start3A_235 : memref<1x128xi32, #tpu.memory_space<hbm>> -> memref<128xi32, #tpu.memory_space<hbm>>
          %dma_start3A_237 = arith.constant 0 : i32
          %dma_start3A_238 = tpu.memref_slice %arg3[%add3A_233, %dma_start3A_237] : memref<2560x128xi32, #tpu.memory_space<hbm>> -> memref<1x128xi32, #tpu.memory_space<hbm>>
          %dma_start3A_239 = tpu.memref_squeeze %dma_start3A_238 : memref<1x128xi32, #tpu.memory_space<hbm>> -> memref<128xi32, #tpu.memory_space<hbm>>
          tpu.enqueue_dma source(%dma_start3A_239 : memref<128xi32, #tpu.memory_space<hbm>>) target(%arg8 : memref<128xi32, #tpu.memory_space<vmem>>) target_semaphore(%arg17 : memref<!tpu.dma_semaphore, #tpu.memory_space<semaphore_mem>>)
        } else {
        }
        %dma_wait3A_219 = arith.constant 0 : i32
        %dma_wait3A_220 = tpu.memref_slice %arg6[%mul3A_82, %dma_wait3A_219] : memref<80x128xi32, #tpu.memory_space<vmem>> -> memref<1x128xi32, #tpu.memory_space<vmem>>
        %dma_wait3A_221 = tpu.memref_squeeze %dma_wait3A_220 : memref<1x128xi32, #tpu.memory_space<vmem>> -> memref<128xi32, #tpu.memory_space<vmem>>
        %dma_wait3A_222 = arith.constant 0 : i32
        %dma_wait3A_223 = arith.constant 0 : i32
        %dma_wait3A_224 = tpu.memref_slice %arg11[%dma_wait3A_222, %dma_wait3A_223] : memref<10240x128xf32, #tpu.memory_space<vmem_shared>> -> memref<10240x128xf32, #tpu.memory_space<vmem_shared>>
        tpu.wait_indirect_dma semaphore(%arg14 : memref<!tpu.dma_semaphore, #tpu.memory_space<semaphore_mem>>) src(%arg9 : memref<128x128xf32, #tpu.memory_space<vmem>>) dst(%dma_wait3A_224 : memref<10240x128xf32, #tpu.memory_space<vmem_shared>>)
        %add3A_225 = arith.constant 1 : i32
        %add3A_226 = arith.addi %scan3A_80, %add3A_225 : i32
        %lt3A_227 = arith.constant 40 : i32
        %lt3A_228 = arith.cmpi slt, %add3A_226, %lt3A_227 : i32
        %convert_element_type3A_229 = arith.extui %lt3A_228 : i1 to i32
        %cond3A_230 = arith.constant 0 : i32
        %cond3A_231 = arith.cmpi ne, %convert_element_type3A_229, %cond3A_230 : i32
        scf.if %cond3A_231 {
          %add3A_232 = arith.constant 2 : i32
          %add3A_233 = arith.addi %add3A_83, %add3A_232 : i32
          %dma_wait3A_234 = arith.constant 0 : i32
          %dma_wait3A_235 = tpu.memref_slice %arg3[%add3A_233, %dma_wait3A_234] : memref<2560x128xi32, #tpu.memory_space<hbm>> -> memref<1x128xi32, #tpu.memory_space<hbm>>
          %dma_wait3A_236 = tpu.memref_squeeze %dma_wait3A_235 : memref<1x128xi32, #tpu.memory_space<hbm>> -> memref<128xi32, #tpu.memory_space<hbm>>
          %dma_wait3A_237 = arith.constant 0 : i32
          %dma_wait3A_238 = tpu.memref_slice %arg3[%add3A_233, %dma_wait3A_237] : memref<2560x128xi32, #tpu.memory_space<hbm>> -> memref<1x128xi32, #tpu.memory_space<hbm>>
          %dma_wait3A_239 = tpu.memref_squeeze %dma_wait3A_238 : memref<1x128xi32, #tpu.memory_space<hbm>> -> memref<128xi32, #tpu.memory_space<hbm>>
          tpu.wait_dma2 semaphore(%arg16 : memref<!tpu.dma_semaphore, #tpu.memory_space<semaphore_mem>>) src(%dma_wait3A_239 : memref<128xi32, #tpu.memory_space<hbm>>) dst(%arg7 : memref<128xi32, #tpu.memory_space<vmem>>)
          %dma_start3A_240 = arith.constant 0 : i32
          %dma_start3A_241 = arith.constant 0 : i32
          %dma_start3A_242 = tpu.memref_slice %arg9[%dma_start3A_240, %dma_start3A_241] : memref<128x128xf32, #tpu.memory_space<vmem>> -> memref<32x128xf32, #tpu.memory_space<vmem>>
          %dma_start3A_243 = arith.constant 0 : i32
          %dma_start3A_244 = tpu.memref_slice %arg7[%dma_start3A_243] : memref<128xi32, #tpu.memory_space<vmem>> -> memref<32xi32, #tpu.memory_space<vmem>>
          %dma_start3A_245 = arith.constant 0 : i32
          %dma_start3A_246 = arith.constant 0 : i32
          %dma_start3A_247 = tpu.memref_slice %arg2[%dma_start3A_245, %dma_start3A_246] : memref<10000x128xf32, #tpu.memory_space<hbm>> -> memref<10000x128xf32, #tpu.memory_space<hbm>>
          tpu.enqueue_indirect_dma source(%dma_start3A_247 : memref<10000x128xf32, #tpu.memory_space<hbm>>) target(%dma_start3A_242 : memref<32x128xf32, #tpu.memory_space<vmem>>) offsets(%dma_start3A_244 : memref<32xi32, #tpu.memory_space<vmem>>) semaphore(%arg12 : memref<!tpu.dma_semaphore, #tpu.memory_space<semaphore_mem>>)
          %dma_start3A_248 = arith.constant 32 : i32
          %dma_start3A_249 = arith.constant 0 : i32
          %dma_start3A_250 = tpu.memref_slice %arg9[%dma_start3A_248, %dma_start3A_249] : memref<128x128xf32, #tpu.memory_space<vmem>> -> memref<32x128xf32, #tpu.memory_space<vmem>>
          %dma_start3A_251 = arith.constant 32 : i32
          %dma_start3A_252 = tpu.memref_slice %arg7[%dma_start3A_251] : memref<128xi32, #tpu.memory_space<vmem>> -> memref<32xi32, #tpu.memory_space<vmem>>
          %dma_start3A_253 = arith.constant 0 : i32
          %dma_start3A_254 = arith.constant 0 : i32
          %dma_start3A_255 = tpu.memref_slice %arg2[%dma_start3A_253, %dma_start3A_254] : memref<10000x128xf32, #tpu.memory_space<hbm>> -> memref<10000x128xf32, #tpu.memory_space<hbm>>
          tpu.enqueue_indirect_dma source(%dma_start3A_255 : memref<10000x128xf32, #tpu.memory_space<hbm>>) target(%dma_start3A_250 : memref<32x128xf32, #tpu.memory_space<vmem>>) offsets(%dma_start3A_252 : memref<32xi32, #tpu.memory_space<vmem>>) semaphore(%arg12 : memref<!tpu.dma_semaphore, #tpu.memory_space<semaphore_mem>>)
          %dma_start3A_256 = arith.constant 64 : i32
          %dma_start3A_257 = arith.constant 0 : i32
          %dma_start3A_258 = tpu.memref_slice %arg9[%dma_start3A_256, %dma_start3A_257] : memref<128x128xf32, #tpu.memory_space<vmem>> -> memref<32x128xf32, #tpu.memory_space<vmem>>
          %dma_start3A_259 = arith.constant 64 : i32
          %dma_start3A_260 = tpu.memref_slice %arg7[%dma_start3A_259] : memref<128xi32, #tpu.memory_space<vmem>> -> memref<32xi32, #tpu.memory_space<vmem>>
          %dma_start3A_261 = arith.constant 0 : i32
          %dma_start3A_262 = arith.constant 0 : i32
          %dma_start3A_263 = tpu.memref_slice %arg2[%dma_start3A_261, %dma_start3A_262] : memref<10000x128xf32, #tpu.memory_space<hbm>> -> memref<10000x128xf32, #tpu.memory_space<hbm>>
          tpu.enqueue_indirect_dma source(%dma_start3A_263 : memref<10000x128xf32, #tpu.memory_space<hbm>>) target(%dma_start3A_258 : memref<32x128xf32, #tpu.memory_space<vmem>>) offsets(%dma_start3A_260 : memref<32xi32, #tpu.memory_space<vmem>>) semaphore(%arg12 : memref<!tpu.dma_semaphore, #tpu.memory_space<semaphore_mem>>)
          %dma_start3A_264 = arith.constant 96 : i32
          %dma_start3A_265 = arith.constant 0 : i32
          %dma_start3A_266 = tpu.memref_slice %arg9[%dma_start3A_264, %dma_start3A_265] : memref<128x128xf32, #tpu.memory_space<vmem>> -> memref<32x128xf32, #tpu.memory_space<vmem>>
          %dma_start3A_267 = arith.constant 96 : i32
          %dma_start3A_268 = tpu.memref_slice %arg7[%dma_start3A_267] : memref<128xi32, #tpu.memory_space<vmem>> -> memref<32xi32, #tpu.memory_space<vmem>>
          %dma_start3A_269 = arith.constant 0 : i32
          %dma_start3A_270 = arith.constant 0 : i32
          %dma_start3A_271 = tpu.memref_slice %arg2[%dma_start3A_269, %dma_start3A_270] : memref<10000x128xf32, #tpu.memory_space<hbm>> -> memref<10000x128xf32, #tpu.memory_space<hbm>>
          tpu.enqueue_indirect_dma source(%dma_start3A_271 : memref<10000x128xf32, #tpu.memory_space<hbm>>) target(%dma_start3A_266 : memref<32x128xf32, #tpu.memory_space<vmem>>) offsets(%dma_start3A_268 : memref<32xi32, #tpu.memory_space<vmem>>) semaphore(%arg12 : memref<!tpu.dma_semaphore, #tpu.memory_space<semaphore_mem>>)
        } else {
        }
      }
      %scan3A_73 = arith.constant 40 : i32
      %dma_wait3A = arith.constant 0 : i32
      %dma_wait3A_74 = arith.constant 0 : i32
      %dma_wait3A_75 = tpu.memref_slice %arg6[%dma_wait3A, %dma_wait3A_74] : memref<80x128xi32, #tpu.memory_space<vmem>> -> memref<1x128xi32, #tpu.memory_space<vmem>>
      %dma_wait3A_76 = tpu.memref_squeeze %dma_wait3A_75 : memref<1x128xi32, #tpu.memory_space<vmem>> -> memref<128xi32, #tpu.memory_space<vmem>>
      %dma_wait3A_77 = arith.constant 0 : i32
      %dma_wait3A_78 = arith.constant 0 : i32
      %dma_wait3A_79 = tpu.memref_slice %arg11[%dma_wait3A_77, %dma_wait3A_78] : memref<10240x128xf32, #tpu.memory_space<vmem_shared>> -> memref<10240x128xf32, #tpu.memory_space<vmem_shared>>
      tpu.wait_indirect_dma semaphore(%arg15 : memref<!tpu.dma_semaphore, #tpu.memory_space<semaphore_mem>>) src(%arg10 : memref<128x128xf32, #tpu.memory_space<vmem>>) dst(%dma_wait3A_79 : memref<10240x128xf32, #tpu.memory_space<vmem_shared>>)
    } else {
    }
    %eq3A_14 = arith.constant 1 : i32
    %eq3A_15 = arith.cmpi eq, %arg0, %eq3A_14 : i32
    %convert_element_type3A_16 = arith.extui %eq3A_15 : i1 to i32
    %cond3A_17 = arith.constant 0 : i32
    %cond3A_18 = arith.cmpi ne, %convert_element_type3A_16, %cond3A_17 : i32
    scf.if %cond3A_18 {
      %mul3A_28 = arith.constant 80 : i32
      %mul3A_29 = arith.muli %arg1, %mul3A_28 : i32
      %add3A = arith.constant 1280 : i32
      %add3A_30 = arith.addi %add3A, %mul3A_29 : i32
      "tpu.region"() ({
        %run_scoped3A = tpu.sem_alloc : memref<!tpu.dma_semaphore, #tpu.memory_space<semaphore_mem>>
        %dma_start3A_82 = arith.constant 0 : i32
        %dma_start3A_83 = tpu.memref_slice %arg4[%add3A_30, %dma_start3A_82] : memref<2640x128xi32, #tpu.memory_space<hbm>> -> memref<80x128xi32, #tpu.memory_space<hbm>>
        %dma_start3A_84 = arith.constant 0 : i32
        %dma_start3A_85 = tpu.memref_slice %arg4[%add3A_30, %dma_start3A_84] : memref<2640x128xi32, #tpu.memory_space<hbm>> -> memref<80x128xi32, #tpu.memory_space<hbm>>
        tpu.enqueue_dma source(%dma_start3A_85 : memref<80x128xi32, #tpu.memory_space<hbm>>) target(%arg6 : memref<80x128xi32, #tpu.memory_space<vmem>>) target_semaphore(%run_scoped3A : memref<!tpu.dma_semaphore, #tpu.memory_space<semaphore_mem>>)
        %dma_wait3A_86 = arith.constant 0 : i32
        %dma_wait3A_87 = tpu.memref_slice %arg4[%add3A_30, %dma_wait3A_86] : memref<2640x128xi32, #tpu.memory_space<hbm>> -> memref<80x128xi32, #tpu.memory_space<hbm>>
        %dma_wait3A_88 = arith.constant 0 : i32
        %dma_wait3A_89 = tpu.memref_slice %arg4[%add3A_30, %dma_wait3A_88] : memref<2640x128xi32, #tpu.memory_space<hbm>> -> memref<80x128xi32, #tpu.memory_space<hbm>>
        tpu.wait_dma2 semaphore(%run_scoped3A : memref<!tpu.dma_semaphore, #tpu.memory_space<semaphore_mem>>) src(%dma_wait3A_89 : memref<80x128xi32, #tpu.memory_space<hbm>>) dst(%arg6 : memref<80x128xi32, #tpu.memory_space<vmem>>)
        tpu.yield
      }) : () -> ()
      "tpu.region"() ({
        %run_scoped3A = tpu.sem_alloc : memref<!tpu.dma_semaphore, #tpu.memory_space<semaphore_mem>>
        %dma_start3A_82 = arith.constant 0 : i32
        %dma_start3A_83 = tpu.memref_slice %arg3[%add3A_30, %dma_start3A_82] : memref<2560x128xi32, #tpu.memory_space<hbm>> -> memref<1x128xi32, #tpu.memory_space<hbm>>
        %dma_start3A_84 = tpu.memref_squeeze %dma_start3A_83 : memref<1x128xi32, #tpu.memory_space<hbm>> -> memref<128xi32, #tpu.memory_space<hbm>>
        %dma_start3A_85 = arith.constant 0 : i32
        %dma_start3A_86 = tpu.memref_slice %arg3[%add3A_30, %dma_start3A_85] : memref<2560x128xi32, #tpu.memory_space<hbm>> -> memref<1x128xi32, #tpu.memory_space<hbm>>
        %dma_start3A_87 = tpu.memref_squeeze %dma_start3A_86 : memref<1x128xi32, #tpu.memory_space<hbm>> -> memref<128xi32, #tpu.memory_space<hbm>>
        tpu.enqueue_dma source(%dma_start3A_87 : memref<128xi32, #tpu.memory_space<hbm>>) target(%arg7 : memref<128xi32, #tpu.memory_space<vmem>>) target_semaphore(%run_scoped3A : memref<!tpu.dma_semaphore, #tpu.memory_space<semaphore_mem>>)
        %dma_wait3A_88 = arith.constant 0 : i32
        %dma_wait3A_89 = tpu.memref_slice %arg3[%add3A_30, %dma_wait3A_88] : memref<2560x128xi32, #tpu.memory_space<hbm>> -> memref<1x128xi32, #tpu.memory_space<hbm>>
        %dma_wait3A_90 = tpu.memref_squeeze %dma_wait3A_89 : memref<1x128xi32, #tpu.memory_space<hbm>> -> memref<128xi32, #tpu.memory_space<hbm>>
        %dma_wait3A_91 = arith.constant 0 : i32
        %dma_wait3A_92 = tpu.memref_slice %arg3[%add3A_30, %dma_wait3A_91] : memref<2560x128xi32, #tpu.memory_space<hbm>> -> memref<1x128xi32, #tpu.memory_space<hbm>>
        %dma_wait3A_93 = tpu.memref_squeeze %dma_wait3A_92 : memref<1x128xi32, #tpu.memory_space<hbm>> -> memref<128xi32, #tpu.memory_space<hbm>>
        tpu.wait_dma2 semaphore(%run_scoped3A : memref<!tpu.dma_semaphore, #tpu.memory_space<semaphore_mem>>) src(%dma_wait3A_93 : memref<128xi32, #tpu.memory_space<hbm>>) dst(%arg7 : memref<128xi32, #tpu.memory_space<vmem>>)
        tpu.yield
      }) : () -> ()
      %dma_start3A = arith.constant 0 : i32
      %dma_start3A_31 = arith.constant 0 : i32
      %dma_start3A_32 = tpu.memref_slice %arg9[%dma_start3A, %dma_start3A_31] : memref<128x128xf32, #tpu.memory_space<vmem>> -> memref<32x128xf32, #tpu.memory_space<vmem>>
      %dma_start3A_33 = arith.constant 0 : i32
      %dma_start3A_34 = tpu.memref_slice %arg7[%dma_start3A_33] : memref<128xi32, #tpu.memory_space<vmem>> -> memref<32xi32, #tpu.memory_space<vmem>>
      %dma_start3A_35 = arith.constant 0 : i32
      %dma_start3A_36 = arith.constant 0 : i32
      %dma_start3A_37 = tpu.memref_slice %arg2[%dma_start3A_35, %dma_start3A_36] : memref<10000x128xf32, #tpu.memory_space<hbm>> -> memref<10000x128xf32, #tpu.memory_space<hbm>>
      tpu.enqueue_indirect_dma source(%dma_start3A_37 : memref<10000x128xf32, #tpu.memory_space<hbm>>) target(%dma_start3A_32 : memref<32x128xf32, #tpu.memory_space<vmem>>) offsets(%dma_start3A_34 : memref<32xi32, #tpu.memory_space<vmem>>) semaphore(%arg12 : memref<!tpu.dma_semaphore, #tpu.memory_space<semaphore_mem>>)
      %dma_start3A_38 = arith.constant 32 : i32
      %dma_start3A_39 = arith.constant 0 : i32
      %dma_start3A_40 = tpu.memref_slice %arg9[%dma_start3A_38, %dma_start3A_39] : memref<128x128xf32, #tpu.memory_space<vmem>> -> memref<32x128xf32, #tpu.memory_space<vmem>>
      %dma_start3A_41 = arith.constant 32 : i32
      %dma_start3A_42 = tpu.memref_slice %arg7[%dma_start3A_41] : memref<128xi32, #tpu.memory_space<vmem>> -> memref<32xi32, #tpu.memory_space<vmem>>
      %dma_start3A_43 = arith.constant 0 : i32
      %dma_start3A_44 = arith.constant 0 : i32
      %dma_start3A_45 = tpu.memref_slice %arg2[%dma_start3A_43, %dma_start3A_44] : memref<10000x128xf32, #tpu.memory_space<hbm>> -> memref<10000x128xf32, #tpu.memory_space<hbm>>
      tpu.enqueue_indirect_dma source(%dma_start3A_45 : memref<10000x128xf32, #tpu.memory_space<hbm>>) target(%dma_start3A_40 : memref<32x128xf32, #tpu.memory_space<vmem>>) offsets(%dma_start3A_42 : memref<32xi32, #tpu.memory_space<vmem>>) semaphore(%arg12 : memref<!tpu.dma_semaphore, #tpu.memory_space<semaphore_mem>>)
      %dma_start3A_46 = arith.constant 64 : i32
      %dma_start3A_47 = arith.constant 0 : i32
      %dma_start3A_48 = tpu.memref_slice %arg9[%dma_start3A_46, %dma_start3A_47] : memref<128x128xf32, #tpu.memory_space<vmem>> -> memref<32x128xf32, #tpu.memory_space<vmem>>
      %dma_start3A_49 = arith.constant 64 : i32
      %dma_start3A_50 = tpu.memref_slice %arg7[%dma_start3A_49] : memref<128xi32, #tpu.memory_space<vmem>> -> memref<32xi32, #tpu.memory_space<vmem>>
      %dma_start3A_51 = arith.constant 0 : i32
      %dma_start3A_52 = arith.constant 0 : i32
      %dma_start3A_53 = tpu.memref_slice %arg2[%dma_start3A_51, %dma_start3A_52] : memref<10000x128xf32, #tpu.memory_space<hbm>> -> memref<10000x128xf32, #tpu.memory_space<hbm>>
      tpu.enqueue_indirect_dma source(%dma_start3A_53 : memref<10000x128xf32, #tpu.memory_space<hbm>>) target(%dma_start3A_48 : memref<32x128xf32, #tpu.memory_space<vmem>>) offsets(%dma_start3A_50 : memref<32xi32, #tpu.memory_space<vmem>>) semaphore(%arg12 : memref<!tpu.dma_semaphore, #tpu.memory_space<semaphore_mem>>)
      %dma_start3A_54 = arith.constant 96 : i32
      %dma_start3A_55 = arith.constant 0 : i32
      %dma_start3A_56 = tpu.memref_slice %arg9[%dma_start3A_54, %dma_start3A_55] : memref<128x128xf32, #tpu.memory_space<vmem>> -> memref<32x128xf32, #tpu.memory_space<vmem>>
      %dma_start3A_57 = arith.constant 96 : i32
      %dma_start3A_58 = tpu.memref_slice %arg7[%dma_start3A_57] : memref<128xi32, #tpu.memory_space<vmem>> -> memref<32xi32, #tpu.memory_space<vmem>>
      %dma_start3A_59 = arith.constant 0 : i32
      %dma_start3A_60 = arith.constant 0 : i32
      %dma_start3A_61 = tpu.memref_slice %arg2[%dma_start3A_59, %dma_start3A_60] : memref<10000x128xf32, #tpu.memory_space<hbm>> -> memref<10000x128xf32, #tpu.memory_space<hbm>>
      tpu.enqueue_indirect_dma source(%dma_start3A_61 : memref<10000x128xf32, #tpu.memory_space<hbm>>) target(%dma_start3A_56 : memref<32x128xf32, #tpu.memory_space<vmem>>) offsets(%dma_start3A_58 : memref<32xi32, #tpu.memory_space<vmem>>) semaphore(%arg12 : memref<!tpu.dma_semaphore, #tpu.memory_space<semaphore_mem>>)
      %add3A_62 = arith.constant 1 : i32
      %add3A_63 = arith.addi %add3A_30, %add3A_62 : i32
      %dma_start3A_64 = arith.constant 0 : i32
      %dma_start3A_65 = tpu.memref_slice %arg3[%add3A_63, %dma_start3A_64] : memref<2560x128xi32, #tpu.memory_space<hbm>> -> memref<1x128xi32, #tpu.memory_space<hbm>>
      %dma_start3A_66 = tpu.memref_squeeze %dma_start3A_65 : memref<1x128xi32, #tpu.memory_space<hbm>> -> memref<128xi32, #tpu.memory_space<hbm>>
      %dma_start3A_67 = arith.constant 0 : i32
      %dma_start3A_68 = tpu.memref_slice %arg3[%add3A_63, %dma_start3A_67] : memref<2560x128xi32, #tpu.memory_space<hbm>> -> memref<1x128xi32, #tpu.memory_space<hbm>>
      %dma_start3A_69 = tpu.memref_squeeze %dma_start3A_68 : memref<1x128xi32, #tpu.memory_space<hbm>> -> memref<128xi32, #tpu.memory_space<hbm>>
      tpu.enqueue_dma source(%dma_start3A_69 : memref<128xi32, #tpu.memory_space<hbm>>) target(%arg8 : memref<128xi32, #tpu.memory_space<vmem>>) target_semaphore(%arg17 : memref<!tpu.dma_semaphore, #tpu.memory_space<semaphore_mem>>)
      %scan3A_70 = arith.constant 0 : i32
      %scan3A_71 = arith.constant 0 : i32
      %scan3A_72 = arith.constant 40 : i32
      %scan3A_73 = arith.addi %scan3A_71, %scan3A_72 : i32
      %scan3A_74 = arith.constant 1 : i32
      scf.for %scan3A_82 = %scan3A_71 to %scan3A_73 step %scan3A_74  : i32 {
        %mul3A_83 = arith.constant 2 : i32
        %mul3A_84 = arith.muli %mul3A_83, %scan3A_82 : i32
        %add3A_85 = arith.addi %add3A_30, %mul3A_84 : i32
        %dma_wait3A_86 = arith.constant 0 : i32
        %dma_wait3A_87 = arith.constant 0 : i32
        %dma_wait3A_88 = tpu.memref_slice %arg9[%dma_wait3A_86, %dma_wait3A_87] : memref<128x128xf32, #tpu.memory_space<vmem>> -> memref<32x128xf32, #tpu.memory_space<vmem>>
        %dma_wait3A_89 = arith.constant 0 : i32
        %dma_wait3A_90 = tpu.memref_slice %arg7[%dma_wait3A_89] : memref<128xi32, #tpu.memory_space<vmem>> -> memref<32xi32, #tpu.memory_space<vmem>>
        %dma_wait3A_91 = arith.constant 0 : i32
        %dma_wait3A_92 = arith.constant 0 : i32
        %dma_wait3A_93 = tpu.memref_slice %arg2[%dma_wait3A_91, %dma_wait3A_92] : memref<10000x128xf32, #tpu.memory_space<hbm>> -> memref<10000x128xf32, #tpu.memory_space<hbm>>
        tpu.wait_indirect_dma semaphore(%arg12 : memref<!tpu.dma_semaphore, #tpu.memory_space<semaphore_mem>>) src(%dma_wait3A_93 : memref<10000x128xf32, #tpu.memory_space<hbm>>) dst(%dma_wait3A_88 : memref<32x128xf32, #tpu.memory_space<vmem>>)
        %dma_wait3A_94 = arith.constant 32 : i32
        %dma_wait3A_95 = arith.constant 0 : i32
        %dma_wait3A_96 = tpu.memref_slice %arg9[%dma_wait3A_94, %dma_wait3A_95] : memref<128x128xf32, #tpu.memory_space<vmem>> -> memref<32x128xf32, #tpu.memory_space<vmem>>
        %dma_wait3A_97 = arith.constant 32 : i32
        %dma_wait3A_98 = tpu.memref_slice %arg7[%dma_wait3A_97] : memref<128xi32, #tpu.memory_space<vmem>> -> memref<32xi32, #tpu.memory_space<vmem>>
        %dma_wait3A_99 = arith.constant 0 : i32
        %dma_wait3A_100 = arith.constant 0 : i32
        %dma_wait3A_101 = tpu.memref_slice %arg2[%dma_wait3A_99, %dma_wait3A_100] : memref<10000x128xf32, #tpu.memory_space<hbm>> -> memref<10000x128xf32, #tpu.memory_space<hbm>>
        tpu.wait_indirect_dma semaphore(%arg12 : memref<!tpu.dma_semaphore, #tpu.memory_space<semaphore_mem>>) src(%dma_wait3A_101 : memref<10000x128xf32, #tpu.memory_space<hbm>>) dst(%dma_wait3A_96 : memref<32x128xf32, #tpu.memory_space<vmem>>)
        %dma_wait3A_102 = arith.constant 64 : i32
        %dma_wait3A_103 = arith.constant 0 : i32
        %dma_wait3A_104 = tpu.memref_slice %arg9[%dma_wait3A_102, %dma_wait3A_103] : memref<128x128xf32, #tpu.memory_space<vmem>> -> memref<32x128xf32, #tpu.memory_space<vmem>>
        %dma_wait3A_105 = arith.constant 64 : i32
        %dma_wait3A_106 = tpu.memref_slice %arg7[%dma_wait3A_105] : memref<128xi32, #tpu.memory_space<vmem>> -> memref<32xi32, #tpu.memory_space<vmem>>
        %dma_wait3A_107 = arith.constant 0 : i32
        %dma_wait3A_108 = arith.constant 0 : i32
        %dma_wait3A_109 = tpu.memref_slice %arg2[%dma_wait3A_107, %dma_wait3A_108] : memref<10000x128xf32, #tpu.memory_space<hbm>> -> memref<10000x128xf32, #tpu.memory_space<hbm>>
        tpu.wait_indirect_dma semaphore(%arg12 : memref<!tpu.dma_semaphore, #tpu.memory_space<semaphore_mem>>) src(%dma_wait3A_109 : memref<10000x128xf32, #tpu.memory_space<hbm>>) dst(%dma_wait3A_104 : memref<32x128xf32, #tpu.memory_space<vmem>>)
        %dma_wait3A_110 = arith.constant 96 : i32
        %dma_wait3A_111 = arith.constant 0 : i32
        %dma_wait3A_112 = tpu.memref_slice %arg9[%dma_wait3A_110, %dma_wait3A_111] : memref<128x128xf32, #tpu.memory_space<vmem>> -> memref<32x128xf32, #tpu.memory_space<vmem>>
        %dma_wait3A_113 = arith.constant 96 : i32
        %dma_wait3A_114 = tpu.memref_slice %arg7[%dma_wait3A_113] : memref<128xi32, #tpu.memory_space<vmem>> -> memref<32xi32, #tpu.memory_space<vmem>>
        %dma_wait3A_115 = arith.constant 0 : i32
        %dma_wait3A_116 = arith.constant 0 : i32
        %dma_wait3A_117 = tpu.memref_slice %arg2[%dma_wait3A_115, %dma_wait3A_116] : memref<10000x128xf32, #tpu.memory_space<hbm>> -> memref<10000x128xf32, #tpu.memory_space<hbm>>
        tpu.wait_indirect_dma semaphore(%arg12 : memref<!tpu.dma_semaphore, #tpu.memory_space<semaphore_mem>>) src(%dma_wait3A_117 : memref<10000x128xf32, #tpu.memory_space<hbm>>) dst(%dma_wait3A_112 : memref<32x128xf32, #tpu.memory_space<vmem>>)
        %dma_start3A_118 = arith.constant 0 : i32
        %dma_start3A_119 = tpu.memref_slice %arg6[%mul3A_84, %dma_start3A_118] : memref<80x128xi32, #tpu.memory_space<vmem>> -> memref<1x128xi32, #tpu.memory_space<vmem>>
        %dma_start3A_120 = tpu.memref_squeeze %dma_start3A_119 : memref<1x128xi32, #tpu.memory_space<vmem>> -> memref<128xi32, #tpu.memory_space<vmem>>
        %dma_start3A_121 = arith.constant 0 : i32
        %dma_start3A_122 = arith.constant 0 : i32
        %dma_start3A_123 = tpu.memref_slice %arg11[%dma_start3A_121, %dma_start3A_122] : memref<10240x128xf32, #tpu.memory_space<vmem_shared>> -> memref<10240x128xf32, #tpu.memory_space<vmem_shared>>
        tpu.enqueue_indirect_dma source(%arg9 : memref<128x128xf32, #tpu.memory_space<vmem>>) target(%dma_start3A_123 : memref<10240x128xf32, #tpu.memory_space<vmem_shared>>) offsets(%dma_start3A_120 : memref<128xi32, #tpu.memory_space<vmem>>) semaphore(%arg14 : memref<!tpu.dma_semaphore, #tpu.memory_space<semaphore_mem>>) {add = true}
        %add3A_124 = arith.constant 1 : i32
        %add3A_125 = arith.addi %scan3A_82, %add3A_124 : i32
        %lt3A = arith.constant 40 : i32
        %lt3A_126 = arith.cmpi slt, %add3A_125, %lt3A : i32
        %convert_element_type3A_127 = arith.extui %lt3A_126 : i1 to i32
        %cond3A_128 = arith.constant 0 : i32
        %cond3A_129 = arith.cmpi ne, %convert_element_type3A_127, %cond3A_128 : i32
        scf.if %cond3A_129 {
          %add3A_234 = arith.constant 2 : i32
          %add3A_235 = arith.addi %add3A_85, %add3A_234 : i32
          %dma_start3A_236 = arith.constant 0 : i32
          %dma_start3A_237 = tpu.memref_slice %arg3[%add3A_235, %dma_start3A_236] : memref<2560x128xi32, #tpu.memory_space<hbm>> -> memref<1x128xi32, #tpu.memory_space<hbm>>
          %dma_start3A_238 = tpu.memref_squeeze %dma_start3A_237 : memref<1x128xi32, #tpu.memory_space<hbm>> -> memref<128xi32, #tpu.memory_space<hbm>>
          %dma_start3A_239 = arith.constant 0 : i32
          %dma_start3A_240 = tpu.memref_slice %arg3[%add3A_235, %dma_start3A_239] : memref<2560x128xi32, #tpu.memory_space<hbm>> -> memref<1x128xi32, #tpu.memory_space<hbm>>
          %dma_start3A_241 = tpu.memref_squeeze %dma_start3A_240 : memref<1x128xi32, #tpu.memory_space<hbm>> -> memref<128xi32, #tpu.memory_space<hbm>>
          tpu.enqueue_dma source(%dma_start3A_241 : memref<128xi32, #tpu.memory_space<hbm>>) target(%arg7 : memref<128xi32, #tpu.memory_space<vmem>>) target_semaphore(%arg16 : memref<!tpu.dma_semaphore, #tpu.memory_space<semaphore_mem>>)
        } else {
        }
        %gt3A = arith.constant 0 : i32
        %gt3A_130 = arith.cmpi sgt, %scan3A_82, %gt3A : i32
        %convert_element_type3A_131 = arith.extui %gt3A_130 : i1 to i32
        %cond3A_132 = arith.constant 0 : i32
        %cond3A_133 = arith.cmpi ne, %convert_element_type3A_131, %cond3A_132 : i32
        scf.if %cond3A_133 {
          %dma_wait3A_234 = arith.constant 0 : i32
          %dma_wait3A_235 = tpu.memref_slice %arg6[%mul3A_84, %dma_wait3A_234] : memref<80x128xi32, #tpu.memory_space<vmem>> -> memref<1x128xi32, #tpu.memory_space<vmem>>
          %dma_wait3A_236 = tpu.memref_squeeze %dma_wait3A_235 : memref<1x128xi32, #tpu.memory_space<vmem>> -> memref<128xi32, #tpu.memory_space<vmem>>
          %dma_wait3A_237 = arith.constant 0 : i32
          %dma_wait3A_238 = arith.constant 0 : i32
          %dma_wait3A_239 = tpu.memref_slice %arg11[%dma_wait3A_237, %dma_wait3A_238] : memref<10240x128xf32, #tpu.memory_space<vmem_shared>> -> memref<10240x128xf32, #tpu.memory_space<vmem_shared>>
          tpu.wait_indirect_dma semaphore(%arg15 : memref<!tpu.dma_semaphore, #tpu.memory_space<semaphore_mem>>) src(%arg10 : memref<128x128xf32, #tpu.memory_space<vmem>>) dst(%dma_wait3A_239 : memref<10240x128xf32, #tpu.memory_space<vmem_shared>>)
        } else {
        }
        %add3A_134 = arith.constant 1 : i32
        %add3A_135 = arith.addi %add3A_85, %add3A_134 : i32
        %dma_wait3A_136 = arith.constant 0 : i32
        %dma_wait3A_137 = tpu.memref_slice %arg3[%add3A_135, %dma_wait3A_136] : memref<2560x128xi32, #tpu.memory_space<hbm>> -> memref<1x128xi32, #tpu.memory_space<hbm>>
        %dma_wait3A_138 = tpu.memref_squeeze %dma_wait3A_137 : memref<1x128xi32, #tpu.memory_space<hbm>> -> memref<128xi32, #tpu.memory_space<hbm>>
        %dma_wait3A_139 = arith.constant 0 : i32
        %dma_wait3A_140 = tpu.memref_slice %arg3[%add3A_135, %dma_wait3A_139] : memref<2560x128xi32, #tpu.memory_space<hbm>> -> memref<1x128xi32, #tpu.memory_space<hbm>>
        %dma_wait3A_141 = tpu.memref_squeeze %dma_wait3A_140 : memref<1x128xi32, #tpu.memory_space<hbm>> -> memref<128xi32, #tpu.memory_space<hbm>>
        tpu.wait_dma2 semaphore(%arg17 : memref<!tpu.dma_semaphore, #tpu.memory_space<semaphore_mem>>) src(%dma_wait3A_141 : memref<128xi32, #tpu.memory_space<hbm>>) dst(%arg8 : memref<128xi32, #tpu.memory_space<vmem>>)
        %dma_start3A_142 = arith.constant 0 : i32
        %dma_start3A_143 = arith.constant 0 : i32
        %dma_start3A_144 = tpu.memref_slice %arg10[%dma_start3A_142, %dma_start3A_143] : memref<128x128xf32, #tpu.memory_space<vmem>> -> memref<32x128xf32, #tpu.memory_space<vmem>>
        %dma_start3A_145 = arith.constant 0 : i32
        %dma_start3A_146 = tpu.memref_slice %arg8[%dma_start3A_145] : memref<128xi32, #tpu.memory_space<vmem>> -> memref<32xi32, #tpu.memory_space<vmem>>
        %dma_start3A_147 = arith.constant 0 : i32
        %dma_start3A_148 = arith.constant 0 : i32
        %dma_start3A_149 = tpu.memref_slice %arg2[%dma_start3A_147, %dma_start3A_148] : memref<10000x128xf32, #tpu.memory_space<hbm>> -> memref<10000x128xf32, #tpu.memory_space<hbm>>
        tpu.enqueue_indirect_dma source(%dma_start3A_149 : memref<10000x128xf32, #tpu.memory_space<hbm>>) target(%dma_start3A_144 : memref<32x128xf32, #tpu.memory_space<vmem>>) offsets(%dma_start3A_146 : memref<32xi32, #tpu.memory_space<vmem>>) semaphore(%arg13 : memref<!tpu.dma_semaphore, #tpu.memory_space<semaphore_mem>>)
        %dma_start3A_150 = arith.constant 32 : i32
        %dma_start3A_151 = arith.constant 0 : i32
        %dma_start3A_152 = tpu.memref_slice %arg10[%dma_start3A_150, %dma_start3A_151] : memref<128x128xf32, #tpu.memory_space<vmem>> -> memref<32x128xf32, #tpu.memory_space<vmem>>
        %dma_start3A_153 = arith.constant 32 : i32
        %dma_start3A_154 = tpu.memref_slice %arg8[%dma_start3A_153] : memref<128xi32, #tpu.memory_space<vmem>> -> memref<32xi32, #tpu.memory_space<vmem>>
        %dma_start3A_155 = arith.constant 0 : i32
        %dma_start3A_156 = arith.constant 0 : i32
        %dma_start3A_157 = tpu.memref_slice %arg2[%dma_start3A_155, %dma_start3A_156] : memref<10000x128xf32, #tpu.memory_space<hbm>> -> memref<10000x128xf32, #tpu.memory_space<hbm>>
        tpu.enqueue_indirect_dma source(%dma_start3A_157 : memref<10000x128xf32, #tpu.memory_space<hbm>>) target(%dma_start3A_152 : memref<32x128xf32, #tpu.memory_space<vmem>>) offsets(%dma_start3A_154 : memref<32xi32, #tpu.memory_space<vmem>>) semaphore(%arg13 : memref<!tpu.dma_semaphore, #tpu.memory_space<semaphore_mem>>)
        %dma_start3A_158 = arith.constant 64 : i32
        %dma_start3A_159 = arith.constant 0 : i32
        %dma_start3A_160 = tpu.memref_slice %arg10[%dma_start3A_158, %dma_start3A_159] : memref<128x128xf32, #tpu.memory_space<vmem>> -> memref<32x128xf32, #tpu.memory_space<vmem>>
        %dma_start3A_161 = arith.constant 64 : i32
        %dma_start3A_162 = tpu.memref_slice %arg8[%dma_start3A_161] : memref<128xi32, #tpu.memory_space<vmem>> -> memref<32xi32, #tpu.memory_space<vmem>>
        %dma_start3A_163 = arith.constant 0 : i32
        %dma_start3A_164 = arith.constant 0 : i32
        %dma_start3A_165 = tpu.memref_slice %arg2[%dma_start3A_163, %dma_start3A_164] : memref<10000x128xf32, #tpu.memory_space<hbm>> -> memref<10000x128xf32, #tpu.memory_space<hbm>>
        tpu.enqueue_indirect_dma source(%dma_start3A_165 : memref<10000x128xf32, #tpu.memory_space<hbm>>) target(%dma_start3A_160 : memref<32x128xf32, #tpu.memory_space<vmem>>) offsets(%dma_start3A_162 : memref<32xi32, #tpu.memory_space<vmem>>) semaphore(%arg13 : memref<!tpu.dma_semaphore, #tpu.memory_space<semaphore_mem>>)
        %dma_start3A_166 = arith.constant 96 : i32
        %dma_start3A_167 = arith.constant 0 : i32
        %dma_start3A_168 = tpu.memref_slice %arg10[%dma_start3A_166, %dma_start3A_167] : memref<128x128xf32, #tpu.memory_space<vmem>> -> memref<32x128xf32, #tpu.memory_space<vmem>>
        %dma_start3A_169 = arith.constant 96 : i32
        %dma_start3A_170 = tpu.memref_slice %arg8[%dma_start3A_169] : memref<128xi32, #tpu.memory_space<vmem>> -> memref<32xi32, #tpu.memory_space<vmem>>
        %dma_start3A_171 = arith.constant 0 : i32
        %dma_start3A_172 = arith.constant 0 : i32
        %dma_start3A_173 = tpu.memref_slice %arg2[%dma_start3A_171, %dma_start3A_172] : memref<10000x128xf32, #tpu.memory_space<hbm>> -> memref<10000x128xf32, #tpu.memory_space<hbm>>
        tpu.enqueue_indirect_dma source(%dma_start3A_173 : memref<10000x128xf32, #tpu.memory_space<hbm>>) target(%dma_start3A_168 : memref<32x128xf32, #tpu.memory_space<vmem>>) offsets(%dma_start3A_170 : memref<32xi32, #tpu.memory_space<vmem>>) semaphore(%arg13 : memref<!tpu.dma_semaphore, #tpu.memory_space<semaphore_mem>>)
        %dma_wait3A_174 = arith.constant 0 : i32
        %dma_wait3A_175 = arith.constant 0 : i32
        %dma_wait3A_176 = tpu.memref_slice %arg10[%dma_wait3A_174, %dma_wait3A_175] : memref<128x128xf32, #tpu.memory_space<vmem>> -> memref<32x128xf32, #tpu.memory_space<vmem>>
        %dma_wait3A_177 = arith.constant 0 : i32
        %dma_wait3A_178 = tpu.memref_slice %arg8[%dma_wait3A_177] : memref<128xi32, #tpu.memory_space<vmem>> -> memref<32xi32, #tpu.memory_space<vmem>>
        %dma_wait3A_179 = arith.constant 0 : i32
        %dma_wait3A_180 = arith.constant 0 : i32
        %dma_wait3A_181 = tpu.memref_slice %arg2[%dma_wait3A_179, %dma_wait3A_180] : memref<10000x128xf32, #tpu.memory_space<hbm>> -> memref<10000x128xf32, #tpu.memory_space<hbm>>
        tpu.wait_indirect_dma semaphore(%arg13 : memref<!tpu.dma_semaphore, #tpu.memory_space<semaphore_mem>>) src(%dma_wait3A_181 : memref<10000x128xf32, #tpu.memory_space<hbm>>) dst(%dma_wait3A_176 : memref<32x128xf32, #tpu.memory_space<vmem>>)
        %dma_wait3A_182 = arith.constant 32 : i32
        %dma_wait3A_183 = arith.constant 0 : i32
        %dma_wait3A_184 = tpu.memref_slice %arg10[%dma_wait3A_182, %dma_wait3A_183] : memref<128x128xf32, #tpu.memory_space<vmem>> -> memref<32x128xf32, #tpu.memory_space<vmem>>
        %dma_wait3A_185 = arith.constant 32 : i32
        %dma_wait3A_186 = tpu.memref_slice %arg8[%dma_wait3A_185] : memref<128xi32, #tpu.memory_space<vmem>> -> memref<32xi32, #tpu.memory_space<vmem>>
        %dma_wait3A_187 = arith.constant 0 : i32
        %dma_wait3A_188 = arith.constant 0 : i32
        %dma_wait3A_189 = tpu.memref_slice %arg2[%dma_wait3A_187, %dma_wait3A_188] : memref<10000x128xf32, #tpu.memory_space<hbm>> -> memref<10000x128xf32, #tpu.memory_space<hbm>>
        tpu.wait_indirect_dma semaphore(%arg13 : memref<!tpu.dma_semaphore, #tpu.memory_space<semaphore_mem>>) src(%dma_wait3A_189 : memref<10000x128xf32, #tpu.memory_space<hbm>>) dst(%dma_wait3A_184 : memref<32x128xf32, #tpu.memory_space<vmem>>)
        %dma_wait3A_190 = arith.constant 64 : i32
        %dma_wait3A_191 = arith.constant 0 : i32
        %dma_wait3A_192 = tpu.memref_slice %arg10[%dma_wait3A_190, %dma_wait3A_191] : memref<128x128xf32, #tpu.memory_space<vmem>> -> memref<32x128xf32, #tpu.memory_space<vmem>>
        %dma_wait3A_193 = arith.constant 64 : i32
        %dma_wait3A_194 = tpu.memref_slice %arg8[%dma_wait3A_193] : memref<128xi32, #tpu.memory_space<vmem>> -> memref<32xi32, #tpu.memory_space<vmem>>
        %dma_wait3A_195 = arith.constant 0 : i32
        %dma_wait3A_196 = arith.constant 0 : i32
        %dma_wait3A_197 = tpu.memref_slice %arg2[%dma_wait3A_195, %dma_wait3A_196] : memref<10000x128xf32, #tpu.memory_space<hbm>> -> memref<10000x128xf32, #tpu.memory_space<hbm>>
        tpu.wait_indirect_dma semaphore(%arg13 : memref<!tpu.dma_semaphore, #tpu.memory_space<semaphore_mem>>) src(%dma_wait3A_197 : memref<10000x128xf32, #tpu.memory_space<hbm>>) dst(%dma_wait3A_192 : memref<32x128xf32, #tpu.memory_space<vmem>>)
        %dma_wait3A_198 = arith.constant 96 : i32
        %dma_wait3A_199 = arith.constant 0 : i32
        %dma_wait3A_200 = tpu.memref_slice %arg10[%dma_wait3A_198, %dma_wait3A_199] : memref<128x128xf32, #tpu.memory_space<vmem>> -> memref<32x128xf32, #tpu.memory_space<vmem>>
        %dma_wait3A_201 = arith.constant 96 : i32
        %dma_wait3A_202 = tpu.memref_slice %arg8[%dma_wait3A_201] : memref<128xi32, #tpu.memory_space<vmem>> -> memref<32xi32, #tpu.memory_space<vmem>>
        %dma_wait3A_203 = arith.constant 0 : i32
        %dma_wait3A_204 = arith.constant 0 : i32
        %dma_wait3A_205 = tpu.memref_slice %arg2[%dma_wait3A_203, %dma_wait3A_204] : memref<10000x128xf32, #tpu.memory_space<hbm>> -> memref<10000x128xf32, #tpu.memory_space<hbm>>
        tpu.wait_indirect_dma semaphore(%arg13 : memref<!tpu.dma_semaphore, #tpu.memory_space<semaphore_mem>>) src(%dma_wait3A_205 : memref<10000x128xf32, #tpu.memory_space<hbm>>) dst(%dma_wait3A_200 : memref<32x128xf32, #tpu.memory_space<vmem>>)
        %add3A_206 = arith.constant 1 : i32
        %add3A_207 = arith.addi %mul3A_84, %add3A_206 : i32
        %dma_start3A_208 = arith.constant 0 : i32
        %dma_start3A_209 = tpu.memref_slice %arg6[%add3A_207, %dma_start3A_208] : memref<80x128xi32, #tpu.memory_space<vmem>> -> memref<1x128xi32, #tpu.memory_space<vmem>>
        %dma_start3A_210 = tpu.memref_squeeze %dma_start3A_209 : memref<1x128xi32, #tpu.memory_space<vmem>> -> memref<128xi32, #tpu.memory_space<vmem>>
        %dma_start3A_211 = arith.constant 0 : i32
        %dma_start3A_212 = arith.constant 0 : i32
        %dma_start3A_213 = tpu.memref_slice %arg11[%dma_start3A_211, %dma_start3A_212] : memref<10240x128xf32, #tpu.memory_space<vmem_shared>> -> memref<10240x128xf32, #tpu.memory_space<vmem_shared>>
        tpu.enqueue_indirect_dma source(%arg10 : memref<128x128xf32, #tpu.memory_space<vmem>>) target(%dma_start3A_213 : memref<10240x128xf32, #tpu.memory_space<vmem_shared>>) offsets(%dma_start3A_210 : memref<128xi32, #tpu.memory_space<vmem>>) semaphore(%arg15 : memref<!tpu.dma_semaphore, #tpu.memory_space<semaphore_mem>>) {add = true}
        %add3A_214 = arith.constant 1 : i32
        %add3A_215 = arith.addi %scan3A_82, %add3A_214 : i32
        %lt3A_216 = arith.constant 40 : i32
        %lt3A_217 = arith.cmpi slt, %add3A_215, %lt3A_216 : i32
        %convert_element_type3A_218 = arith.extui %lt3A_217 : i1 to i32
        %cond3A_219 = arith.constant 0 : i32
        %cond3A_220 = arith.cmpi ne, %convert_element_type3A_218, %cond3A_219 : i32
        scf.if %cond3A_220 {
          %add3A_234 = arith.constant 3 : i32
          %add3A_235 = arith.addi %add3A_85, %add3A_234 : i32
          %dma_start3A_236 = arith.constant 0 : i32
          %dma_start3A_237 = tpu.memref_slice %arg3[%add3A_235, %dma_start3A_236] : memref<2560x128xi32, #tpu.memory_space<hbm>> -> memref<1x128xi32, #tpu.memory_space<hbm>>
          %dma_start3A_238 = tpu.memref_squeeze %dma_start3A_237 : memref<1x128xi32, #tpu.memory_space<hbm>> -> memref<128xi32, #tpu.memory_space<hbm>>
          %dma_start3A_239 = arith.constant 0 : i32
          %dma_start3A_240 = tpu.memref_slice %arg3[%add3A_235, %dma_start3A_239] : memref<2560x128xi32, #tpu.memory_space<hbm>> -> memref<1x128xi32, #tpu.memory_space<hbm>>
          %dma_start3A_241 = tpu.memref_squeeze %dma_start3A_240 : memref<1x128xi32, #tpu.memory_space<hbm>> -> memref<128xi32, #tpu.memory_space<hbm>>
          tpu.enqueue_dma source(%dma_start3A_241 : memref<128xi32, #tpu.memory_space<hbm>>) target(%arg8 : memref<128xi32, #tpu.memory_space<vmem>>) target_semaphore(%arg17 : memref<!tpu.dma_semaphore, #tpu.memory_space<semaphore_mem>>)
        } else {
        }
        %dma_wait3A_221 = arith.constant 0 : i32
        %dma_wait3A_222 = tpu.memref_slice %arg6[%mul3A_84, %dma_wait3A_221] : memref<80x128xi32, #tpu.memory_space<vmem>> -> memref<1x128xi32, #tpu.memory_space<vmem>>
        %dma_wait3A_223 = tpu.memref_squeeze %dma_wait3A_222 : memref<1x128xi32, #tpu.memory_space<vmem>> -> memref<128xi32, #tpu.memory_space<vmem>>
        %dma_wait3A_224 = arith.constant 0 : i32
        %dma_wait3A_225 = arith.constant 0 : i32
        %dma_wait3A_226 = tpu.memref_slice %arg11[%dma_wait3A_224, %dma_wait3A_225] : memref<10240x128xf32, #tpu.memory_space<vmem_shared>> -> memref<10240x128xf32, #tpu.memory_space<vmem_shared>>
        tpu.wait_indirect_dma semaphore(%arg14 : memref<!tpu.dma_semaphore, #tpu.memory_space<semaphore_mem>>) src(%arg9 : memref<128x128xf32, #tpu.memory_space<vmem>>) dst(%dma_wait3A_226 : memref<10240x128xf32, #tpu.memory_space<vmem_shared>>)
        %add3A_227 = arith.constant 1 : i32
        %add3A_228 = arith.addi %scan3A_82, %add3A_227 : i32
        %lt3A_229 = arith.constant 40 : i32
        %lt3A_230 = arith.cmpi slt, %add3A_228, %lt3A_229 : i32
        %convert_element_type3A_231 = arith.extui %lt3A_230 : i1 to i32
        %cond3A_232 = arith.constant 0 : i32
        %cond3A_233 = arith.cmpi ne, %convert_element_type3A_231, %cond3A_232 : i32
        scf.if %cond3A_233 {
          %add3A_234 = arith.constant 2 : i32
          %add3A_235 = arith.addi %add3A_85, %add3A_234 : i32
          %dma_wait3A_236 = arith.constant 0 : i32
          %dma_wait3A_237 = tpu.memref_slice %arg3[%add3A_235, %dma_wait3A_236] : memref<2560x128xi32, #tpu.memory_space<hbm>> -> memref<1x128xi32, #tpu.memory_space<hbm>>
          %dma_wait3A_238 = tpu.memref_squeeze %dma_wait3A_237 : memref<1x128xi32, #tpu.memory_space<hbm>> -> memref<128xi32, #tpu.memory_space<hbm>>
          %dma_wait3A_239 = arith.constant 0 : i32
          %dma_wait3A_240 = tpu.memref_slice %arg3[%add3A_235, %dma_wait3A_239] : memref<2560x128xi32, #tpu.memory_space<hbm>> -> memref<1x128xi32, #tpu.memory_space<hbm>>
          %dma_wait3A_241 = tpu.memref_squeeze %dma_wait3A_240 : memref<1x128xi32, #tpu.memory_space<hbm>> -> memref<128xi32, #tpu.memory_space<hbm>>
          tpu.wait_dma2 semaphore(%arg16 : memref<!tpu.dma_semaphore, #tpu.memory_space<semaphore_mem>>) src(%dma_wait3A_241 : memref<128xi32, #tpu.memory_space<hbm>>) dst(%arg7 : memref<128xi32, #tpu.memory_space<vmem>>)
          %dma_start3A_242 = arith.constant 0 : i32
          %dma_start3A_243 = arith.constant 0 : i32
          %dma_start3A_244 = tpu.memref_slice %arg9[%dma_start3A_242, %dma_start3A_243] : memref<128x128xf32, #tpu.memory_space<vmem>> -> memref<32x128xf32, #tpu.memory_space<vmem>>
          %dma_start3A_245 = arith.constant 0 : i32
          %dma_start3A_246 = tpu.memref_slice %arg7[%dma_start3A_245] : memref<128xi32, #tpu.memory_space<vmem>> -> memref<32xi32, #tpu.memory_space<vmem>>
          %dma_start3A_247 = arith.constant 0 : i32
          %dma_start3A_248 = arith.constant 0 : i32
          %dma_start3A_249 = tpu.memref_slice %arg2[%dma_start3A_247, %dma_start3A_248] : memref<10000x128xf32, #tpu.memory_space<hbm>> -> memref<10000x128xf32, #tpu.memory_space<hbm>>
          tpu.enqueue_indirect_dma source(%dma_start3A_249 : memref<10000x128xf32, #tpu.memory_space<hbm>>) target(%dma_start3A_244 : memref<32x128xf32, #tpu.memory_space<vmem>>) offsets(%dma_start3A_246 : memref<32xi32, #tpu.memory_space<vmem>>) semaphore(%arg12 : memref<!tpu.dma_semaphore, #tpu.memory_space<semaphore_mem>>)
          %dma_start3A_250 = arith.constant 32 : i32
          %dma_start3A_251 = arith.constant 0 : i32
          %dma_start3A_252 = tpu.memref_slice %arg9[%dma_start3A_250, %dma_start3A_251] : memref<128x128xf32, #tpu.memory_space<vmem>> -> memref<32x128xf32, #tpu.memory_space<vmem>>
          %dma_start3A_253 = arith.constant 32 : i32
          %dma_start3A_254 = tpu.memref_slice %arg7[%dma_start3A_253] : memref<128xi32, #tpu.memory_space<vmem>> -> memref<32xi32, #tpu.memory_space<vmem>>
          %dma_start3A_255 = arith.constant 0 : i32
          %dma_start3A_256 = arith.constant 0 : i32
          %dma_start3A_257 = tpu.memref_slice %arg2[%dma_start3A_255, %dma_start3A_256] : memref<10000x128xf32, #tpu.memory_space<hbm>> -> memref<10000x128xf32, #tpu.memory_space<hbm>>
          tpu.enqueue_indirect_dma source(%dma_start3A_257 : memref<10000x128xf32, #tpu.memory_space<hbm>>) target(%dma_start3A_252 : memref<32x128xf32, #tpu.memory_space<vmem>>) offsets(%dma_start3A_254 : memref<32xi32, #tpu.memory_space<vmem>>) semaphore(%arg12 : memref<!tpu.dma_semaphore, #tpu.memory_space<semaphore_mem>>)
          %dma_start3A_258 = arith.constant 64 : i32
          %dma_start3A_259 = arith.constant 0 : i32
          %dma_start3A_260 = tpu.memref_slice %arg9[%dma_start3A_258, %dma_start3A_259] : memref<128x128xf32, #tpu.memory_space<vmem>> -> memref<32x128xf32, #tpu.memory_space<vmem>>
          %dma_start3A_261 = arith.constant 64 : i32
          %dma_start3A_262 = tpu.memref_slice %arg7[%dma_start3A_261] : memref<128xi32, #tpu.memory_space<vmem>> -> memref<32xi32, #tpu.memory_space<vmem>>
          %dma_start3A_263 = arith.constant 0 : i32
          %dma_start3A_264 = arith.constant 0 : i32
          %dma_start3A_265 = tpu.memref_slice %arg2[%dma_start3A_263, %dma_start3A_264] : memref<10000x128xf32, #tpu.memory_space<hbm>> -> memref<10000x128xf32, #tpu.memory_space<hbm>>
          tpu.enqueue_indirect_dma source(%dma_start3A_265 : memref<10000x128xf32, #tpu.memory_space<hbm>>) target(%dma_start3A_260 : memref<32x128xf32, #tpu.memory_space<vmem>>) offsets(%dma_start3A_262 : memref<32xi32, #tpu.memory_space<vmem>>) semaphore(%arg12 : memref<!tpu.dma_semaphore, #tpu.memory_space<semaphore_mem>>)
          %dma_start3A_266 = arith.constant 96 : i32
          %dma_start3A_267 = arith.constant 0 : i32
          %dma_start3A_268 = tpu.memref_slice %arg9[%dma_start3A_266, %dma_start3A_267] : memref<128x128xf32, #tpu.memory_space<vmem>> -> memref<32x128xf32, #tpu.memory_space<vmem>>
          %dma_start3A_269 = arith.constant 96 : i32
          %dma_start3A_270 = tpu.memref_slice %arg7[%dma_start3A_269] : memref<128xi32, #tpu.memory_space<vmem>> -> memref<32xi32, #tpu.memory_space<vmem>>
          %dma_start3A_271 = arith.constant 0 : i32
          %dma_start3A_272 = arith.constant 0 : i32
          %dma_start3A_273 = tpu.memref_slice %arg2[%dma_start3A_271, %dma_start3A_272] : memref<10000x128xf32, #tpu.memory_space<hbm>> -> memref<10000x128xf32, #tpu.memory_space<hbm>>
          tpu.enqueue_indirect_dma source(%dma_start3A_273 : memref<10000x128xf32, #tpu.memory_space<hbm>>) target(%dma_start3A_268 : memref<32x128xf32, #tpu.memory_space<vmem>>) offsets(%dma_start3A_270 : memref<32xi32, #tpu.memory_space<vmem>>) semaphore(%arg12 : memref<!tpu.dma_semaphore, #tpu.memory_space<semaphore_mem>>)
        } else {
        }
      }
      %scan3A_75 = arith.constant 40 : i32
      %dma_wait3A = arith.constant 0 : i32
      %dma_wait3A_76 = arith.constant 0 : i32
      %dma_wait3A_77 = tpu.memref_slice %arg6[%dma_wait3A, %dma_wait3A_76] : memref<80x128xi32, #tpu.memory_space<vmem>> -> memref<1x128xi32, #tpu.memory_space<vmem>>
      %dma_wait3A_78 = tpu.memref_squeeze %dma_wait3A_77 : memref<1x128xi32, #tpu.memory_space<vmem>> -> memref<128xi32, #tpu.memory_space<vmem>>
      %dma_wait3A_79 = arith.constant 0 : i32
      %dma_wait3A_80 = arith.constant 0 : i32
      %dma_wait3A_81 = tpu.memref_slice %arg11[%dma_wait3A_79, %dma_wait3A_80] : memref<10240x128xf32, #tpu.memory_space<vmem_shared>> -> memref<10240x128xf32, #tpu.memory_space<vmem_shared>>
      tpu.wait_indirect_dma semaphore(%arg15 : memref<!tpu.dma_semaphore, #tpu.memory_space<semaphore_mem>>) src(%arg10 : memref<128x128xf32, #tpu.memory_space<vmem>>) dst(%dma_wait3A_81 : memref<10240x128xf32, #tpu.memory_space<vmem_shared>>)
    } else {
    }
    %barrier3A_19 = arith.constant 0 : index
    tpu.barrier barrier_id(%barrier3A_19)
    %mul3A = arith.constant 624 : i32
    %mul3A_20 = arith.muli %arg1, %mul3A : i32
    %mul3A_21 = arith.constant 624 : i32
    %mul3A_22 = arith.muli %arg1, %mul3A_21 : i32
    "tpu.region"() ({
      %run_scoped3A = tpu.sem_alloc : memref<!tpu.dma_semaphore, #tpu.memory_space<semaphore_mem>>
      %dma_start3A = arith.constant 0 : i32
      %dma_start3A_28 = tpu.memref_slice %arg5[%arg0, %mul3A_22, %dma_start3A] : memref<2x10000x128xf32, #tpu.memory_space<hbm>> -> memref<1x624x128xf32, #tpu.memory_space<hbm>>
      %dma_start3A_29 = tpu.memref_squeeze %dma_start3A_28 : memref<1x624x128xf32, #tpu.memory_space<hbm>> -> memref<624x128xf32, #tpu.memory_space<hbm>>
      %dma_start3A_30 = arith.constant 0 : i32
      %dma_start3A_31 = tpu.memref_slice %arg11[%mul3A_20, %dma_start3A_30] : memref<10240x128xf32, #tpu.memory_space<vmem_shared>> -> memref<624x128xf32, #tpu.memory_space<vmem_shared>>
      tpu.enqueue_dma source(%dma_start3A_31 : memref<624x128xf32, #tpu.memory_space<vmem_shared>>) target(%dma_start3A_29 : memref<624x128xf32, #tpu.memory_space<hbm>>) target_semaphore(%run_scoped3A : memref<!tpu.dma_semaphore, #tpu.memory_space<semaphore_mem>>)
      %dma_wait3A = arith.constant 0 : i32
      %dma_wait3A_32 = tpu.memref_slice %arg5[%arg0, %mul3A_22, %dma_wait3A] : memref<2x10000x128xf32, #tpu.memory_space<hbm>> -> memref<1x624x128xf32, #tpu.memory_space<hbm>>
      %dma_wait3A_33 = tpu.memref_squeeze %dma_wait3A_32 : memref<1x624x128xf32, #tpu.memory_space<hbm>> -> memref<624x128xf32, #tpu.memory_space<hbm>>
      %dma_wait3A_34 = arith.constant 0 : i32
      %dma_wait3A_35 = tpu.memref_slice %arg11[%mul3A_20, %dma_wait3A_34] : memref<10240x128xf32, #tpu.memory_space<vmem_shared>> -> memref<624x128xf32, #tpu.memory_space<vmem_shared>>
      tpu.wait_dma2 semaphore(%run_scoped3A : memref<!tpu.dma_semaphore, #tpu.memory_space<semaphore_mem>>) src(%dma_wait3A_35 : memref<624x128xf32, #tpu.memory_space<vmem_shared>>) dst(%dma_wait3A_33 : memref<624x128xf32, #tpu.memory_space<hbm>>)
      tpu.yield
    }) : () -> ()
    %eq3A_23 = arith.constant 15 : i32
    %eq3A_24 = arith.cmpi eq, %arg1, %eq3A_23 : i32
    %convert_element_type3A_25 = arith.extui %eq3A_24 : i1 to i32
    %cond3A_26 = arith.constant 0 : i32
    %cond3A_27 = arith.cmpi ne, %convert_element_type3A_25, %cond3A_26 : i32
    scf.if %cond3A_27 {
      "tpu.region"() ({
        %run_scoped3A = tpu.sem_alloc : memref<!tpu.dma_semaphore, #tpu.memory_space<semaphore_mem>>
        %dma_start3A = arith.constant 9984 : i32
        %dma_start3A_28 = arith.constant 0 : i32
        %dma_start3A_29 = tpu.memref_slice %arg5[%arg0, %dma_start3A, %dma_start3A_28] : memref<2x10000x128xf32, #tpu.memory_space<hbm>> -> memref<1x16x128xf32, #tpu.memory_space<hbm>>
        %dma_start3A_30 = tpu.memref_squeeze %dma_start3A_29 : memref<1x16x128xf32, #tpu.memory_space<hbm>> -> memref<16x128xf32, #tpu.memory_space<hbm>>
        %dma_start3A_31 = arith.constant 9984 : i32
        %dma_start3A_32 = arith.constant 0 : i32
        %dma_start3A_33 = tpu.memref_slice %arg11[%dma_start3A_31, %dma_start3A_32] : memref<10240x128xf32, #tpu.memory_space<vmem_shared>> -> memref<16x128xf32, #tpu.memory_space<vmem_shared>>
        tpu.enqueue_dma source(%dma_start3A_33 : memref<16x128xf32, #tpu.memory_space<vmem_shared>>) target(%dma_start3A_30 : memref<16x128xf32, #tpu.memory_space<hbm>>) target_semaphore(%run_scoped3A : memref<!tpu.dma_semaphore, #tpu.memory_space<semaphore_mem>>)
        %dma_wait3A = arith.constant 9984 : i32
        %dma_wait3A_34 = arith.constant 0 : i32
        %dma_wait3A_35 = tpu.memref_slice %arg5[%arg0, %dma_wait3A, %dma_wait3A_34] : memref<2x10000x128xf32, #tpu.memory_space<hbm>> -> memref<1x16x128xf32, #tpu.memory_space<hbm>>
        %dma_wait3A_36 = tpu.memref_squeeze %dma_wait3A_35 : memref<1x16x128xf32, #tpu.memory_space<hbm>> -> memref<16x128xf32, #tpu.memory_space<hbm>>
        %dma_wait3A_37 = arith.constant 9984 : i32
        %dma_wait3A_38 = arith.constant 0 : i32
        %dma_wait3A_39 = tpu.memref_slice %arg11[%dma_wait3A_37, %dma_wait3A_38] : memref<10240x128xf32, #tpu.memory_space<vmem_shared>> -> memref<16x128xf32, #tpu.memory_space<vmem_shared>>
        tpu.wait_dma2 semaphore(%run_scoped3A : memref<!tpu.dma_semaphore, #tpu.memory_space<semaphore_mem>>) src(%dma_wait3A_39 : memref<16x128xf32, #tpu.memory_space<vmem_shared>>) dst(%dma_wait3A_36 : memref<16x128xf32, #tpu.memory_space<hbm>>)
        tpu.yield
      }) : () -> ()
    } else {
    }
    return
  }
}

#map = affine_map<(d0, d1) -> (0, 0)>
#map1 = affine_map<(d0, d1) -> (0, 0, 0)>
module attributes {stable_mosaic.version = 14 : i64} {
  func.func @k(%arg0: i32, %arg1: i32, %arg2: memref<10000x128xf32, #tpu.memory_space<hbm>>, %arg3: memref<2560x128xi32, #tpu.memory_space<hbm>>, %arg4: memref<2640x128xi32, #tpu.memory_space<hbm>>, %arg5: memref<2x10000x128xf32, #tpu.memory_space<hbm>>, %arg6: memref<80x128xi32, #tpu.memory_space<vmem>>, %arg7: memref<128xi32, #tpu.memory_space<vmem>>, %arg8: memref<128xi32, #tpu.memory_space<vmem>>, %arg9: memref<128x128xf32, #tpu.memory_space<vmem>>, %arg10: memref<128x128xf32, #tpu.memory_space<vmem>>, %arg11: memref<10240x128xf32, #tpu.memory_space<vmem_shared>>, %arg12: memref<!tpu.dma_semaphore, #tpu.memory_space<semaphore_mem>>, %arg13: memref<!tpu.dma_semaphore, #tpu.memory_space<semaphore_mem>>, %arg14: memref<!tpu.dma_semaphore, #tpu.memory_space<semaphore_mem>>, %arg15: memref<!tpu.dma_semaphore, #tpu.memory_space<semaphore_mem>>, %arg16: memref<!tpu.dma_semaphore, #tpu.memory_space<semaphore_mem>>, %arg17: memref<!tpu.dma_semaphore, #tpu.memory_space<semaphore_mem>>) attributes {dimension_semantics = [#tpu.dimension_semantics<core_parallel>, #tpu.dimension_semantics<subcore_parallel>], iteration_bounds = array<i64: 2, 16>, scalar_prefetch = 0 : i64, scratch_operands = 12 : i64, tpu.core_type = #tpu.core_type<sc_vector_subcore>, window_params = [{transform_indices = #map}, {transform_indices = #map}, {transform_indices = #map}, {transform_indices = #map1}]} {
    %broadcast_in_dim3A = arith.constant 0.000000e+00 : f32
    %broadcast_in_dim3A_0 = vector.broadcast %broadcast_in_dim3A : f32 to vector<16xf32>
    %scan3A = arith.constant 0 : i32
    %scan3A_1 = arith.constant 0 : i32
    %scan3A_2 = arith.constant 128 : i32
    %scan3A_3 = arith.addi %scan3A_1, %scan3A_2 : i32
    %scan3A_4 = arith.constant 1 : i32
    scf.for %scan3A_28 = %scan3A_1 to %scan3A_3 step %scan3A_4  : i32 {
      %swap3A = arith.index_cast %scan3A_28 : i32 to index
      %swap3A_29 = arith.constant 0 : index
      %swap3A_30 = tpu.vector_load %arg9[%swap3A, %swap3A_29] {strides = array<i32>} : memref<128x128xf32, #tpu.memory_space<vmem>>, vector<1x16xf32>,
      %swap3A_31 = vector.shape_cast %swap3A_30 : vector<1x16xf32> to vector<16xf32>
      %swap3A_32 = vector.shape_cast %broadcast_in_dim3A_0 : vector<16xf32> to vector<1x16xf32>
      tpu.vector_store %arg9[%swap3A, %swap3A_29], %swap3A_32 {strides = array<i32>} : memref<128x128xf32, #tpu.memory_space<vmem>>, vector<1x16xf32>,
      %swap3A_33 = arith.index_cast %scan3A_28 : i32 to index
      %swap3A_34 = arith.constant 16 : index
      %swap3A_35 = tpu.vector_load %arg9[%swap3A_33, %swap3A_34] {strides = array<i32>} : memref<128x128xf32, #tpu.memory_space<vmem>>, vector<1x16xf32>,
      %swap3A_36 = vector.shape_cast %swap3A_35 : vector<1x16xf32> to vector<16xf32>
      %swap3A_37 = vector.shape_cast %broadcast_in_dim3A_0 : vector<16xf32> to vector<1x16xf32>
      tpu.vector_store %arg9[%swap3A_33, %swap3A_34], %swap3A_37 {strides = array<i32>} : memref<128x128xf32, #tpu.memory_space<vmem>>, vector<1x16xf32>,
      %swap3A_38 = arith.index_cast %scan3A_28 : i32 to index
      %swap3A_39 = arith.constant 32 : index
      %swap3A_40 = tpu.vector_load %arg9[%swap3A_38, %swap3A_39] {strides = array<i32>} : memref<128x128xf32, #tpu.memory_space<vmem>>, vector<1x16xf32>,
      %swap3A_41 = vector.shape_cast %swap3A_40 : vector<1x16xf32> to vector<16xf32>
      %swap3A_42 = vector.shape_cast %broadcast_in_dim3A_0 : vector<16xf32> to vector<1x16xf32>
      tpu.vector_store %arg9[%swap3A_38, %swap3A_39], %swap3A_42 {strides = array<i32>} : memref<128x128xf32, #tpu.memory_space<vmem>>, vector<1x16xf32>,
      %swap3A_43 = arith.index_cast %scan3A_28 : i32 to index
      %swap3A_44 = arith.constant 48 : index
      %swap3A_45 = tpu.vector_load %arg9[%swap3A_43, %swap3A_44] {strides = array<i32>} : memref<128x128xf32, #tpu.memory_space<vmem>>, vector<1x16xf32>,
      %swap3A_46 = vector.shape_cast %swap3A_45 : vector<1x16xf32> to vector<16xf32>
      %swap3A_47 = vector.shape_cast %broadcast_in_dim3A_0 : vector<16xf32> to vector<1x16xf32>
      tpu.vector_store %arg9[%swap3A_43, %swap3A_44], %swap3A_47 {strides = array<i32>} : memref<128x128xf32, #tpu.memory_space<vmem>>, vector<1x16xf32>,
      %swap3A_48 = arith.index_cast %scan3A_28 : i32 to index
      %swap3A_49 = arith.constant 64 : index
      %swap3A_50 = tpu.vector_load %arg9[%swap3A_48, %swap3A_49] {strides = array<i32>} : memref<128x128xf32, #tpu.memory_space<vmem>>, vector<1x16xf32>,
      %swap3A_51 = vector.shape_cast %swap3A_50 : vector<1x16xf32> to vector<16xf32>
      %swap3A_52 = vector.shape_cast %broadcast_in_dim3A_0 : vector<16xf32> to vector<1x16xf32>
      tpu.vector_store %arg9[%swap3A_48, %swap3A_49], %swap3A_52 {strides = array<i32>} : memref<128x128xf32, #tpu.memory_space<vmem>>, vector<1x16xf32>,
      %swap3A_53 = arith.index_cast %scan3A_28 : i32 to index
      %swap3A_54 = arith.constant 80 : index
      %swap3A_55 = tpu.vector_load %arg9[%swap3A_53, %swap3A_54] {strides = array<i32>} : memref<128x128xf32, #tpu.memory_space<vmem>>, vector<1x16xf32>,
      %swap3A_56 = vector.shape_cast %swap3A_55 : vector<1x16xf32> to vector<16xf32>
      %swap3A_57 = vector.shape_cast %broadcast_in_dim3A_0 : vector<16xf32> to vector<1x16xf32>
      tpu.vector_store %arg9[%swap3A_53, %swap3A_54], %swap3A_57 {strides = array<i32>} : memref<128x128xf32, #tpu.memory_space<vmem>>, vector<1x16xf32>,
      %swap3A_58 = arith.index_cast %scan3A_28 : i32 to index
      %swap3A_59 = arith.constant 96 : index
      %swap3A_60 = tpu.vector_load %arg9[%swap3A_58, %swap3A_59] {strides = array<i32>} : memref<128x128xf32, #tpu.memory_space<vmem>>, vector<1x16xf32>,
      %swap3A_61 = vector.shape_cast %swap3A_60 : vector<1x16xf32> to vector<16xf32>
      %swap3A_62 = vector.shape_cast %broadcast_in_dim3A_0 : vector<16xf32> to vector<1x16xf32>
      tpu.vector_store %arg9[%swap3A_58, %swap3A_59], %swap3A_62 {strides = array<i32>} : memref<128x128xf32, #tpu.memory_space<vmem>>, vector<1x16xf32>,
      %swap3A_63 = arith.index_cast %scan3A_28 : i32 to index
      %swap3A_64 = arith.constant 112 : index
      %swap3A_65 = tpu.vector_load %arg9[%swap3A_63, %swap3A_64] {strides = array<i32>} : memref<128x128xf32, #tpu.memory_space<vmem>>, vector<1x16xf32>,
      %swap3A_66 = vector.shape_cast %swap3A_65 : vector<1x16xf32> to vector<16xf32>
      %swap3A_67 = vector.shape_cast %broadcast_in_dim3A_0 : vector<16xf32> to vector<1x16xf32>
      tpu.vector_store %arg9[%swap3A_63, %swap3A_64], %swap3A_67 {strides = array<i32>} : memref<128x128xf32, #tpu.memory_space<vmem>>, vector<1x16xf32>,
    }
    %scan3A_5 = arith.constant 128 : i32
    %scan3A_6 = arith.constant 0 : i32
    %scan3A_7 = arith.constant 0 : i32
    %scan3A_8 = arith.constant 5 : i32
    %scan3A_9 = arith.addi %scan3A_7, %scan3A_8 : i32
    %scan3A_10 = arith.constant 1 : i32
    scf.for %scan3A_28 = %scan3A_7 to %scan3A_9 step %scan3A_10  : i32 {
      %mul3A_29 = arith.constant 640 : i32
      %mul3A_30 = arith.muli %arg1, %mul3A_29 : i32
      %mul3A_31 = arith.constant 128 : i32
      %mul3A_32 = arith.muli %scan3A_28, %mul3A_31 : i32
      %add3A = arith.addi %mul3A_30, %mul3A_32 : i32
      "tpu.region"() ({
        %run_scoped3A = tpu.sem_alloc : memref<!tpu.dma_semaphore, #tpu.memory_space<semaphore_mem>>
        %dma_start3A = arith.constant 0 : i32
        %dma_start3A_33 = tpu.memref_slice %arg11[%add3A, %dma_start3A] : memref<10240x128xf32, #tpu.memory_space<vmem_shared>> -> memref<128x128xf32, #tpu.memory_space<vmem_shared>>
        %dma_start3A_34 = arith.constant 0 : i32
        %dma_start3A_35 = tpu.memref_slice %arg11[%add3A, %dma_start3A_34] : memref<10240x128xf32, #tpu.memory_space<vmem_shared>> -> memref<128x128xf32, #tpu.memory_space<vmem_shared>>
        tpu.enqueue_dma source(%arg9 : memref<128x128xf32, #tpu.memory_space<vmem>>) target(%dma_start3A_35 : memref<128x128xf32, #tpu.memory_space<vmem_shared>>) target_semaphore(%run_scoped3A : memref<!tpu.dma_semaphore, #tpu.memory_space<semaphore_mem>>)
        %dma_wait3A = arith.constant 0 : i32
        %dma_wait3A_36 = tpu.memref_slice %arg11[%add3A, %dma_wait3A] : memref<10240x128xf32, #tpu.memory_space<vmem_shared>> -> memref<128x128xf32, #tpu.memory_space<vmem_shared>>
        %dma_wait3A_37 = arith.constant 0 : i32
        %dma_wait3A_38 = tpu.memref_slice %arg11[%add3A, %dma_wait3A_37] : memref<10240x128xf32, #tpu.memory_space<vmem_shared>> -> memref<128x128xf32, #tpu.memory_space<vmem_shared>>
        tpu.wait_dma2 semaphore(%run_scoped3A : memref<!tpu.dma_semaphore, #tpu.memory_space<semaphore_mem>>) src(%arg9 : memref<128x128xf32, #tpu.memory_space<vmem>>) dst(%dma_wait3A_38 : memref<128x128xf32, #tpu.memory_space<vmem_shared>>)
        tpu.yield
      }) : () -> ()
    }
    %scan3A_11 = arith.constant 5 : i32
    %barrier3A = arith.constant 0 : index
    tpu.barrier barrier_id(%barrier3A)
    %eq3A = arith.constant 0 : i32
    %eq3A_12 = arith.cmpi eq, %arg0, %eq3A : i32
    %convert_element_type3A = arith.extui %eq3A_12 : i1 to i32
    %cond3A = arith.constant 0 : i32
    %cond3A_13 = arith.cmpi ne, %convert_element_type3A, %cond3A : i32
    scf.if %cond3A_13 {
      %mul3A_28 = arith.constant 80 : i32
      %mul3A_29 = arith.muli %arg1, %mul3A_28 : i32
      "tpu.region"() ({
        %run_scoped3A = tpu.sem_alloc : memref<!tpu.dma_semaphore, #tpu.memory_space<semaphore_mem>>
        %dma_start3A_80 = arith.constant 0 : i32
        %dma_start3A_81 = tpu.memref_slice %arg4[%mul3A_29, %dma_start3A_80] : memref<2640x128xi32, #tpu.memory_space<hbm>> -> memref<80x128xi32, #tpu.memory_space<hbm>>
        %dma_start3A_82 = arith.constant 0 : i32
        %dma_start3A_83 = tpu.memref_slice %arg4[%mul3A_29, %dma_start3A_82] : memref<2640x128xi32, #tpu.memory_space<hbm>> -> memref<80x128xi32, #tpu.memory_space<hbm>>
        tpu.enqueue_dma source(%dma_start3A_83 : memref<80x128xi32, #tpu.memory_space<hbm>>) target(%arg6 : memref<80x128xi32, #tpu.memory_space<vmem>>) target_semaphore(%run_scoped3A : memref<!tpu.dma_semaphore, #tpu.memory_space<semaphore_mem>>)
        %dma_wait3A_84 = arith.constant 0 : i32
        %dma_wait3A_85 = tpu.memref_slice %arg4[%mul3A_29, %dma_wait3A_84] : memref<2640x128xi32, #tpu.memory_space<hbm>> -> memref<80x128xi32, #tpu.memory_space<hbm>>
        %dma_wait3A_86 = arith.constant 0 : i32
        %dma_wait3A_87 = tpu.memref_slice %arg4[%mul3A_29, %dma_wait3A_86] : memref<2640x128xi32, #tpu.memory_space<hbm>> -> memref<80x128xi32, #tpu.memory_space<hbm>>
        tpu.wait_dma2 semaphore(%run_scoped3A : memref<!tpu.dma_semaphore, #tpu.memory_space<semaphore_mem>>) src(%dma_wait3A_87 : memref<80x128xi32, #tpu.memory_space<hbm>>) dst(%arg6 : memref<80x128xi32, #tpu.memory_space<vmem>>)
        tpu.yield
      }) : () -> ()
      "tpu.region"() ({
        %run_scoped3A = tpu.sem_alloc : memref<!tpu.dma_semaphore, #tpu.memory_space<semaphore_mem>>
        %dma_start3A_80 = arith.constant 0 : i32
        %dma_start3A_81 = tpu.memref_slice %arg3[%mul3A_29, %dma_start3A_80] : memref<2560x128xi32, #tpu.memory_space<hbm>> -> memref<1x128xi32, #tpu.memory_space<hbm>>
        %dma_start3A_82 = tpu.memref_squeeze %dma_start3A_81 : memref<1x128xi32, #tpu.memory_space<hbm>> -> memref<128xi32, #tpu.memory_space<hbm>>
        %dma_start3A_83 = arith.constant 0 : i32
        %dma_start3A_84 = tpu.memref_slice %arg3[%mul3A_29, %dma_start3A_83] : memref<2560x128xi32, #tpu.memory_space<hbm>> -> memref<1x128xi32, #tpu.memory_space<hbm>>
        %dma_start3A_85 = tpu.memref_squeeze %dma_start3A_84 : memref<1x128xi32, #tpu.memory_space<hbm>> -> memref<128xi32, #tpu.memory_space<hbm>>
        tpu.enqueue_dma source(%dma_start3A_85 : memref<128xi32, #tpu.memory_space<hbm>>) target(%arg7 : memref<128xi32, #tpu.memory_space<vmem>>) target_semaphore(%run_scoped3A : memref<!tpu.dma_semaphore, #tpu.memory_space<semaphore_mem>>)
        %dma_wait3A_86 = arith.constant 0 : i32
        %dma_wait3A_87 = tpu.memref_slice %arg3[%mul3A_29, %dma_wait3A_86] : memref<2560x128xi32, #tpu.memory_space<hbm>> -> memref<1x128xi32, #tpu.memory_space<hbm>>
        %dma_wait3A_88 = tpu.memref_squeeze %dma_wait3A_87 : memref<1x128xi32, #tpu.memory_space<hbm>> -> memref<128xi32, #tpu.memory_space<hbm>>
        %dma_wait3A_89 = arith.constant 0 : i32
        %dma_wait3A_90 = tpu.memref_slice %arg3[%mul3A_29, %dma_wait3A_89] : memref<2560x128xi32, #tpu.memory_space<hbm>> -> memref<1x128xi32, #tpu.memory_space<hbm>>
        %dma_wait3A_91 = tpu.memref_squeeze %dma_wait3A_90 : memref<1x128xi32, #tpu.memory_space<hbm>> -> memref<128xi32, #tpu.memory_space<hbm>>
        tpu.wait_dma2 semaphore(%run_scoped3A : memref<!tpu.dma_semaphore, #tpu.memory_space<semaphore_mem>>) src(%dma_wait3A_91 : memref<128xi32, #tpu.memory_space<hbm>>) dst(%arg7 : memref<128xi32, #tpu.memory_space<vmem>>)
        tpu.yield
      }) : () -> ()
      %dma_start3A = arith.constant 0 : i32
      %dma_start3A_30 = arith.constant 0 : i32
      %dma_start3A_31 = tpu.memref_slice %arg9[%dma_start3A, %dma_start3A_30] : memref<128x128xf32, #tpu.memory_space<vmem>> -> memref<32x128xf32, #tpu.memory_space<vmem>>
      %dma_start3A_32 = arith.constant 0 : i32
      %dma_start3A_33 = tpu.memref_slice %arg7[%dma_start3A_32] : memref<128xi32, #tpu.memory_space<vmem>> -> memref<32xi32, #tpu.memory_space<vmem>>
      %dma_start3A_34 = arith.constant 0 : i32
      %dma_start3A_35 = arith.constant 0 : i32
      %dma_start3A_36 = tpu.memref_slice %arg2[%dma_start3A_34, %dma_start3A_35] : memref<10000x128xf32, #tpu.memory_space<hbm>> -> memref<10000x128xf32, #tpu.memory_space<hbm>>
      tpu.enqueue_indirect_dma source(%dma_start3A_36 : memref<10000x128xf32, #tpu.memory_space<hbm>>) target(%dma_start3A_31 : memref<32x128xf32, #tpu.memory_space<vmem>>) offsets(%dma_start3A_33 : memref<32xi32, #tpu.memory_space<vmem>>) semaphore(%arg12 : memref<!tpu.dma_semaphore, #tpu.memory_space<semaphore_mem>>)
      %dma_start3A_37 = arith.constant 32 : i32
      %dma_start3A_38 = arith.constant 0 : i32
      %dma_start3A_39 = tpu.memref_slice %arg9[%dma_start3A_37, %dma_start3A_38] : memref<128x128xf32, #tpu.memory_space<vmem>> -> memref<32x128xf32, #tpu.memory_space<vmem>>
      %dma_start3A_40 = arith.constant 32 : i32
      %dma_start3A_41 = tpu.memref_slice %arg7[%dma_start3A_40] : memref<128xi32, #tpu.memory_space<vmem>> -> memref<32xi32, #tpu.memory_space<vmem>>
      %dma_start3A_42 = arith.constant 0 : i32
      %dma_start3A_43 = arith.constant 0 : i32
      %dma_start3A_44 = tpu.memref_slice %arg2[%dma_start3A_42, %dma_start3A_43] : memref<10000x128xf32, #tpu.memory_space<hbm>> -> memref<10000x128xf32, #tpu.memory_space<hbm>>
      tpu.enqueue_indirect_dma source(%dma_start3A_44 : memref<10000x128xf32, #tpu.memory_space<hbm>>) target(%dma_start3A_39 : memref<32x128xf32, #tpu.memory_space<vmem>>) offsets(%dma_start3A_41 : memref<32xi32, #tpu.memory_space<vmem>>) semaphore(%arg12 : memref<!tpu.dma_semaphore, #tpu.memory_space<semaphore_mem>>)
      %dma_start3A_45 = arith.constant 64 : i32
      %dma_start3A_46 = arith.constant 0 : i32
      %dma_start3A_47 = tpu.memref_slice %arg9[%dma_start3A_45, %dma_start3A_46] : memref<128x128xf32, #tpu.memory_space<vmem>> -> memref<32x128xf32, #tpu.memory_space<vmem>>
      %dma_start3A_48 = arith.constant 64 : i32
      %dma_start3A_49 = tpu.memref_slice %arg7[%dma_start3A_48] : memref<128xi32, #tpu.memory_space<vmem>> -> memref<32xi32, #tpu.memory_space<vmem>>
      %dma_start3A_50 = arith.constant 0 : i32
      %dma_start3A_51 = arith.constant 0 : i32
      %dma_start3A_52 = tpu.memref_slice %arg2[%dma_start3A_50, %dma_start3A_51] : memref<10000x128xf32, #tpu.memory_space<hbm>> -> memref<10000x128xf32, #tpu.memory_space<hbm>>
      tpu.enqueue_indirect_dma source(%dma_start3A_52 : memref<10000x128xf32, #tpu.memory_space<hbm>>) target(%dma_start3A_47 : memref<32x128xf32, #tpu.memory_space<vmem>>) offsets(%dma_start3A_49 : memref<32xi32, #tpu.memory_space<vmem>>) semaphore(%arg12 : memref<!tpu.dma_semaphore, #tpu.memory_space<semaphore_mem>>)
      %dma_start3A_53 = arith.constant 96 : i32
      %dma_start3A_54 = arith.constant 0 : i32
      %dma_start3A_55 = tpu.memref_slice %arg9[%dma_start3A_53, %dma_start3A_54] : memref<128x128xf32, #tpu.memory_space<vmem>> -> memref<32x128xf32, #tpu.memory_space<vmem>>
      %dma_start3A_56 = arith.constant 96 : i32
      %dma_start3A_57 = tpu.memref_slice %arg7[%dma_start3A_56] : memref<128xi32, #tpu.memory_space<vmem>> -> memref<32xi32, #tpu.memory_space<vmem>>
      %dma_start3A_58 = arith.constant 0 : i32
      %dma_start3A_59 = arith.constant 0 : i32
      %dma_start3A_60 = tpu.memref_slice %arg2[%dma_start3A_58, %dma_start3A_59] : memref<10000x128xf32, #tpu.memory_space<hbm>> -> memref<10000x128xf32, #tpu.memory_space<hbm>>
      tpu.enqueue_indirect_dma source(%dma_start3A_60 : memref<10000x128xf32, #tpu.memory_space<hbm>>) target(%dma_start3A_55 : memref<32x128xf32, #tpu.memory_space<vmem>>) offsets(%dma_start3A_57 : memref<32xi32, #tpu.memory_space<vmem>>) semaphore(%arg12 : memref<!tpu.dma_semaphore, #tpu.memory_space<semaphore_mem>>)
      %add3A = arith.constant 1 : i32
      %add3A_61 = arith.addi %mul3A_29, %add3A : i32
      %dma_start3A_62 = arith.constant 0 : i32
      %dma_start3A_63 = tpu.memref_slice %arg3[%add3A_61, %dma_start3A_62] : memref<2560x128xi32, #tpu.memory_space<hbm>> -> memref<1x128xi32, #tpu.memory_space<hbm>>
      %dma_start3A_64 = tpu.memref_squeeze %dma_start3A_63 : memref<1x128xi32, #tpu.memory_space<hbm>> -> memref<128xi32, #tpu.memory_space<hbm>>
      %dma_start3A_65 = arith.constant 0 : i32
      %dma_start3A_66 = tpu.memref_slice %arg3[%add3A_61, %dma_start3A_65] : memref<2560x128xi32, #tpu.memory_space<hbm>> -> memref<1x128xi32, #tpu.memory_space<hbm>>
      %dma_start3A_67 = tpu.memref_squeeze %dma_start3A_66 : memref<1x128xi32, #tpu.memory_space<hbm>> -> memref<128xi32, #tpu.memory_space<hbm>>
      tpu.enqueue_dma source(%dma_start3A_67 : memref<128xi32, #tpu.memory_space<hbm>>) target(%arg8 : memref<128xi32, #tpu.memory_space<vmem>>) target_semaphore(%arg17 : memref<!tpu.dma_semaphore, #tpu.memory_space<semaphore_mem>>)
      %scan3A_68 = arith.constant 0 : i32
      %scan3A_69 = arith.constant 0 : i32
      %scan3A_70 = arith.constant 40 : i32
      %scan3A_71 = arith.addi %scan3A_69, %scan3A_70 : i32
      %scan3A_72 = arith.constant 1 : i32
      scf.for %scan3A_80 = %scan3A_69 to %scan3A_71 step %scan3A_72  : i32 {
        %mul3A_81 = arith.constant 2 : i32
        %mul3A_82 = arith.muli %mul3A_81, %scan3A_80 : i32
        %add3A_83 = arith.addi %mul3A_29, %mul3A_82 : i32
        %dma_wait3A_84 = arith.constant 0 : i32
        %dma_wait3A_85 = arith.constant 0 : i32
        %dma_wait3A_86 = tpu.memref_slice %arg9[%dma_wait3A_84, %dma_wait3A_85] : memref<128x128xf32, #tpu.memory_space<vmem>> -> memref<32x128xf32, #tpu.memory_space<vmem>>
        %dma_wait3A_87 = arith.constant 0 : i32
        %dma_wait3A_88 = tpu.memref_slice %arg7[%dma_wait3A_87] : memref<128xi32, #tpu.memory_space<vmem>> -> memref<32xi32, #tpu.memory_space<vmem>>
        %dma_wait3A_89 = arith.constant 0 : i32
        %dma_wait3A_90 = arith.constant 0 : i32
        %dma_wait3A_91 = tpu.memref_slice %arg2[%dma_wait3A_89, %dma_wait3A_90] : memref<10000x128xf32, #tpu.memory_space<hbm>> -> memref<10000x128xf32, #tpu.memory_space<hbm>>
        tpu.wait_indirect_dma semaphore(%arg12 : memref<!tpu.dma_semaphore, #tpu.memory_space<semaphore_mem>>) src(%dma_wait3A_91 : memref<10000x128xf32, #tpu.memory_space<hbm>>) dst(%dma_wait3A_86 : memref<32x128xf32, #tpu.memory_space<vmem>>)
        %dma_wait3A_92 = arith.constant 32 : i32
        %dma_wait3A_93 = arith.constant 0 : i32
        %dma_wait3A_94 = tpu.memref_slice %arg9[%dma_wait3A_92, %dma_wait3A_93] : memref<128x128xf32, #tpu.memory_space<vmem>> -> memref<32x128xf32, #tpu.memory_space<vmem>>
        %dma_wait3A_95 = arith.constant 32 : i32
        %dma_wait3A_96 = tpu.memref_slice %arg7[%dma_wait3A_95] : memref<128xi32, #tpu.memory_space<vmem>> -> memref<32xi32, #tpu.memory_space<vmem>>
        %dma_wait3A_97 = arith.constant 0 : i32
        %dma_wait3A_98 = arith.constant 0 : i32
        %dma_wait3A_99 = tpu.memref_slice %arg2[%dma_wait3A_97, %dma_wait3A_98] : memref<10000x128xf32, #tpu.memory_space<hbm>> -> memref<10000x128xf32, #tpu.memory_space<hbm>>
        tpu.wait_indirect_dma semaphore(%arg12 : memref<!tpu.dma_semaphore, #tpu.memory_space<semaphore_mem>>) src(%dma_wait3A_99 : memref<10000x128xf32, #tpu.memory_space<hbm>>) dst(%dma_wait3A_94 : memref<32x128xf32, #tpu.memory_space<vmem>>)
        %dma_wait3A_100 = arith.constant 64 : i32
        %dma_wait3A_101 = arith.constant 0 : i32
        %dma_wait3A_102 = tpu.memref_slice %arg9[%dma_wait3A_100, %dma_wait3A_101] : memref<128x128xf32, #tpu.memory_space<vmem>> -> memref<32x128xf32, #tpu.memory_space<vmem>>
        %dma_wait3A_103 = arith.constant 64 : i32
        %dma_wait3A_104 = tpu.memref_slice %arg7[%dma_wait3A_103] : memref<128xi32, #tpu.memory_space<vmem>> -> memref<32xi32, #tpu.memory_space<vmem>>
        %dma_wait3A_105 = arith.constant 0 : i32
        %dma_wait3A_106 = arith.constant 0 : i32
        %dma_wait3A_107 = tpu.memref_slice %arg2[%dma_wait3A_105, %dma_wait3A_106] : memref<10000x128xf32, #tpu.memory_space<hbm>> -> memref<10000x128xf32, #tpu.memory_space<hbm>>
        tpu.wait_indirect_dma semaphore(%arg12 : memref<!tpu.dma_semaphore, #tpu.memory_space<semaphore_mem>>) src(%dma_wait3A_107 : memref<10000x128xf32, #tpu.memory_space<hbm>>) dst(%dma_wait3A_102 : memref<32x128xf32, #tpu.memory_space<vmem>>)
        %dma_wait3A_108 = arith.constant 96 : i32
        %dma_wait3A_109 = arith.constant 0 : i32
        %dma_wait3A_110 = tpu.memref_slice %arg9[%dma_wait3A_108, %dma_wait3A_109] : memref<128x128xf32, #tpu.memory_space<vmem>> -> memref<32x128xf32, #tpu.memory_space<vmem>>
        %dma_wait3A_111 = arith.constant 96 : i32
        %dma_wait3A_112 = tpu.memref_slice %arg7[%dma_wait3A_111] : memref<128xi32, #tpu.memory_space<vmem>> -> memref<32xi32, #tpu.memory_space<vmem>>
        %dma_wait3A_113 = arith.constant 0 : i32
        %dma_wait3A_114 = arith.constant 0 : i32
        %dma_wait3A_115 = tpu.memref_slice %arg2[%dma_wait3A_113, %dma_wait3A_114] : memref<10000x128xf32, #tpu.memory_space<hbm>> -> memref<10000x128xf32, #tpu.memory_space<hbm>>
        tpu.wait_indirect_dma semaphore(%arg12 : memref<!tpu.dma_semaphore, #tpu.memory_space<semaphore_mem>>) src(%dma_wait3A_115 : memref<10000x128xf32, #tpu.memory_space<hbm>>) dst(%dma_wait3A_110 : memref<32x128xf32, #tpu.memory_space<vmem>>)
        %dma_start3A_116 = arith.constant 0 : i32
        %dma_start3A_117 = tpu.memref_slice %arg6[%mul3A_82, %dma_start3A_116] : memref<80x128xi32, #tpu.memory_space<vmem>> -> memref<1x128xi32, #tpu.memory_space<vmem>>
        %dma_start3A_118 = tpu.memref_squeeze %dma_start3A_117 : memref<1x128xi32, #tpu.memory_space<vmem>> -> memref<128xi32, #tpu.memory_space<vmem>>
        %dma_start3A_119 = arith.constant 0 : i32
        %dma_start3A_120 = arith.constant 0 : i32
        %dma_start3A_121 = tpu.memref_slice %arg11[%dma_start3A_119, %dma_start3A_120] : memref<10240x128xf32, #tpu.memory_space<vmem_shared>> -> memref<10240x128xf32, #tpu.memory_space<vmem_shared>>
        tpu.enqueue_indirect_dma source(%arg9 : memref<128x128xf32, #tpu.memory_space<vmem>>) target(%dma_start3A_121 : memref<10240x128xf32, #tpu.memory_space<vmem_shared>>) offsets(%dma_start3A_118 : memref<128xi32, #tpu.memory_space<vmem>>) semaphore(%arg14 : memref<!tpu.dma_semaphore, #tpu.memory_space<semaphore_mem>>) {add = true}
        %add3A_122 = arith.constant 1 : i32
        %add3A_123 = arith.addi %scan3A_80, %add3A_122 : i32
        %lt3A = arith.constant 40 : i32
        %lt3A_124 = arith.cmpi slt, %add3A_123, %lt3A : i32
        %convert_element_type3A_125 = arith.extui %lt3A_124 : i1 to i32
        %cond3A_126 = arith.constant 0 : i32
        %cond3A_127 = arith.cmpi ne, %convert_element_type3A_125, %cond3A_126 : i32
        scf.if %cond3A_127 {
          %add3A_232 = arith.constant 2 : i32
          %add3A_233 = arith.addi %add3A_83, %add3A_232 : i32
          %dma_start3A_234 = arith.constant 0 : i32
          %dma_start3A_235 = tpu.memref_slice %arg3[%add3A_233, %dma_start3A_234] : memref<2560x128xi32, #tpu.memory_space<hbm>> -> memref<1x128xi32, #tpu.memory_space<hbm>>
          %dma_start3A_236 = tpu.memref_squeeze %dma_start3A_235 : memref<1x128xi32, #tpu.memory_space<hbm>> -> memref<128xi32, #tpu.memory_space<hbm>>
          %dma_start3A_237 = arith.constant 0 : i32
          %dma_start3A_238 = tpu.memref_slice %arg3[%add3A_233, %dma_start3A_237] : memref<2560x128xi32, #tpu.memory_space<hbm>> -> memref<1x128xi32, #tpu.memory_space<hbm>>
          %dma_start3A_239 = tpu.memref_squeeze %dma_start3A_238 : memref<1x128xi32, #tpu.memory_space<hbm>> -> memref<128xi32, #tpu.memory_space<hbm>>
          tpu.enqueue_dma source(%dma_start3A_239 : memref<128xi32, #tpu.memory_space<hbm>>) target(%arg7 : memref<128xi32, #tpu.memory_space<vmem>>) target_semaphore(%arg16 : memref<!tpu.dma_semaphore, #tpu.memory_space<semaphore_mem>>)
        } else {
        }
        %gt3A = arith.constant 0 : i32
        %gt3A_128 = arith.cmpi sgt, %scan3A_80, %gt3A : i32
        %convert_element_type3A_129 = arith.extui %gt3A_128 : i1 to i32
        %cond3A_130 = arith.constant 0 : i32
        %cond3A_131 = arith.cmpi ne, %convert_element_type3A_129, %cond3A_130 : i32
        scf.if %cond3A_131 {
          %dma_wait3A_232 = arith.constant 0 : i32
          %dma_wait3A_233 = tpu.memref_slice %arg6[%mul3A_82, %dma_wait3A_232] : memref<80x128xi32, #tpu.memory_space<vmem>> -> memref<1x128xi32, #tpu.memory_space<vmem>>
          %dma_wait3A_234 = tpu.memref_squeeze %dma_wait3A_233 : memref<1x128xi32, #tpu.memory_space<vmem>> -> memref<128xi32, #tpu.memory_space<vmem>>
          %dma_wait3A_235 = arith.constant 0 : i32
          %dma_wait3A_236 = arith.constant 0 : i32
          %dma_wait3A_237 = tpu.memref_slice %arg11[%dma_wait3A_235, %dma_wait3A_236] : memref<10240x128xf32, #tpu.memory_space<vmem_shared>> -> memref<10240x128xf32, #tpu.memory_space<vmem_shared>>
          tpu.wait_indirect_dma semaphore(%arg15 : memref<!tpu.dma_semaphore, #tpu.memory_space<semaphore_mem>>) src(%arg10 : memref<128x128xf32, #tpu.memory_space<vmem>>) dst(%dma_wait3A_237 : memref<10240x128xf32, #tpu.memory_space<vmem_shared>>)
        } else {
        }
        %add3A_132 = arith.constant 1 : i32
        %add3A_133 = arith.addi %add3A_83, %add3A_132 : i32
        %dma_wait3A_134 = arith.constant 0 : i32
        %dma_wait3A_135 = tpu.memref_slice %arg3[%add3A_133, %dma_wait3A_134] : memref<2560x128xi32, #tpu.memory_space<hbm>> -> memref<1x128xi32, #tpu.memory_space<hbm>>
        %dma_wait3A_136 = tpu.memref_squeeze %dma_wait3A_135 : memref<1x128xi32, #tpu.memory_space<hbm>> -> memref<128xi32, #tpu.memory_space<hbm>>
        %dma_wait3A_137 = arith.constant 0 : i32
        %dma_wait3A_138 = tpu.memref_slice %arg3[%add3A_133, %dma_wait3A_137] : memref<2560x128xi32, #tpu.memory_space<hbm>> -> memref<1x128xi32, #tpu.memory_space<hbm>>
        %dma_wait3A_139 = tpu.memref_squeeze %dma_wait3A_138 : memref<1x128xi32, #tpu.memory_space<hbm>> -> memref<128xi32, #tpu.memory_space<hbm>>
        tpu.wait_dma2 semaphore(%arg17 : memref<!tpu.dma_semaphore, #tpu.memory_space<semaphore_mem>>) src(%dma_wait3A_139 : memref<128xi32, #tpu.memory_space<hbm>>) dst(%arg8 : memref<128xi32, #tpu.memory_space<vmem>>)
        %dma_start3A_140 = arith.constant 0 : i32
        %dma_start3A_141 = arith.constant 0 : i32
        %dma_start3A_142 = tpu.memref_slice %arg10[%dma_start3A_140, %dma_start3A_141] : memref<128x128xf32, #tpu.memory_space<vmem>> -> memref<32x128xf32, #tpu.memory_space<vmem>>
        %dma_start3A_143 = arith.constant 0 : i32
        %dma_start3A_144 = tpu.memref_slice %arg8[%dma_start3A_143] : memref<128xi32, #tpu.memory_space<vmem>> -> memref<32xi32, #tpu.memory_space<vmem>>
        %dma_start3A_145 = arith.constant 0 : i32
        %dma_start3A_146 = arith.constant 0 : i32
        %dma_start3A_147 = tpu.memref_slice %arg2[%dma_start3A_145, %dma_start3A_146] : memref<10000x128xf32, #tpu.memory_space<hbm>> -> memref<10000x128xf32, #tpu.memory_space<hbm>>
        tpu.enqueue_indirect_dma source(%dma_start3A_147 : memref<10000x128xf32, #tpu.memory_space<hbm>>) target(%dma_start3A_142 : memref<32x128xf32, #tpu.memory_space<vmem>>) offsets(%dma_start3A_144 : memref<32xi32, #tpu.memory_space<vmem>>) semaphore(%arg13 : memref<!tpu.dma_semaphore, #tpu.memory_space<semaphore_mem>>)
        %dma_start3A_148 = arith.constant 32 : i32
        %dma_start3A_149 = arith.constant 0 : i32
        %dma_start3A_150 = tpu.memref_slice %arg10[%dma_start3A_148, %dma_start3A_149] : memref<128x128xf32, #tpu.memory_space<vmem>> -> memref<32x128xf32, #tpu.memory_space<vmem>>
        %dma_start3A_151 = arith.constant 32 : i32
        %dma_start3A_152 = tpu.memref_slice %arg8[%dma_start3A_151] : memref<128xi32, #tpu.memory_space<vmem>> -> memref<32xi32, #tpu.memory_space<vmem>>
        %dma_start3A_153 = arith.constant 0 : i32
        %dma_start3A_154 = arith.constant 0 : i32
        %dma_start3A_155 = tpu.memref_slice %arg2[%dma_start3A_153, %dma_start3A_154] : memref<10000x128xf32, #tpu.memory_space<hbm>> -> memref<10000x128xf32, #tpu.memory_space<hbm>>
        tpu.enqueue_indirect_dma source(%dma_start3A_155 : memref<10000x128xf32, #tpu.memory_space<hbm>>) target(%dma_start3A_150 : memref<32x128xf32, #tpu.memory_space<vmem>>) offsets(%dma_start3A_152 : memref<32xi32, #tpu.memory_space<vmem>>) semaphore(%arg13 : memref<!tpu.dma_semaphore, #tpu.memory_space<semaphore_mem>>)
        %dma_start3A_156 = arith.constant 64 : i32
        %dma_start3A_157 = arith.constant 0 : i32
        %dma_start3A_158 = tpu.memref_slice %arg10[%dma_start3A_156, %dma_start3A_157] : memref<128x128xf32, #tpu.memory_space<vmem>> -> memref<32x128xf32, #tpu.memory_space<vmem>>
        %dma_start3A_159 = arith.constant 64 : i32
        %dma_start3A_160 = tpu.memref_slice %arg8[%dma_start3A_159] : memref<128xi32, #tpu.memory_space<vmem>> -> memref<32xi32, #tpu.memory_space<vmem>>
        %dma_start3A_161 = arith.constant 0 : i32
        %dma_start3A_162 = arith.constant 0 : i32
        %dma_start3A_163 = tpu.memref_slice %arg2[%dma_start3A_161, %dma_start3A_162] : memref<10000x128xf32, #tpu.memory_space<hbm>> -> memref<10000x128xf32, #tpu.memory_space<hbm>>
        tpu.enqueue_indirect_dma source(%dma_start3A_163 : memref<10000x128xf32, #tpu.memory_space<hbm>>) target(%dma_start3A_158 : memref<32x128xf32, #tpu.memory_space<vmem>>) offsets(%dma_start3A_160 : memref<32xi32, #tpu.memory_space<vmem>>) semaphore(%arg13 : memref<!tpu.dma_semaphore, #tpu.memory_space<semaphore_mem>>)
        %dma_start3A_164 = arith.constant 96 : i32
        %dma_start3A_165 = arith.constant 0 : i32
        %dma_start3A_166 = tpu.memref_slice %arg10[%dma_start3A_164, %dma_start3A_165] : memref<128x128xf32, #tpu.memory_space<vmem>> -> memref<32x128xf32, #tpu.memory_space<vmem>>
        %dma_start3A_167 = arith.constant 96 : i32
        %dma_start3A_168 = tpu.memref_slice %arg8[%dma_start3A_167] : memref<128xi32, #tpu.memory_space<vmem>> -> memref<32xi32, #tpu.memory_space<vmem>>
        %dma_start3A_169 = arith.constant 0 : i32
        %dma_start3A_170 = arith.constant 0 : i32
        %dma_start3A_171 = tpu.memref_slice %arg2[%dma_start3A_169, %dma_start3A_170] : memref<10000x128xf32, #tpu.memory_space<hbm>> -> memref<10000x128xf32, #tpu.memory_space<hbm>>
        tpu.enqueue_indirect_dma source(%dma_start3A_171 : memref<10000x128xf32, #tpu.memory_space<hbm>>) target(%dma_start3A_166 : memref<32x128xf32, #tpu.memory_space<vmem>>) offsets(%dma_start3A_168 : memref<32xi32, #tpu.memory_space<vmem>>) semaphore(%arg13 : memref<!tpu.dma_semaphore, #tpu.memory_space<semaphore_mem>>)
        %dma_wait3A_172 = arith.constant 0 : i32
        %dma_wait3A_173 = arith.constant 0 : i32
        %dma_wait3A_174 = tpu.memref_slice %arg10[%dma_wait3A_172, %dma_wait3A_173] : memref<128x128xf32, #tpu.memory_space<vmem>> -> memref<32x128xf32, #tpu.memory_space<vmem>>
        %dma_wait3A_175 = arith.constant 0 : i32
        %dma_wait3A_176 = tpu.memref_slice %arg8[%dma_wait3A_175] : memref<128xi32, #tpu.memory_space<vmem>> -> memref<32xi32, #tpu.memory_space<vmem>>
        %dma_wait3A_177 = arith.constant 0 : i32
        %dma_wait3A_178 = arith.constant 0 : i32
        %dma_wait3A_179 = tpu.memref_slice %arg2[%dma_wait3A_177, %dma_wait3A_178] : memref<10000x128xf32, #tpu.memory_space<hbm>> -> memref<10000x128xf32, #tpu.memory_space<hbm>>
        tpu.wait_indirect_dma semaphore(%arg13 : memref<!tpu.dma_semaphore, #tpu.memory_space<semaphore_mem>>) src(%dma_wait3A_179 : memref<10000x128xf32, #tpu.memory_space<hbm>>) dst(%dma_wait3A_174 : memref<32x128xf32, #tpu.memory_space<vmem>>)
        %dma_wait3A_180 = arith.constant 32 : i32
        %dma_wait3A_181 = arith.constant 0 : i32
        %dma_wait3A_182 = tpu.memref_slice %arg10[%dma_wait3A_180, %dma_wait3A_181] : memref<128x128xf32, #tpu.memory_space<vmem>> -> memref<32x128xf32, #tpu.memory_space<vmem>>
        %dma_wait3A_183 = arith.constant 32 : i32
        %dma_wait3A_184 = tpu.memref_slice %arg8[%dma_wait3A_183] : memref<128xi32, #tpu.memory_space<vmem>> -> memref<32xi32, #tpu.memory_space<vmem>>
        %dma_wait3A_185 = arith.constant 0 : i32
        %dma_wait3A_186 = arith.constant 0 : i32
        %dma_wait3A_187 = tpu.memref_slice %arg2[%dma_wait3A_185, %dma_wait3A_186] : memref<10000x128xf32, #tpu.memory_space<hbm>> -> memref<10000x128xf32, #tpu.memory_space<hbm>>
        tpu.wait_indirect_dma semaphore(%arg13 : memref<!tpu.dma_semaphore, #tpu.memory_space<semaphore_mem>>) src(%dma_wait3A_187 : memref<10000x128xf32, #tpu.memory_space<hbm>>) dst(%dma_wait3A_182 : memref<32x128xf32, #tpu.memory_space<vmem>>)
        %dma_wait3A_188 = arith.constant 64 : i32
        %dma_wait3A_189 = arith.constant 0 : i32
        %dma_wait3A_190 = tpu.memref_slice %arg10[%dma_wait3A_188, %dma_wait3A_189] : memref<128x128xf32, #tpu.memory_space<vmem>> -> memref<32x128xf32, #tpu.memory_space<vmem>>
        %dma_wait3A_191 = arith.constant 64 : i32
        %dma_wait3A_192 = tpu.memref_slice %arg8[%dma_wait3A_191] : memref<128xi32, #tpu.memory_space<vmem>> -> memref<32xi32, #tpu.memory_space<vmem>>
        %dma_wait3A_193 = arith.constant 0 : i32
        %dma_wait3A_194 = arith.constant 0 : i32
        %dma_wait3A_195 = tpu.memref_slice %arg2[%dma_wait3A_193, %dma_wait3A_194] : memref<10000x128xf32, #tpu.memory_space<hbm>> -> memref<10000x128xf32, #tpu.memory_space<hbm>>
        tpu.wait_indirect_dma semaphore(%arg13 : memref<!tpu.dma_semaphore, #tpu.memory_space<semaphore_mem>>) src(%dma_wait3A_195 : memref<10000x128xf32, #tpu.memory_space<hbm>>) dst(%dma_wait3A_190 : memref<32x128xf32, #tpu.memory_space<vmem>>)
        %dma_wait3A_196 = arith.constant 96 : i32
        %dma_wait3A_197 = arith.constant 0 : i32
        %dma_wait3A_198 = tpu.memref_slice %arg10[%dma_wait3A_196, %dma_wait3A_197] : memref<128x128xf32, #tpu.memory_space<vmem>> -> memref<32x128xf32, #tpu.memory_space<vmem>>
        %dma_wait3A_199 = arith.constant 96 : i32
        %dma_wait3A_200 = tpu.memref_slice %arg8[%dma_wait3A_199] : memref<128xi32, #tpu.memory_space<vmem>> -> memref<32xi32, #tpu.memory_space<vmem>>
        %dma_wait3A_201 = arith.constant 0 : i32
        %dma_wait3A_202 = arith.constant 0 : i32
        %dma_wait3A_203 = tpu.memref_slice %arg2[%dma_wait3A_201, %dma_wait3A_202] : memref<10000x128xf32, #tpu.memory_space<hbm>> -> memref<10000x128xf32, #tpu.memory_space<hbm>>
        tpu.wait_indirect_dma semaphore(%arg13 : memref<!tpu.dma_semaphore, #tpu.memory_space<semaphore_mem>>) src(%dma_wait3A_203 : memref<10000x128xf32, #tpu.memory_space<hbm>>) dst(%dma_wait3A_198 : memref<32x128xf32, #tpu.memory_space<vmem>>)
        %add3A_204 = arith.constant 1 : i32
        %add3A_205 = arith.addi %mul3A_82, %add3A_204 : i32
        %dma_start3A_206 = arith.constant 0 : i32
        %dma_start3A_207 = tpu.memref_slice %arg6[%add3A_205, %dma_start3A_206] : memref<80x128xi32, #tpu.memory_space<vmem>> -> memref<1x128xi32, #tpu.memory_space<vmem>>
        %dma_start3A_208 = tpu.memref_squeeze %dma_start3A_207 : memref<1x128xi32, #tpu.memory_space<vmem>> -> memref<128xi32, #tpu.memory_space<vmem>>
        %dma_start3A_209 = arith.constant 0 : i32
        %dma_start3A_210 = arith.constant 0 : i32
        %dma_start3A_211 = tpu.memref_slice %arg11[%dma_start3A_209, %dma_start3A_210] : memref<10240x128xf32, #tpu.memory_space<vmem_shared>> -> memref<10240x128xf32, #tpu.memory_space<vmem_shared>>
        tpu.enqueue_indirect_dma source(%arg10 : memref<128x128xf32, #tpu.memory_space<vmem>>) target(%dma_start3A_211 : memref<10240x128xf32, #tpu.memory_space<vmem_shared>>) offsets(%dma_start3A_208 : memref<128xi32, #tpu.memory_space<vmem>>) semaphore(%arg15 : memref<!tpu.dma_semaphore, #tpu.memory_space<semaphore_mem>>) {add = true}
        %add3A_212 = arith.constant 1 : i32
        %add3A_213 = arith.addi %scan3A_80, %add3A_212 : i32
        %lt3A_214 = arith.constant 40 : i32
        %lt3A_215 = arith.cmpi slt, %add3A_213, %lt3A_214 : i32
        %convert_element_type3A_216 = arith.extui %lt3A_215 : i1 to i32
        %cond3A_217 = arith.constant 0 : i32
        %cond3A_218 = arith.cmpi ne, %convert_element_type3A_216, %cond3A_217 : i32
        scf.if %cond3A_218 {
          %add3A_232 = arith.constant 3 : i32
          %add3A_233 = arith.addi %add3A_83, %add3A_232 : i32
          %dma_start3A_234 = arith.constant 0 : i32
          %dma_start3A_235 = tpu.memref_slice %arg3[%add3A_233, %dma_start3A_234] : memref<2560x128xi32, #tpu.memory_space<hbm>> -> memref<1x128xi32, #tpu.memory_space<hbm>>
          %dma_start3A_236 = tpu.memref_squeeze %dma_start3A_235 : memref<1x128xi32, #tpu.memory_space<hbm>> -> memref<128xi32, #tpu.memory_space<hbm>>
          %dma_start3A_237 = arith.constant 0 : i32
          %dma_start3A_238 = tpu.memref_slice %arg3[%add3A_233, %dma_start3A_237] : memref<2560x128xi32, #tpu.memory_space<hbm>> -> memref<1x128xi32, #tpu.memory_space<hbm>>
          %dma_start3A_239 = tpu.memref_squeeze %dma_start3A_238 : memref<1x128xi32, #tpu.memory_space<hbm>> -> memref<128xi32, #tpu.memory_space<hbm>>
          tpu.enqueue_dma source(%dma_start3A_239 : memref<128xi32, #tpu.memory_space<hbm>>) target(%arg8 : memref<128xi32, #tpu.memory_space<vmem>>) target_semaphore(%arg17 : memref<!tpu.dma_semaphore, #tpu.memory_space<semaphore_mem>>)
        } else {
        }
        %dma_wait3A_219 = arith.constant 0 : i32
        %dma_wait3A_220 = tpu.memref_slice %arg6[%mul3A_82, %dma_wait3A_219] : memref<80x128xi32, #tpu.memory_space<vmem>> -> memref<1x128xi32, #tpu.memory_space<vmem>>
        %dma_wait3A_221 = tpu.memref_squeeze %dma_wait3A_220 : memref<1x128xi32, #tpu.memory_space<vmem>> -> memref<128xi32, #tpu.memory_space<vmem>>
        %dma_wait3A_222 = arith.constant 0 : i32
        %dma_wait3A_223 = arith.constant 0 : i32
        %dma_wait3A_224 = tpu.memref_slice %arg11[%dma_wait3A_222, %dma_wait3A_223] : memref<10240x128xf32, #tpu.memory_space<vmem_shared>> -> memref<10240x128xf32, #tpu.memory_space<vmem_shared>>
        tpu.wait_indirect_dma semaphore(%arg14 : memref<!tpu.dma_semaphore, #tpu.memory_space<semaphore_mem>>) src(%arg9 : memref<128x128xf32, #tpu.memory_space<vmem>>) dst(%dma_wait3A_224 : memref<10240x128xf32, #tpu.memory_space<vmem_shared>>)
        %add3A_225 = arith.constant 1 : i32
        %add3A_226 = arith.addi %scan3A_80, %add3A_225 : i32
        %lt3A_227 = arith.constant 40 : i32
        %lt3A_228 = arith.cmpi slt, %add3A_226, %lt3A_227 : i32
        %convert_element_type3A_229 = arith.extui %lt3A_228 : i1 to i32
        %cond3A_230 = arith.constant 0 : i32
        %cond3A_231 = arith.cmpi ne, %convert_element_type3A_229, %cond3A_230 : i32
        scf.if %cond3A_231 {
          %add3A_232 = arith.constant 2 : i32
          %add3A_233 = arith.addi %add3A_83, %add3A_232 : i32
          %dma_wait3A_234 = arith.constant 0 : i32
          %dma_wait3A_235 = tpu.memref_slice %arg3[%add3A_233, %dma_wait3A_234] : memref<2560x128xi32, #tpu.memory_space<hbm>> -> memref<1x128xi32, #tpu.memory_space<hbm>>
          %dma_wait3A_236 = tpu.memref_squeeze %dma_wait3A_235 : memref<1x128xi32, #tpu.memory_space<hbm>> -> memref<128xi32, #tpu.memory_space<hbm>>
          %dma_wait3A_237 = arith.constant 0 : i32
          %dma_wait3A_238 = tpu.memref_slice %arg3[%add3A_233, %dma_wait3A_237] : memref<2560x128xi32, #tpu.memory_space<hbm>> -> memref<1x128xi32, #tpu.memory_space<hbm>>
          %dma_wait3A_239 = tpu.memref_squeeze %dma_wait3A_238 : memref<1x128xi32, #tpu.memory_space<hbm>> -> memref<128xi32, #tpu.memory_space<hbm>>
          tpu.wait_dma2 semaphore(%arg16 : memref<!tpu.dma_semaphore, #tpu.memory_space<semaphore_mem>>) src(%dma_wait3A_239 : memref<128xi32, #tpu.memory_space<hbm>>) dst(%arg7 : memref<128xi32, #tpu.memory_space<vmem>>)
          %dma_start3A_240 = arith.constant 0 : i32
          %dma_start3A_241 = arith.constant 0 : i32
          %dma_start3A_242 = tpu.memref_slice %arg9[%dma_start3A_240, %dma_start3A_241] : memref<128x128xf32, #tpu.memory_space<vmem>> -> memref<32x128xf32, #tpu.memory_space<vmem>>
          %dma_start3A_243 = arith.constant 0 : i32
          %dma_start3A_244 = tpu.memref_slice %arg7[%dma_start3A_243] : memref<128xi32, #tpu.memory_space<vmem>> -> memref<32xi32, #tpu.memory_space<vmem>>
          %dma_start3A_245 = arith.constant 0 : i32
          %dma_start3A_246 = arith.constant 0 : i32
          %dma_start3A_247 = tpu.memref_slice %arg2[%dma_start3A_245, %dma_start3A_246] : memref<10000x128xf32, #tpu.memory_space<hbm>> -> memref<10000x128xf32, #tpu.memory_space<hbm>>
          tpu.enqueue_indirect_dma source(%dma_start3A_247 : memref<10000x128xf32, #tpu.memory_space<hbm>>) target(%dma_start3A_242 : memref<32x128xf32, #tpu.memory_space<vmem>>) offsets(%dma_start3A_244 : memref<32xi32, #tpu.memory_space<vmem>>) semaphore(%arg12 : memref<!tpu.dma_semaphore, #tpu.memory_space<semaphore_mem>>)
          %dma_start3A_248 = arith.constant 32 : i32
          %dma_start3A_249 = arith.constant 0 : i32
          %dma_start3A_250 = tpu.memref_slice %arg9[%dma_start3A_248, %dma_start3A_249] : memref<128x128xf32, #tpu.memory_space<vmem>> -> memref<32x128xf32, #tpu.memory_space<vmem>>
          %dma_start3A_251 = arith.constant 32 : i32
          %dma_start3A_252 = tpu.memref_slice %arg7[%dma_start3A_251] : memref<128xi32, #tpu.memory_space<vmem>> -> memref<32xi32, #tpu.memory_space<vmem>>
          %dma_start3A_253 = arith.constant 0 : i32
          %dma_start3A_254 = arith.constant 0 : i32
          %dma_start3A_255 = tpu.memref_slice %arg2[%dma_start3A_253, %dma_start3A_254] : memref<10000x128xf32, #tpu.memory_space<hbm>> -> memref<10000x128xf32, #tpu.memory_space<hbm>>
          tpu.enqueue_indirect_dma source(%dma_start3A_255 : memref<10000x128xf32, #tpu.memory_space<hbm>>) target(%dma_start3A_250 : memref<32x128xf32, #tpu.memory_space<vmem>>) offsets(%dma_start3A_252 : memref<32xi32, #tpu.memory_space<vmem>>) semaphore(%arg12 : memref<!tpu.dma_semaphore, #tpu.memory_space<semaphore_mem>>)
          %dma_start3A_256 = arith.constant 64 : i32
          %dma_start3A_257 = arith.constant 0 : i32
          %dma_start3A_258 = tpu.memref_slice %arg9[%dma_start3A_256, %dma_start3A_257] : memref<128x128xf32, #tpu.memory_space<vmem>> -> memref<32x128xf32, #tpu.memory_space<vmem>>
          %dma_start3A_259 = arith.constant 64 : i32
          %dma_start3A_260 = tpu.memref_slice %arg7[%dma_start3A_259] : memref<128xi32, #tpu.memory_space<vmem>> -> memref<32xi32, #tpu.memory_space<vmem>>
          %dma_start3A_261 = arith.constant 0 : i32
          %dma_start3A_262 = arith.constant 0 : i32
          %dma_start3A_263 = tpu.memref_slice %arg2[%dma_start3A_261, %dma_start3A_262] : memref<10000x128xf32, #tpu.memory_space<hbm>> -> memref<10000x128xf32, #tpu.memory_space<hbm>>
          tpu.enqueue_indirect_dma source(%dma_start3A_263 : memref<10000x128xf32, #tpu.memory_space<hbm>>) target(%dma_start3A_258 : memref<32x128xf32, #tpu.memory_space<vmem>>) offsets(%dma_start3A_260 : memref<32xi32, #tpu.memory_space<vmem>>) semaphore(%arg12 : memref<!tpu.dma_semaphore, #tpu.memory_space<semaphore_mem>>)
          %dma_start3A_264 = arith.constant 96 : i32
          %dma_start3A_265 = arith.constant 0 : i32
          %dma_start3A_266 = tpu.memref_slice %arg9[%dma_start3A_264, %dma_start3A_265] : memref<128x128xf32, #tpu.memory_space<vmem>> -> memref<32x128xf32, #tpu.memory_space<vmem>>
          %dma_start3A_267 = arith.constant 96 : i32
          %dma_start3A_268 = tpu.memref_slice %arg7[%dma_start3A_267] : memref<128xi32, #tpu.memory_space<vmem>> -> memref<32xi32, #tpu.memory_space<vmem>>
          %dma_start3A_269 = arith.constant 0 : i32
          %dma_start3A_270 = arith.constant 0 : i32
          %dma_start3A_271 = tpu.memref_slice %arg2[%dma_start3A_269, %dma_start3A_270] : memref<10000x128xf32, #tpu.memory_space<hbm>> -> memref<10000x128xf32, #tpu.memory_space<hbm>>
          tpu.enqueue_indirect_dma source(%dma_start3A_271 : memref<10000x128xf32, #tpu.memory_space<hbm>>) target(%dma_start3A_266 : memref<32x128xf32, #tpu.memory_space<vmem>>) offsets(%dma_start3A_268 : memref<32xi32, #tpu.memory_space<vmem>>) semaphore(%arg12 : memref<!tpu.dma_semaphore, #tpu.memory_space<semaphore_mem>>)
        } else {
        }
      }
      %scan3A_73 = arith.constant 40 : i32
      %dma_wait3A = arith.constant 0 : i32
      %dma_wait3A_74 = arith.constant 0 : i32
      %dma_wait3A_75 = tpu.memref_slice %arg6[%dma_wait3A, %dma_wait3A_74] : memref<80x128xi32, #tpu.memory_space<vmem>> -> memref<1x128xi32, #tpu.memory_space<vmem>>
      %dma_wait3A_76 = tpu.memref_squeeze %dma_wait3A_75 : memref<1x128xi32, #tpu.memory_space<vmem>> -> memref<128xi32, #tpu.memory_space<vmem>>
      %dma_wait3A_77 = arith.constant 0 : i32
      %dma_wait3A_78 = arith.constant 0 : i32
      %dma_wait3A_79 = tpu.memref_slice %arg11[%dma_wait3A_77, %dma_wait3A_78] : memref<10240x128xf32, #tpu.memory_space<vmem_shared>> -> memref<10240x128xf32, #tpu.memory_space<vmem_shared>>
      tpu.wait_indirect_dma semaphore(%arg15 : memref<!tpu.dma_semaphore, #tpu.memory_space<semaphore_mem>>) src(%arg10 : memref<128x128xf32, #tpu.memory_space<vmem>>) dst(%dma_wait3A_79 : memref<10240x128xf32, #tpu.memory_space<vmem_shared>>)
    } else {
    }
    %eq3A_14 = arith.constant 1 : i32
    %eq3A_15 = arith.cmpi eq, %arg0, %eq3A_14 : i32
    %convert_element_type3A_16 = arith.extui %eq3A_15 : i1 to i32
    %cond3A_17 = arith.constant 0 : i32
    %cond3A_18 = arith.cmpi ne, %convert_element_type3A_16, %cond3A_17 : i32
    scf.if %cond3A_18 {
      %mul3A_28 = arith.constant 80 : i32
      %mul3A_29 = arith.muli %arg1, %mul3A_28 : i32
      %add3A = arith.constant 1280 : i32
      %add3A_30 = arith.addi %add3A, %mul3A_29 : i32
      "tpu.region"() ({
        %run_scoped3A = tpu.sem_alloc : memref<!tpu.dma_semaphore, #tpu.memory_space<semaphore_mem>>
        %dma_start3A_82 = arith.constant 0 : i32
        %dma_start3A_83 = tpu.memref_slice %arg4[%add3A_30, %dma_start3A_82] : memref<2640x128xi32, #tpu.memory_space<hbm>> -> memref<80x128xi32, #tpu.memory_space<hbm>>
        %dma_start3A_84 = arith.constant 0 : i32
        %dma_start3A_85 = tpu.memref_slice %arg4[%add3A_30, %dma_start3A_84] : memref<2640x128xi32, #tpu.memory_space<hbm>> -> memref<80x128xi32, #tpu.memory_space<hbm>>
        tpu.enqueue_dma source(%dma_start3A_85 : memref<80x128xi32, #tpu.memory_space<hbm>>) target(%arg6 : memref<80x128xi32, #tpu.memory_space<vmem>>) target_semaphore(%run_scoped3A : memref<!tpu.dma_semaphore, #tpu.memory_space<semaphore_mem>>)
        %dma_wait3A_86 = arith.constant 0 : i32
        %dma_wait3A_87 = tpu.memref_slice %arg4[%add3A_30, %dma_wait3A_86] : memref<2640x128xi32, #tpu.memory_space<hbm>> -> memref<80x128xi32, #tpu.memory_space<hbm>>
        %dma_wait3A_88 = arith.constant 0 : i32
        %dma_wait3A_89 = tpu.memref_slice %arg4[%add3A_30, %dma_wait3A_88] : memref<2640x128xi32, #tpu.memory_space<hbm>> -> memref<80x128xi32, #tpu.memory_space<hbm>>
        tpu.wait_dma2 semaphore(%run_scoped3A : memref<!tpu.dma_semaphore, #tpu.memory_space<semaphore_mem>>) src(%dma_wait3A_89 : memref<80x128xi32, #tpu.memory_space<hbm>>) dst(%arg6 : memref<80x128xi32, #tpu.memory_space<vmem>>)
        tpu.yield
      }) : () -> ()
      "tpu.region"() ({
        %run_scoped3A = tpu.sem_alloc : memref<!tpu.dma_semaphore, #tpu.memory_space<semaphore_mem>>
        %dma_start3A_82 = arith.constant 0 : i32
        %dma_start3A_83 = tpu.memref_slice %arg3[%add3A_30, %dma_start3A_82] : memref<2560x128xi32, #tpu.memory_space<hbm>> -> memref<1x128xi32, #tpu.memory_space<hbm>>
        %dma_start3A_84 = tpu.memref_squeeze %dma_start3A_83 : memref<1x128xi32, #tpu.memory_space<hbm>> -> memref<128xi32, #tpu.memory_space<hbm>>
        %dma_start3A_85 = arith.constant 0 : i32
        %dma_start3A_86 = tpu.memref_slice %arg3[%add3A_30, %dma_start3A_85] : memref<2560x128xi32, #tpu.memory_space<hbm>> -> memref<1x128xi32, #tpu.memory_space<hbm>>
        %dma_start3A_87 = tpu.memref_squeeze %dma_start3A_86 : memref<1x128xi32, #tpu.memory_space<hbm>> -> memref<128xi32, #tpu.memory_space<hbm>>
        tpu.enqueue_dma source(%dma_start3A_87 : memref<128xi32, #tpu.memory_space<hbm>>) target(%arg7 : memref<128xi32, #tpu.memory_space<vmem>>) target_semaphore(%run_scoped3A : memref<!tpu.dma_semaphore, #tpu.memory_space<semaphore_mem>>)
        %dma_wait3A_88 = arith.constant 0 : i32
        %dma_wait3A_89 = tpu.memref_slice %arg3[%add3A_30, %dma_wait3A_88] : memref<2560x128xi32, #tpu.memory_space<hbm>> -> memref<1x128xi32, #tpu.memory_space<hbm>>
        %dma_wait3A_90 = tpu.memref_squeeze %dma_wait3A_89 : memref<1x128xi32, #tpu.memory_space<hbm>> -> memref<128xi32, #tpu.memory_space<hbm>>
        %dma_wait3A_91 = arith.constant 0 : i32
        %dma_wait3A_92 = tpu.memref_slice %arg3[%add3A_30, %dma_wait3A_91] : memref<2560x128xi32, #tpu.memory_space<hbm>> -> memref<1x128xi32, #tpu.memory_space<hbm>>
        %dma_wait3A_93 = tpu.memref_squeeze %dma_wait3A_92 : memref<1x128xi32, #tpu.memory_space<hbm>> -> memref<128xi32, #tpu.memory_space<hbm>>
        tpu.wait_dma2 semaphore(%run_scoped3A : memref<!tpu.dma_semaphore, #tpu.memory_space<semaphore_mem>>) src(%dma_wait3A_93 : memref<128xi32, #tpu.memory_space<hbm>>) dst(%arg7 : memref<128xi32, #tpu.memory_space<vmem>>)
        tpu.yield
      }) : () -> ()
      %dma_start3A = arith.constant 0 : i32
      %dma_start3A_31 = arith.constant 0 : i32
      %dma_start3A_32 = tpu.memref_slice %arg9[%dma_start3A, %dma_start3A_31] : memref<128x128xf32, #tpu.memory_space<vmem>> -> memref<32x128xf32, #tpu.memory_space<vmem>>
      %dma_start3A_33 = arith.constant 0 : i32
      %dma_start3A_34 = tpu.memref_slice %arg7[%dma_start3A_33] : memref<128xi32, #tpu.memory_space<vmem>> -> memref<32xi32, #tpu.memory_space<vmem>>
      %dma_start3A_35 = arith.constant 0 : i32
      %dma_start3A_36 = arith.constant 0 : i32
      %dma_start3A_37 = tpu.memref_slice %arg2[%dma_start3A_35, %dma_start3A_36] : memref<10000x128xf32, #tpu.memory_space<hbm>> -> memref<10000x128xf32, #tpu.memory_space<hbm>>
      tpu.enqueue_indirect_dma source(%dma_start3A_37 : memref<10000x128xf32, #tpu.memory_space<hbm>>) target(%dma_start3A_32 : memref<32x128xf32, #tpu.memory_space<vmem>>) offsets(%dma_start3A_34 : memref<32xi32, #tpu.memory_space<vmem>>) semaphore(%arg12 : memref<!tpu.dma_semaphore, #tpu.memory_space<semaphore_mem>>)
      %dma_start3A_38 = arith.constant 32 : i32
      %dma_start3A_39 = arith.constant 0 : i32
      %dma_start3A_40 = tpu.memref_slice %arg9[%dma_start3A_38, %dma_start3A_39] : memref<128x128xf32, #tpu.memory_space<vmem>> -> memref<32x128xf32, #tpu.memory_space<vmem>>
      %dma_start3A_41 = arith.constant 32 : i32
      %dma_start3A_42 = tpu.memref_slice %arg7[%dma_start3A_41] : memref<128xi32, #tpu.memory_space<vmem>> -> memref<32xi32, #tpu.memory_space<vmem>>
      %dma_start3A_43 = arith.constant 0 : i32
      %dma_start3A_44 = arith.constant 0 : i32
      %dma_start3A_45 = tpu.memref_slice %arg2[%dma_start3A_43, %dma_start3A_44] : memref<10000x128xf32, #tpu.memory_space<hbm>> -> memref<10000x128xf32, #tpu.memory_space<hbm>>
      tpu.enqueue_indirect_dma source(%dma_start3A_45 : memref<10000x128xf32, #tpu.memory_space<hbm>>) target(%dma_start3A_40 : memref<32x128xf32, #tpu.memory_space<vmem>>) offsets(%dma_start3A_42 : memref<32xi32, #tpu.memory_space<vmem>>) semaphore(%arg12 : memref<!tpu.dma_semaphore, #tpu.memory_space<semaphore_mem>>)
      %dma_start3A_46 = arith.constant 64 : i32
      %dma_start3A_47 = arith.constant 0 : i32
      %dma_start3A_48 = tpu.memref_slice %arg9[%dma_start3A_46, %dma_start3A_47] : memref<128x128xf32, #tpu.memory_space<vmem>> -> memref<32x128xf32, #tpu.memory_space<vmem>>
      %dma_start3A_49 = arith.constant 64 : i32
      %dma_start3A_50 = tpu.memref_slice %arg7[%dma_start3A_49] : memref<128xi32, #tpu.memory_space<vmem>> -> memref<32xi32, #tpu.memory_space<vmem>>
      %dma_start3A_51 = arith.constant 0 : i32
      %dma_start3A_52 = arith.constant 0 : i32
      %dma_start3A_53 = tpu.memref_slice %arg2[%dma_start3A_51, %dma_start3A_52] : memref<10000x128xf32, #tpu.memory_space<hbm>> -> memref<10000x128xf32, #tpu.memory_space<hbm>>
      tpu.enqueue_indirect_dma source(%dma_start3A_53 : memref<10000x128xf32, #tpu.memory_space<hbm>>) target(%dma_start3A_48 : memref<32x128xf32, #tpu.memory_space<vmem>>) offsets(%dma_start3A_50 : memref<32xi32, #tpu.memory_space<vmem>>) semaphore(%arg12 : memref<!tpu.dma_semaphore, #tpu.memory_space<semaphore_mem>>)
      %dma_start3A_54 = arith.constant 96 : i32
      %dma_start3A_55 = arith.constant 0 : i32
      %dma_start3A_56 = tpu.memref_slice %arg9[%dma_start3A_54, %dma_start3A_55] : memref<128x128xf32, #tpu.memory_space<vmem>> -> memref<32x128xf32, #tpu.memory_space<vmem>>
      %dma_start3A_57 = arith.constant 96 : i32
      %dma_start3A_58 = tpu.memref_slice %arg7[%dma_start3A_57] : memref<128xi32, #tpu.memory_space<vmem>> -> memref<32xi32, #tpu.memory_space<vmem>>
      %dma_start3A_59 = arith.constant 0 : i32
      %dma_start3A_60 = arith.constant 0 : i32
      %dma_start3A_61 = tpu.memref_slice %arg2[%dma_start3A_59, %dma_start3A_60] : memref<10000x128xf32, #tpu.memory_space<hbm>> -> memref<10000x128xf32, #tpu.memory_space<hbm>>
      tpu.enqueue_indirect_dma source(%dma_start3A_61 : memref<10000x128xf32, #tpu.memory_space<hbm>>) target(%dma_start3A_56 : memref<32x128xf32, #tpu.memory_space<vmem>>) offsets(%dma_start3A_58 : memref<32xi32, #tpu.memory_space<vmem>>) semaphore(%arg12 : memref<!tpu.dma_semaphore, #tpu.memory_space<semaphore_mem>>)
      %add3A_62 = arith.constant 1 : i32
      %add3A_63 = arith.addi %add3A_30, %add3A_62 : i32
      %dma_start3A_64 = arith.constant 0 : i32
      %dma_start3A_65 = tpu.memref_slice %arg3[%add3A_63, %dma_start3A_64] : memref<2560x128xi32, #tpu.memory_space<hbm>> -> memref<1x128xi32, #tpu.memory_space<hbm>>
      %dma_start3A_66 = tpu.memref_squeeze %dma_start3A_65 : memref<1x128xi32, #tpu.memory_space<hbm>> -> memref<128xi32, #tpu.memory_space<hbm>>
      %dma_start3A_67 = arith.constant 0 : i32
      %dma_start3A_68 = tpu.memref_slice %arg3[%add3A_63, %dma_start3A_67] : memref<2560x128xi32, #tpu.memory_space<hbm>> -> memref<1x128xi32, #tpu.memory_space<hbm>>
      %dma_start3A_69 = tpu.memref_squeeze %dma_start3A_68 : memref<1x128xi32, #tpu.memory_space<hbm>> -> memref<128xi32, #tpu.memory_space<hbm>>
      tpu.enqueue_dma source(%dma_start3A_69 : memref<128xi32, #tpu.memory_space<hbm>>) target(%arg8 : memref<128xi32, #tpu.memory_space<vmem>>) target_semaphore(%arg17 : memref<!tpu.dma_semaphore, #tpu.memory_space<semaphore_mem>>)
      %scan3A_70 = arith.constant 0 : i32
      %scan3A_71 = arith.constant 0 : i32
      %scan3A_72 = arith.constant 40 : i32
      %scan3A_73 = arith.addi %scan3A_71, %scan3A_72 : i32
      %scan3A_74 = arith.constant 1 : i32
      scf.for %scan3A_82 = %scan3A_71 to %scan3A_73 step %scan3A_74  : i32 {
        %mul3A_83 = arith.constant 2 : i32
        %mul3A_84 = arith.muli %mul3A_83, %scan3A_82 : i32
        %add3A_85 = arith.addi %add3A_30, %mul3A_84 : i32
        %dma_wait3A_86 = arith.constant 0 : i32
        %dma_wait3A_87 = arith.constant 0 : i32
        %dma_wait3A_88 = tpu.memref_slice %arg9[%dma_wait3A_86, %dma_wait3A_87] : memref<128x128xf32, #tpu.memory_space<vmem>> -> memref<32x128xf32, #tpu.memory_space<vmem>>
        %dma_wait3A_89 = arith.constant 0 : i32
        %dma_wait3A_90 = tpu.memref_slice %arg7[%dma_wait3A_89] : memref<128xi32, #tpu.memory_space<vmem>> -> memref<32xi32, #tpu.memory_space<vmem>>
        %dma_wait3A_91 = arith.constant 0 : i32
        %dma_wait3A_92 = arith.constant 0 : i32
        %dma_wait3A_93 = tpu.memref_slice %arg2[%dma_wait3A_91, %dma_wait3A_92] : memref<10000x128xf32, #tpu.memory_space<hbm>> -> memref<10000x128xf32, #tpu.memory_space<hbm>>
        tpu.wait_indirect_dma semaphore(%arg12 : memref<!tpu.dma_semaphore, #tpu.memory_space<semaphore_mem>>) src(%dma_wait3A_93 : memref<10000x128xf32, #tpu.memory_space<hbm>>) dst(%dma_wait3A_88 : memref<32x128xf32, #tpu.memory_space<vmem>>)
        %dma_wait3A_94 = arith.constant 32 : i32
        %dma_wait3A_95 = arith.constant 0 : i32
        %dma_wait3A_96 = tpu.memref_slice %arg9[%dma_wait3A_94, %dma_wait3A_95] : memref<128x128xf32, #tpu.memory_space<vmem>> -> memref<32x128xf32, #tpu.memory_space<vmem>>
        %dma_wait3A_97 = arith.constant 32 : i32
        %dma_wait3A_98 = tpu.memref_slice %arg7[%dma_wait3A_97] : memref<128xi32, #tpu.memory_space<vmem>> -> memref<32xi32, #tpu.memory_space<vmem>>
        %dma_wait3A_99 = arith.constant 0 : i32
        %dma_wait3A_100 = arith.constant 0 : i32
        %dma_wait3A_101 = tpu.memref_slice %arg2[%dma_wait3A_99, %dma_wait3A_100] : memref<10000x128xf32, #tpu.memory_space<hbm>> -> memref<10000x128xf32, #tpu.memory_space<hbm>>
        tpu.wait_indirect_dma semaphore(%arg12 : memref<!tpu.dma_semaphore, #tpu.memory_space<semaphore_mem>>) src(%dma_wait3A_101 : memref<10000x128xf32, #tpu.memory_space<hbm>>) dst(%dma_wait3A_96 : memref<32x128xf32, #tpu.memory_space<vmem>>)
        %dma_wait3A_102 = arith.constant 64 : i32
        %dma_wait3A_103 = arith.constant 0 : i32
        %dma_wait3A_104 = tpu.memref_slice %arg9[%dma_wait3A_102, %dma_wait3A_103] : memref<128x128xf32, #tpu.memory_space<vmem>> -> memref<32x128xf32, #tpu.memory_space<vmem>>
        %dma_wait3A_105 = arith.constant 64 : i32
        %dma_wait3A_106 = tpu.memref_slice %arg7[%dma_wait3A_105] : memref<128xi32, #tpu.memory_space<vmem>> -> memref<32xi32, #tpu.memory_space<vmem>>
        %dma_wait3A_107 = arith.constant 0 : i32
        %dma_wait3A_108 = arith.constant 0 : i32
        %dma_wait3A_109 = tpu.memref_slice %arg2[%dma_wait3A_107, %dma_wait3A_108] : memref<10000x128xf32, #tpu.memory_space<hbm>> -> memref<10000x128xf32, #tpu.memory_space<hbm>>
        tpu.wait_indirect_dma semaphore(%arg12 : memref<!tpu.dma_semaphore, #tpu.memory_space<semaphore_mem>>) src(%dma_wait3A_109 : memref<10000x128xf32, #tpu.memory_space<hbm>>) dst(%dma_wait3A_104 : memref<32x128xf32, #tpu.memory_space<vmem>>)
        %dma_wait3A_110 = arith.constant 96 : i32
        %dma_wait3A_111 = arith.constant 0 : i32
        %dma_wait3A_112 = tpu.memref_slice %arg9[%dma_wait3A_110, %dma_wait3A_111] : memref<128x128xf32, #tpu.memory_space<vmem>> -> memref<32x128xf32, #tpu.memory_space<vmem>>
        %dma_wait3A_113 = arith.constant 96 : i32
        %dma_wait3A_114 = tpu.memref_slice %arg7[%dma_wait3A_113] : memref<128xi32, #tpu.memory_space<vmem>> -> memref<32xi32, #tpu.memory_space<vmem>>
        %dma_wait3A_115 = arith.constant 0 : i32
        %dma_wait3A_116 = arith.constant 0 : i32
        %dma_wait3A_117 = tpu.memref_slice %arg2[%dma_wait3A_115, %dma_wait3A_116] : memref<10000x128xf32, #tpu.memory_space<hbm>> -> memref<10000x128xf32, #tpu.memory_space<hbm>>
        tpu.wait_indirect_dma semaphore(%arg12 : memref<!tpu.dma_semaphore, #tpu.memory_space<semaphore_mem>>) src(%dma_wait3A_117 : memref<10000x128xf32, #tpu.memory_space<hbm>>) dst(%dma_wait3A_112 : memref<32x128xf32, #tpu.memory_space<vmem>>)
        %dma_start3A_118 = arith.constant 0 : i32
        %dma_start3A_119 = tpu.memref_slice %arg6[%mul3A_84, %dma_start3A_118] : memref<80x128xi32, #tpu.memory_space<vmem>> -> memref<1x128xi32, #tpu.memory_space<vmem>>
        %dma_start3A_120 = tpu.memref_squeeze %dma_start3A_119 : memref<1x128xi32, #tpu.memory_space<vmem>> -> memref<128xi32, #tpu.memory_space<vmem>>
        %dma_start3A_121 = arith.constant 0 : i32
        %dma_start3A_122 = arith.constant 0 : i32
        %dma_start3A_123 = tpu.memref_slice %arg11[%dma_start3A_121, %dma_start3A_122] : memref<10240x128xf32, #tpu.memory_space<vmem_shared>> -> memref<10240x128xf32, #tpu.memory_space<vmem_shared>>
        tpu.enqueue_indirect_dma source(%arg9 : memref<128x128xf32, #tpu.memory_space<vmem>>) target(%dma_start3A_123 : memref<10240x128xf32, #tpu.memory_space<vmem_shared>>) offsets(%dma_start3A_120 : memref<128xi32, #tpu.memory_space<vmem>>) semaphore(%arg14 : memref<!tpu.dma_semaphore, #tpu.memory_space<semaphore_mem>>) {add = true}
        %add3A_124 = arith.constant 1 : i32
        %add3A_125 = arith.addi %scan3A_82, %add3A_124 : i32
        %lt3A = arith.constant 40 : i32
        %lt3A_126 = arith.cmpi slt, %add3A_125, %lt3A : i32
        %convert_element_type3A_127 = arith.extui %lt3A_126 : i1 to i32
        %cond3A_128 = arith.constant 0 : i32
        %cond3A_129 = arith.cmpi ne, %convert_element_type3A_127, %cond3A_128 : i32
        scf.if %cond3A_129 {
          %add3A_234 = arith.constant 2 : i32
          %add3A_235 = arith.addi %add3A_85, %add3A_234 : i32
          %dma_start3A_236 = arith.constant 0 : i32
          %dma_start3A_237 = tpu.memref_slice %arg3[%add3A_235, %dma_start3A_236] : memref<2560x128xi32, #tpu.memory_space<hbm>> -> memref<1x128xi32, #tpu.memory_space<hbm>>
          %dma_start3A_238 = tpu.memref_squeeze %dma_start3A_237 : memref<1x128xi32, #tpu.memory_space<hbm>> -> memref<128xi32, #tpu.memory_space<hbm>>
          %dma_start3A_239 = arith.constant 0 : i32
          %dma_start3A_240 = tpu.memref_slice %arg3[%add3A_235, %dma_start3A_239] : memref<2560x128xi32, #tpu.memory_space<hbm>> -> memref<1x128xi32, #tpu.memory_space<hbm>>
          %dma_start3A_241 = tpu.memref_squeeze %dma_start3A_240 : memref<1x128xi32, #tpu.memory_space<hbm>> -> memref<128xi32, #tpu.memory_space<hbm>>
          tpu.enqueue_dma source(%dma_start3A_241 : memref<128xi32, #tpu.memory_space<hbm>>) target(%arg7 : memref<128xi32, #tpu.memory_space<vmem>>) target_semaphore(%arg16 : memref<!tpu.dma_semaphore, #tpu.memory_space<semaphore_mem>>)
        } else {
        }
        %gt3A = arith.constant 0 : i32
        %gt3A_130 = arith.cmpi sgt, %scan3A_82, %gt3A : i32
        %convert_element_type3A_131 = arith.extui %gt3A_130 : i1 to i32
        %cond3A_132 = arith.constant 0 : i32
        %cond3A_133 = arith.cmpi ne, %convert_element_type3A_131, %cond3A_132 : i32
        scf.if %cond3A_133 {
          %dma_wait3A_234 = arith.constant 0 : i32
          %dma_wait3A_235 = tpu.memref_slice %arg6[%mul3A_84, %dma_wait3A_234] : memref<80x128xi32, #tpu.memory_space<vmem>> -> memref<1x128xi32, #tpu.memory_space<vmem>>
          %dma_wait3A_236 = tpu.memref_squeeze %dma_wait3A_235 : memref<1x128xi32, #tpu.memory_space<vmem>> -> memref<128xi32, #tpu.memory_space<vmem>>
          %dma_wait3A_237 = arith.constant 0 : i32
          %dma_wait3A_238 = arith.constant 0 : i32
          %dma_wait3A_239 = tpu.memref_slice %arg11[%dma_wait3A_237, %dma_wait3A_238] : memref<10240x128xf32, #tpu.memory_space<vmem_shared>> -> memref<10240x128xf32, #tpu.memory_space<vmem_shared>>
          tpu.wait_indirect_dma semaphore(%arg15 : memref<!tpu.dma_semaphore, #tpu.memory_space<semaphore_mem>>) src(%arg10 : memref<128x128xf32, #tpu.memory_space<vmem>>) dst(%dma_wait3A_239 : memref<10240x128xf32, #tpu.memory_space<vmem_shared>>)
        } else {
        }
        %add3A_134 = arith.constant 1 : i32
        %add3A_135 = arith.addi %add3A_85, %add3A_134 : i32
        %dma_wait3A_136 = arith.constant 0 : i32
        %dma_wait3A_137 = tpu.memref_slice %arg3[%add3A_135, %dma_wait3A_136] : memref<2560x128xi32, #tpu.memory_space<hbm>> -> memref<1x128xi32, #tpu.memory_space<hbm>>
        %dma_wait3A_138 = tpu.memref_squeeze %dma_wait3A_137 : memref<1x128xi32, #tpu.memory_space<hbm>> -> memref<128xi32, #tpu.memory_space<hbm>>
        %dma_wait3A_139 = arith.constant 0 : i32
        %dma_wait3A_140 = tpu.memref_slice %arg3[%add3A_135, %dma_wait3A_139] : memref<2560x128xi32, #tpu.memory_space<hbm>> -> memref<1x128xi32, #tpu.memory_space<hbm>>
        %dma_wait3A_141 = tpu.memref_squeeze %dma_wait3A_140 : memref<1x128xi32, #tpu.memory_space<hbm>> -> memref<128xi32, #tpu.memory_space<hbm>>
        tpu.wait_dma2 semaphore(%arg17 : memref<!tpu.dma_semaphore, #tpu.memory_space<semaphore_mem>>) src(%dma_wait3A_141 : memref<128xi32, #tpu.memory_space<hbm>>) dst(%arg8 : memref<128xi32, #tpu.memory_space<vmem>>)
        %dma_start3A_142 = arith.constant 0 : i32
        %dma_start3A_143 = arith.constant 0 : i32
        %dma_start3A_144 = tpu.memref_slice %arg10[%dma_start3A_142, %dma_start3A_143] : memref<128x128xf32, #tpu.memory_space<vmem>> -> memref<32x128xf32, #tpu.memory_space<vmem>>
        %dma_start3A_145 = arith.constant 0 : i32
        %dma_start3A_146 = tpu.memref_slice %arg8[%dma_start3A_145] : memref<128xi32, #tpu.memory_space<vmem>> -> memref<32xi32, #tpu.memory_space<vmem>>
        %dma_start3A_147 = arith.constant 0 : i32
        %dma_start3A_148 = arith.constant 0 : i32
        %dma_start3A_149 = tpu.memref_slice %arg2[%dma_start3A_147, %dma_start3A_148] : memref<10000x128xf32, #tpu.memory_space<hbm>> -> memref<10000x128xf32, #tpu.memory_space<hbm>>
        tpu.enqueue_indirect_dma source(%dma_start3A_149 : memref<10000x128xf32, #tpu.memory_space<hbm>>) target(%dma_start3A_144 : memref<32x128xf32, #tpu.memory_space<vmem>>) offsets(%dma_start3A_146 : memref<32xi32, #tpu.memory_space<vmem>>) semaphore(%arg13 : memref<!tpu.dma_semaphore, #tpu.memory_space<semaphore_mem>>)
        %dma_start3A_150 = arith.constant 32 : i32
        %dma_start3A_151 = arith.constant 0 : i32
        %dma_start3A_152 = tpu.memref_slice %arg10[%dma_start3A_150, %dma_start3A_151] : memref<128x128xf32, #tpu.memory_space<vmem>> -> memref<32x128xf32, #tpu.memory_space<vmem>>
        %dma_start3A_153 = arith.constant 32 : i32
        %dma_start3A_154 = tpu.memref_slice %arg8[%dma_start3A_153] : memref<128xi32, #tpu.memory_space<vmem>> -> memref<32xi32, #tpu.memory_space<vmem>>
        %dma_start3A_155 = arith.constant 0 : i32
        %dma_start3A_156 = arith.constant 0 : i32
        %dma_start3A_157 = tpu.memref_slice %arg2[%dma_start3A_155, %dma_start3A_156] : memref<10000x128xf32, #tpu.memory_space<hbm>> -> memref<10000x128xf32, #tpu.memory_space<hbm>>
        tpu.enqueue_indirect_dma source(%dma_start3A_157 : memref<10000x128xf32, #tpu.memory_space<hbm>>) target(%dma_start3A_152 : memref<32x128xf32, #tpu.memory_space<vmem>>) offsets(%dma_start3A_154 : memref<32xi32, #tpu.memory_space<vmem>>) semaphore(%arg13 : memref<!tpu.dma_semaphore, #tpu.memory_space<semaphore_mem>>)
        %dma_start3A_158 = arith.constant 64 : i32
        %dma_start3A_159 = arith.constant 0 : i32
        %dma_start3A_160 = tpu.memref_slice %arg10[%dma_start3A_158, %dma_start3A_159] : memref<128x128xf32, #tpu.memory_space<vmem>> -> memref<32x128xf32, #tpu.memory_space<vmem>>
        %dma_start3A_161 = arith.constant 64 : i32
        %dma_start3A_162 = tpu.memref_slice %arg8[%dma_start3A_161] : memref<128xi32, #tpu.memory_space<vmem>> -> memref<32xi32, #tpu.memory_space<vmem>>
        %dma_start3A_163 = arith.constant 0 : i32
        %dma_start3A_164 = arith.constant 0 : i32
        %dma_start3A_165 = tpu.memref_slice %arg2[%dma_start3A_163, %dma_start3A_164] : memref<10000x128xf32, #tpu.memory_space<hbm>> -> memref<10000x128xf32, #tpu.memory_space<hbm>>
        tpu.enqueue_indirect_dma source(%dma_start3A_165 : memref<10000x128xf32, #tpu.memory_space<hbm>>) target(%dma_start3A_160 : memref<32x128xf32, #tpu.memory_space<vmem>>) offsets(%dma_start3A_162 : memref<32xi32, #tpu.memory_space<vmem>>) semaphore(%arg13 : memref<!tpu.dma_semaphore, #tpu.memory_space<semaphore_mem>>)
        %dma_start3A_166 = arith.constant 96 : i32
        %dma_start3A_167 = arith.constant 0 : i32
        %dma_start3A_168 = tpu.memref_slice %arg10[%dma_start3A_166, %dma_start3A_167] : memref<128x128xf32, #tpu.memory_space<vmem>> -> memref<32x128xf32, #tpu.memory_space<vmem>>
        %dma_start3A_169 = arith.constant 96 : i32
        %dma_start3A_170 = tpu.memref_slice %arg8[%dma_start3A_169] : memref<128xi32, #tpu.memory_space<vmem>> -> memref<32xi32, #tpu.memory_space<vmem>>
        %dma_start3A_171 = arith.constant 0 : i32
        %dma_start3A_172 = arith.constant 0 : i32
        %dma_start3A_173 = tpu.memref_slice %arg2[%dma_start3A_171, %dma_start3A_172] : memref<10000x128xf32, #tpu.memory_space<hbm>> -> memref<10000x128xf32, #tpu.memory_space<hbm>>
        tpu.enqueue_indirect_dma source(%dma_start3A_173 : memref<10000x128xf32, #tpu.memory_space<hbm>>) target(%dma_start3A_168 : memref<32x128xf32, #tpu.memory_space<vmem>>) offsets(%dma_start3A_170 : memref<32xi32, #tpu.memory_space<vmem>>) semaphore(%arg13 : memref<!tpu.dma_semaphore, #tpu.memory_space<semaphore_mem>>)
        %dma_wait3A_174 = arith.constant 0 : i32
        %dma_wait3A_175 = arith.constant 0 : i32
        %dma_wait3A_176 = tpu.memref_slice %arg10[%dma_wait3A_174, %dma_wait3A_175] : memref<128x128xf32, #tpu.memory_space<vmem>> -> memref<32x128xf32, #tpu.memory_space<vmem>>
        %dma_wait3A_177 = arith.constant 0 : i32
        %dma_wait3A_178 = tpu.memref_slice %arg8[%dma_wait3A_177] : memref<128xi32, #tpu.memory_space<vmem>> -> memref<32xi32, #tpu.memory_space<vmem>>
        %dma_wait3A_179 = arith.constant 0 : i32
        %dma_wait3A_180 = arith.constant 0 : i32
        %dma_wait3A_181 = tpu.memref_slice %arg2[%dma_wait3A_179, %dma_wait3A_180] : memref<10000x128xf32, #tpu.memory_space<hbm>> -> memref<10000x128xf32, #tpu.memory_space<hbm>>
        tpu.wait_indirect_dma semaphore(%arg13 : memref<!tpu.dma_semaphore, #tpu.memory_space<semaphore_mem>>) src(%dma_wait3A_181 : memref<10000x128xf32, #tpu.memory_space<hbm>>) dst(%dma_wait3A_176 : memref<32x128xf32, #tpu.memory_space<vmem>>)
        %dma_wait3A_182 = arith.constant 32 : i32
        %dma_wait3A_183 = arith.constant 0 : i32
        %dma_wait3A_184 = tpu.memref_slice %arg10[%dma_wait3A_182, %dma_wait3A_183] : memref<128x128xf32, #tpu.memory_space<vmem>> -> memref<32x128xf32, #tpu.memory_space<vmem>>
        %dma_wait3A_185 = arith.constant 32 : i32
        %dma_wait3A_186 = tpu.memref_slice %arg8[%dma_wait3A_185] : memref<128xi32, #tpu.memory_space<vmem>> -> memref<32xi32, #tpu.memory_space<vmem>>
        %dma_wait3A_187 = arith.constant 0 : i32
        %dma_wait3A_188 = arith.constant 0 : i32
        %dma_wait3A_189 = tpu.memref_slice %arg2[%dma_wait3A_187, %dma_wait3A_188] : memref<10000x128xf32, #tpu.memory_space<hbm>> -> memref<10000x128xf32, #tpu.memory_space<hbm>>
        tpu.wait_indirect_dma semaphore(%arg13 : memref<!tpu.dma_semaphore, #tpu.memory_space<semaphore_mem>>) src(%dma_wait3A_189 : memref<10000x128xf32, #tpu.memory_space<hbm>>) dst(%dma_wait3A_184 : memref<32x128xf32, #tpu.memory_space<vmem>>)
        %dma_wait3A_190 = arith.constant 64 : i32
        %dma_wait3A_191 = arith.constant 0 : i32
        %dma_wait3A_192 = tpu.memref_slice %arg10[%dma_wait3A_190, %dma_wait3A_191] : memref<128x128xf32, #tpu.memory_space<vmem>> -> memref<32x128xf32, #tpu.memory_space<vmem>>
        %dma_wait3A_193 = arith.constant 64 : i32
        %dma_wait3A_194 = tpu.memref_slice %arg8[%dma_wait3A_193] : memref<128xi32, #tpu.memory_space<vmem>> -> memref<32xi32, #tpu.memory_space<vmem>>
        %dma_wait3A_195 = arith.constant 0 : i32
        %dma_wait3A_196 = arith.constant 0 : i32
        %dma_wait3A_197 = tpu.memref_slice %arg2[%dma_wait3A_195, %dma_wait3A_196] : memref<10000x128xf32, #tpu.memory_space<hbm>> -> memref<10000x128xf32, #tpu.memory_space<hbm>>
        tpu.wait_indirect_dma semaphore(%arg13 : memref<!tpu.dma_semaphore, #tpu.memory_space<semaphore_mem>>) src(%dma_wait3A_197 : memref<10000x128xf32, #tpu.memory_space<hbm>>) dst(%dma_wait3A_192 : memref<32x128xf32, #tpu.memory_space<vmem>>)
        %dma_wait3A_198 = arith.constant 96 : i32
        %dma_wait3A_199 = arith.constant 0 : i32
        %dma_wait3A_200 = tpu.memref_slice %arg10[%dma_wait3A_198, %dma_wait3A_199] : memref<128x128xf32, #tpu.memory_space<vmem>> -> memref<32x128xf32, #tpu.memory_space<vmem>>
        %dma_wait3A_201 = arith.constant 96 : i32
        %dma_wait3A_202 = tpu.memref_slice %arg8[%dma_wait3A_201] : memref<128xi32, #tpu.memory_space<vmem>> -> memref<32xi32, #tpu.memory_space<vmem>>
        %dma_wait3A_203 = arith.constant 0 : i32
        %dma_wait3A_204 = arith.constant 0 : i32
        %dma_wait3A_205 = tpu.memref_slice %arg2[%dma_wait3A_203, %dma_wait3A_204] : memref<10000x128xf32, #tpu.memory_space<hbm>> -> memref<10000x128xf32, #tpu.memory_space<hbm>>
        tpu.wait_indirect_dma semaphore(%arg13 : memref<!tpu.dma_semaphore, #tpu.memory_space<semaphore_mem>>) src(%dma_wait3A_205 : memref<10000x128xf32, #tpu.memory_space<hbm>>) dst(%dma_wait3A_200 : memref<32x128xf32, #tpu.memory_space<vmem>>)
        %add3A_206 = arith.constant 1 : i32
        %add3A_207 = arith.addi %mul3A_84, %add3A_206 : i32
        %dma_start3A_208 = arith.constant 0 : i32
        %dma_start3A_209 = tpu.memref_slice %arg6[%add3A_207, %dma_start3A_208] : memref<80x128xi32, #tpu.memory_space<vmem>> -> memref<1x128xi32, #tpu.memory_space<vmem>>
        %dma_start3A_210 = tpu.memref_squeeze %dma_start3A_209 : memref<1x128xi32, #tpu.memory_space<vmem>> -> memref<128xi32, #tpu.memory_space<vmem>>
        %dma_start3A_211 = arith.constant 0 : i32
        %dma_start3A_212 = arith.constant 0 : i32
        %dma_start3A_213 = tpu.memref_slice %arg11[%dma_start3A_211, %dma_start3A_212] : memref<10240x128xf32, #tpu.memory_space<vmem_shared>> -> memref<10240x128xf32, #tpu.memory_space<vmem_shared>>
        tpu.enqueue_indirect_dma source(%arg10 : memref<128x128xf32, #tpu.memory_space<vmem>>) target(%dma_start3A_213 : memref<10240x128xf32, #tpu.memory_space<vmem_shared>>) offsets(%dma_start3A_210 : memref<128xi32, #tpu.memory_space<vmem>>) semaphore(%arg15 : memref<!tpu.dma_semaphore, #tpu.memory_space<semaphore_mem>>) {add = true}
        %add3A_214 = arith.constant 1 : i32
        %add3A_215 = arith.addi %scan3A_82, %add3A_214 : i32
        %lt3A_216 = arith.constant 40 : i32
        %lt3A_217 = arith.cmpi slt, %add3A_215, %lt3A_216 : i32
        %convert_element_type3A_218 = arith.extui %lt3A_217 : i1 to i32
        %cond3A_219 = arith.constant 0 : i32
        %cond3A_220 = arith.cmpi ne, %convert_element_type3A_218, %cond3A_219 : i32
        scf.if %cond3A_220 {
          %add3A_234 = arith.constant 3 : i32
          %add3A_235 = arith.addi %add3A_85, %add3A_234 : i32
          %dma_start3A_236 = arith.constant 0 : i32
          %dma_start3A_237 = tpu.memref_slice %arg3[%add3A_235, %dma_start3A_236] : memref<2560x128xi32, #tpu.memory_space<hbm>> -> memref<1x128xi32, #tpu.memory_space<hbm>>
          %dma_start3A_238 = tpu.memref_squeeze %dma_start3A_237 : memref<1x128xi32, #tpu.memory_space<hbm>> -> memref<128xi32, #tpu.memory_space<hbm>>
          %dma_start3A_239 = arith.constant 0 : i32
          %dma_start3A_240 = tpu.memref_slice %arg3[%add3A_235, %dma_start3A_239] : memref<2560x128xi32, #tpu.memory_space<hbm>> -> memref<1x128xi32, #tpu.memory_space<hbm>>
          %dma_start3A_241 = tpu.memref_squeeze %dma_start3A_240 : memref<1x128xi32, #tpu.memory_space<hbm>> -> memref<128xi32, #tpu.memory_space<hbm>>
          tpu.enqueue_dma source(%dma_start3A_241 : memref<128xi32, #tpu.memory_space<hbm>>) target(%arg8 : memref<128xi32, #tpu.memory_space<vmem>>) target_semaphore(%arg17 : memref<!tpu.dma_semaphore, #tpu.memory_space<semaphore_mem>>)
        } else {
        }
        %dma_wait3A_221 = arith.constant 0 : i32
        %dma_wait3A_222 = tpu.memref_slice %arg6[%mul3A_84, %dma_wait3A_221] : memref<80x128xi32, #tpu.memory_space<vmem>> -> memref<1x128xi32, #tpu.memory_space<vmem>>
        %dma_wait3A_223 = tpu.memref_squeeze %dma_wait3A_222 : memref<1x128xi32, #tpu.memory_space<vmem>> -> memref<128xi32, #tpu.memory_space<vmem>>
        %dma_wait3A_224 = arith.constant 0 : i32
        %dma_wait3A_225 = arith.constant 0 : i32
        %dma_wait3A_226 = tpu.memref_slice %arg11[%dma_wait3A_224, %dma_wait3A_225] : memref<10240x128xf32, #tpu.memory_space<vmem_shared>> -> memref<10240x128xf32, #tpu.memory_space<vmem_shared>>
        tpu.wait_indirect_dma semaphore(%arg14 : memref<!tpu.dma_semaphore, #tpu.memory_space<semaphore_mem>>) src(%arg9 : memref<128x128xf32, #tpu.memory_space<vmem>>) dst(%dma_wait3A_226 : memref<10240x128xf32, #tpu.memory_space<vmem_shared>>)
        %add3A_227 = arith.constant 1 : i32
        %add3A_228 = arith.addi %scan3A_82, %add3A_227 : i32
        %lt3A_229 = arith.constant 40 : i32
        %lt3A_230 = arith.cmpi slt, %add3A_228, %lt3A_229 : i32
        %convert_element_type3A_231 = arith.extui %lt3A_230 : i1 to i32
        %cond3A_232 = arith.constant 0 : i32
        %cond3A_233 = arith.cmpi ne, %convert_element_type3A_231, %cond3A_232 : i32
        scf.if %cond3A_233 {
          %add3A_234 = arith.constant 2 : i32
          %add3A_235 = arith.addi %add3A_85, %add3A_234 : i32
          %dma_wait3A_236 = arith.constant 0 : i32
          %dma_wait3A_237 = tpu.memref_slice %arg3[%add3A_235, %dma_wait3A_236] : memref<2560x128xi32, #tpu.memory_space<hbm>> -> memref<1x128xi32, #tpu.memory_space<hbm>>
          %dma_wait3A_238 = tpu.memref_squeeze %dma_wait3A_237 : memref<1x128xi32, #tpu.memory_space<hbm>> -> memref<128xi32, #tpu.memory_space<hbm>>
          %dma_wait3A_239 = arith.constant 0 : i32
          %dma_wait3A_240 = tpu.memref_slice %arg3[%add3A_235, %dma_wait3A_239] : memref<2560x128xi32, #tpu.memory_space<hbm>> -> memref<1x128xi32, #tpu.memory_space<hbm>>
          %dma_wait3A_241 = tpu.memref_squeeze %dma_wait3A_240 : memref<1x128xi32, #tpu.memory_space<hbm>> -> memref<128xi32, #tpu.memory_space<hbm>>
          tpu.wait_dma2 semaphore(%arg16 : memref<!tpu.dma_semaphore, #tpu.memory_space<semaphore_mem>>) src(%dma_wait3A_241 : memref<128xi32, #tpu.memory_space<hbm>>) dst(%arg7 : memref<128xi32, #tpu.memory_space<vmem>>)
          %dma_start3A_242 = arith.constant 0 : i32
          %dma_start3A_243 = arith.constant 0 : i32
          %dma_start3A_244 = tpu.memref_slice %arg9[%dma_start3A_242, %dma_start3A_243] : memref<128x128xf32, #tpu.memory_space<vmem>> -> memref<32x128xf32, #tpu.memory_space<vmem>>
          %dma_start3A_245 = arith.constant 0 : i32
          %dma_start3A_246 = tpu.memref_slice %arg7[%dma_start3A_245] : memref<128xi32, #tpu.memory_space<vmem>> -> memref<32xi32, #tpu.memory_space<vmem>>
          %dma_start3A_247 = arith.constant 0 : i32
          %dma_start3A_248 = arith.constant 0 : i32
          %dma_start3A_249 = tpu.memref_slice %arg2[%dma_start3A_247, %dma_start3A_248] : memref<10000x128xf32, #tpu.memory_space<hbm>> -> memref<10000x128xf32, #tpu.memory_space<hbm>>
          tpu.enqueue_indirect_dma source(%dma_start3A_249 : memref<10000x128xf32, #tpu.memory_space<hbm>>) target(%dma_start3A_244 : memref<32x128xf32, #tpu.memory_space<vmem>>) offsets(%dma_start3A_246 : memref<32xi32, #tpu.memory_space<vmem>>) semaphore(%arg12 : memref<!tpu.dma_semaphore, #tpu.memory_space<semaphore_mem>>)
          %dma_start3A_250 = arith.constant 32 : i32
          %dma_start3A_251 = arith.constant 0 : i32
          %dma_start3A_252 = tpu.memref_slice %arg9[%dma_start3A_250, %dma_start3A_251] : memref<128x128xf32, #tpu.memory_space<vmem>> -> memref<32x128xf32, #tpu.memory_space<vmem>>
          %dma_start3A_253 = arith.constant 32 : i32
          %dma_start3A_254 = tpu.memref_slice %arg7[%dma_start3A_253] : memref<128xi32, #tpu.memory_space<vmem>> -> memref<32xi32, #tpu.memory_space<vmem>>
          %dma_start3A_255 = arith.constant 0 : i32
          %dma_start3A_256 = arith.constant 0 : i32
          %dma_start3A_257 = tpu.memref_slice %arg2[%dma_start3A_255, %dma_start3A_256] : memref<10000x128xf32, #tpu.memory_space<hbm>> -> memref<10000x128xf32, #tpu.memory_space<hbm>>
          tpu.enqueue_indirect_dma source(%dma_start3A_257 : memref<10000x128xf32, #tpu.memory_space<hbm>>) target(%dma_start3A_252 : memref<32x128xf32, #tpu.memory_space<vmem>>) offsets(%dma_start3A_254 : memref<32xi32, #tpu.memory_space<vmem>>) semaphore(%arg12 : memref<!tpu.dma_semaphore, #tpu.memory_space<semaphore_mem>>)
          %dma_start3A_258 = arith.constant 64 : i32
          %dma_start3A_259 = arith.constant 0 : i32
          %dma_start3A_260 = tpu.memref_slice %arg9[%dma_start3A_258, %dma_start3A_259] : memref<128x128xf32, #tpu.memory_space<vmem>> -> memref<32x128xf32, #tpu.memory_space<vmem>>
          %dma_start3A_261 = arith.constant 64 : i32
          %dma_start3A_262 = tpu.memref_slice %arg7[%dma_start3A_261] : memref<128xi32, #tpu.memory_space<vmem>> -> memref<32xi32, #tpu.memory_space<vmem>>
          %dma_start3A_263 = arith.constant 0 : i32
          %dma_start3A_264 = arith.constant 0 : i32
          %dma_start3A_265 = tpu.memref_slice %arg2[%dma_start3A_263, %dma_start3A_264] : memref<10000x128xf32, #tpu.memory_space<hbm>> -> memref<10000x128xf32, #tpu.memory_space<hbm>>
          tpu.enqueue_indirect_dma source(%dma_start3A_265 : memref<10000x128xf32, #tpu.memory_space<hbm>>) target(%dma_start3A_260 : memref<32x128xf32, #tpu.memory_space<vmem>>) offsets(%dma_start3A_262 : memref<32xi32, #tpu.memory_space<vmem>>) semaphore(%arg12 : memref<!tpu.dma_semaphore, #tpu.memory_space<semaphore_mem>>)
          %dma_start3A_266 = arith.constant 96 : i32
          %dma_start3A_267 = arith.constant 0 : i32
          %dma_start3A_268 = tpu.memref_slice %arg9[%dma_start3A_266, %dma_start3A_267] : memref<128x128xf32, #tpu.memory_space<vmem>> -> memref<32x128xf32, #tpu.memory_space<vmem>>
          %dma_start3A_269 = arith.constant 96 : i32
          %dma_start3A_270 = tpu.memref_slice %arg7[%dma_start3A_269] : memref<128xi32, #tpu.memory_space<vmem>> -> memref<32xi32, #tpu.memory_space<vmem>>
          %dma_start3A_271 = arith.constant 0 : i32
          %dma_start3A_272 = arith.constant 0 : i32
          %dma_start3A_273 = tpu.memref_slice %arg2[%dma_start3A_271, %dma_start3A_272] : memref<10000x128xf32, #tpu.memory_space<hbm>> -> memref<10000x128xf32, #tpu.memory_space<hbm>>
          tpu.enqueue_indirect_dma source(%dma_start3A_273 : memref<10000x128xf32, #tpu.memory_space<hbm>>) target(%dma_start3A_268 : memref<32x128xf32, #tpu.memory_space<vmem>>) offsets(%dma_start3A_270 : memref<32xi32, #tpu.memory_space<vmem>>) semaphore(%arg12 : memref<!tpu.dma_semaphore, #tpu.memory_space<semaphore_mem>>)
        } else {
        }
      }
      %scan3A_75 = arith.constant 40 : i32
      %dma_wait3A = arith.constant 0 : i32
      %dma_wait3A_76 = arith.constant 0 : i32
      %dma_wait3A_77 = tpu.memref_slice %arg6[%dma_wait3A, %dma_wait3A_76] : memref<80x128xi32, #tpu.memory_space<vmem>> -> memref<1x128xi32, #tpu.memory_space<vmem>>
      %dma_wait3A_78 = tpu.memref_squeeze %dma_wait3A_77 : memref<1x128xi32, #tpu.memory_space<vmem>> -> memref<128xi32, #tpu.memory_space<vmem>>
      %dma_wait3A_79 = arith.constant 0 : i32
      %dma_wait3A_80 = arith.constant 0 : i32
      %dma_wait3A_81 = tpu.memref_slice %arg11[%dma_wait3A_79, %dma_wait3A_80] : memref<10240x128xf32, #tpu.memory_space<vmem_shared>> -> memref<10240x128xf32, #tpu.memory_space<vmem_shared>>
      tpu.wait_indirect_dma semaphore(%arg15 : memref<!tpu.dma_semaphore, #tpu.memory_space<semaphore_mem>>) src(%arg10 : memref<128x128xf32, #tpu.memory_space<vmem>>) dst(%dma_wait3A_81 : memref<10240x128xf32, #tpu.memory_space<vmem_shared>>)
    } else {
    }
    %barrier3A_19 = arith.constant 0 : index
    tpu.barrier barrier_id(%barrier3A_19)
    %mul3A = arith.constant 624 : i32
    %mul3A_20 = arith.muli %arg1, %mul3A : i32
    %mul3A_21 = arith.constant 624 : i32
    %mul3A_22 = arith.muli %arg1, %mul3A_21 : i32
    "tpu.region"() ({
      %run_scoped3A = tpu.sem_alloc : memref<!tpu.dma_semaphore, #tpu.memory_space<semaphore_mem>>
      %dma_start3A = arith.constant 0 : i32
      %dma_start3A_28 = tpu.memref_slice %arg5[%arg0, %mul3A_22, %dma_start3A] : memref<2x10000x128xf32, #tpu.memory_space<hbm>> -> memref<1x624x128xf32, #tpu.memory_space<hbm>>
      %dma_start3A_29 = tpu.memref_squeeze %dma_start3A_28 : memref<1x624x128xf32, #tpu.memory_space<hbm>> -> memref<624x128xf32, #tpu.memory_space<hbm>>
      %dma_start3A_30 = arith.constant 0 : i32
      %dma_start3A_31 = tpu.memref_slice %arg11[%mul3A_20, %dma_start3A_30] : memref<10240x128xf32, #tpu.memory_space<vmem_shared>> -> memref<624x128xf32, #tpu.memory_space<vmem_shared>>
      tpu.enqueue_dma source(%dma_start3A_31 : memref<624x128xf32, #tpu.memory_space<vmem_shared>>) target(%dma_start3A_29 : memref<624x128xf32, #tpu.memory_space<hbm>>) target_semaphore(%run_scoped3A : memref<!tpu.dma_semaphore, #tpu.memory_space<semaphore_mem>>)
      %dma_wait3A = arith.constant 0 : i32
      %dma_wait3A_32 = tpu.memref_slice %arg5[%arg0, %mul3A_22, %dma_wait3A] : memref<2x10000x128xf32, #tpu.memory_space<hbm>> -> memref<1x624x128xf32, #tpu.memory_space<hbm>>
      %dma_wait3A_33 = tpu.memref_squeeze %dma_wait3A_32 : memref<1x624x128xf32, #tpu.memory_space<hbm>> -> memref<624x128xf32, #tpu.memory_space<hbm>>
      %dma_wait3A_34 = arith.constant 0 : i32
      %dma_wait3A_35 = tpu.memref_slice %arg11[%mul3A_20, %dma_wait3A_34] : memref<10240x128xf32, #tpu.memory_space<vmem_shared>> -> memref<624x128xf32, #tpu.memory_space<vmem_shared>>
      tpu.wait_dma2 semaphore(%run_scoped3A : memref<!tpu.dma_semaphore, #tpu.memory_space<semaphore_mem>>) src(%dma_wait3A_35 : memref<624x128xf32, #tpu.memory_space<vmem_shared>>) dst(%dma_wait3A_33 : memref<624x128xf32, #tpu.memory_space<hbm>>)
      tpu.yield
    }) : () -> ()
    %eq3A_23 = arith.constant 15 : i32
    %eq3A_24 = arith.cmpi eq, %arg1, %eq3A_23 : i32
    %convert_element_type3A_25 = arith.extui %eq3A_24 : i1 to i32
    %cond3A_26 = arith.constant 0 : i32
    %cond3A_27 = arith.cmpi ne, %convert_element_type3A_25, %cond3A_26 : i32
    scf.if %cond3A_27 {
      "tpu.region"() ({
        %run_scoped3A = tpu.sem_alloc : memref<!tpu.dma_semaphore, #tpu.memory_space<semaphore_mem>>
        %dma_start3A = arith.constant 9984 : i32
        %dma_start3A_28 = arith.constant 0 : i32
        %dma_start3A_29 = tpu.memref_slice %arg5[%arg0, %dma_start3A, %dma_start3A_28] : memref<2x10000x128xf32, #tpu.memory_space<hbm>> -> memref<1x16x128xf32, #tpu.memory_space<hbm>>
        %dma_start3A_30 = tpu.memref_squeeze %dma_start3A_29 : memref<1x16x128xf32, #tpu.memory_space<hbm>> -> memref<16x128xf32, #tpu.memory_space<hbm>>
        %dma_start3A_31 = arith.constant 9984 : i32
        %dma_start3A_32 = arith.constant 0 : i32
        %dma_start3A_33 = tpu.memref_slice %arg11[%dma_start3A_31, %dma_start3A_32] : memref<10240x128xf32, #tpu.memory_space<vmem_shared>> -> memref<16x128xf32, #tpu.memory_space<vmem_shared>>
        tpu.enqueue_dma source(%dma_start3A_33 : memref<16x128xf32, #tpu.memory_space<vmem_shared>>) target(%dma_start3A_30 : memref<16x128xf32, #tpu.memory_space<hbm>>) target_semaphore(%run_scoped3A : memref<!tpu.dma_semaphore, #tpu.memory_space<semaphore_mem>>)
        %dma_wait3A = arith.constant 9984 : i32
        %dma_wait3A_34 = arith.constant 0 : i32
        %dma_wait3A_35 = tpu.memref_slice %arg5[%arg0, %dma_wait3A, %dma_wait3A_34] : memref<2x10000x128xf32, #tpu.memory_space<hbm>> -> memref<1x16x128xf32, #tpu.memory_space<hbm>>
        %dma_wait3A_36 = tpu.memref_squeeze %dma_wait3A_35 : memref<1x16x128xf32, #tpu.memory_space<hbm>> -> memref<16x128xf32, #tpu.memory_space<hbm>>
        %dma_wait3A_37 = arith.constant 9984 : i32
        %dma_wait3A_38 = arith.constant 0 : i32
        %dma_wait3A_39 = tpu.memref_slice %arg11[%dma_wait3A_37, %dma_wait3A_38] : memref<10240x128xf32, #tpu.memory_space<vmem_shared>> -> memref<16x128xf32, #tpu.memory_space<vmem_shared>>
        tpu.wait_dma2 semaphore(%run_scoped3A : memref<!tpu.dma_semaphore, #tpu.memory_space<semaphore_mem>>) src(%dma_wait3A_39 : memref<16x128xf32, #tpu.memory_space<vmem_shared>>) dst(%dma_wait3A_36 : memref<16x128xf32, #tpu.memory_space<hbm>>)
        tpu.yield
      }) : () -> ()
    } else {
    }
    return
  }
}

module attributes {stable_mosaic.version = 14 : i64} {
  func.func @body(%arg0: i32, %arg1: memref<1000x16xf32, #tpu.memory_space<vmem>>, %arg2: memref<1000x16xf32, #tpu.memory_space<vmem>>, %arg3: memref<1000x128xf32, #tpu.memory_space<vmem>>, %arg4: memref<128x128xf32, #tpu.memory_space<vmem>>, %arg5: memref<1000x1xf32, #tpu.memory_space<vmem>>, %arg6: memref<1000x128xf32, #tpu.memory_space<vmem>>) attributes {dimension_semantics = [#tpu.dimension_semantics<arbitrary>], iteration_bounds = array<i64: 10>, scalar_prefetch = 0 : i64, scratch_operands = 0 : i64, tpu.core_type = #tpu.core_type<tc>, window_params = [{transform_indices = @transform_0, window_bounds = array<i64: 1000, 16>}, {transform_indices = @transform_1, window_bounds = array<i64: 1000, 16>}, {transform_indices = @transform_2, window_bounds = array<i64: 1000, 128>}, {pipeline_mode = #tpu.pipeline_mode<synchronous>, transform_indices = @transform_3, window_bounds = array<i64: 128, 128>}, {transform_indices = @transform_4, window_bounds = array<i64: 1000, 1>}, {transform_indices = @transform_5, window_bounds = array<i64: 1000, 128>}]} {
    %get3A = arith.constant 0 : index
    %get3A_0 = arith.constant 0 : index
    %get3A_1 = vector.load %arg1[%get3A, %get3A_0] : memref<1000x16xf32, #tpu.memory_space<vmem>>, vector<1000x1xf32>
    %get3A_2 = arith.constant 0 : index
    %get3A_3 = arith.constant 0 : index
    %get3A_4 = vector.load %arg2[%get3A_2, %get3A_3] : memref<1000x16xf32, #tpu.memory_space<vmem>>, vector<1000x1xf32>
    %add3A = arith.addf %get3A_1, %get3A_4 : vector<1000x1xf32>
    %add3A_5 = arith.constant 1.000000e+00 : f32
    %add3A_6 = vector.broadcast %add3A_5 : f32 to vector<1000x1xf32>
    %add3A_7 = arith.addf %add3A_6, %add3A : vector<1000x1xf32>
    %rsqrt3A = math.rsqrt %add3A_7 : vector<1000x1xf32>
    %swap3A = arith.constant 0 : index
    %swap3A_8 = arith.constant 0 : index
    %swap3A_9 = vector.load %arg5[%swap3A, %swap3A_8] : memref<1000x1xf32, #tpu.memory_space<vmem>>, vector<1000x1xf32>
    tpu.vector_store %arg5[%swap3A, %swap3A_8], %rsqrt3A {strides = array<i32>} : memref<1000x1xf32, #tpu.memory_space<vmem>>, vector<1000x1xf32>,
    %get3A_10 = arith.constant 0 : index
    %get3A_11 = arith.constant 0 : index
    %get3A_12 = vector.load %arg3[%get3A_10, %get3A_11] : memref<1000x128xf32, #tpu.memory_space<vmem>>, vector<1000x128xf32>
    %get3A_13 = arith.constant 0 : index
    %get3A_14 = arith.constant 0 : index
    %get3A_15 = vector.load %arg4[%get3A_13, %get3A_14] : memref<128x128xf32, #tpu.memory_space<vmem>>, vector<128x128xf32>
    %dot_general3A = arith.constant dense<0.000000e+00> : vector<1000x128xf32>
    %dot_general3A_16 = tpu.matmul %get3A_12, %get3A_15, %dot_general3A {dimension_numbers = #tpu.dot_dimension_numbers<[1], [0], [0], [1], [0, 0, 1, 1], [], []>, transpose_lhs_hint = false} : vector<1000x128xf32>, vector<128x128xf32>, vector<1000x128xf32> -> vector<1000x128xf32>
    %mul3A = vector.broadcast %rsqrt3A : vector<1000x1xf32> to vector<1000x128xf32>
    %mul3A_17 = arith.mulf %mul3A, %dot_general3A_16 : vector<1000x128xf32>
    %swap3A_18 = arith.constant 0 : index
    %swap3A_19 = arith.constant 0 : index
    %swap3A_20 = vector.load %arg6[%swap3A_18, %swap3A_19] : memref<1000x128xf32, #tpu.memory_space<vmem>>, vector<1000x128xf32>
    tpu.vector_store %arg6[%swap3A_18, %swap3A_19], %mul3A_17 {strides = array<i32>} : memref<1000x128xf32, #tpu.memory_space<vmem>>, vector<1000x128xf32>,
    return
  }
  func.func @transform_0(%arg0: i32) -> (i32, i32) {
    %c0_i32 = arith.constant 0 : i32
    %c0_i32_0 = arith.constant 0 : i32
    return %arg0, %c0_i32 : i32, i32
  }
  func.func @transform_1(%arg0: i32) -> (i32, i32) {
    %c0_i32 = arith.constant 0 : i32
    %c0_i32_0 = arith.constant 0 : i32
    return %arg0, %c0_i32 : i32, i32
  }
  func.func @transform_2(%arg0: i32) -> (i32, i32) {
    %c0_i32 = arith.constant 0 : i32
    %c0_i32_0 = arith.constant 0 : i32
    return %arg0, %c0_i32 : i32, i32
  }
  func.func @transform_3(%arg0: i32) -> (i32, i32) {
    %c0_i32 = arith.constant 0 : i32
    %c0_i32_0 = arith.constant 0 : i32
    %c0_i32_1 = arith.constant 0 : i32
    return %c0_i32, %c0_i32_0 : i32, i32
  }
  func.func @transform_4(%arg0: i32) -> (i32, i32) {
    %c0_i32 = arith.constant 0 : i32
    %c0_i32_0 = arith.constant 0 : i32
    return %arg0, %c0_i32 : i32, i32
  }
  func.func @transform_5(%arg0: i32) -> (i32, i32) {
    %c0_i32 = arith.constant 0 : i32
    %c0_i32_0 = arith.constant 0 : i32
    return %arg0, %c0_i32 : i32, i32
  }
}

module attributes {stable_mosaic.version = 14 : i64} {
  func.func @body(%arg0: i32, %arg1: memref<1000x128xf32, #tpu.memory_space<vmem>>, %arg2: memref<1000x128xf32, #tpu.memory_space<vmem>>, %arg3: memref<1000x128xf32, #tpu.memory_space<vmem>>, %arg4: memref<1000x128xf32, #tpu.memory_space<vmem>>, %arg5: memref<1000x1xf32, #tpu.memory_space<vmem>>, %arg6: memref<1x128xf32, #tpu.memory_space<vmem>>, %arg7: memref<128x128xf32, #tpu.memory_space<vmem>>, %arg8: memref<1000x128xf32, #tpu.memory_space<vmem>>, %arg9: memref<1000x128xf32, #tpu.memory_space<vmem>>) attributes {dimension_semantics = [#tpu.dimension_semantics<arbitrary>], iteration_bounds = array<i64: 10>, scalar_prefetch = 0 : i64, scratch_operands = 0 : i64, tpu.core_type = #tpu.core_type<tc>, window_params = [{transform_indices = @transform_0, window_bounds = array<i64: 1000, 128>}, {transform_indices = @transform_1, window_bounds = array<i64: 1000, 128>}, {transform_indices = @transform_2, window_bounds = array<i64: 1000, 128>}, {transform_indices = @transform_3, window_bounds = array<i64: 1000, 128>}, {transform_indices = @transform_4, window_bounds = array<i64: 1000, 1>}, {pipeline_mode = #tpu.pipeline_mode<synchronous>, transform_indices = @transform_5, window_bounds = array<i64: 1, 128>}, {pipeline_mode = #tpu.pipeline_mode<synchronous>, transform_indices = @transform_6, window_bounds = array<i64: 128, 128>}, {transform_indices = @transform_7, window_bounds = array<i64: 1000, 128>}, {transform_indices = @transform_8, window_bounds = array<i64: 1000, 128>}]} {
    %get3A = arith.constant 0 : index
    %get3A_0 = arith.constant 0 : index
    %get3A_1 = vector.load %arg5[%get3A, %get3A_0] : memref<1000x1xf32, #tpu.memory_space<vmem>>, vector<1000x1xf32>
    %get3A_2 = arith.constant 0 : index
    %get3A_3 = arith.constant 0 : index
    %get3A_4 = vector.load %arg1[%get3A_2, %get3A_3] : memref<1000x128xf32, #tpu.memory_space<vmem>>, vector<1000x128xf32>
    %get3A_5 = arith.constant 0 : index
    %get3A_6 = arith.constant 0 : index
    %get3A_7 = vector.load %arg2[%get3A_5, %get3A_6] : memref<1000x128xf32, #tpu.memory_space<vmem>>, vector<1000x128xf32>
    %add3A = arith.addf %get3A_4, %get3A_7 : vector<1000x128xf32>
    %get3A_8 = arith.constant 0 : index
    %get3A_9 = arith.constant 0 : index
    %get3A_10 = vector.load %arg3[%get3A_8, %get3A_9] : memref<1000x128xf32, #tpu.memory_space<vmem>>, vector<1000x128xf32>
    %add3A_11 = arith.addf %add3A, %get3A_10 : vector<1000x128xf32>
    %mul3A = vector.broadcast %get3A_1 : vector<1000x1xf32> to vector<1000x128xf32>
    %mul3A_12 = arith.mulf %mul3A, %add3A_11 : vector<1000x128xf32>
    %get3A_13 = arith.constant 0 : index
    %get3A_14 = arith.constant 0 : index
    %get3A_15 = vector.load %arg6[%get3A_13, %get3A_14] : memref<1x128xf32, #tpu.memory_space<vmem>>, vector<1x128xf32>
    %add3A_16 = vector.broadcast %get3A_15 : vector<1x128xf32> to vector<1000x128xf32>
    %add3A_17 = arith.addf %mul3A_12, %add3A_16 : vector<1000x128xf32>
    %max3A = arith.constant 0.000000e+00 : f32
    %max3A_18 = vector.broadcast %max3A : f32 to vector<1000x128xf32>
    %max3A_19 = arith.maximumf %add3A_17, %max3A_18 : vector<1000x128xf32>
    %get3A_20 = arith.constant 0 : index
    %get3A_21 = arith.constant 0 : index
    %get3A_22 = vector.load %arg4[%get3A_20, %get3A_21] : memref<1000x128xf32, #tpu.memory_space<vmem>>, vector<1000x128xf32>
    %add3A_23 = arith.addf %max3A_19, %get3A_22 : vector<1000x128xf32>
    %swap3A = arith.constant 0 : index
    %swap3A_24 = arith.constant 0 : index
    %swap3A_25 = vector.load %arg8[%swap3A, %swap3A_24] : memref<1000x128xf32, #tpu.memory_space<vmem>>, vector<1000x128xf32>
    tpu.vector_store %arg8[%swap3A, %swap3A_24], %add3A_23 {strides = array<i32>} : memref<1000x128xf32, #tpu.memory_space<vmem>>, vector<1000x128xf32>,
    %get3A_26 = arith.constant 0 : index
    %get3A_27 = arith.constant 0 : index
    %get3A_28 = vector.load %arg7[%get3A_26, %get3A_27] : memref<128x128xf32, #tpu.memory_space<vmem>>, vector<128x128xf32>
    %dot_general3A = arith.constant dense<0.000000e+00> : vector<1000x128xf32>
    %dot_general3A_29 = tpu.matmul %add3A_23, %get3A_28, %dot_general3A {dimension_numbers = #tpu.dot_dimension_numbers<[1], [0], [0], [1], [0, 0, 1, 1], [], []>, transpose_lhs_hint = false} : vector<1000x128xf32>, vector<128x128xf32>, vector<1000x128xf32> -> vector<1000x128xf32>
    %mul3A_30 = vector.broadcast %get3A_1 : vector<1000x1xf32> to vector<1000x128xf32>
    %mul3A_31 = arith.mulf %mul3A_30, %dot_general3A_29 : vector<1000x128xf32>
    %swap3A_32 = arith.constant 0 : index
    %swap3A_33 = arith.constant 0 : index
    %swap3A_34 = vector.load %arg9[%swap3A_32, %swap3A_33] : memref<1000x128xf32, #tpu.memory_space<vmem>>, vector<1000x128xf32>
    tpu.vector_store %arg9[%swap3A_32, %swap3A_33], %mul3A_31 {strides = array<i32>} : memref<1000x128xf32, #tpu.memory_space<vmem>>, vector<1000x128xf32>,
    return
  }
  func.func @transform_0(%arg0: i32) -> (i32, i32) {
    %c0_i32 = arith.constant 0 : i32
    %c0_i32_0 = arith.constant 0 : i32
    return %arg0, %c0_i32 : i32, i32
  }
  func.func @transform_1(%arg0: i32) -> (i32, i32) {
    %c0_i32 = arith.constant 0 : i32
    %c0_i32_0 = arith.constant 0 : i32
    return %arg0, %c0_i32 : i32, i32
  }
  func.func @transform_2(%arg0: i32) -> (i32, i32) {
    %c0_i32 = arith.constant 0 : i32
    %c0_i32_0 = arith.constant 0 : i32
    return %arg0, %c0_i32 : i32, i32
  }
  func.func @transform_3(%arg0: i32) -> (i32, i32) {
    %c0_i32 = arith.constant 0 : i32
    %c0_i32_0 = arith.constant 0 : i32
    return %arg0, %c0_i32 : i32, i32
  }
  func.func @transform_4(%arg0: i32) -> (i32, i32) {
    %c0_i32 = arith.constant 0 : i32
    %c0_i32_0 = arith.constant 0 : i32
    return %arg0, %c0_i32 : i32, i32
  }
  func.func @transform_5(%arg0: i32) -> (i32, i32) {
    %c0_i32 = arith.constant 0 : i32
    %c0_i32_0 = arith.constant 0 : i32
    %c0_i32_1 = arith.constant 0 : i32
    return %c0_i32, %c0_i32_0 : i32, i32
  }
  func.func @transform_6(%arg0: i32) -> (i32, i32) {
    %c0_i32 = arith.constant 0 : i32
    %c0_i32_0 = arith.constant 0 : i32
    %c0_i32_1 = arith.constant 0 : i32
    return %c0_i32, %c0_i32_0 : i32, i32
  }
  func.func @transform_7(%arg0: i32) -> (i32, i32) {
    %c0_i32 = arith.constant 0 : i32
    %c0_i32_0 = arith.constant 0 : i32
    return %arg0, %c0_i32 : i32, i32
  }
  func.func @transform_8(%arg0: i32) -> (i32, i32) {
    %c0_i32 = arith.constant 0 : i32
    %c0_i32_0 = arith.constant 0 : i32
    return %arg0, %c0_i32 : i32, i32
  }
}

module attributes {stable_mosaic.version = 14 : i64} {
  func.func @body(%arg0: i32, %arg1: memref<1000x128xf32, #tpu.memory_space<vmem>>, %arg2: memref<1000x128xf32, #tpu.memory_space<vmem>>, %arg3: memref<1000x128xf32, #tpu.memory_space<vmem>>, %arg4: memref<1000x128xf32, #tpu.memory_space<vmem>>, %arg5: memref<1000x1xf32, #tpu.memory_space<vmem>>, %arg6: memref<1x128xf32, #tpu.memory_space<vmem>>, %arg7: memref<1000x128xf32, #tpu.memory_space<vmem>>) attributes {dimension_semantics = [#tpu.dimension_semantics<arbitrary>], iteration_bounds = array<i64: 10>, scalar_prefetch = 0 : i64, scratch_operands = 0 : i64, tpu.core_type = #tpu.core_type<tc>, window_params = [{transform_indices = @transform_0, window_bounds = array<i64: 1000, 128>}, {transform_indices = @transform_1, window_bounds = array<i64: 1000, 128>}, {transform_indices = @transform_2, window_bounds = array<i64: 1000, 128>}, {transform_indices = @transform_3, window_bounds = array<i64: 1000, 128>}, {transform_indices = @transform_4, window_bounds = array<i64: 1000, 1>}, {pipeline_mode = #tpu.pipeline_mode<synchronous>, transform_indices = @transform_5, window_bounds = array<i64: 1, 128>}, {transform_indices = @transform_6, window_bounds = array<i64: 1000, 128>}]} {
    %get3A = arith.constant 0 : index
    %get3A_0 = arith.constant 0 : index
    %get3A_1 = vector.load %arg5[%get3A, %get3A_0] : memref<1000x1xf32, #tpu.memory_space<vmem>>, vector<1000x1xf32>
    %get3A_2 = arith.constant 0 : index
    %get3A_3 = arith.constant 0 : index
    %get3A_4 = vector.load %arg1[%get3A_2, %get3A_3] : memref<1000x128xf32, #tpu.memory_space<vmem>>, vector<1000x128xf32>
    %get3A_5 = arith.constant 0 : index
    %get3A_6 = arith.constant 0 : index
    %get3A_7 = vector.load %arg2[%get3A_5, %get3A_6] : memref<1000x128xf32, #tpu.memory_space<vmem>>, vector<1000x128xf32>
    %add3A = arith.addf %get3A_4, %get3A_7 : vector<1000x128xf32>
    %get3A_8 = arith.constant 0 : index
    %get3A_9 = arith.constant 0 : index
    %get3A_10 = vector.load %arg3[%get3A_8, %get3A_9] : memref<1000x128xf32, #tpu.memory_space<vmem>>, vector<1000x128xf32>
    %add3A_11 = arith.addf %add3A, %get3A_10 : vector<1000x128xf32>
    %mul3A = vector.broadcast %get3A_1 : vector<1000x1xf32> to vector<1000x128xf32>
    %mul3A_12 = arith.mulf %mul3A, %add3A_11 : vector<1000x128xf32>
    %get3A_13 = arith.constant 0 : index
    %get3A_14 = arith.constant 0 : index
    %get3A_15 = vector.load %arg6[%get3A_13, %get3A_14] : memref<1x128xf32, #tpu.memory_space<vmem>>, vector<1x128xf32>
    %add3A_16 = vector.broadcast %get3A_15 : vector<1x128xf32> to vector<1000x128xf32>
    %add3A_17 = arith.addf %mul3A_12, %add3A_16 : vector<1000x128xf32>
    %get3A_18 = arith.constant 0 : index
    %get3A_19 = arith.constant 0 : index
    %get3A_20 = vector.load %arg4[%get3A_18, %get3A_19] : memref<1000x128xf32, #tpu.memory_space<vmem>>, vector<1000x128xf32>
    %add3A_21 = arith.addf %add3A_17, %get3A_20 : vector<1000x128xf32>
    %swap3A = arith.constant 0 : index
    %swap3A_22 = arith.constant 0 : index
    %swap3A_23 = vector.load %arg7[%swap3A, %swap3A_22] : memref<1000x128xf32, #tpu.memory_space<vmem>>, vector<1000x128xf32>
    tpu.vector_store %arg7[%swap3A, %swap3A_22], %add3A_21 {strides = array<i32>} : memref<1000x128xf32, #tpu.memory_space<vmem>>, vector<1000x128xf32>,
    return
  }
  func.func @transform_0(%arg0: i32) -> (i32, i32) {
    %c0_i32 = arith.constant 0 : i32
    %c0_i32_0 = arith.constant 0 : i32
    return %arg0, %c0_i32 : i32, i32
  }
  func.func @transform_1(%arg0: i32) -> (i32, i32) {
    %c0_i32 = arith.constant 0 : i32
    %c0_i32_0 = arith.constant 0 : i32
    return %arg0, %c0_i32 : i32, i32
  }
  func.func @transform_2(%arg0: i32) -> (i32, i32) {
    %c0_i32 = arith.constant 0 : i32
    %c0_i32_0 = arith.constant 0 : i32
    return %arg0, %c0_i32 : i32, i32
  }
  func.func @transform_3(%arg0: i32) -> (i32, i32) {
    %c0_i32 = arith.constant 0 : i32
    %c0_i32_0 = arith.constant 0 : i32
    return %arg0, %c0_i32 : i32, i32
  }
  func.func @transform_4(%arg0: i32) -> (i32, i32) {
    %c0_i32 = arith.constant 0 : i32
    %c0_i32_0 = arith.constant 0 : i32
    return %arg0, %c0_i32 : i32, i32
  }
  func.func @transform_5(%arg0: i32) -> (i32, i32) {
    %c0_i32 = arith.constant 0 : i32
    %c0_i32_0 = arith.constant 0 : i32
    %c0_i32_1 = arith.constant 0 : i32
    return %c0_i32, %c0_i32_0 : i32, i32
  }
  func.func @transform_6(%arg0: i32) -> (i32, i32) {
    %c0_i32 = arith.constant 0 : i32
    %c0_i32_0 = arith.constant 0 : i32
    return %arg0, %c0_i32 : i32, i32
  }
}

</mosaic_0001>

<sc_bundles>
// kernel: kernel.10.cloned.1.call-start
scs
__scs_entry_jumppad:
0x0: {  	(pc) =	sbr.rel $0x88, $3  }
0x1: {  	(tag) =	ssettag $0x0;
	lr =	simm.s32 $0x1  }
0x2: {  	[smem:$0x3F9B] =	sst lr;
	_ =	strace $0xD0000000  }
0x3: {  	_ = 	snop  }
0x4: {  	_ = 	snop  }
0x5: {  	_ = 	snop  }
0x6: {  	_ = 	snop  }
0x7: {  	_ = 	snop  }
__scs_overlays_trampoline_lowered:
0x8: {  	[smem:$0x3FAA] =	sst s0  }
0x9: {  	[smem:$0x3FAB] =	sst s1  }
0xa: {  	[smem:$0x3FAC] =	sst s2  }
0xb: {  	[smem:$0x3FAD] =	sst s3  }
0xc: {  	[smem:$0x3FAE] =	sst s4  }
0xd: {  	[smem:$0x3FAF] =	sst s5  }
0xe: {  	[smem:$0x3FB0] =	sst s6  }
0xf: {  	[smem:$0x3FB1] =	sst s7  }
0x10: {  	[smem:$0x3FB2] =	sst s8  }
0x11: {  	[smem:$0x3FB3] =	sst s9;
	s0 =	simm.s32 @!p0 $0x0  }
0x12: {  	s1 =	sld [smem:$0x3F99];
	s0 =	simm.s32 @p0 $0x1  }
0x13: {  	[smem:$0x3FB4] =	sst s0;
	s0 =	simm.s32 @!p1 $0x0  }
0x14: {  	s2 =	sld [smem:$0x3F98];
	s0 =	simm.s32 @p1 $0x1  }
0x15: {  	[smem:$0x3FB5] =	sst s0;
	s0 =	simm.s32 @!p2 $0x0  }
0x16: {  	s3 =	sld [smem:$0x3FDB];
	s0 =	simm.s32 @p2 $0x1  }
0x17: {  	s4 =	simm.s32 $0x1BF5;
	[smem:$0x3FB7] =	sst s0  }
0x18: {  	s0 =	sld [smem:$0x3F9A];
	_ =	swait.ge [sflag:s4], $0x0  }
0x19: {  	s7 =	sld [smem:$0x3F9B]  }
0x1a: {  	s8 =	sadd.s32 $0xFFFFE003, lr  }
0x1b: {  	s9 =	sadd.s32 $0xFFFFFEF7, lr;
	s5 =	simm.s32 $0xFFFFFFFF;
	p2 =	slt.u32 s8, $0xFFFFF086  }
0x1c: {  	p1 =	slt.u32 s9, $0xF7A;
	s5 =	simm.s32 @!p2 $0x0  }
0x1d: {  	s5 =	simm.s32 @p1 $0x1;
	p0 =	seq.s32 s7, s2  }
0x1e: {  	s7 =	smul.u32 @!p0 $0xF7A, s2;
	p2 =	seq.s32 @!p0 s5, $0x0  }
0x1f: {  	s9 =	smul.u32 $0xF7A, s1;
	s8 =	simm.s32 @!p0 $0x1BF5;
	p2 =	por !p2, p0  }
0x20: {  	[sflag:s8] =	ssyncset.s32 @!p0 $0xFFFFF086;
	s6 =	sadd.s32 @!p0 s3, s7;
	s7 =	simm.s32 @!p0 $0x108  }
0x21: {  	s3 =	sadd.s32 s3, s9;
	s6 =	sadd.s32 @!p0 $0x88, s6;
	s7 =	simm.s32 @p2 $0x1082  }
0x22: {  	[simem:s7], [sflag:s8] =	dma.local @!p0 [hbm:s6], $0xF7A  }
0x23: {  	s9 =	sor.u32 $0xD0000000, s2;
	s6 =	simm.s32 $0x108;
	_ =	swait.ge @!p0 [sflag:s8], $0x0  }
0x24: {  	s3 =	sadd.s32 $0x88, s3;
	s6 =	simm.s32 @!p1 $0x1082;
	[sflag:s4] =	ssyncset.s32 $0xFFFFF086  }
0x25: {  	[simem:s6], [sflag:s4] =	dma.local [hbm:s3], $0xF7A  }
0x26: {  	[smem:$0x3F9B] =	sst s1;
	(tag) =	ssettag s2;
	_ =	strace s9  }
0x27: {  	s1 =	sld [smem:$0x3FAB]  }
0x28: {  	s2 =	sld [smem:$0x3FAC]  }
0x29: {  	s4 =	sld [smem:$0x3FAE]  }
0x2a: {  	p0 =	seq.s32 s5, $0x0;
	s5 =	sld [smem:$0x3FAF]  }
0x2b: {  	s6 =	sld [smem:$0x3FB0]  }
0x2c: {  	s7 =	sld [smem:$0x3FB1]  }
0x2d: {  	s3 =	simm.s32 $0x108;
	s8 =	sld [smem:$0x3FB2]  }
0x2e: {  	s3 =	simm.s32 @!p0 $0x1082;
	s9 =	sld [smem:$0x3FB3]  }
0x2f: {  	lr =	sadd.s32 s0, s3;
	s0 =	sld [smem:$0x3FAA]  }
0x30: {  	s3 =	sld [smem:$0x3FAD]  }
0x31: {  	[smem:$0x3FB6] =	sst s10  }
0x32: {  	s10 =	sld [smem:$0x3FB4];
	_ =	sdelay $0x3  }
0x33: {  	p0 =	seq.s32 s10, $0x1;
	s10 =	sld [smem:$0x3FB6];
	_ =	sdelay $0x3  }
0x34: {  	[smem:$0x3FB6] =	sst s10  }
0x35: {  	s10 =	sld [smem:$0x3FB5];
	_ =	sdelay $0x3  }
0x36: {  	p1 =	seq.s32 s10, $0x1;
	s10 =	sld [smem:$0x3FB6];
	_ =	sdelay $0x3  }
0x37: {  	[smem:$0x3FB6] =	sst s10  }
0x38: {  	s10 =	sld [smem:$0x3FB7]  }
0x39: {  	_ = 	snop;
	(pc) =	sbr.ind lr, $3  }
0x3a: {  	_ = 	snop  }
0x3b: {  	_ = 	snop  }
0x3c: {  	p2 =	seq.s32 s10, $0x1;
	s10 =	sld [smem:$0x3FB6]  }
0x3d: {  	_ =	shalt  }
0x3e: {  	_ =	shalt  }
0x3f: {  	_ =	shalt  }
0x40: {  	_ =	shalt  }
0x41: {  	_ =	shalt  }
0x42: {  	_ =	shalt  }
0x43: {  	_ =	shalt  }
0x44: {  	_ =	shalt  }
0x45: {  	_ =	shalt  }
0x46: {  	_ =	shalt  }
0x47: {  	_ =	shalt  }
0x48: {  	_ =	shalt  }
0x49: {  	_ =	shalt  }
0x4a: {  	_ =	shalt  }
0x4b: {  	_ =	shalt  }
0x4c: {  	_ =	shalt  }
0x4d: {  	_ =	shalt  }
0x4e: {  	_ =	shalt  }
0x4f: {  	_ =	shalt  }
0x50: {  	_ =	shalt  }
0x51: {  	_ =	shalt  }
0x52: {  	_ =	shalt  }
0x53: {  	_ =	shalt  }
0x54: {  	_ =	shalt  }
0x55: {  	_ =	shalt  }
0x56: {  	_ =	shalt  }
0x57: {  	_ =	shalt  }
0x58: {  	_ =	shalt  }
0x59: {  	_ =	shalt  }
0x5a: {  	_ =	shalt  }
0x5b: {  	_ =	shalt  }
0x5c: {  	_ =	shalt  }
0x5d: {  	_ =	shalt  }
0x5e: {  	_ =	shalt  }
0x5f: {  	_ =	shalt  }
0x60: {  	_ =	shalt  }
0x61: {  	_ =	shalt  }
0x62: {  	_ =	shalt  }
0x63: {  	_ =	shalt  }
0x64: {  	_ =	shalt  }
0x65: {  	_ =	shalt  }
0x66: {  	_ =	shalt  }
0x67: {  	_ =	shalt  }
0x68: {  	_ =	shalt  }
0x69: {  	_ =	shalt  }
0x6a: {  	_ =	shalt  }
0x6b: {  	_ =	shalt  }
0x6c: {  	_ =	shalt  }
0x6d: {  	_ =	shalt  }
0x6e: {  	_ =	shalt  }
0x6f: {  	_ =	shalt  }
0x70: {  	_ =	shalt  }
0x71: {  	_ =	shalt  }
0x72: {  	_ =	shalt  }
0x73: {  	_ =	shalt  }
0x74: {  	_ =	shalt  }
0x75: {  	_ =	shalt  }
0x76: {  	_ =	shalt  }
0x77: {  	_ =	shalt  }
0x78: {  	_ =	shalt  }
0x79: {  	_ =	shalt  }
0x7a: {  	_ =	shalt  }
0x7b: {  	_ =	shalt  }
0x7c: {  	_ =	shalt  }
0x7d: {  	_ =	shalt  }
0x7e: {  	_ =	shalt  }
0x7f: {  	_ =	shalt  }
0x80: {  	_ =	shalt  }
0x81: {  	_ =	shalt  }
0x82: {  	_ =	shalt  }
0x83: {  	_ =	shalt  }
0x84: {  	_ =	shalt  }
0x85: {  	_ =	shalt  }
0x86: {  	_ =	shalt  }
0x87: {  	_ =	shalt  }
.Lfunc_end0:
.L_simem_size_0:
called_computation_lowered:
.L_overlay_start_0:
0x88: {  	s2 =	sld [smem:$0x3FD9]  }
0x89: {  	s3 =	sld [smem:$0x3FFE];
	_ =	sdelay $0x1  }
0x8a: {  	s1 =	srdreg.scid  }
0x8b: {  	s0 =	sand.u32 $0x1, s1  }
0x8c: {  	s16 =	sshll.u32 s0, $0xA;
	s2 =	sadd.s32 s3, s2  }
0x8d: {  	s2 =	sadd.s32 s2, s16  }
0x8e: {  	[smem:$0x3FC2] =	sst s2  }
0x8f: {  	_ = 	snop  }
0x90: {  	(tm) =	ssettm $0x1  }
0x91: {  	s17 =	sld [smem:$0x3FFB];
	_ =	sdelay $0x3  }
0x92: {  	_ =	strace s17  }
0x93: {  	s2 =	sld [smem:$0x3FFC];
	_ =	sdelay $0x3  }
0x94: {  	_ =	strace s2  }
0x95: {  	s2 =	sld [smem:$0x3FFD];
	_ =	sdelay $0x3  }
0x96: {  	_ =	strace s2  }
0x97: {  	_ =	strace $0x8FFFFFFF  }
0x98: {  	s18 =	sld [smem:$0x3FDB];
	_ =	sdelay $0x1  }
0x99: {  	s19 =	simm.s32 $_scs_section_size  }
0x9a: {  	s4 =	simm.s32 $_size__tile_overlayer_lowered;
	s5 =	simm.s32 $_tile_overlayer_lowered  }
0x9b: {  	s22 =	simm.s32 $0x1BFF;
	s21 =	sshll.u32 s5, $0x1;
	s2 =	sadd.s32 s19, s18  }
0x9c: {  	s6 =	simm.s32 $0x0;
	s20 =	sshll.u32 s4, $0x1;
	s4 =	sadd.s32 s21, s2  }
0x9d: {  	[timem:s6], [sflag:s22] =	dma.local [hbm:s4], s20  }
0x9e: {  	_ =	swait.ge [sflag:s22], s20  }
0x9f: {  	s3 =	ssub.s32 $0x0, s20;
	[sflag:s22] =	ssyncset.done $0x0  }
0xa0: {  	[sflag:s22] =	ssyncadd.s32 s3;
	_ =	sdelay $0x1  }
0xa1: {  	s23 =	simm.s32 $0x1B8B  }
0xa2: {  	_ =	swait.ge [sflag:s23], $0x1  }
0xa3: {  	[sflag:s23] =	ssyncset.done $0x0  }
0xa4: {  	s25 =	simm.s32 $0x1B8E;
	s24 =	sld [smem:$0x3FFE];
	[sflag:s23] =	ssyncadd.s32 $0xFFFFFFFF  }
0xa5: {  	s26 =	simm.s32 $execute0_lowered;
	[smem:$0x3FD2] =	sst s25  }
0xa6: {  	s4 =	sshll.u32 s26, $0x1;
	_ =	strace $0x80000046;
	[dreg:$0x1] =	wrdreg $0xFFFFFFFF  }
0xa7: {  	s28 =	simm.s32 $_size_execute0_lowered;
	s2 =	sadd.s32 s2, s4;
	[dreg:$0x0] =	wrdreg $0x0  }
0xa8: {  	s4 =	sshll.u32 s28, $0x1;
	[dreg:$0x2] =	wrdreg s2  }
0xa9: {  	[dreg:$0x3] =	wrdreg s4  }
0xaa: {  	[dreg:$0x4] =	wrdreg $0xC0  }
0xab: {  	_ =	task [dreg:s6], $0x5FFFF  }
0xac: {  	[dreg:$0x1] =	wrdreg $0xFFFFFFFF  }
0xad: {  	[dreg:$0x0] =	wrdreg $0x60  }
0xae: {  	[dreg:$0x2] =	wrdreg s24  }
0xaf: {  	[dreg:$0x3] =	wrdreg $0xA8000  }
0xb0: {  	[dreg:$0x4] =	wrdreg $0x9  }
0xb1: {  	_ =	task.clear_ibuf [dreg:s6], $0x5FFFF;
	_ =	strace $0x90000046  }
0xb2: {  	s29 =	simm.s32 $0x9;
	_ =	strace $0x80000048  }
0xb3: {  	_ =	swait.ge [sflag:s29], $0x1  }
0xb4: {  	[sflag:s29] =	ssyncadd.s32 $0xFFFFFFFF  }
0xb5: {  	_ =	strace $0x90000048  }
0xb6: {  	_ =	sfence  }
0xb7: {  	s30 =	sld [smem:$0x0];
	_ =	sdelay $0x2  }
0xb8: {  	s31 =	sshll.u32 s1, $0xD;
	s1 =	sshrl.u32 s1, $0x2  }
0xb9: {  	s3 =	sand.u32 $0x4000, s31;
	s1 =	sadd.s32 s1, s30  }
0xba: {  	s0 =	sor.u32 s3, s0;
	s1 =	sshll.u32 s1, $0x11  }
0xbb: {  	s0 =	sor.u32 s1, s0  }
0xbc: {  	s0 =	sadd.s32 $0x8F2B, s0  }
0xbd: {  	[sflag:s0] =	ssyncadd.remote.s32 $0x1  }
0xbe: {  	_ =	sfence.sel $0xFFFF  }
0xbf: {  	[dreg:$0x0] =	wrdreg $0xFFFFFFFF;
	(pc) =	sbr.abs _section_cstart, $3  }
0xc0: {  	[dreg:$0x1] =	wrdreg $0xFFFFFFFF  }
0xc1: {  	_ =	task.clear_ibuf [dreg:s6], $0x2FFFF;
	_ =	strace $0x9FFFFFFF  }
0xc2: {  	(tm) =	ssettm $0x7FFFFFFF  }
0xc3: {  	_ =	shalt  }
tec
execute0_lowered:
.L_overlay_start_1:
0x0: {  	(tag) =	ssettag $0x1  }
0x1: {  	s1 =	srdreg.scid  }
0x2: {  	s0 =	stileid.u32;
	s4 =	rddreg [dreg:$0x0]  }
0x3: {  	s2 =	rddreg [dreg:$0x1];
	s3 =	simm.s32 $0x0;
	s13 =	simm.s32 $0x6800  }
0x4: {  	s14 =	simm.s32 $0x2;
	s15 =	simm.s32 $0x80;
	s16 =	simm.s32 $0x2800  }
0x5: {  	s17 =	simm.s32 $0x1;
	s5 =	sand.u32 $0x1, s1;
	s7 =	smul.u32 $0x50000, s0  }
0x6: {  	s25 =	sshll.u32 s0, $0x1;
	s1 =	rddreg [dreg:$0x2];
	s10 =	smul.u32 $0x13800, s0  }
0x7: {  	[smem:$0x7FF] =	sst s3;
	s11 =	sadd.s32 $0xD000, s4;
	s31 =	smul.u32 $0x4E000, s0  }
0x8: {  	s20 =	sadd.s32 $0x138000, s2;
	p0 =	sne.s32 s0, $0xF;
	s18 =	sshll.u32 s0, $0x6  }
0x9: {  	s6 =	sor.u32 s5, s25;
	_ =	strace $0x80000047;
	s8 =	ssub.s32 $0x2, s5  }
0xa: {  	s9 =	smul.u32 $0x138800, s5;
	s18 =	sor.u32 $0x1C02, s18;
	s20 =	sshrl.u32 @!p0 s20, $0x3  }
0xb: {  	s6 =	smul.u32 $0x500, s6;
	s28 =	sshrl.u32 s8, $0x1;
	s29 =	sshrl.u32 s7, $0x2  }
0xc: {  	s7 =	sshrl.u32 s31, $0x2;
	s8 =	ssub.s32 s8, s28;
	s30 =	sadd.s32 s10, s9  }
0xd: {  	s9 =	sshrl.u32 s9, $0x3;
	s19 =	sadd.s32 s7, s2;
	s26 =	sadd.s32 s6, s4  }
0xe: {  	s4 =	sadd.s32 s29, s2;
	s6 =	sshrl.u32 s30, $0x3;
	s9 =	sadd.s32 s11, s9  }
0xf: {  	s8 =	smax.u32 s8, $0x1;
	s19 =	sshrl.u32 s19, $0x3;
	s5 =	sadd.s32 $0x2A00, s26  }
0x10: {  	s6 =	sadd.s32 s11, s6;
	s7 =	sadd.s32 $0x27000, s9;
	s9 =	sadd.s32 $0x4000, s4  }
0x11: {  	v0 =	vimm.f32 $1.000000000e+00;
	v1 =	vimm.f32 $0.0e+00;
	s10 =	sadd.s32 $0x8000, s4;
	s11 =	sadd.s32 $0xC000, s4;
	s12 =	sadd.s32 $0x10000, s4  }
.LBB2_1:
0x12: {  	s21 =	simm.s32 $0x200;
	s22 =	simm.s32 $0x0  }
.LBB2_2:
0x13: {  	p1 =	sne.s32 s21, $0xFE00;
	[tilespmem:s22+$0x2800] =	vst v0;
	s23 =	smov.u32 s21;
	s21 =	sadd.s32 $0x200, s21  }
.Ltmp0:
0x14: {  	[tilespmem:s22+$0x6800] =	vst v1;
	(pc) =	sbr.rel @p1 .LBB2_2-.Ltmp0, $2  }
0x15: {  	_ =	sdelay $0x2  }
0x16: {  	s22 =	sshra.s32 s23, $0x2  }
0x17: {  	[tilespmem:s22+$0x2800] =	vst v0  }
0x18: {  	[tilespmem:s22+$0x6800] =	vst v1  }
0x19: {  	[spmem:s4] =	stream.linear.scatter [tilespmem:s13], [sflag:$0x2], $0x4000, $0x38;
	[tilespmem:$0xD000] =	vst v63  }
0x1a: {  	_ =	swait.ge [sflag:s14], $0x4000  }
0x1b: {  	[sflag:s14] =	ssyncset.done $0x0  }
0x1c: {  	[sflag:s14] =	ssyncadd.s32 $0xFFFFC000  }
0x1d: {  	[spmem:s9] =	stream.linear.scatter [tilespmem:s13], [sflag:$0x2], $0x4000, $0x38;
	[tilespmem:$0xD000] =	vst v63  }
0x1e: {  	_ =	swait.ge [sflag:s14], $0x4000  }
0x1f: {  	[sflag:s14] =	ssyncset.done $0x0  }
0x20: {  	[sflag:s14] =	ssyncadd.s32 $0xFFFFC000  }
0x21: {  	[spmem:s10] =	stream.linear.scatter [tilespmem:s13], [sflag:$0x2], $0x4000, $0x38;
	[tilespmem:$0xD000] =	vst v63  }
0x22: {  	_ =	swait.ge [sflag:s14], $0x4000  }
0x23: {  	[sflag:s14] =	ssyncset.done $0x0  }
0x24: {  	[sflag:s14] =	ssyncadd.s32 $0xFFFFC000  }
0x25: {  	[spmem:s11] =	stream.linear.scatter [tilespmem:s13], [sflag:$0x2], $0x4000, $0x38;
	[tilespmem:$0xD000] =	vst v63  }
0x26: {  	_ =	swait.ge [sflag:s14], $0x4000  }
0x27: {  	[sflag:s14] =	ssyncset.done $0x0  }
0x28: {  	[sflag:s14] =	ssyncadd.s32 $0xFFFFC000  }
0x29: {  	[spmem:s12] =	stream.linear.scatter [tilespmem:s13], [sflag:$0x2], $0x4000, $0x38;
	[tilespmem:$0xD000] =	vst v63  }
0x2a: {  	_ =	swait.ge [sflag:s14], $0x4000  }
0x2b: {  	[sflag:s14] =	ssyncset.done $0x0  }
0x2c: {  	s21 =	simm.s32 $0x0;
	[sflag:s14] =	ssyncadd.s32 $0xFFFFC000  }
0x2d: {  	[tilespmem:s21], [sflag:$0x2] =	stream.linear.gather [hbm4b:s5+s21], $0x2800, $0x38;
	[tilespmem:$0xD000] =	vst v63  }
0x2e: {  	_ =	swait.ge [sflag:s14], $0x2800  }
0x2f: {  	[sflag:s14] =	ssyncset.done $0x0  }
0x30: {  	[sflag:s14] =	ssyncadd.s32 $0xFFFFD800  }
0x31: {  	[bflag:$0x0] =	sbarrier.arrive $0xFFFF  }
.LBB2_4:
0x32: {  	p1 =	sne.s32 s21, $0x9E00  }
.Ltmp1:
0x33: {  	_ = 	snop;
	(pc) =	sbr.rel @p1 .LBB2_4-.Ltmp1, $3  }
0x34: {  	_ =	sdelay $0x1  }
0x35: {  	s22 =	sshra.s32 s21, $0x2;
	s21 =	sadd.s32 $0x200, s21  }
0x36: {  	[spmem:s2] =	stream.indirect.scatter.add.f32 [tilespmem:s16], [sflag:$0x1], $0x10, s22, s15, $0xb8;
	[tilespmem:$0xD000] =	vst v63  }
0x37: {  	_ =	swait.ge [sflag:s17], $0x800  }
0x38: {  	s21 =	simm.s32 $0x4F;
	[sflag:s17] =	ssyncset.done $0x0  }
.LBB2_6:
0x39: {  	p1 =	sne.s32 s21, $0x1;
	s21 =	sadd.s32 $0xFFFFFFFF, s21;
	[sflag:s17] =	ssyncadd.s32 $0xFFFFF800  }
.Ltmp2:
0x3a: {  	(pc) =	sbr.rel @p1 .LBB2_6-.Ltmp2, $3  }
0x3b: {  	_ =	sdelay $0x1  }
0x3c: {  	_ =	swait.ge [sflag:s17], $0x800  }
0x3d: {  	[sflag:s17] =	ssyncset.done $0x0  }
0x3e: {  	[sflag:s17] =	ssyncadd.s32 $0xFFFFF800  }
0x3f: {  	[bflag:$0x0] =	sbarrier.arrive $0xFFFF  }
0x40: {  	[hbm:s6], [sflag:s18] =	dma.local [spmem:s19], $0x2700  }
0x41: {  	s3 =	sadd.s32 $0x1, s3;
	_ =	swait.ge [sflag:s14], $0x2700  }
0x42: {  	p1 =	sne.s32 s3, s8;
	[sflag:s14] =	ssyncset.done $0x0  }
.Ltmp3:
0x43: {  	s21 =	simm.s32 @!p0 $0x2;
	[sflag:s14] =	ssyncadd.s32 $0xFFFFD900;
	(pc) =	sbr.rel @p1 .LBB2_1-.Ltmp3, $4  }
0x44: {  	[hbm:s7], [sflag:s18] =	dma.local @!p0 [spmem:s20], $0x100  }
0x45: {  	_ =	swait.ge @!p0 [sflag:s21], $0x100  }
0x46: {  	[sflag:s21] =	ssyncset.done @!p0 $0x0  }
0x47: {  	[sflag:s21] =	ssyncadd.s32 @!p0 $0xFFFFFF00  }
0x48: {  	_ =	sfence.sel $0x180000  }
0x49: {  	[bflag:$0x0] =	sbarrier.arrive $0xFFFF  }
0x4a: {  	p0 =	sne.s32 s0, $0x0;
	_ =	strace $0x90000047  }
0x4b: {  	s0 =	sadd.s32 @!p0 $0x100000, s1;
	[bflag:$0x2] =	sbarrier.arrive $0xFFFF  }
0x4c: {  	[sflag:s0] =	ssyncadd.tile.s32 @!p0 $0x1;
	_ =	shalt  }
.Lfunc_end2:
_tile_overlayer_lowered:
.L_overlay_start_2:
0x4d: {  	(tag) =	ssettag $0x2  }
0x4e: {  	s0 =	rddreg [dreg:$0x0];
	s2 =	stileid.u32  }
0x4f: {  	s1 =	rddreg [dreg:$0x1];
	p0 =	sne.s32 s2, $0x0  }
0x50: {  	s3 =	rddreg [dreg:$0x2];
	[bflag:$0x3] =	sbarrier.arrive $0xFFFF;
	s2 =	simm.s32 @!p0 $0x1C02  }
0x51: {  	[timem:s3], [sflag:s2] =	dma.local @!p0 [hbm:s0], s1  }
0x52: {  	s0 =	simm.s32 @!p0 $0x2  }
0x53: {  	_ =	swait.ge @!p0 [sflag:s0], s1  }
0x54: {  	s1 =	ssub.s32 @!p0 $0x0, s1;
	[sflag:s0] =	ssyncset.done @!p0 $0x0  }
0x55: {  	[sflag:s0] =	ssyncadd.s32 @!p0 s1  }
0x56: {  	[bflag:$0x3] =	sbarrier.arrive $0xFFFF  }
0x57: {  	_ =	shalt  }

// kernel: kernel.13.cloned.1.call-start
scs
__scs_entry_jumppad:
0x0: {  	(pc) =	sbr.rel $0x88, $3  }
0x1: {  	(tag) =	ssettag $0x0;
	lr =	simm.s32 $0x1  }
0x2: {  	[smem:$0x3F9B] =	sst lr;
	_ =	strace $0xD0000000  }
0x3: {  	_ = 	snop  }
0x4: {  	_ = 	snop  }
0x5: {  	_ = 	snop  }
0x6: {  	_ = 	snop  }
0x7: {  	_ = 	snop  }
__scs_overlays_trampoline_lowered:
0x8: {  	[smem:$0x3FAA] =	sst s0  }
0x9: {  	[smem:$0x3FAB] =	sst s1  }
0xa: {  	[smem:$0x3FAC] =	sst s2  }
0xb: {  	[smem:$0x3FAD] =	sst s3  }
0xc: {  	[smem:$0x3FAE] =	sst s4  }
0xd: {  	[smem:$0x3FAF] =	sst s5  }
0xe: {  	[smem:$0x3FB0] =	sst s6  }
0xf: {  	[smem:$0x3FB1] =	sst s7  }
0x10: {  	[smem:$0x3FB2] =	sst s8  }
0x11: {  	[smem:$0x3FB3] =	sst s9;
	s0 =	simm.s32 @!p0 $0x0  }
0x12: {  	s1 =	sld [smem:$0x3F99];
	s0 =	simm.s32 @p0 $0x1  }
0x13: {  	[smem:$0x3FB4] =	sst s0;
	s0 =	simm.s32 @!p1 $0x0  }
0x14: {  	s2 =	sld [smem:$0x3F98];
	s0 =	simm.s32 @p1 $0x1  }
0x15: {  	[smem:$0x3FB5] =	sst s0;
	s0 =	simm.s32 @!p2 $0x0  }
0x16: {  	s3 =	sld [smem:$0x3FDB];
	s0 =	simm.s32 @p2 $0x1  }
0x17: {  	s4 =	simm.s32 $0x1BF5;
	[smem:$0x3FB7] =	sst s0  }
0x18: {  	s0 =	sld [smem:$0x3F9A];
	_ =	swait.ge [sflag:s4], $0x0  }
0x19: {  	s7 =	sld [smem:$0x3F9B]  }
0x1a: {  	s8 =	sadd.s32 $0xFFFFE003, lr  }
0x1b: {  	s9 =	sadd.s32 $0xFFFFFEF7, lr;
	s5 =	simm.s32 $0xFFFFFFFF;
	p2 =	slt.u32 s8, $0xFFFFF086  }
0x1c: {  	p1 =	slt.u32 s9, $0xF7A;
	s5 =	simm.s32 @!p2 $0x0  }
0x1d: {  	s5 =	simm.s32 @p1 $0x1;
	p0 =	seq.s32 s7, s2  }
0x1e: {  	s7 =	smul.u32 @!p0 $0xF7A, s2;
	p2 =	seq.s32 @!p0 s5, $0x0  }
0x1f: {  	s9 =	smul.u32 $0xF7A, s1;
	s8 =	simm.s32 @!p0 $0x1BF5;
	p2 =	por !p2, p0  }
0x20: {  	[sflag:s8] =	ssyncset.s32 @!p0 $0xFFFFF086;
	s6 =	sadd.s32 @!p0 s3, s7;
	s7 =	simm.s32 @!p0 $0x108  }
0x21: {  	s3 =	sadd.s32 s3, s9;
	s6 =	sadd.s32 @!p0 $0x88, s6;
	s7 =	simm.s32 @p2 $0x1082  }
0x22: {  	[simem:s7], [sflag:s8] =	dma.local @!p0 [hbm:s6], $0xF7A  }
0x23: {  	s9 =	sor.u32 $0xD0000000, s2;
	s6 =	simm.s32 $0x108;
	_ =	swait.ge @!p0 [sflag:s8], $0x0  }
0x24: {  	s3 =	sadd.s32 $0x88, s3;
	s6 =	simm.s32 @!p1 $0x1082;
	[sflag:s4] =	ssyncset.s32 $0xFFFFF086  }
0x25: {  	[simem:s6], [sflag:s4] =	dma.local [hbm:s3], $0xF7A  }
0x26: {  	[smem:$0x3F9B] =	sst s1;
	(tag) =	ssettag s2;
	_ =	strace s9  }
0x27: {  	s1 =	sld [smem:$0x3FAB]  }
0x28: {  	s2 =	sld [smem:$0x3FAC]  }
0x29: {  	s4 =	sld [smem:$0x3FAE]  }
0x2a: {  	p0 =	seq.s32 s5, $0x0;
	s5 =	sld [smem:$0x3FAF]  }
0x2b: {  	s6 =	sld [smem:$0x3FB0]  }
0x2c: {  	s7 =	sld [smem:$0x3FB1]  }
0x2d: {  	s3 =	simm.s32 $0x108;
	s8 =	sld [smem:$0x3FB2]  }
0x2e: {  	s3 =	simm.s32 @!p0 $0x1082;
	s9 =	sld [smem:$0x3FB3]  }
0x2f: {  	lr =	sadd.s32 s0, s3;
	s0 =	sld [smem:$0x3FAA]  }
0x30: {  	s3 =	sld [smem:$0x3FAD]  }
0x31: {  	[smem:$0x3FB6] =	sst s10  }
0x32: {  	s10 =	sld [smem:$0x3FB4];
	_ =	sdelay $0x3  }
0x33: {  	p0 =	seq.s32 s10, $0x1;
	s10 =	sld [smem:$0x3FB6];
	_ =	sdelay $0x3  }
0x34: {  	[smem:$0x3FB6] =	sst s10  }
0x35: {  	s10 =	sld [smem:$0x3FB5];
	_ =	sdelay $0x3  }
0x36: {  	p1 =	seq.s32 s10, $0x1;
	s10 =	sld [smem:$0x3FB6];
	_ =	sdelay $0x3  }
0x37: {  	[smem:$0x3FB6] =	sst s10  }
0x38: {  	s10 =	sld [smem:$0x3FB7]  }
0x39: {  	_ = 	snop;
	(pc) =	sbr.ind lr, $3  }
0x3a: {  	_ = 	snop  }
0x3b: {  	_ = 	snop  }
0x3c: {  	p2 =	seq.s32 s10, $0x1;
	s10 =	sld [smem:$0x3FB6]  }
0x3d: {  	_ =	shalt  }
0x3e: {  	_ =	shalt  }
0x3f: {  	_ =	shalt  }
0x40: {  	_ =	shalt  }
0x41: {  	_ =	shalt  }
0x42: {  	_ =	shalt  }
0x43: {  	_ =	shalt  }
0x44: {  	_ =	shalt  }
0x45: {  	_ =	shalt  }
0x46: {  	_ =	shalt  }
0x47: {  	_ =	shalt  }
0x48: {  	_ =	shalt  }
0x49: {  	_ =	shalt  }
0x4a: {  	_ =	shalt  }
0x4b: {  	_ =	shalt  }
0x4c: {  	_ =	shalt  }
0x4d: {  	_ =	shalt  }
0x4e: {  	_ =	shalt  }
0x4f: {  	_ =	shalt  }
0x50: {  	_ =	shalt  }
0x51: {  	_ =	shalt  }
0x52: {  	_ =	shalt  }
0x53: {  	_ =	shalt  }
0x54: {  	_ =	shalt  }
0x55: {  	_ =	shalt  }
0x56: {  	_ =	shalt  }
0x57: {  	_ =	shalt  }
0x58: {  	_ =	shalt  }
0x59: {  	_ =	shalt  }
0x5a: {  	_ =	shalt  }
0x5b: {  	_ =	shalt  }
0x5c: {  	_ =	shalt  }
0x5d: {  	_ =	shalt  }
0x5e: {  	_ =	shalt  }
0x5f: {  	_ =	shalt  }
0x60: {  	_ =	shalt  }
0x61: {  	_ =	shalt  }
0x62: {  	_ =	shalt  }
0x63: {  	_ =	shalt  }
0x64: {  	_ =	shalt  }
0x65: {  	_ =	shalt  }
0x66: {  	_ =	shalt  }
0x67: {  	_ =	shalt  }
0x68: {  	_ =	shalt  }
0x69: {  	_ =	shalt  }
0x6a: {  	_ =	shalt  }
0x6b: {  	_ =	shalt  }
0x6c: {  	_ =	shalt  }
0x6d: {  	_ =	shalt  }
0x6e: {  	_ =	shalt  }
0x6f: {  	_ =	shalt  }
0x70: {  	_ =	shalt  }
0x71: {  	_ =	shalt  }
0x72: {  	_ =	shalt  }
0x73: {  	_ =	shalt  }
0x74: {  	_ =	shalt  }
0x75: {  	_ =	shalt  }
0x76: {  	_ =	shalt  }
0x77: {  	_ =	shalt  }
0x78: {  	_ =	shalt  }
0x79: {  	_ =	shalt  }
0x7a: {  	_ =	shalt  }
0x7b: {  	_ =	shalt  }
0x7c: {  	_ =	shalt  }
0x7d: {  	_ =	shalt  }
0x7e: {  	_ =	shalt  }
0x7f: {  	_ =	shalt  }
0x80: {  	_ =	shalt  }
0x81: {  	_ =	shalt  }
0x82: {  	_ =	shalt  }
0x83: {  	_ =	shalt  }
0x84: {  	_ =	shalt  }
0x85: {  	_ =	shalt  }
0x86: {  	_ =	shalt  }
0x87: {  	_ =	shalt  }
.Lfunc_end0:
.L_simem_size_0:
called_computation.1_lowered:
.L_overlay_start_0:
0x88: {  	s2 =	sld [smem:$0x3FD9]  }
0x89: {  	s3 =	sld [smem:$0x3FFE];
	_ =	sdelay $0x1  }
0x8a: {  	s1 =	srdreg.scid  }
0x8b: {  	s0 =	sand.u32 $0x1, s1  }
0x8c: {  	s17 =	sshll.u32 s0, $0xA;
	s2 =	sadd.s32 s3, s2  }
0x8d: {  	s2 =	sadd.s32 s2, s17  }
0x8e: {  	[smem:$0x3FC2] =	sst s2  }
0x8f: {  	_ = 	snop  }
0x90: {  	s2 =	sld [smem:$0x3FD0];
	(tm) =	ssettm $0x1  }
0x91: {  	s18 =	sld [smem:$0x3FFB];
	_ =	sdelay $0x3  }
0x92: {  	_ =	strace s18  }
0x93: {  	s3 =	sld [smem:$0x3FFC];
	_ =	sdelay $0x3  }
0x94: {  	_ =	strace s3  }
0x95: {  	s3 =	sld [smem:$0x3FFD];
	_ =	sdelay $0x3  }
0x96: {  	_ =	strace s3  }
0x97: {  	_ =	strace $0x8FFFFFFF  }
0x98: {  	s19 =	sld [smem:$0x3FDB];
	_ =	sdelay $0x1  }
0x99: {  	s4 =	simm.s32 $_scs_section_size  }
0x9a: {  	s5 =	simm.s32 $_size__tile_overlayer_lowered;
	s6 =	simm.s32 $_tile_overlayer_lowered  }
0x9b: {  	s22 =	simm.s32 $0x1BFF;
	s21 =	sshll.u32 s6, $0x1;
	s3 =	sadd.s32 s4, s19  }
0x9c: {  	s7 =	simm.s32 $0x0;
	s20 =	sshll.u32 s5, $0x1;
	s5 =	sadd.s32 s21, s3  }
0x9d: {  	[timem:s7], [sflag:s22] =	dma.local [hbm:s5], s20  }
0x9e: {  	_ =	swait.ge [sflag:s22], s20  }
0x9f: {  	s4 =	ssub.s32 $0x0, s20;
	[sflag:s22] =	ssyncset.done $0x0  }
0xa0: {  	[sflag:s22] =	ssyncadd.s32 s4;
	_ =	sdelay $0x1  }
0xa1: {  	s23 =	simm.s32 $0x1B8B  }
0xa2: {  	_ =	swait.ge [sflag:s23], $0x1  }
0xa3: {  	[sflag:s23] =	ssyncset.done $0x0  }
0xa4: {  	s25 =	simm.s32 $0x1B8E;
	s24 =	sld [smem:$0x3FFE];
	[sflag:s23] =	ssyncadd.s32 $0xFFFFFFFF  }
0xa5: {  	s26 =	simm.s32 $execute0_lowered;
	[smem:$0x3FD2] =	sst s25  }
0xa6: {  	s5 =	sshll.u32 s26, $0x1;
	_ =	strace $0x80000049;
	[dreg:$0x1] =	wrdreg $0xFFFFFFFF  }
0xa7: {  	s28 =	simm.s32 $_size_execute0_lowered;
	s3 =	sadd.s32 s3, s5;
	[dreg:$0x0] =	wrdreg $0x0  }
0xa8: {  	s5 =	sshll.u32 s28, $0x1;
	[dreg:$0x2] =	wrdreg s3  }
0xa9: {  	[dreg:$0x3] =	wrdreg s5  }
0xaa: {  	[dreg:$0x4] =	wrdreg $0xC0  }
0xab: {  	_ =	task [dreg:s7], $0x5FFFF  }
0xac: {  	[dreg:$0x1] =	wrdreg $0xFFFFFFFF  }
0xad: {  	[dreg:$0x0] =	wrdreg $0x60  }
0xae: {  	[dreg:$0x2] =	wrdreg s2  }
0xaf: {  	[dreg:$0x3] =	wrdreg s24  }
0xb0: {  	[dreg:$0x4] =	wrdreg $0xA9000  }
0xb1: {  	[dreg:$0x5] =	wrdreg $0x9  }
0xb2: {  	_ =	task.clear_ibuf [dreg:s7], $0x6FFFF;
	_ =	strace $0x90000049  }
0xb3: {  	s29 =	simm.s32 $0x9;
	_ =	strace $0x8000004B  }
0xb4: {  	_ =	swait.ge [sflag:s29], $0x1  }
0xb5: {  	[sflag:s29] =	ssyncadd.s32 $0xFFFFFFFF  }
0xb6: {  	_ =	strace $0x9000004B  }
0xb7: {  	_ =	sfence  }
0xb8: {  	s30 =	sld [smem:$0x0];
	_ =	sdelay $0x2  }
0xb9: {  	s31 =	sshll.u32 s1, $0xD;
	s1 =	sshrl.u32 s1, $0x2  }
0xba: {  	s3 =	sand.u32 $0x4000, s31;
	s1 =	sadd.s32 s1, s30  }
0xbb: {  	s0 =	sor.u32 s3, s0;
	s1 =	sshll.u32 s1, $0x11  }
0xbc: {  	s0 =	sor.u32 s1, s0  }
0xbd: {  	s0 =	sadd.s32 $0x8F2B, s0  }
0xbe: {  	[sflag:s0] =	ssyncadd.remote.s32 $0x1  }
0xbf: {  	_ =	sfence.sel $0xFFFF  }
0xc0: {  	[dreg:$0x0] =	wrdreg $0xFFFFFFFF;
	(pc) =	sbr.abs _section_cstart, $3  }
0xc1: {  	[dreg:$0x1] =	wrdreg $0xFFFFFFFF  }
0xc2: {  	_ =	task.clear_ibuf [dreg:s7], $0x2FFFF;
	_ =	strace $0x9FFFFFFF  }
0xc3: {  	(tm) =	ssettm $0x7FFFFFFF  }
tec
execute0_lowered:
.L_overlay_start_1:
0x0: {  	(tag) =	ssettag $0x1  }
0x1: {  	s1 =	rddreg [dreg:$0x0]  }
0x2: {  	s0 =	rddreg [dreg:$0x1]  }
0x3: {  	s2 =	rddreg [dreg:$0x2];
	s3 =	simm.s32 $0x0  }
0x4: {  	s20 =	srdreg.scid;
	s4 =	stileid.u32;
	s28 =	simm.s32 $0x2900  }
0x5: {  	s29 =	simm.s32 $0x7;
	s30 =	simm.s32 $0x2800;
	s7 =	smul.u32 $0x50000, s4  }
0x6: {  	s31 =	simm.s32 $0x20;
	[smem:$0x7FF] =	sst s3;
	s10 =	smul.u32 $0x500, s4  }
0x7: {  	s3 =	sand.u32 $0x1, s20;
	s5 =	sadd.s32 $0x5B200, s0;
	s23 =	smul.u32 $0x2800, s4  }
0x8: {  	s8 =	sadd.s32 $0x2A00, s0;
	s11 =	sadd.s32 $0x65200, s0;
	s13 =	smul.u32 $0x13800, s4  }
0x9: {  	s24 =	sadd.s32 $0x5B220, s0;
	s0 =	sadd.s32 $0x5B230, s0;
	s25 =	smul.u32 $0x4E000, s4  }
0xa: {  	p1 =	sne.s32 s4, $0xF;
	_ =	strace $0x8000004A;
	s6 =	ssub.s32 $0x2, s3  }
0xb: {  	p0 =	seq.s32 s3, $0x1;
	s3 =	smul.u32 $0x138800, s3;
	s21 =	sadd.s32 s8, s10  }
0xc: {  	s9 =	sshrl.u32 s6, $0x1;
	s15 =	sadd.s32 s5, s10;
	[dreg:$0x6] =	wrdreg s21  }
0xd: {  	s12 =	sadd.s32 $0x5000, s10;
	s22 =	sadd.s32 $0x10, s15;
	[dreg:$0x5] =	wrdreg s15  }
0xe: {  	s7 =	sshrl.u32 s7, $0x2;
	s8 =	sadd.s32 s8, s12;
	[dreg:$0x7] =	wrdreg s22  }
0xf: {  	s6 =	ssub.s32 s6, s9;
	s14 =	sadd.s32 s7, s2;
	[dreg:$0x8] =	wrdreg s8  }
0x10: {  	s7 =	sshrl.u32 s23, $0x3;
	s21 =	sadd.s32 s10, s24;
	[dreg:$0x4] =	wrdreg s14  }
0x11: {  	s23 =	sadd.s32 s12, s24;
	s24 =	sadd.s32 $0x50, s15;
	[dreg:$0x12] =	wrdreg s21  }
0x12: {  	s9 =	simm.s32 $0x4900;
	s7 =	sadd.s32 s5, s7;
	[dreg:$0x14] =	wrdreg s23  }
0x13: {  	s5 =	sadd.s32 s5, s12;
	s6 =	smax.u32 s6, $0x1;
	[dreg:$0x16] =	wrdreg s24  }
0x14: {  	s17 =	sadd.s32 $0x4000, s14;
	s18 =	sadd.s32 $0x8000, s14;
	[dreg:$0x9] =	wrdreg s5  }
0x15: {  	s19 =	sadd.s32 $0xC000, s14;
	s20 =	sadd.s32 $0x10000, s14;
	[dreg:$0xd] =	wrdreg s6  }
0x16: {  	s22 =	sadd.s32 s10, s0;
	s0 =	sadd.s32 s12, s0;
	[dreg:$0xe] =	wrdreg s17  }
0x17: {  	s8 =	simm.s32 $0x2840;
	s10 =	simm.s32 $0x2860;
	[dreg:$0xf] =	wrdreg s18  }
0x18: {  	s21 =	simm.s32 $0x80;
	s23 =	simm.s32 $0x6900;
	[dreg:$0x10] =	wrdreg s19  }
0x19: {  	s12 =	simm.s32 $0x8900;
	s14 =	simm.s32 $0x9900;
	[dreg:$0x11] =	wrdreg s20  }
0x1a: {  	s26 =	sadd.s32 $0x5010, s7;
	s7 =	sadd.s32 s13, s3;
	[dreg:$0x13] =	wrdreg s22  }
0x1b: {  	s13 =	sshrl.u32 s25, $0x2;
	s3 =	sshrl.u32 s3, $0x3;
	[dreg:$0x15] =	wrdreg s0  }
0x1c: {  	s19 =	simm.s32 $0x2880;
	s20 =	simm.s32 $0x1;
	s22 =	simm.s32 $0x6  }
0x1d: {  	s6 =	simm.s32 $0x28C0;
	s17 =	simm.s32 $0x5;
	s18 =	simm.s32 $0x4  }
0x1e: {  	[dreg:$0xa] =	wrdreg s26;
	s5 =	sshrl.u32 s7, $0x3;
	s16 =	sadd.s32 s13, s2  }
0x1f: {  	s3 =	sadd.s32 s11, s3;
	s26 =	sadd.s32 $0x5050, s15;
	s13 =	simm.s32 $0x28E0  }
.Ltmp0:
0x20: {  	s5 =	sadd.s32 s11, s5;
	[dreg:$0x19] =	wrdreg s26;
	(pc) =	sbr.rel .LBB2_1-.Ltmp0, $4  }
0x21: {  	s15 =	simm.s32 $0x2;
	s3 =	sadd.s32 $0x27000, s3;
	[dreg:$0xb] =	wrdreg s5  }
0x22: {  	s25 =	sshrl.u32 s16, $0x3;
	[dreg:$0xc] =	wrdreg s3;
	s3 =	sadd.s32 $0x138000, s2  }
0x23: {  	s11 =	simm.s32 $0x5900;
	[dreg:$0x17] =	wrdreg s25;
	s0 =	sshrl.u32 @!p1 s3, $0x3  }
0x24: {  	v0 =	vimm.f32 $0.0e+00;
	s16 =	simm.s32 $0x3;
	s3 =	simm.s32 $0x0;
	[dreg:$0x18] =	wrdreg s0  }
.LBB2_10:
0x25: {  	_ =	swait.ge [sflag:s16], $0x4000  }
0x26: {  	[sflag:s16] =	ssyncset.done $0x0  }
0x27: {  	[sflag:s16] =	ssyncadd.s32 $0xFFFFC000  }
.LBB2_11:
0x28: {  	_ =	swait.ge [sflag:s18], $0x4000  }
0x29: {  	[sflag:s18] =	ssyncset.done $0x0  }
0x2a: {  	[sflag:s18] =	ssyncadd.s32 $0xFFFFC000  }
0x2b: {  	s0 =	stileid.u32;
	[bflag:$0x0] =	sbarrier.arrive $0xFFFF  }
0x2c: {  	s0 =	sshll.u32 s0, $0x6;
	s4 =	rddreg [dreg:$0xb]  }
0x2d: {  	s0 =	sor.u32 $0x1C07, s0;
	s5 =	rddreg [dreg:$0x17]  }
0x2e: {  	[hbm:s4], [sflag:s0] =	dma.local [spmem:s5], $0x2700  }
0x2f: {  	_ =	swait.ge [sflag:s29], $0x2700  }
0x30: {  	[sflag:s29] =	ssyncset.done $0x0;
	s4 =	rddreg [dreg:$0xc]  }
0x31: {  	s5 =	rddreg [dreg:$0x18];
	[sflag:s29] =	ssyncadd.s32 $0xFFFFD900  }
0x32: {  	[hbm:s4], [sflag:s0] =	dma.local @!p1 [spmem:s5], $0x100  }
0x33: {  	s0 =	simm.s32 @!p1 $0x7  }
0x34: {  	_ =	swait.ge @!p1 [sflag:s0], $0x100  }
0x35: {  	s3 =	rddreg [dreg:$0x1a]  }
0x36: {  	s26 =	rddreg [dreg:$0xd];
	s3 =	sadd.s32 $0x1, s3  }
0x37: {  	p2 =	sne.s32 s3, s26  }
.Ltmp1:
0x38: {  	_ = 	snop;
	(pc) =	sbr.rel @!p2 .LBB2_12-.Ltmp1, $3  }
0x39: {  	_ =	sdelay $0x1  }
0x3a: {  	[sflag:s0] =	ssyncset.done @!p1 $0x0  }
0x3b: {  	[sflag:s0] =	ssyncadd.s32 @!p1 $0xFFFFFF00  }
.LBB2_1:
0x3c: {  	s5 =	simm.s32 $0x0;
	s25 =	simm.s32 $0x200  }
.LBB2_2:
0x3d: {  	p2 =	sne.s32 s25, $0xFE00;
	[tilespmem:s5+$0x2970] =	vst v0  }
0x3e: {  	[tilespmem:s5+$0x2900] =	vst v0  }
0x3f: {  	[tilespmem:s5+$0x2910] =	vst v0  }
.Ltmp2:
0x40: {  	[tilespmem:s5+$0x2920] =	vst v0;
	(pc) =	sbr.rel @p2 .LBB2_2-.Ltmp2, $4  }
0x41: {  	[tilespmem:s5+$0x2930] =	vst v0  }
0x42: {  	[tilespmem:s5+$0x2940] =	vst v0  }
0x43: {  	[tilespmem:s5+$0x2950] =	vst v0  }
0x44: {  	[tilespmem:s5+$0x2960] =	vst v0;
	s5 =	sshra.s32 s25, $0x2;
	s25 =	sadd.s32 $0x200, s25  }
0x45: {  	[tilespmem:s5+$0x2970] =	vst v0  }
0x46: {  	[tilespmem:s5+$0x2900] =	vst v0  }
0x47: {  	[tilespmem:s5+$0x2910] =	vst v0  }
0x48: {  	[tilespmem:s5+$0x2920] =	vst v0  }
0x49: {  	[tilespmem:s5+$0x2930] =	vst v0  }
0x4a: {  	[tilespmem:s5+$0x2940] =	vst v0  }
0x4b: {  	[dreg:$0x1a] =	wrdreg s3;
	[tilespmem:s5+$0x2950] =	vst v0  }
0x4c: {  	[tilespmem:s5+$0x2960] =	vst v0;
	s0 =	rddreg [dreg:$0x4]  }
0x4d: {  	[spmem:s0] =	stream.linear.scatter [tilespmem:s28], [sflag:$0x7], $0x4000, $0x38;
	[tilespmem:$0x1E900] =	vst v63  }
0x4e: {  	_ =	swait.ge [sflag:s29], $0x4000  }
0x4f: {  	[sflag:s29] =	ssyncset.done $0x0  }
0x50: {  	s7 =	rddreg [dreg:$0xe];
	[sflag:s29] =	ssyncadd.s32 $0xFFFFC000  }
0x51: {  	[spmem:s7] =	stream.linear.scatter [tilespmem:s28], [sflag:$0x7], $0x4000, $0x38;
	[tilespmem:$0x1E900] =	vst v63  }
0x52: {  	_ =	swait.ge [sflag:s29], $0x4000  }
0x53: {  	[sflag:s29] =	ssyncset.done $0x0  }
0x54: {  	s24 =	rddreg [dreg:$0xf];
	[sflag:s29] =	ssyncadd.s32 $0xFFFFC000  }
0x55: {  	[spmem:s24] =	stream.linear.scatter [tilespmem:s28], [sflag:$0x7], $0x4000, $0x38;
	[tilespmem:$0x1E900] =	vst v63  }
0x56: {  	_ =	swait.ge [sflag:s29], $0x4000  }
0x57: {  	[sflag:s29] =	ssyncset.done $0x0  }
0x58: {  	s25 =	rddreg [dreg:$0x10];
	[sflag:s29] =	ssyncadd.s32 $0xFFFFC000  }
0x59: {  	[spmem:s25] =	stream.linear.scatter [tilespmem:s28], [sflag:$0x7], $0x4000, $0x38;
	[tilespmem:$0x1E900] =	vst v63  }
0x5a: {  	_ =	swait.ge [sflag:s29], $0x4000  }
0x5b: {  	[sflag:s29] =	ssyncset.done $0x0  }
0x5c: {  	s26 =	rddreg [dreg:$0x11];
	[sflag:s29] =	ssyncadd.s32 $0xFFFFC000  }
0x5d: {  	[spmem:s26] =	stream.linear.scatter [tilespmem:s28], [sflag:$0x7], $0x4000, $0x38;
	[tilespmem:$0x1E900] =	vst v63  }
.Ltmp3:
0x5e: {  	_ =	swait.ge [sflag:s29], $0x4000;
	(pc) =	sbr.rel @!p0 .LBB2_4-.Ltmp3, $4  }
0x5f: {  	[sflag:s29] =	ssyncset.done $0x0  }
0x60: {  	[sflag:s29] =	ssyncadd.s32 $0xFFFFC000  }
0x61: {  	[bflag:$0x0] =	sbarrier.arrive $0xFFFF  }
0x62: {  	s25 =	simm.s32 $0x0  }
0x63: {  	s0 =	rddreg [dreg:$0x8]  }
0x64: {  	[tilespmem:s25], [sflag:$0x7] =	stream.linear.gather [hbm4b:s0+s25], $0x2800, $0x38;
	[tilespmem:$0x1E900] =	vst v63  }
0x65: {  	_ =	swait.ge [sflag:s29], $0x2800  }
0x66: {  	[sflag:s29] =	ssyncset.done $0x0  }
0x67: {  	s26 =	rddreg [dreg:$0x9];
	[sflag:s29] =	ssyncadd.s32 $0xFFFFD800  }
0x68: {  	[tilespmem:s30], [sflag:$0x7] =	stream.linear.gather [hbm4b:s26+s25], $0x80, $0x38;
	[tilespmem:$0x1E900] =	vst v63  }
0x69: {  	_ =	swait.ge [sflag:s29], $0x80  }
0x6a: {  	[sflag:s29] =	ssyncset.done $0x0  }
0x6b: {  	[sflag:s29] =	ssyncadd.s32 $0xFFFFFF80  }
0x6c: {  	[tilespmem:s28], [sflag:$0x1] =	stream.indirect.gather [hbm4b:s1+s31], $0x80, s30, s31, $0xb8;
	[tilespmem:$0x1E900] =	vst v63  }
0x6d: {  	s4 =	simm.s32 $0x2820;
	s5 =	simm.s32 $0x3900  }
0x6e: {  	[tilespmem:s5], [sflag:$0x1] =	stream.indirect.gather [hbm4b:s1+s31], $0x80, s4, s31, $0xb8;
	[tilespmem:$0x1E900] =	vst v63  }
0x6f: {  	_ = 	snop  }
0x70: {  	[tilespmem:s9], [sflag:$0x1] =	stream.indirect.gather [hbm4b:s1+s31], $0x80, s8, s31, $0xb8;
	[tilespmem:$0x1E900] =	vst v63  }
0x71: {  	_ = 	snop  }
0x72: {  	[tilespmem:s11], [sflag:$0x1] =	stream.indirect.gather [hbm4b:s1+s31], $0x80, s10, s31, $0xb8;
	[tilespmem:$0x1E900] =	vst v63  }
0x73: {  	s3 =	rddreg [dreg:$0xa]  }
0x74: {  	[tilespmem:s19], [sflag:$0x6] =	stream.linear.gather [hbm4b:s3+s25], $0x80, $0x38;
	[tilespmem:$0x1E900] =	vst v63  }
0x75: {  	_ =	swait.ge [sflag:s20], $0x1000  }
0x76: {  	[sflag:s20] =	ssyncset.done $0x0  }
0x77: {  	[sflag:s20] =	ssyncadd.s32 $0xFFFFF000  }
0x78: {  	_ =	swait.ge [sflag:s20], $0x1000  }
0x79: {  	[sflag:s20] =	ssyncset.done $0x0  }
0x7a: {  	[sflag:s20] =	ssyncadd.s32 $0xFFFFF000  }
0x7b: {  	_ =	swait.ge [sflag:s20], $0x1000  }
0x7c: {  	[sflag:s20] =	ssyncset.done $0x0  }
0x7d: {  	[sflag:s20] =	ssyncadd.s32 $0xFFFFF000  }
0x7e: {  	_ =	swait.ge [sflag:s20], $0x1000  }
0x7f: {  	[sflag:s20] =	ssyncset.done $0x0  }
0x80: {  	[sflag:s20] =	ssyncadd.s32 $0xFFFFF000  }
0x81: {  	[spmem:s2] =	stream.indirect.scatter.add.f32 [tilespmem:s28], [sflag:$0x3], $0x80, s25, s21, $0xb8;
	[tilespmem:$0x1E900] =	vst v63  }
0x82: {  	s7 =	rddreg [dreg:$0x14]  }
0x83: {  	[tilespmem:s30], [sflag:$0x5] =	stream.linear.gather [hbm4b:s7+s25], $0x80, $0x38;
	[tilespmem:$0x1E900] =	vst v63  }
0x84: {  	_ =	swait.ge [sflag:s22], $0x80  }
0x85: {  	[sflag:s22] =	ssyncset.done $0x0  }
0x86: {  	[sflag:s22] =	ssyncadd.s32 $0xFFFFFF80  }
0x87: {  	[tilespmem:s23], [sflag:$0x2] =	stream.indirect.gather [hbm4b:s1+s31], $0x80, s19, s31, $0xb8;
	[tilespmem:$0x1E900] =	vst v63  }
0x88: {  	s24 =	simm.s32 $0x28A0;
	s3 =	simm.s32 $0x7900  }
0x89: {  	[tilespmem:s3], [sflag:$0x2] =	stream.indirect.gather [hbm4b:s1+s31], $0x80, s24, s31, $0xb8;
	[tilespmem:$0x1E900] =	vst v63  }
0x8a: {  	_ = 	snop  }
0x8b: {  	[tilespmem:s12], [sflag:$0x2] =	stream.indirect.gather [hbm4b:s1+s31], $0x80, s6, s31, $0xb8;
	[tilespmem:$0x1E900] =	vst v63  }
0x8c: {  	_ = 	snop  }
0x8d: {  	[tilespmem:s14], [sflag:$0x2] =	stream.indirect.gather [hbm4b:s1+s31], $0x80, s13, s31, $0xb8;
	[tilespmem:$0x1E900] =	vst v63  }
0x8e: {  	_ =	swait.ge [sflag:s15], $0x1000  }
0x8f: {  	[sflag:s15] =	ssyncset.done $0x0  }
0x90: {  	[sflag:s15] =	ssyncadd.s32 $0xFFFFF000  }
0x91: {  	_ =	swait.ge [sflag:s15], $0x1000  }
0x92: {  	[sflag:s15] =	ssyncset.done $0x0  }
0x93: {  	[sflag:s15] =	ssyncadd.s32 $0xFFFFF000  }
0x94: {  	_ =	swait.ge [sflag:s15], $0x1000  }
0x95: {  	[sflag:s15] =	ssyncset.done $0x0  }
0x96: {  	[sflag:s15] =	ssyncadd.s32 $0xFFFFF000  }
0x97: {  	_ =	swait.ge [sflag:s15], $0x1000  }
0x98: {  	[sflag:s15] =	ssyncset.done $0x0  }
0x99: {  	[sflag:s15] =	ssyncadd.s32 $0xFFFFF000  }
0x9a: {  	[spmem:s2] =	stream.indirect.scatter.add.f32 [tilespmem:s23], [sflag:$0x4], $0x80, s21, s21, $0xb8;
	[tilespmem:$0x1E900] =	vst v63  }
0x9b: {  	s26 =	rddreg [dreg:$0x15]  }
0x9c: {  	[tilespmem:s19], [sflag:$0x6] =	stream.linear.gather [hbm4b:s26+s25], $0x80, $0x38;
	[tilespmem:$0x1E900] =	vst v63  }
0x9d: {  	_ =	swait.ge [sflag:s16], $0x4000  }
0x9e: {  	[sflag:s16] =	ssyncset.done $0x0  }
0x9f: {  	[sflag:s16] =	ssyncadd.s32 $0xFFFFC000  }
0xa0: {  	_ =	swait.ge [sflag:s17], $0x80  }
0xa1: {  	[sflag:s17] =	ssyncset.done $0x0  }
0xa2: {  	[sflag:s17] =	ssyncadd.s32 $0xFFFFFF80  }
0xa3: {  	[tilespmem:s28], [sflag:$0x1] =	stream.indirect.gather [hbm4b:s1+s31], $0x80, s30, s31, $0xb8;
	[tilespmem:$0x1E900] =	vst v63  }
0xa4: {  	_ = 	snop  }
0xa5: {  	[tilespmem:s5], [sflag:$0x1] =	stream.indirect.gather [hbm4b:s1+s31], $0x80, s4, s31, $0xb8;
	[tilespmem:$0x1E900] =	vst v63  }
0xa6: {  	_ = 	snop  }
0xa7: {  	[tilespmem:s9], [sflag:$0x1] =	stream.indirect.gather [hbm4b:s1+s31], $0x80, s8, s31, $0xb8;
	[tilespmem:$0x1E900] =	vst v63  }
0xa8: {  	s7 =	simm.s32 $0x2820;
	s3 =	simm.s32 $0x3900;
	s5 =	rddreg [dreg:$0x19]  }
0xa9: {  	[tilespmem:s11], [sflag:$0x1] =	stream.indirect.gather [hbm4b:s1+s31], $0x80, s10, s31, $0xb8;
	[tilespmem:$0x1E900] =	vst v63  }
.LBB2_8:
0xaa: {  	_ =	swait.ge [sflag:s20], $0x1000  }
0xab: {  	[sflag:s20] =	ssyncset.done $0x0  }
0xac: {  	[sflag:s20] =	ssyncadd.s32 $0xFFFFF000  }
0xad: {  	_ =	swait.ge [sflag:s20], $0x1000  }
0xae: {  	[sflag:s20] =	ssyncset.done $0x0  }
0xaf: {  	[sflag:s20] =	ssyncadd.s32 $0xFFFFF000  }
0xb0: {  	_ =	swait.ge [sflag:s20], $0x1000  }
0xb1: {  	[sflag:s20] =	ssyncset.done $0x0  }
0xb2: {  	[sflag:s20] =	ssyncadd.s32 $0xFFFFF000  }
0xb3: {  	_ =	swait.ge [sflag:s20], $0x1000  }
0xb4: {  	s0 =	sshra.s32 s25, $0x2;
	[sflag:s20] =	ssyncset.done $0x0  }
0xb5: {  	p2 =	seq.s32 s25, $0x9800;
	s4 =	sadd.s32 $0x100, s0;
	[sflag:s20] =	ssyncadd.s32 $0xFFFFF000  }
0xb6: {  	[spmem:s2] =	stream.indirect.scatter.add.f32 [tilespmem:s28], [sflag:$0x3], $0x80, s4, s21, $0xb8;
	[tilespmem:$0x1E900] =	vst v63  }
0xb7: {  	s24 =	simm.s32 @!p2 $0x0;
	s26 =	simm.s32 @!p2 $0x2800;
	s4 =	sadd.s32 @!p2 $0xFFFFFFF0, s5  }
0xb8: {  	[tilespmem:s26], [sflag:$0x5] =	stream.linear.gather @!p2 [hbm4b:s4+s24], $0x80, $0x38;
	[tilespmem:$0x1E900] =	vst v63  }
0xb9: {  	_ =	swait.ge [sflag:s18], $0x4000  }
0xba: {  	[sflag:s18] =	ssyncset.done $0x0  }
0xbb: {  	[sflag:s18] =	ssyncadd.s32 $0xFFFFC000  }
0xbc: {  	_ =	swait.ge [sflag:s22], $0x80  }
0xbd: {  	[sflag:s22] =	ssyncset.done $0x0  }
0xbe: {  	[sflag:s22] =	ssyncadd.s32 $0xFFFFFF80  }
0xbf: {  	[tilespmem:s23], [sflag:$0x2] =	stream.indirect.gather [hbm4b:s1+s31], $0x80, s19, s31, $0xb8;
	[tilespmem:$0x1E900] =	vst v63  }
0xc0: {  	s24 =	simm.s32 $0x28A0;
	s26 =	simm.s32 $0x7900  }
0xc1: {  	[tilespmem:s26], [sflag:$0x2] =	stream.indirect.gather [hbm4b:s1+s31], $0x80, s24, s31, $0xb8;
	[tilespmem:$0x1E900] =	vst v63  }
0xc2: {  	_ = 	snop  }
0xc3: {  	[tilespmem:s12], [sflag:$0x2] =	stream.indirect.gather [hbm4b:s1+s31], $0x80, s6, s31, $0xb8;
	[tilespmem:$0x1E900] =	vst v63  }
0xc4: {  	_ = 	snop  }
0xc5: {  	[tilespmem:s14], [sflag:$0x2] =	stream.indirect.gather [hbm4b:s1+s31], $0x80, s13, s31, $0xb8;
	[tilespmem:$0x1E900] =	vst v63  }
0xc6: {  	_ =	swait.ge [sflag:s15], $0x1000  }
0xc7: {  	[sflag:s15] =	ssyncset.done $0x0  }
0xc8: {  	[sflag:s15] =	ssyncadd.s32 $0xFFFFF000  }
0xc9: {  	_ =	swait.ge [sflag:s15], $0x1000  }
0xca: {  	[sflag:s15] =	ssyncset.done $0x0  }
0xcb: {  	[sflag:s15] =	ssyncadd.s32 $0xFFFFF000  }
0xcc: {  	_ =	swait.ge [sflag:s15], $0x1000  }
0xcd: {  	[sflag:s15] =	ssyncset.done $0x0  }
.Ltmp4:
0xce: {  	[sflag:s15] =	ssyncadd.s32 $0xFFFFF000;
	(pc) =	sbr.rel @p2 .LBB2_10-.Ltmp4, $4  }
0xcf: {  	_ =	swait.ge [sflag:s15], $0x1000  }
0xd0: {  	[sflag:s15] =	ssyncset.done $0x0  }
0xd1: {  	s0 =	sadd.s32 $0x180, s0;
	[sflag:s15] =	ssyncadd.s32 $0xFFFFF000  }
0xd2: {  	[spmem:s2] =	stream.indirect.scatter.add.f32 [tilespmem:s23], [sflag:$0x4], $0x80, s0, s21, $0xb8;
	[tilespmem:$0x1E900] =	vst v63  }
0xd3: {  	s0 =	simm.s32 $0x0  }
0xd4: {  	[tilespmem:s19], [sflag:$0x6] =	stream.linear.gather [hbm4b:s5+s0], $0x80, $0x38;
	[tilespmem:$0x1E900] =	vst v63  }
0xd5: {  	_ =	swait.ge [sflag:s16], $0x4000  }
0xd6: {  	[sflag:s16] =	ssyncset.done $0x0  }
0xd7: {  	[sflag:s16] =	ssyncadd.s32 $0xFFFFC000  }
0xd8: {  	_ =	swait.ge [sflag:s17], $0x80  }
0xd9: {  	[sflag:s17] =	ssyncset.done $0x0  }
0xda: {  	s25 =	sadd.s32 $0x400, s25;
	[sflag:s17] =	ssyncadd.s32 $0xFFFFFF80  }
0xdb: {  	[tilespmem:s28], [sflag:$0x1] =	stream.indirect.gather [hbm4b:s1+s31], $0x80, s30, s31, $0xb8;
	[tilespmem:$0x1E900] =	vst v63  }
0xdc: {  	p2 =	seq.s32 s25, $0x9C00  }
0xdd: {  	[tilespmem:s3], [sflag:$0x1] =	stream.indirect.gather [hbm4b:s1+s31], $0x80, s7, s31, $0xb8;
	[tilespmem:$0x1E900] =	vst v63  }
.Ltmp5:
0xde: {  	_ = 	snop;
	(pc) =	sbr.rel @!p2 .LBB2_8-.Ltmp5, $4  }
.Ltmp6:
0xdf: {  	_ = 	snop;
	(pc) =	sbr.rel @p2 .LBB2_11-.Ltmp6, $4  }
0xe0: {  	[tilespmem:s9], [sflag:$0x1] =	stream.indirect.gather [hbm4b:s1+s31], $0x80, s8, s31, $0xb8;
	[tilespmem:$0x1E900] =	vst v63  }
0xe1: {  	s5 =	sadd.s32 $0x20, s5  }
0xe2: {  	[tilespmem:s11], [sflag:$0x1] =	stream.indirect.gather [hbm4b:s1+s31], $0x80, s10, s31, $0xb8;
	[tilespmem:$0x1E900] =	vst v63  }
0xe3: {  	_ = 	snop  }
.LBB2_4:
0xe4: {  	s0 =	rddreg [dreg:$0x6]  }
0xe5: {  	[tilespmem:s25], [sflag:$0x7] =	stream.linear.gather [hbm4b:s0+s25], $0x2800, $0x38;
	[tilespmem:$0x1E900] =	vst v63  }
0xe6: {  	_ =	swait.ge [sflag:s29], $0x2800  }
0xe7: {  	[sflag:s29] =	ssyncset.done $0x0  }
0xe8: {  	s26 =	rddreg [dreg:$0x5];
	[sflag:s29] =	ssyncadd.s32 $0xFFFFD800  }
0xe9: {  	[tilespmem:s30], [sflag:$0x7] =	stream.linear.gather [hbm4b:s26+s25], $0x80, $0x38;
	[tilespmem:$0x1E900] =	vst v63  }
0xea: {  	_ =	swait.ge [sflag:s29], $0x80  }
0xeb: {  	[sflag:s29] =	ssyncset.done $0x0  }
0xec: {  	[sflag:s29] =	ssyncadd.s32 $0xFFFFFF80  }
0xed: {  	[tilespmem:s28], [sflag:$0x1] =	stream.indirect.gather [hbm4b:s1+s31], $0x80, s30, s31, $0xb8;
	[tilespmem:$0x1E900] =	vst v63  }
0xee: {  	s4 =	simm.s32 $0x2820;
	s5 =	simm.s32 $0x3900  }
0xef: {  	[tilespmem:s5], [sflag:$0x1] =	stream.indirect.gather [hbm4b:s1+s31], $0x80, s4, s31, $0xb8;
	[tilespmem:$0x1E900] =	vst v63  }
0xf0: {  	_ = 	snop  }
0xf1: {  	[tilespmem:s9], [sflag:$0x1] =	stream.indirect.gather [hbm4b:s1+s31], $0x80, s8, s31, $0xb8;
	[tilespmem:$0x1E900] =	vst v63  }
0xf2: {  	_ = 	snop  }
0xf3: {  	[tilespmem:s11], [sflag:$0x1] =	stream.indirect.gather [hbm4b:s1+s31], $0x80, s10, s31, $0xb8;
	[tilespmem:$0x1E900] =	vst v63  }
0xf4: {  	s3 =	rddreg [dreg:$0x7]  }
0xf5: {  	[tilespmem:s19], [sflag:$0x6] =	stream.linear.gather [hbm4b:s3+s25], $0x80, $0x38;
	[tilespmem:$0x1E900] =	vst v63  }
0xf6: {  	_ =	swait.ge [sflag:s20], $0x1000  }
0xf7: {  	[sflag:s20] =	ssyncset.done $0x0  }
0xf8: {  	[sflag:s20] =	ssyncadd.s32 $0xFFFFF000  }
0xf9: {  	_ =	swait.ge [sflag:s20], $0x1000  }
0xfa: {  	[sflag:s20] =	ssyncset.done $0x0  }
0xfb: {  	[sflag:s20] =	ssyncadd.s32 $0xFFFFF000  }
0xfc: {  	_ =	swait.ge [sflag:s20], $0x1000  }
0xfd: {  	[sflag:s20] =	ssyncset.done $0x0  }
0xfe: {  	[sflag:s20] =	ssyncadd.s32 $0xFFFFF000  }
0xff: {  	_ =	swait.ge [sflag:s20], $0x1000  }
0x100: {  	[sflag:s20] =	ssyncset.done $0x0  }
0x101: {  	[sflag:s20] =	ssyncadd.s32 $0xFFFFF000  }
0x102: {  	[spmem:s2] =	stream.indirect.scatter.add.f32 [tilespmem:s28], [sflag:$0x3], $0x80, s25, s21, $0xb8;
	[tilespmem:$0x1E900] =	vst v63  }
0x103: {  	s7 =	rddreg [dreg:$0x12]  }
0x104: {  	[tilespmem:s30], [sflag:$0x5] =	stream.linear.gather [hbm4b:s7+s25], $0x80, $0x38;
	[tilespmem:$0x1E900] =	vst v63  }
0x105: {  	_ =	swait.ge [sflag:s22], $0x80  }
0x106: {  	[sflag:s22] =	ssyncset.done $0x0  }
0x107: {  	[sflag:s22] =	ssyncadd.s32 $0xFFFFFF80  }
0x108: {  	[tilespmem:s23], [sflag:$0x2] =	stream.indirect.gather [hbm4b:s1+s31], $0x80, s19, s31, $0xb8;
	[tilespmem:$0x1E900] =	vst v63  }
0x109: {  	s24 =	simm.s32 $0x28A0;
	s3 =	simm.s32 $0x7900  }
0x10a: {  	[tilespmem:s3], [sflag:$0x2] =	stream.indirect.gather [hbm4b:s1+s31], $0x80, s24, s31, $0xb8;
	[tilespmem:$0x1E900] =	vst v63  }
0x10b: {  	_ = 	snop  }
0x10c: {  	[tilespmem:s12], [sflag:$0x2] =	stream.indirect.gather [hbm4b:s1+s31], $0x80, s6, s31, $0xb8;
	[tilespmem:$0x1E900] =	vst v63  }
0x10d: {  	_ = 	snop  }
0x10e: {  	[tilespmem:s14], [sflag:$0x2] =	stream.indirect.gather [hbm4b:s1+s31], $0x80, s13, s31, $0xb8;
	[tilespmem:$0x1E900] =	vst v63  }
0x10f: {  	_ =	swait.ge [sflag:s15], $0x1000  }
0x110: {  	[sflag:s15] =	ssyncset.done $0x0  }
0x111: {  	[sflag:s15] =	ssyncadd.s32 $0xFFFFF000  }
0x112: {  	_ =	swait.ge [sflag:s15], $0x1000  }
0x113: {  	[sflag:s15] =	ssyncset.done $0x0  }
0x114: {  	[sflag:s15] =	ssyncadd.s32 $0xFFFFF000  }
0x115: {  	_ =	swait.ge [sflag:s15], $0x1000  }
0x116: {  	[sflag:s15] =	ssyncset.done $0x0  }
0x117: {  	[sflag:s15] =	ssyncadd.s32 $0xFFFFF000  }
0x118: {  	_ =	swait.ge [sflag:s15], $0x1000  }
0x119: {  	[sflag:s15] =	ssyncset.done $0x0  }
0x11a: {  	[sflag:s15] =	ssyncadd.s32 $0xFFFFF000  }
0x11b: {  	[spmem:s2] =	stream.indirect.scatter.add.f32 [tilespmem:s23], [sflag:$0x4], $0x80, s21, s21, $0xb8;
	[tilespmem:$0x1E900] =	vst v63  }
0x11c: {  	s26 =	rddreg [dreg:$0x13]  }
0x11d: {  	[tilespmem:s19], [sflag:$0x6] =	stream.linear.gather [hbm4b:s26+s25], $0x80, $0x38;
	[tilespmem:$0x1E900] =	vst v63  }
0x11e: {  	_ =	swait.ge [sflag:s16], $0x4000  }
0x11f: {  	[sflag:s16] =	ssyncset.done $0x0  }
0x120: {  	[sflag:s16] =	ssyncadd.s32 $0xFFFFC000  }
0x121: {  	_ =	swait.ge [sflag:s17], $0x80  }
0x122: {  	[sflag:s17] =	ssyncset.done $0x0  }
0x123: {  	[sflag:s17] =	ssyncadd.s32 $0xFFFFFF80  }
0x124: {  	[tilespmem:s28], [sflag:$0x1] =	stream.indirect.gather [hbm4b:s1+s31], $0x80, s30, s31, $0xb8;
	[tilespmem:$0x1E900] =	vst v63  }
0x125: {  	_ = 	snop  }
0x126: {  	[tilespmem:s5], [sflag:$0x1] =	stream.indirect.gather [hbm4b:s1+s31], $0x80, s4, s31, $0xb8;
	[tilespmem:$0x1E900] =	vst v63  }
0x127: {  	_ = 	snop  }
0x128: {  	[tilespmem:s9], [sflag:$0x1] =	stream.indirect.gather [hbm4b:s1+s31], $0x80, s8, s31, $0xb8;
	[tilespmem:$0x1E900] =	vst v63  }
0x129: {  	s7 =	simm.s32 $0x2820;
	s3 =	simm.s32 $0x3900;
	s5 =	rddreg [dreg:$0x16]  }
0x12a: {  	[tilespmem:s11], [sflag:$0x1] =	stream.indirect.gather [hbm4b:s1+s31], $0x80, s10, s31, $0xb8;
	[tilespmem:$0x1E900] =	vst v63  }
.LBB2_5:
0x12b: {  	_ =	swait.ge [sflag:s20], $0x1000  }
0x12c: {  	[sflag:s20] =	ssyncset.done $0x0  }
0x12d: {  	[sflag:s20] =	ssyncadd.s32 $0xFFFFF000  }
0x12e: {  	_ =	swait.ge [sflag:s20], $0x1000  }
0x12f: {  	[sflag:s20] =	ssyncset.done $0x0  }
0x130: {  	[sflag:s20] =	ssyncadd.s32 $0xFFFFF000  }
0x131: {  	_ =	swait.ge [sflag:s20], $0x1000  }
0x132: {  	[sflag:s20] =	ssyncset.done $0x0  }
0x133: {  	[sflag:s20] =	ssyncadd.s32 $0xFFFFF000  }
0x134: {  	_ =	swait.ge [sflag:s20], $0x1000  }
0x135: {  	s4 =	sshra.s32 s25, $0x2;
	[sflag:s20] =	ssyncset.done $0x0  }
0x136: {  	p2 =	seq.s32 s25, $0x9800;
	s24 =	sadd.s32 $0x100, s4;
	[sflag:s20] =	ssyncadd.s32 $0xFFFFF000  }
0x137: {  	[spmem:s2] =	stream.indirect.scatter.add.f32 [tilespmem:s28], [sflag:$0x3], $0x80, s24, s21, $0xb8;
	[tilespmem:$0x1E900] =	vst v63  }
0x138: {  	s0 =	simm.s32 @!p2 $0x0;
	s26 =	simm.s32 @!p2 $0x2800;
	s24 =	sadd.s32 @!p2 $0xFFFFFFF0, s5  }
0x139: {  	[tilespmem:s26], [sflag:$0x5] =	stream.linear.gather @!p2 [hbm4b:s24+s0], $0x80, $0x38;
	[tilespmem:$0x1E900] =	vst v63  }
0x13a: {  	_ =	swait.ge [sflag:s18], $0x4000  }
0x13b: {  	[sflag:s18] =	ssyncset.done $0x0  }
0x13c: {  	[sflag:s18] =	ssyncadd.s32 $0xFFFFC000  }
0x13d: {  	_ =	swait.ge [sflag:s22], $0x80  }
0x13e: {  	[sflag:s22] =	ssyncset.done $0x0  }
0x13f: {  	[sflag:s22] =	ssyncadd.s32 $0xFFFFFF80  }
0x140: {  	[tilespmem:s23], [sflag:$0x2] =	stream.indirect.gather [hbm4b:s1+s31], $0x80, s19, s31, $0xb8;
	[tilespmem:$0x1E900] =	vst v63  }
0x141: {  	s24 =	simm.s32 $0x28A0;
	s26 =	simm.s32 $0x7900  }
0x142: {  	[tilespmem:s26], [sflag:$0x2] =	stream.indirect.gather [hbm4b:s1+s31], $0x80, s24, s31, $0xb8;
	[tilespmem:$0x1E900] =	vst v63  }
0x143: {  	_ = 	snop  }
0x144: {  	[tilespmem:s12], [sflag:$0x2] =	stream.indirect.gather [hbm4b:s1+s31], $0x80, s6, s31, $0xb8;
	[tilespmem:$0x1E900] =	vst v63  }
0x145: {  	_ = 	snop  }
0x146: {  	[tilespmem:s14], [sflag:$0x2] =	stream.indirect.gather [hbm4b:s1+s31], $0x80, s13, s31, $0xb8;
	[tilespmem:$0x1E900] =	vst v63  }
0x147: {  	_ =	swait.ge [sflag:s15], $0x1000  }
0x148: {  	[sflag:s15] =	ssyncset.done $0x0  }
0x149: {  	[sflag:s15] =	ssyncadd.s32 $0xFFFFF000  }
0x14a: {  	_ =	swait.ge [sflag:s15], $0x1000  }
0x14b: {  	[sflag:s15] =	ssyncset.done $0x0  }
0x14c: {  	[sflag:s15] =	ssyncadd.s32 $0xFFFFF000  }
0x14d: {  	_ =	swait.ge [sflag:s15], $0x1000  }
0x14e: {  	[sflag:s15] =	ssyncset.done $0x0  }
.Ltmp7:
0x14f: {  	[sflag:s15] =	ssyncadd.s32 $0xFFFFF000;
	(pc) =	sbr.rel @p2 .LBB2_10-.Ltmp7, $4  }
0x150: {  	_ =	swait.ge [sflag:s15], $0x1000  }
0x151: {  	[sflag:s15] =	ssyncset.done $0x0  }
0x152: {  	s26 =	sadd.s32 $0x180, s4;
	[sflag:s15] =	ssyncadd.s32 $0xFFFFF000  }
0x153: {  	[spmem:s2] =	stream.indirect.scatter.add.f32 [tilespmem:s23], [sflag:$0x4], $0x80, s26, s21, $0xb8;
	[tilespmem:$0x1E900] =	vst v63  }
0x154: {  	s0 =	simm.s32 $0x0  }
0x155: {  	[tilespmem:s19], [sflag:$0x6] =	stream.linear.gather [hbm4b:s5+s0], $0x80, $0x38;
	[tilespmem:$0x1E900] =	vst v63  }
0x156: {  	_ =	swait.ge [sflag:s16], $0x4000  }
0x157: {  	[sflag:s16] =	ssyncset.done $0x0  }
0x158: {  	[sflag:s16] =	ssyncadd.s32 $0xFFFFC000  }
0x159: {  	_ =	swait.ge [sflag:s17], $0x80  }
0x15a: {  	[sflag:s17] =	ssyncset.done $0x0  }
0x15b: {  	s25 =	sadd.s32 $0x400, s25;
	[sflag:s17] =	ssyncadd.s32 $0xFFFFFF80  }
0x15c: {  	[tilespmem:s28], [sflag:$0x1] =	stream.indirect.gather [hbm4b:s1+s31], $0x80, s30, s31, $0xb8;
	[tilespmem:$0x1E900] =	vst v63  }
0x15d: {  	p2 =	seq.s32 s25, $0x9C00  }
0x15e: {  	[tilespmem:s3], [sflag:$0x1] =	stream.indirect.gather [hbm4b:s1+s31], $0x80, s7, s31, $0xb8;
	[tilespmem:$0x1E900] =	vst v63  }
.Ltmp8:
0x15f: {  	_ = 	snop;
	(pc) =	sbr.rel @!p2 .LBB2_5-.Ltmp8, $4  }
.Ltmp9:
0x160: {  	_ = 	snop;
	(pc) =	sbr.rel @p2 .LBB2_11-.Ltmp9, $4  }
0x161: {  	[tilespmem:s9], [sflag:$0x1] =	stream.indirect.gather [hbm4b:s1+s31], $0x80, s8, s31, $0xb8;
	[tilespmem:$0x1E900] =	vst v63  }
0x162: {  	s5 =	sadd.s32 $0x20, s5  }
0x163: {  	[tilespmem:s11], [sflag:$0x1] =	stream.indirect.gather [hbm4b:s1+s31], $0x80, s10, s31, $0xb8;
	[tilespmem:$0x1E900] =	vst v63  }
0x164: {  	_ = 	snop  }
.LBB2_12:
0x165: {  	_ =	sfence.sel $0x180000  }
0x166: {  	[bflag:$0x0] =	sbarrier.arrive $0xFFFF  }
0x167: {  	_ =	strace $0x9000004A  }
0x168: {  	s0 =	stileid.u32;
	[bflag:$0x2] =	sbarrier.arrive $0xFFFF  }
0x169: {  	p0 =	sne.s32 s0, $0x0;
	s0 =	rddreg [dreg:$0x3]  }
0x16a: {  	s0 =	sadd.s32 @!p0 $0x100000, s0  }
0x16b: {  	[sflag:s0] =	ssyncadd.tile.s32 @!p0 $0x1;
	_ =	shalt  }
.Lfunc_end2:
_tile_overlayer_lowered:
.L_overlay_start_2:
0x16c: {  	(tag) =	ssettag $0x2  }
0x16d: {  	s0 =	rddreg [dreg:$0x0];
	s2 =	stileid.u32  }
0x16e: {  	s1 =	rddreg [dreg:$0x1];
	p0 =	sne.s32 s2, $0x0  }
0x16f: {  	s3 =	rddreg [dreg:$0x2];
	[bflag:$0x3] =	sbarrier.arrive $0xFFFF;
	s2 =	simm.s32 @!p0 $0x1C07  }
0x170: {  	[timem:s3], [sflag:s2] =	dma.local @!p0 [hbm:s0], s1  }
0x171: {  	s0 =	simm.s32 @!p0 $0x7  }
0x172: {  	_ =	swait.ge @!p0 [sflag:s0], s1  }
0x173: {  	s1 =	ssub.s32 @!p0 $0x0, s1;
	[sflag:s0] =	ssyncset.done @!p0 $0x0  }
0x174: {  	[sflag:s0] =	ssyncadd.s32 @!p0 s1  }
0x175: {  	[bflag:$0x3] =	sbarrier.arrive $0xFFFF  }
0x176: {  	_ =	shalt  }

// kernel: kernel.16.cloned.1.call-start
scs
__scs_entry_jumppad:
0x0: {  	(pc) =	sbr.rel $0x88, $3  }
0x1: {  	(tag) =	ssettag $0x0;
	lr =	simm.s32 $0x1  }
0x2: {  	[smem:$0x3F9B] =	sst lr;
	_ =	strace $0xD0000000  }
0x3: {  	_ = 	snop  }
0x4: {  	_ = 	snop  }
0x5: {  	_ = 	snop  }
0x6: {  	_ = 	snop  }
0x7: {  	_ = 	snop  }
__scs_overlays_trampoline_lowered:
0x8: {  	[smem:$0x3FAA] =	sst s0  }
0x9: {  	[smem:$0x3FAB] =	sst s1  }
0xa: {  	[smem:$0x3FAC] =	sst s2  }
0xb: {  	[smem:$0x3FAD] =	sst s3  }
0xc: {  	[smem:$0x3FAE] =	sst s4  }
0xd: {  	[smem:$0x3FAF] =	sst s5  }
0xe: {  	[smem:$0x3FB0] =	sst s6  }
0xf: {  	[smem:$0x3FB1] =	sst s7  }
0x10: {  	[smem:$0x3FB2] =	sst s8  }
0x11: {  	[smem:$0x3FB3] =	sst s9;
	s0 =	simm.s32 @!p0 $0x0  }
0x12: {  	s1 =	sld [smem:$0x3F99];
	s0 =	simm.s32 @p0 $0x1  }
0x13: {  	[smem:$0x3FB4] =	sst s0;
	s0 =	simm.s32 @!p1 $0x0  }
0x14: {  	s2 =	sld [smem:$0x3F98];
	s0 =	simm.s32 @p1 $0x1  }
0x15: {  	[smem:$0x3FB5] =	sst s0;
	s0 =	simm.s32 @!p2 $0x0  }
0x16: {  	s3 =	sld [smem:$0x3FDB];
	s0 =	simm.s32 @p2 $0x1  }
0x17: {  	s4 =	simm.s32 $0x1BF5;
	[smem:$0x3FB7] =	sst s0  }
0x18: {  	s0 =	sld [smem:$0x3F9A];
	_ =	swait.ge [sflag:s4], $0x0  }
0x19: {  	s7 =	sld [smem:$0x3F9B]  }
0x1a: {  	s8 =	sadd.s32 $0xFFFFE003, lr  }
0x1b: {  	s9 =	sadd.s32 $0xFFFFFEF7, lr;
	s5 =	simm.s32 $0xFFFFFFFF;
	p2 =	slt.u32 s8, $0xFFFFF086  }
0x1c: {  	p1 =	slt.u32 s9, $0xF7A;
	s5 =	simm.s32 @!p2 $0x0  }
0x1d: {  	s5 =	simm.s32 @p1 $0x1;
	p0 =	seq.s32 s7, s2  }
0x1e: {  	s7 =	smul.u32 @!p0 $0xF7A, s2;
	p2 =	seq.s32 @!p0 s5, $0x0  }
0x1f: {  	s9 =	smul.u32 $0xF7A, s1;
	s8 =	simm.s32 @!p0 $0x1BF5;
	p2 =	por !p2, p0  }
0x20: {  	[sflag:s8] =	ssyncset.s32 @!p0 $0xFFFFF086;
	s6 =	sadd.s32 @!p0 s3, s7;
	s7 =	simm.s32 @!p0 $0x108  }
0x21: {  	s3 =	sadd.s32 s3, s9;
	s6 =	sadd.s32 @!p0 $0x88, s6;
	s7 =	simm.s32 @p2 $0x1082  }
0x22: {  	[simem:s7], [sflag:s8] =	dma.local @!p0 [hbm:s6], $0xF7A  }
0x23: {  	s9 =	sor.u32 $0xD0000000, s2;
	s6 =	simm.s32 $0x108;
	_ =	swait.ge @!p0 [sflag:s8], $0x0  }
0x24: {  	s3 =	sadd.s32 $0x88, s3;
	s6 =	simm.s32 @!p1 $0x1082;
	[sflag:s4] =	ssyncset.s32 $0xFFFFF086  }
0x25: {  	[simem:s6], [sflag:s4] =	dma.local [hbm:s3], $0xF7A  }
0x26: {  	[smem:$0x3F9B] =	sst s1;
	(tag) =	ssettag s2;
	_ =	strace s9  }
0x27: {  	s1 =	sld [smem:$0x3FAB]  }
0x28: {  	s2 =	sld [smem:$0x3FAC]  }
0x29: {  	s4 =	sld [smem:$0x3FAE]  }
0x2a: {  	p0 =	seq.s32 s5, $0x0;
	s5 =	sld [smem:$0x3FAF]  }
0x2b: {  	s6 =	sld [smem:$0x3FB0]  }
0x2c: {  	s7 =	sld [smem:$0x3FB1]  }
0x2d: {  	s3 =	simm.s32 $0x108;
	s8 =	sld [smem:$0x3FB2]  }
0x2e: {  	s3 =	simm.s32 @!p0 $0x1082;
	s9 =	sld [smem:$0x3FB3]  }
0x2f: {  	lr =	sadd.s32 s0, s3;
	s0 =	sld [smem:$0x3FAA]  }
0x30: {  	s3 =	sld [smem:$0x3FAD]  }
0x31: {  	[smem:$0x3FB6] =	sst s10  }
0x32: {  	s10 =	sld [smem:$0x3FB4];
	_ =	sdelay $0x3  }
0x33: {  	p0 =	seq.s32 s10, $0x1;
	s10 =	sld [smem:$0x3FB6];
	_ =	sdelay $0x3  }
0x34: {  	[smem:$0x3FB6] =	sst s10  }
0x35: {  	s10 =	sld [smem:$0x3FB5];
	_ =	sdelay $0x3  }
0x36: {  	p1 =	seq.s32 s10, $0x1;
	s10 =	sld [smem:$0x3FB6];
	_ =	sdelay $0x3  }
0x37: {  	[smem:$0x3FB6] =	sst s10  }
0x38: {  	s10 =	sld [smem:$0x3FB7]  }
0x39: {  	_ = 	snop;
	(pc) =	sbr.ind lr, $3  }
0x3a: {  	_ = 	snop  }
0x3b: {  	_ = 	snop  }
0x3c: {  	p2 =	seq.s32 s10, $0x1;
	s10 =	sld [smem:$0x3FB6]  }
0x3d: {  	_ =	shalt  }
0x3e: {  	_ =	shalt  }
0x3f: {  	_ =	shalt  }
0x40: {  	_ =	shalt  }
0x41: {  	_ =	shalt  }
0x42: {  	_ =	shalt  }
0x43: {  	_ =	shalt  }
0x44: {  	_ =	shalt  }
0x45: {  	_ =	shalt  }
0x46: {  	_ =	shalt  }
0x47: {  	_ =	shalt  }
0x48: {  	_ =	shalt  }
0x49: {  	_ =	shalt  }
0x4a: {  	_ =	shalt  }
0x4b: {  	_ =	shalt  }
0x4c: {  	_ =	shalt  }
0x4d: {  	_ =	shalt  }
0x4e: {  	_ =	shalt  }
0x4f: {  	_ =	shalt  }
0x50: {  	_ =	shalt  }
0x51: {  	_ =	shalt  }
0x52: {  	_ =	shalt  }
0x53: {  	_ =	shalt  }
0x54: {  	_ =	shalt  }
0x55: {  	_ =	shalt  }
0x56: {  	_ =	shalt  }
0x57: {  	_ =	shalt  }
0x58: {  	_ =	shalt  }
0x59: {  	_ =	shalt  }
0x5a: {  	_ =	shalt  }
0x5b: {  	_ =	shalt  }
0x5c: {  	_ =	shalt  }
0x5d: {  	_ =	shalt  }
0x5e: {  	_ =	shalt  }
0x5f: {  	_ =	shalt  }
0x60: {  	_ =	shalt  }
0x61: {  	_ =	shalt  }
0x62: {  	_ =	shalt  }
0x63: {  	_ =	shalt  }
0x64: {  	_ =	shalt  }
0x65: {  	_ =	shalt  }
0x66: {  	_ =	shalt  }
0x67: {  	_ =	shalt  }
0x68: {  	_ =	shalt  }
0x69: {  	_ =	shalt  }
0x6a: {  	_ =	shalt  }
0x6b: {  	_ =	shalt  }
0x6c: {  	_ =	shalt  }
0x6d: {  	_ =	shalt  }
0x6e: {  	_ =	shalt  }
0x6f: {  	_ =	shalt  }
0x70: {  	_ =	shalt  }
0x71: {  	_ =	shalt  }
0x72: {  	_ =	shalt  }
0x73: {  	_ =	shalt  }
0x74: {  	_ =	shalt  }
0x75: {  	_ =	shalt  }
0x76: {  	_ =	shalt  }
0x77: {  	_ =	shalt  }
0x78: {  	_ =	shalt  }
0x79: {  	_ =	shalt  }
0x7a: {  	_ =	shalt  }
0x7b: {  	_ =	shalt  }
0x7c: {  	_ =	shalt  }
0x7d: {  	_ =	shalt  }
0x7e: {  	_ =	shalt  }
0x7f: {  	_ =	shalt  }
0x80: {  	_ =	shalt  }
0x81: {  	_ =	shalt  }
0x82: {  	_ =	shalt  }
0x83: {  	_ =	shalt  }
0x84: {  	_ =	shalt  }
0x85: {  	_ =	shalt  }
0x86: {  	_ =	shalt  }
0x87: {  	_ =	shalt  }
.Lfunc_end0:
.L_simem_size_0:
called_computation.2_lowered:
.L_overlay_start_0:
0x88: {  	s2 =	sld [smem:$0x3FD9]  }
0x89: {  	s3 =	sld [smem:$0x3FFE];
	_ =	sdelay $0x1  }
0x8a: {  	s1 =	srdreg.scid  }
0x8b: {  	s0 =	sand.u32 $0x1, s1  }
0x8c: {  	s17 =	sshll.u32 s0, $0xA;
	s2 =	sadd.s32 s3, s2  }
0x8d: {  	s2 =	sadd.s32 s2, s17  }
0x8e: {  	[smem:$0x3FC2] =	sst s2  }
0x8f: {  	_ = 	snop  }
0x90: {  	s2 =	sld [smem:$0x3FD0];
	(tm) =	ssettm $0x1  }
0x91: {  	s18 =	sld [smem:$0x3FFB];
	_ =	sdelay $0x3  }
0x92: {  	_ =	strace s18  }
0x93: {  	s3 =	sld [smem:$0x3FFC];
	_ =	sdelay $0x3  }
0x94: {  	_ =	strace s3  }
0x95: {  	s3 =	sld [smem:$0x3FFD];
	_ =	sdelay $0x3  }
0x96: {  	_ =	strace s3  }
0x97: {  	_ =	strace $0x8FFFFFFF  }
0x98: {  	s19 =	sld [smem:$0x3FDB];
	_ =	sdelay $0x1  }
0x99: {  	s4 =	simm.s32 $_scs_section_size  }
0x9a: {  	s5 =	simm.s32 $_size__tile_overlayer_lowered;
	s6 =	simm.s32 $_tile_overlayer_lowered  }
0x9b: {  	s22 =	simm.s32 $0x1BFF;
	s21 =	sshll.u32 s6, $0x1;
	s3 =	sadd.s32 s4, s19  }
0x9c: {  	s7 =	simm.s32 $0x0;
	s20 =	sshll.u32 s5, $0x1;
	s5 =	sadd.s32 s21, s3  }
0x9d: {  	[timem:s7], [sflag:s22] =	dma.local [hbm:s5], s20  }
0x9e: {  	_ =	swait.ge [sflag:s22], s20  }
0x9f: {  	s4 =	ssub.s32 $0x0, s20;
	[sflag:s22] =	ssyncset.done $0x0  }
0xa0: {  	[sflag:s22] =	ssyncadd.s32 s4;
	_ =	sdelay $0x1  }
0xa1: {  	s23 =	simm.s32 $0x1B8B  }
0xa2: {  	_ =	swait.ge [sflag:s23], $0x1  }
0xa3: {  	[sflag:s23] =	ssyncset.done $0x0  }
0xa4: {  	s25 =	simm.s32 $0x1B8E;
	s24 =	sld [smem:$0x3FFE];
	[sflag:s23] =	ssyncadd.s32 $0xFFFFFFFF  }
0xa5: {  	s26 =	simm.s32 $execute0_lowered;
	[smem:$0x3FD2] =	sst s25  }
0xa6: {  	s5 =	sshll.u32 s26, $0x1;
	_ =	strace $0x8000004C;
	[dreg:$0x1] =	wrdreg $0xFFFFFFFF  }
0xa7: {  	s28 =	simm.s32 $_size_execute0_lowered;
	s3 =	sadd.s32 s3, s5;
	[dreg:$0x0] =	wrdreg $0x0  }
0xa8: {  	s5 =	sshll.u32 s28, $0x1;
	[dreg:$0x2] =	wrdreg s3  }
0xa9: {  	[dreg:$0x3] =	wrdreg s5  }
0xaa: {  	[dreg:$0x4] =	wrdreg $0xC0  }
0xab: {  	_ =	task [dreg:s7], $0x5FFFF  }
0xac: {  	[dreg:$0x1] =	wrdreg $0xFFFFFFFF  }
0xad: {  	[dreg:$0x0] =	wrdreg $0x60  }
0xae: {  	[dreg:$0x2] =	wrdreg s2  }
0xaf: {  	[dreg:$0x3] =	wrdreg s24  }
0xb0: {  	[dreg:$0x4] =	wrdreg $0xA9000  }
0xb1: {  	[dreg:$0x5] =	wrdreg $0x9  }
0xb2: {  	_ =	task.clear_ibuf [dreg:s7], $0x6FFFF;
	_ =	strace $0x9000004C  }
0xb3: {  	s29 =	simm.s32 $0x9;
	_ =	strace $0x8000004E  }
0xb4: {  	_ =	swait.ge [sflag:s29], $0x1  }
0xb5: {  	[sflag:s29] =	ssyncadd.s32 $0xFFFFFFFF  }
0xb6: {  	_ =	strace $0x9000004E  }
0xb7: {  	_ =	sfence  }
0xb8: {  	s30 =	sld [smem:$0x0];
	_ =	sdelay $0x2  }
0xb9: {  	s31 =	sshll.u32 s1, $0xD;
	s1 =	sshrl.u32 s1, $0x2  }
0xba: {  	s3 =	sand.u32 $0x4000, s31;
	s1 =	sadd.s32 s1, s30  }
0xbb: {  	s0 =	sor.u32 s3, s0;
	s1 =	sshll.u32 s1, $0x11  }
0xbc: {  	s0 =	sor.u32 s1, s0  }
0xbd: {  	s0 =	sadd.s32 $0x8F2B, s0  }
0xbe: {  	[sflag:s0] =	ssyncadd.remote.s32 $0x1  }
0xbf: {  	_ =	sfence.sel $0xFFFF  }
0xc0: {  	[dreg:$0x0] =	wrdreg $0xFFFFFFFF;
	(pc) =	sbr.abs _section_cstart, $3  }
0xc1: {  	[dreg:$0x1] =	wrdreg $0xFFFFFFFF  }
0xc2: {  	_ =	task.clear_ibuf [dreg:s7], $0x2FFFF;
	_ =	strace $0x9FFFFFFF  }
0xc3: {  	(tm) =	ssettm $0x7FFFFFFF  }
tec
execute0_lowered:
.L_overlay_start_1:
0x0: {  	(tag) =	ssettag $0x1  }
0x1: {  	s1 =	rddreg [dreg:$0x0]  }
0x2: {  	s0 =	rddreg [dreg:$0x1]  }
0x3: {  	s2 =	rddreg [dreg:$0x2];
	s3 =	simm.s32 $0x0  }
0x4: {  	s20 =	srdreg.scid;
	s4 =	stileid.u32;
	s28 =	simm.s32 $0x2900  }
0x5: {  	s29 =	simm.s32 $0x7;
	s30 =	simm.s32 $0x2800;
	s7 =	smul.u32 $0x50000, s4  }
0x6: {  	s31 =	simm.s32 $0x20;
	[smem:$0x7FF] =	sst s3;
	s10 =	smul.u32 $0x500, s4  }
0x7: {  	s3 =	sand.u32 $0x1, s20;
	s5 =	sadd.s32 $0x5B200, s0;
	s23 =	smul.u32 $0x2800, s4  }
0x8: {  	s8 =	sadd.s32 $0x2A00, s0;
	s11 =	sadd.s32 $0x8C400, s0;
	s13 =	smul.u32 $0x13800, s4  }
0x9: {  	s24 =	sadd.s32 $0x5B220, s0;
	s0 =	sadd.s32 $0x5B230, s0;
	s25 =	smul.u32 $0x4E000, s4  }
0xa: {  	p1 =	sne.s32 s4, $0xF;
	_ =	strace $0x8000004D;
	s6 =	ssub.s32 $0x2, s3  }
0xb: {  	p0 =	seq.s32 s3, $0x1;
	s3 =	smul.u32 $0x138800, s3;
	s21 =	sadd.s32 s8, s10  }
0xc: {  	s9 =	sshrl.u32 s6, $0x1;
	s15 =	sadd.s32 s5, s10;
	[dreg:$0x6] =	wrdreg s21  }
0xd: {  	s12 =	sadd.s32 $0x5000, s10;
	s22 =	sadd.s32 $0x10, s15;
	[dreg:$0x5] =	wrdreg s15  }
0xe: {  	s7 =	sshrl.u32 s7, $0x2;
	s8 =	sadd.s32 s8, s12;
	[dreg:$0x7] =	wrdreg s22  }
0xf: {  	s6 =	ssub.s32 s6, s9;
	s14 =	sadd.s32 s7, s2;
	[dreg:$0x8] =	wrdreg s8  }
0x10: {  	s7 =	sshrl.u32 s23, $0x3;
	s21 =	sadd.s32 s10, s24;
	[dreg:$0x4] =	wrdreg s14  }
0x11: {  	s23 =	sadd.s32 s12, s24;
	s24 =	sadd.s32 $0x50, s15;
	[dreg:$0x12] =	wrdreg s21  }
0x12: {  	s9 =	simm.s32 $0x4900;
	s7 =	sadd.s32 s5, s7;
	[dreg:$0x14] =	wrdreg s23  }
0x13: {  	s5 =	sadd.s32 s5, s12;
	s6 =	smax.u32 s6, $0x1;
	[dreg:$0x16] =	wrdreg s24  }
0x14: {  	s17 =	sadd.s32 $0x4000, s14;
	s18 =	sadd.s32 $0x8000, s14;
	[dreg:$0x9] =	wrdreg s5  }
0x15: {  	s19 =	sadd.s32 $0xC000, s14;
	s20 =	sadd.s32 $0x10000, s14;
	[dreg:$0xd] =	wrdreg s6  }
0x16: {  	s22 =	sadd.s32 s10, s0;
	s0 =	sadd.s32 s12, s0;
	[dreg:$0xe] =	wrdreg s17  }
0x17: {  	s8 =	simm.s32 $0x2840;
	s10 =	simm.s32 $0x2860;
	[dreg:$0xf] =	wrdreg s18  }
0x18: {  	s21 =	simm.s32 $0x80;
	s23 =	simm.s32 $0x6900;
	[dreg:$0x10] =	wrdreg s19  }
0x19: {  	s12 =	simm.s32 $0x8900;
	s14 =	simm.s32 $0x9900;
	[dreg:$0x11] =	wrdreg s20  }
0x1a: {  	s26 =	sadd.s32 $0x5010, s7;
	s7 =	sadd.s32 s13, s3;
	[dreg:$0x13] =	wrdreg s22  }
0x1b: {  	s13 =	sshrl.u32 s25, $0x2;
	s3 =	sshrl.u32 s3, $0x3;
	[dreg:$0x15] =	wrdreg s0  }
0x1c: {  	s19 =	simm.s32 $0x2880;
	s20 =	simm.s32 $0x1;
	s22 =	simm.s32 $0x6  }
0x1d: {  	s6 =	simm.s32 $0x28C0;
	s17 =	simm.s32 $0x5;
	s18 =	simm.s32 $0x4  }
0x1e: {  	[dreg:$0xa] =	wrdreg s26;
	s5 =	sshrl.u32 s7, $0x3;
	s16 =	sadd.s32 s13, s2  }
0x1f: {  	s3 =	sadd.s32 s11, s3;
	s26 =	sadd.s32 $0x5050, s15;
	s13 =	simm.s32 $0x28E0  }
.Ltmp0:
0x20: {  	s5 =	sadd.s32 s11, s5;
	[dreg:$0x19] =	wrdreg s26;
	(pc) =	sbr.rel .LBB2_1-.Ltmp0, $4  }
0x21: {  	s15 =	simm.s32 $0x2;
	s3 =	sadd.s32 $0x27000, s3;
	[dreg:$0xb] =	wrdreg s5  }
0x22: {  	s25 =	sshrl.u32 s16, $0x3;
	[dreg:$0xc] =	wrdreg s3;
	s3 =	sadd.s32 $0x138000, s2  }
0x23: {  	s11 =	simm.s32 $0x5900;
	[dreg:$0x17] =	wrdreg s25;
	s0 =	sshrl.u32 @!p1 s3, $0x3  }
0x24: {  	v0 =	vimm.f32 $0.0e+00;
	s16 =	simm.s32 $0x3;
	s3 =	simm.s32 $0x0;
	[dreg:$0x18] =	wrdreg s0  }
.LBB2_10:
0x25: {  	_ =	swait.ge [sflag:s16], $0x4000  }
0x26: {  	[sflag:s16] =	ssyncset.done $0x0  }
0x27: {  	[sflag:s16] =	ssyncadd.s32 $0xFFFFC000  }
.LBB2_11:
0x28: {  	_ =	swait.ge [sflag:s18], $0x4000  }
0x29: {  	[sflag:s18] =	ssyncset.done $0x0  }
0x2a: {  	[sflag:s18] =	ssyncadd.s32 $0xFFFFC000  }
0x2b: {  	s0 =	stileid.u32;
	[bflag:$0x0] =	sbarrier.arrive $0xFFFF  }
0x2c: {  	s0 =	sshll.u32 s0, $0x6;
	s4 =	rddreg [dreg:$0xb]  }
0x2d: {  	s0 =	sor.u32 $0x1C07, s0;
	s5 =	rddreg [dreg:$0x17]  }
0x2e: {  	[hbm:s4], [sflag:s0] =	dma.local [spmem:s5], $0x2700  }
0x2f: {  	_ =	swait.ge [sflag:s29], $0x2700  }
0x30: {  	[sflag:s29] =	ssyncset.done $0x0;
	s4 =	rddreg [dreg:$0xc]  }
0x31: {  	s5 =	rddreg [dreg:$0x18];
	[sflag:s29] =	ssyncadd.s32 $0xFFFFD900  }
0x32: {  	[hbm:s4], [sflag:s0] =	dma.local @!p1 [spmem:s5], $0x100  }
0x33: {  	s0 =	simm.s32 @!p1 $0x7  }
0x34: {  	_ =	swait.ge @!p1 [sflag:s0], $0x100  }
0x35: {  	s3 =	rddreg [dreg:$0x1a]  }
0x36: {  	s26 =	rddreg [dreg:$0xd];
	s3 =	sadd.s32 $0x1, s3  }
0x37: {  	p2 =	sne.s32 s3, s26  }
.Ltmp1:
0x38: {  	_ = 	snop;
	(pc) =	sbr.rel @!p2 .LBB2_12-.Ltmp1, $3  }
0x39: {  	_ =	sdelay $0x1  }
0x3a: {  	[sflag:s0] =	ssyncset.done @!p1 $0x0  }
0x3b: {  	[sflag:s0] =	ssyncadd.s32 @!p1 $0xFFFFFF00  }
.LBB2_1:
0x3c: {  	s5 =	simm.s32 $0x0;
	s25 =	simm.s32 $0x200  }
.LBB2_2:
0x3d: {  	p2 =	sne.s32 s25, $0xFE00;
	[tilespmem:s5+$0x2970] =	vst v0  }
0x3e: {  	[tilespmem:s5+$0x2900] =	vst v0  }
0x3f: {  	[tilespmem:s5+$0x2910] =	vst v0  }
.Ltmp2:
0x40: {  	[tilespmem:s5+$0x2920] =	vst v0;
	(pc) =	sbr.rel @p2 .LBB2_2-.Ltmp2, $4  }
0x41: {  	[tilespmem:s5+$0x2930] =	vst v0  }
0x42: {  	[tilespmem:s5+$0x2940] =	vst v0  }
0x43: {  	[tilespmem:s5+$0x2950] =	vst v0  }
0x44: {  	[tilespmem:s5+$0x2960] =	vst v0;
	s5 =	sshra.s32 s25, $0x2;
	s25 =	sadd.s32 $0x200, s25  }
0x45: {  	[tilespmem:s5+$0x2970] =	vst v0  }
0x46: {  	[tilespmem:s5+$0x2900] =	vst v0  }
0x47: {  	[tilespmem:s5+$0x2910] =	vst v0  }
0x48: {  	[tilespmem:s5+$0x2920] =	vst v0  }
0x49: {  	[tilespmem:s5+$0x2930] =	vst v0  }
0x4a: {  	[tilespmem:s5+$0x2940] =	vst v0  }
0x4b: {  	[dreg:$0x1a] =	wrdreg s3;
	[tilespmem:s5+$0x2950] =	vst v0  }
0x4c: {  	[tilespmem:s5+$0x2960] =	vst v0;
	s0 =	rddreg [dreg:$0x4]  }
0x4d: {  	[spmem:s0] =	stream.linear.scatter [tilespmem:s28], [sflag:$0x7], $0x4000, $0x38;
	[tilespmem:$0x1E900] =	vst v63  }
0x4e: {  	_ =	swait.ge [sflag:s29], $0x4000  }
0x4f: {  	[sflag:s29] =	ssyncset.done $0x0  }
0x50: {  	s7 =	rddreg [dreg:$0xe];
	[sflag:s29] =	ssyncadd.s32 $0xFFFFC000  }
0x51: {  	[spmem:s7] =	stream.linear.scatter [tilespmem:s28], [sflag:$0x7], $0x4000, $0x38;
	[tilespmem:$0x1E900] =	vst v63  }
0x52: {  	_ =	swait.ge [sflag:s29], $0x4000  }
0x53: {  	[sflag:s29] =	ssyncset.done $0x0  }
0x54: {  	s24 =	rddreg [dreg:$0xf];
	[sflag:s29] =	ssyncadd.s32 $0xFFFFC000  }
0x55: {  	[spmem:s24] =	stream.linear.scatter [tilespmem:s28], [sflag:$0x7], $0x4000, $0x38;
	[tilespmem:$0x1E900] =	vst v63  }
0x56: {  	_ =	swait.ge [sflag:s29], $0x4000  }
0x57: {  	[sflag:s29] =	ssyncset.done $0x0  }
0x58: {  	s25 =	rddreg [dreg:$0x10];
	[sflag:s29] =	ssyncadd.s32 $0xFFFFC000  }
0x59: {  	[spmem:s25] =	stream.linear.scatter [tilespmem:s28], [sflag:$0x7], $0x4000, $0x38;
	[tilespmem:$0x1E900] =	vst v63  }
0x5a: {  	_ =	swait.ge [sflag:s29], $0x4000  }
0x5b: {  	[sflag:s29] =	ssyncset.done $0x0  }
0x5c: {  	s26 =	rddreg [dreg:$0x11];
	[sflag:s29] =	ssyncadd.s32 $0xFFFFC000  }
0x5d: {  	[spmem:s26] =	stream.linear.scatter [tilespmem:s28], [sflag:$0x7], $0x4000, $0x38;
	[tilespmem:$0x1E900] =	vst v63  }
.Ltmp3:
0x5e: {  	_ =	swait.ge [sflag:s29], $0x4000;
	(pc) =	sbr.rel @!p0 .LBB2_4-.Ltmp3, $4  }
0x5f: {  	[sflag:s29] =	ssyncset.done $0x0  }
0x60: {  	[sflag:s29] =	ssyncadd.s32 $0xFFFFC000  }
0x61: {  	[bflag:$0x0] =	sbarrier.arrive $0xFFFF  }
0x62: {  	s25 =	simm.s32 $0x0  }
0x63: {  	s0 =	rddreg [dreg:$0x8]  }
0x64: {  	[tilespmem:s25], [sflag:$0x7] =	stream.linear.gather [hbm4b:s0+s25], $0x2800, $0x38;
	[tilespmem:$0x1E900] =	vst v63  }
0x65: {  	_ =	swait.ge [sflag:s29], $0x2800  }
0x66: {  	[sflag:s29] =	ssyncset.done $0x0  }
0x67: {  	s26 =	rddreg [dreg:$0x9];
	[sflag:s29] =	ssyncadd.s32 $0xFFFFD800  }
0x68: {  	[tilespmem:s30], [sflag:$0x7] =	stream.linear.gather [hbm4b:s26+s25], $0x80, $0x38;
	[tilespmem:$0x1E900] =	vst v63  }
0x69: {  	_ =	swait.ge [sflag:s29], $0x80  }
0x6a: {  	[sflag:s29] =	ssyncset.done $0x0  }
0x6b: {  	[sflag:s29] =	ssyncadd.s32 $0xFFFFFF80  }
0x6c: {  	[tilespmem:s28], [sflag:$0x1] =	stream.indirect.gather [hbm4b:s1+s31], $0x80, s30, s31, $0xb8;
	[tilespmem:$0x1E900] =	vst v63  }
0x6d: {  	s4 =	simm.s32 $0x2820;
	s5 =	simm.s32 $0x3900  }
0x6e: {  	[tilespmem:s5], [sflag:$0x1] =	stream.indirect.gather [hbm4b:s1+s31], $0x80, s4, s31, $0xb8;
	[tilespmem:$0x1E900] =	vst v63  }
0x6f: {  	_ = 	snop  }
0x70: {  	[tilespmem:s9], [sflag:$0x1] =	stream.indirect.gather [hbm4b:s1+s31], $0x80, s8, s31, $0xb8;
	[tilespmem:$0x1E900] =	vst v63  }
0x71: {  	_ = 	snop  }
0x72: {  	[tilespmem:s11], [sflag:$0x1] =	stream.indirect.gather [hbm4b:s1+s31], $0x80, s10, s31, $0xb8;
	[tilespmem:$0x1E900] =	vst v63  }
0x73: {  	s3 =	rddreg [dreg:$0xa]  }
0x74: {  	[tilespmem:s19], [sflag:$0x6] =	stream.linear.gather [hbm4b:s3+s25], $0x80, $0x38;
	[tilespmem:$0x1E900] =	vst v63  }
0x75: {  	_ =	swait.ge [sflag:s20], $0x1000  }
0x76: {  	[sflag:s20] =	ssyncset.done $0x0  }
0x77: {  	[sflag:s20] =	ssyncadd.s32 $0xFFFFF000  }
0x78: {  	_ =	swait.ge [sflag:s20], $0x1000  }
0x79: {  	[sflag:s20] =	ssyncset.done $0x0  }
0x7a: {  	[sflag:s20] =	ssyncadd.s32 $0xFFFFF000  }
0x7b: {  	_ =	swait.ge [sflag:s20], $0x1000  }
0x7c: {  	[sflag:s20] =	ssyncset.done $0x0  }
0x7d: {  	[sflag:s20] =	ssyncadd.s32 $0xFFFFF000  }
0x7e: {  	_ =	swait.ge [sflag:s20], $0x1000  }
0x7f: {  	[sflag:s20] =	ssyncset.done $0x0  }
0x80: {  	[sflag:s20] =	ssyncadd.s32 $0xFFFFF000  }
0x81: {  	[spmem:s2] =	stream.indirect.scatter.add.f32 [tilespmem:s28], [sflag:$0x3], $0x80, s25, s21, $0xb8;
	[tilespmem:$0x1E900] =	vst v63  }
0x82: {  	s7 =	rddreg [dreg:$0x14]  }
0x83: {  	[tilespmem:s30], [sflag:$0x5] =	stream.linear.gather [hbm4b:s7+s25], $0x80, $0x38;
	[tilespmem:$0x1E900] =	vst v63  }
0x84: {  	_ =	swait.ge [sflag:s22], $0x80  }
0x85: {  	[sflag:s22] =	ssyncset.done $0x0  }
0x86: {  	[sflag:s22] =	ssyncadd.s32 $0xFFFFFF80  }
0x87: {  	[tilespmem:s23], [sflag:$0x2] =	stream.indirect.gather [hbm4b:s1+s31], $0x80, s19, s31, $0xb8;
	[tilespmem:$0x1E900] =	vst v63  }
0x88: {  	s24 =	simm.s32 $0x28A0;
	s3 =	simm.s32 $0x7900  }
0x89: {  	[tilespmem:s3], [sflag:$0x2] =	stream.indirect.gather [hbm4b:s1+s31], $0x80, s24, s31, $0xb8;
	[tilespmem:$0x1E900] =	vst v63  }
0x8a: {  	_ = 	snop  }
0x8b: {  	[tilespmem:s12], [sflag:$0x2] =	stream.indirect.gather [hbm4b:s1+s31], $0x80, s6, s31, $0xb8;
	[tilespmem:$0x1E900] =	vst v63  }
0x8c: {  	_ = 	snop  }
0x8d: {  	[tilespmem:s14], [sflag:$0x2] =	stream.indirect.gather [hbm4b:s1+s31], $0x80, s13, s31, $0xb8;
	[tilespmem:$0x1E900] =	vst v63  }
0x8e: {  	_ =	swait.ge [sflag:s15], $0x1000  }
0x8f: {  	[sflag:s15] =	ssyncset.done $0x0  }
0x90: {  	[sflag:s15] =	ssyncadd.s32 $0xFFFFF000  }
0x91: {  	_ =	swait.ge [sflag:s15], $0x1000  }
0x92: {  	[sflag:s15] =	ssyncset.done $0x0  }
0x93: {  	[sflag:s15] =	ssyncadd.s32 $0xFFFFF000  }
0x94: {  	_ =	swait.ge [sflag:s15], $0x1000  }
0x95: {  	[sflag:s15] =	ssyncset.done $0x0  }
0x96: {  	[sflag:s15] =	ssyncadd.s32 $0xFFFFF000  }
0x97: {  	_ =	swait.ge [sflag:s15], $0x1000  }
0x98: {  	[sflag:s15] =	ssyncset.done $0x0  }
0x99: {  	[sflag:s15] =	ssyncadd.s32 $0xFFFFF000  }
0x9a: {  	[spmem:s2] =	stream.indirect.scatter.add.f32 [tilespmem:s23], [sflag:$0x4], $0x80, s21, s21, $0xb8;
	[tilespmem:$0x1E900] =	vst v63  }
0x9b: {  	s26 =	rddreg [dreg:$0x15]  }
0x9c: {  	[tilespmem:s19], [sflag:$0x6] =	stream.linear.gather [hbm4b:s26+s25], $0x80, $0x38;
	[tilespmem:$0x1E900] =	vst v63  }
0x9d: {  	_ =	swait.ge [sflag:s16], $0x4000  }
0x9e: {  	[sflag:s16] =	ssyncset.done $0x0  }
0x9f: {  	[sflag:s16] =	ssyncadd.s32 $0xFFFFC000  }
0xa0: {  	_ =	swait.ge [sflag:s17], $0x80  }
0xa1: {  	[sflag:s17] =	ssyncset.done $0x0  }
0xa2: {  	[sflag:s17] =	ssyncadd.s32 $0xFFFFFF80  }
0xa3: {  	[tilespmem:s28], [sflag:$0x1] =	stream.indirect.gather [hbm4b:s1+s31], $0x80, s30, s31, $0xb8;
	[tilespmem:$0x1E900] =	vst v63  }
0xa4: {  	_ = 	snop  }
0xa5: {  	[tilespmem:s5], [sflag:$0x1] =	stream.indirect.gather [hbm4b:s1+s31], $0x80, s4, s31, $0xb8;
	[tilespmem:$0x1E900] =	vst v63  }
0xa6: {  	_ = 	snop  }
0xa7: {  	[tilespmem:s9], [sflag:$0x1] =	stream.indirect.gather [hbm4b:s1+s31], $0x80, s8, s31, $0xb8;
	[tilespmem:$0x1E900] =	vst v63  }
0xa8: {  	s7 =	simm.s32 $0x2820;
	s3 =	simm.s32 $0x3900;
	s5 =	rddreg [dreg:$0x19]  }
0xa9: {  	[tilespmem:s11], [sflag:$0x1] =	stream.indirect.gather [hbm4b:s1+s31], $0x80, s10, s31, $0xb8;
	[tilespmem:$0x1E900] =	vst v63  }
.LBB2_8:
0xaa: {  	_ =	swait.ge [sflag:s20], $0x1000  }
0xab: {  	[sflag:s20] =	ssyncset.done $0x0  }
0xac: {  	[sflag:s20] =	ssyncadd.s32 $0xFFFFF000  }
0xad: {  	_ =	swait.ge [sflag:s20], $0x1000  }
0xae: {  	[sflag:s20] =	ssyncset.done $0x0  }
0xaf: {  	[sflag:s20] =	ssyncadd.s32 $0xFFFFF000  }
0xb0: {  	_ =	swait.ge [sflag:s20], $0x1000  }
0xb1: {  	[sflag:s20] =	ssyncset.done $0x0  }
0xb2: {  	[sflag:s20] =	ssyncadd.s32 $0xFFFFF000  }
0xb3: {  	_ =	swait.ge [sflag:s20], $0x1000  }
0xb4: {  	s0 =	sshra.s32 s25, $0x2;
	[sflag:s20] =	ssyncset.done $0x0  }
0xb5: {  	p2 =	seq.s32 s25, $0x9800;
	s4 =	sadd.s32 $0x100, s0;
	[sflag:s20] =	ssyncadd.s32 $0xFFFFF000  }
0xb6: {  	[spmem:s2] =	stream.indirect.scatter.add.f32 [tilespmem:s28], [sflag:$0x3], $0x80, s4, s21, $0xb8;
	[tilespmem:$0x1E900] =	vst v63  }
0xb7: {  	s24 =	simm.s32 @!p2 $0x0;
	s26 =	simm.s32 @!p2 $0x2800;
	s4 =	sadd.s32 @!p2 $0xFFFFFFF0, s5  }
0xb8: {  	[tilespmem:s26], [sflag:$0x5] =	stream.linear.gather @!p2 [hbm4b:s4+s24], $0x80, $0x38;
	[tilespmem:$0x1E900] =	vst v63  }
0xb9: {  	_ =	swait.ge [sflag:s18], $0x4000  }
0xba: {  	[sflag:s18] =	ssyncset.done $0x0  }
0xbb: {  	[sflag:s18] =	ssyncadd.s32 $0xFFFFC000  }
0xbc: {  	_ =	swait.ge [sflag:s22], $0x80  }
0xbd: {  	[sflag:s22] =	ssyncset.done $0x0  }
0xbe: {  	[sflag:s22] =	ssyncadd.s32 $0xFFFFFF80  }
0xbf: {  	[tilespmem:s23], [sflag:$0x2] =	stream.indirect.gather [hbm4b:s1+s31], $0x80, s19, s31, $0xb8;
	[tilespmem:$0x1E900] =	vst v63  }
0xc0: {  	s24 =	simm.s32 $0x28A0;
	s26 =	simm.s32 $0x7900  }
0xc1: {  	[tilespmem:s26], [sflag:$0x2] =	stream.indirect.gather [hbm4b:s1+s31], $0x80, s24, s31, $0xb8;
	[tilespmem:$0x1E900] =	vst v63  }
0xc2: {  	_ = 	snop  }
0xc3: {  	[tilespmem:s12], [sflag:$0x2] =	stream.indirect.gather [hbm4b:s1+s31], $0x80, s6, s31, $0xb8;
	[tilespmem:$0x1E900] =	vst v63  }
0xc4: {  	_ = 	snop  }
0xc5: {  	[tilespmem:s14], [sflag:$0x2] =	stream.indirect.gather [hbm4b:s1+s31], $0x80, s13, s31, $0xb8;
	[tilespmem:$0x1E900] =	vst v63  }
0xc6: {  	_ =	swait.ge [sflag:s15], $0x1000  }
0xc7: {  	[sflag:s15] =	ssyncset.done $0x0  }
0xc8: {  	[sflag:s15] =	ssyncadd.s32 $0xFFFFF000  }
0xc9: {  	_ =	swait.ge [sflag:s15], $0x1000  }
0xca: {  	[sflag:s15] =	ssyncset.done $0x0  }
0xcb: {  	[sflag:s15] =	ssyncadd.s32 $0xFFFFF000  }
0xcc: {  	_ =	swait.ge [sflag:s15], $0x1000  }
0xcd: {  	[sflag:s15] =	ssyncset.done $0x0  }
.Ltmp4:
0xce: {  	[sflag:s15] =	ssyncadd.s32 $0xFFFFF000;
	(pc) =	sbr.rel @p2 .LBB2_10-.Ltmp4, $4  }
0xcf: {  	_ =	swait.ge [sflag:s15], $0x1000  }
0xd0: {  	[sflag:s15] =	ssyncset.done $0x0  }
0xd1: {  	s0 =	sadd.s32 $0x180, s0;
	[sflag:s15] =	ssyncadd.s32 $0xFFFFF000  }
0xd2: {  	[spmem:s2] =	stream.indirect.scatter.add.f32 [tilespmem:s23], [sflag:$0x4], $0x80, s0, s21, $0xb8;
	[tilespmem:$0x1E900] =	vst v63  }
0xd3: {  	s0 =	simm.s32 $0x0  }
0xd4: {  	[tilespmem:s19], [sflag:$0x6] =	stream.linear.gather [hbm4b:s5+s0], $0x80, $0x38;
	[tilespmem:$0x1E900] =	vst v63  }
0xd5: {  	_ =	swait.ge [sflag:s16], $0x4000  }
0xd6: {  	[sflag:s16] =	ssyncset.done $0x0  }
0xd7: {  	[sflag:s16] =	ssyncadd.s32 $0xFFFFC000  }
0xd8: {  	_ =	swait.ge [sflag:s17], $0x80  }
0xd9: {  	[sflag:s17] =	ssyncset.done $0x0  }
0xda: {  	s25 =	sadd.s32 $0x400, s25;
	[sflag:s17] =	ssyncadd.s32 $0xFFFFFF80  }
0xdb: {  	[tilespmem:s28], [sflag:$0x1] =	stream.indirect.gather [hbm4b:s1+s31], $0x80, s30, s31, $0xb8;
	[tilespmem:$0x1E900] =	vst v63  }
0xdc: {  	p2 =	seq.s32 s25, $0x9C00  }
0xdd: {  	[tilespmem:s3], [sflag:$0x1] =	stream.indirect.gather [hbm4b:s1+s31], $0x80, s7, s31, $0xb8;
	[tilespmem:$0x1E900] =	vst v63  }
.Ltmp5:
0xde: {  	_ = 	snop;
	(pc) =	sbr.rel @!p2 .LBB2_8-.Ltmp5, $4  }
.Ltmp6:
0xdf: {  	_ = 	snop;
	(pc) =	sbr.rel @p2 .LBB2_11-.Ltmp6, $4  }
0xe0: {  	[tilespmem:s9], [sflag:$0x1] =	stream.indirect.gather [hbm4b:s1+s31], $0x80, s8, s31, $0xb8;
	[tilespmem:$0x1E900] =	vst v63  }
0xe1: {  	s5 =	sadd.s32 $0x20, s5  }
0xe2: {  	[tilespmem:s11], [sflag:$0x1] =	stream.indirect.gather [hbm4b:s1+s31], $0x80, s10, s31, $0xb8;
	[tilespmem:$0x1E900] =	vst v63  }
0xe3: {  	_ = 	snop  }
.LBB2_4:
0xe4: {  	s0 =	rddreg [dreg:$0x6]  }
0xe5: {  	[tilespmem:s25], [sflag:$0x7] =	stream.linear.gather [hbm4b:s0+s25], $0x2800, $0x38;
	[tilespmem:$0x1E900] =	vst v63  }
0xe6: {  	_ =	swait.ge [sflag:s29], $0x2800  }
0xe7: {  	[sflag:s29] =	ssyncset.done $0x0  }
0xe8: {  	s26 =	rddreg [dreg:$0x5];
	[sflag:s29] =	ssyncadd.s32 $0xFFFFD800  }
0xe9: {  	[tilespmem:s30], [sflag:$0x7] =	stream.linear.gather [hbm4b:s26+s25], $0x80, $0x38;
	[tilespmem:$0x1E900] =	vst v63  }
0xea: {  	_ =	swait.ge [sflag:s29], $0x80  }
0xeb: {  	[sflag:s29] =	ssyncset.done $0x0  }
0xec: {  	[sflag:s29] =	ssyncadd.s32 $0xFFFFFF80  }
0xed: {  	[tilespmem:s28], [sflag:$0x1] =	stream.indirect.gather [hbm4b:s1+s31], $0x80, s30, s31, $0xb8;
	[tilespmem:$0x1E900] =	vst v63  }
0xee: {  	s4 =	simm.s32 $0x2820;
	s5 =	simm.s32 $0x3900  }
0xef: {  	[tilespmem:s5], [sflag:$0x1] =	stream.indirect.gather [hbm4b:s1+s31], $0x80, s4, s31, $0xb8;
	[tilespmem:$0x1E900] =	vst v63  }
0xf0: {  	_ = 	snop  }
0xf1: {  	[tilespmem:s9], [sflag:$0x1] =	stream.indirect.gather [hbm4b:s1+s31], $0x80, s8, s31, $0xb8;
	[tilespmem:$0x1E900] =	vst v63  }
0xf2: {  	_ = 	snop  }
0xf3: {  	[tilespmem:s11], [sflag:$0x1] =	stream.indirect.gather [hbm4b:s1+s31], $0x80, s10, s31, $0xb8;
	[tilespmem:$0x1E900] =	vst v63  }
0xf4: {  	s3 =	rddreg [dreg:$0x7]  }
0xf5: {  	[tilespmem:s19], [sflag:$0x6] =	stream.linear.gather [hbm4b:s3+s25], $0x80, $0x38;
	[tilespmem:$0x1E900] =	vst v63  }
0xf6: {  	_ =	swait.ge [sflag:s20], $0x1000  }
0xf7: {  	[sflag:s20] =	ssyncset.done $0x0  }
0xf8: {  	[sflag:s20] =	ssyncadd.s32 $0xFFFFF000  }
0xf9: {  	_ =	swait.ge [sflag:s20], $0x1000  }
0xfa: {  	[sflag:s20] =	ssyncset.done $0x0  }
0xfb: {  	[sflag:s20] =	ssyncadd.s32 $0xFFFFF000  }
0xfc: {  	_ =	swait.ge [sflag:s20], $0x1000  }
0xfd: {  	[sflag:s20] =	ssyncset.done $0x0  }
0xfe: {  	[sflag:s20] =	ssyncadd.s32 $0xFFFFF000  }
0xff: {  	_ =	swait.ge [sflag:s20], $0x1000  }
0x100: {  	[sflag:s20] =	ssyncset.done $0x0  }
0x101: {  	[sflag:s20] =	ssyncadd.s32 $0xFFFFF000  }
0x102: {  	[spmem:s2] =	stream.indirect.scatter.add.f32 [tilespmem:s28], [sflag:$0x3], $0x80, s25, s21, $0xb8;
	[tilespmem:$0x1E900] =	vst v63  }
0x103: {  	s7 =	rddreg [dreg:$0x12]  }
0x104: {  	[tilespmem:s30], [sflag:$0x5] =	stream.linear.gather [hbm4b:s7+s25], $0x80, $0x38;
	[tilespmem:$0x1E900] =	vst v63  }
0x105: {  	_ =	swait.ge [sflag:s22], $0x80  }
0x106: {  	[sflag:s22] =	ssyncset.done $0x0  }
0x107: {  	[sflag:s22] =	ssyncadd.s32 $0xFFFFFF80  }
0x108: {  	[tilespmem:s23], [sflag:$0x2] =	stream.indirect.gather [hbm4b:s1+s31], $0x80, s19, s31, $0xb8;
	[tilespmem:$0x1E900] =	vst v63  }
0x109: {  	s24 =	simm.s32 $0x28A0;
	s3 =	simm.s32 $0x7900  }
0x10a: {  	[tilespmem:s3], [sflag:$0x2] =	stream.indirect.gather [hbm4b:s1+s31], $0x80, s24, s31, $0xb8;
	[tilespmem:$0x1E900] =	vst v63  }
0x10b: {  	_ = 	snop  }
0x10c: {  	[tilespmem:s12], [sflag:$0x2] =	stream.indirect.gather [hbm4b:s1+s31], $0x80, s6, s31, $0xb8;
	[tilespmem:$0x1E900] =	vst v63  }
0x10d: {  	_ = 	snop  }
0x10e: {  	[tilespmem:s14], [sflag:$0x2] =	stream.indirect.gather [hbm4b:s1+s31], $0x80, s13, s31, $0xb8;
	[tilespmem:$0x1E900] =	vst v63  }
0x10f: {  	_ =	swait.ge [sflag:s15], $0x1000  }
0x110: {  	[sflag:s15] =	ssyncset.done $0x0  }
0x111: {  	[sflag:s15] =	ssyncadd.s32 $0xFFFFF000  }
0x112: {  	_ =	swait.ge [sflag:s15], $0x1000  }
0x113: {  	[sflag:s15] =	ssyncset.done $0x0  }
0x114: {  	[sflag:s15] =	ssyncadd.s32 $0xFFFFF000  }
0x115: {  	_ =	swait.ge [sflag:s15], $0x1000  }
0x116: {  	[sflag:s15] =	ssyncset.done $0x0  }
0x117: {  	[sflag:s15] =	ssyncadd.s32 $0xFFFFF000  }
0x118: {  	_ =	swait.ge [sflag:s15], $0x1000  }
0x119: {  	[sflag:s15] =	ssyncset.done $0x0  }
0x11a: {  	[sflag:s15] =	ssyncadd.s32 $0xFFFFF000  }
0x11b: {  	[spmem:s2] =	stream.indirect.scatter.add.f32 [tilespmem:s23], [sflag:$0x4], $0x80, s21, s21, $0xb8;
	[tilespmem:$0x1E900] =	vst v63  }
0x11c: {  	s26 =	rddreg [dreg:$0x13]  }
0x11d: {  	[tilespmem:s19], [sflag:$0x6] =	stream.linear.gather [hbm4b:s26+s25], $0x80, $0x38;
	[tilespmem:$0x1E900] =	vst v63  }
0x11e: {  	_ =	swait.ge [sflag:s16], $0x4000  }
0x11f: {  	[sflag:s16] =	ssyncset.done $0x0  }
0x120: {  	[sflag:s16] =	ssyncadd.s32 $0xFFFFC000  }
0x121: {  	_ =	swait.ge [sflag:s17], $0x80  }
0x122: {  	[sflag:s17] =	ssyncset.done $0x0  }
0x123: {  	[sflag:s17] =	ssyncadd.s32 $0xFFFFFF80  }
0x124: {  	[tilespmem:s28], [sflag:$0x1] =	stream.indirect.gather [hbm4b:s1+s31], $0x80, s30, s31, $0xb8;
	[tilespmem:$0x1E900] =	vst v63  }
0x125: {  	_ = 	snop  }
0x126: {  	[tilespmem:s5], [sflag:$0x1] =	stream.indirect.gather [hbm4b:s1+s31], $0x80, s4, s31, $0xb8;
	[tilespmem:$0x1E900] =	vst v63  }
0x127: {  	_ = 	snop  }
0x128: {  	[tilespmem:s9], [sflag:$0x1] =	stream.indirect.gather [hbm4b:s1+s31], $0x80, s8, s31, $0xb8;
	[tilespmem:$0x1E900] =	vst v63  }
0x129: {  	s7 =	simm.s32 $0x2820;
	s3 =	simm.s32 $0x3900;
	s5 =	rddreg [dreg:$0x16]  }
0x12a: {  	[tilespmem:s11], [sflag:$0x1] =	stream.indirect.gather [hbm4b:s1+s31], $0x80, s10, s31, $0xb8;
	[tilespmem:$0x1E900] =	vst v63  }
.LBB2_5:
0x12b: {  	_ =	swait.ge [sflag:s20], $0x1000  }
0x12c: {  	[sflag:s20] =	ssyncset.done $0x0  }
0x12d: {  	[sflag:s20] =	ssyncadd.s32 $0xFFFFF000  }
0x12e: {  	_ =	swait.ge [sflag:s20], $0x1000  }
0x12f: {  	[sflag:s20] =	ssyncset.done $0x0  }
0x130: {  	[sflag:s20] =	ssyncadd.s32 $0xFFFFF000  }
0x131: {  	_ =	swait.ge [sflag:s20], $0x1000  }
0x132: {  	[sflag:s20] =	ssyncset.done $0x0  }
0x133: {  	[sflag:s20] =	ssyncadd.s32 $0xFFFFF000  }
0x134: {  	_ =	swait.ge [sflag:s20], $0x1000  }
0x135: {  	s4 =	sshra.s32 s25, $0x2;
	[sflag:s20] =	ssyncset.done $0x0  }
0x136: {  	p2 =	seq.s32 s25, $0x9800;
	s24 =	sadd.s32 $0x100, s4;
	[sflag:s20] =	ssyncadd.s32 $0xFFFFF000  }
0x137: {  	[spmem:s2] =	stream.indirect.scatter.add.f32 [tilespmem:s28], [sflag:$0x3], $0x80, s24, s21, $0xb8;
	[tilespmem:$0x1E900] =	vst v63  }
0x138: {  	s0 =	simm.s32 @!p2 $0x0;
	s26 =	simm.s32 @!p2 $0x2800;
	s24 =	sadd.s32 @!p2 $0xFFFFFFF0, s5  }
0x139: {  	[tilespmem:s26], [sflag:$0x5] =	stream.linear.gather @!p2 [hbm4b:s24+s0], $0x80, $0x38;
	[tilespmem:$0x1E900] =	vst v63  }
0x13a: {  	_ =	swait.ge [sflag:s18], $0x4000  }
0x13b: {  	[sflag:s18] =	ssyncset.done $0x0  }
0x13c: {  	[sflag:s18] =	ssyncadd.s32 $0xFFFFC000  }
0x13d: {  	_ =	swait.ge [sflag:s22], $0x80  }
0x13e: {  	[sflag:s22] =	ssyncset.done $0x0  }
0x13f: {  	[sflag:s22] =	ssyncadd.s32 $0xFFFFFF80  }
0x140: {  	[tilespmem:s23], [sflag:$0x2] =	stream.indirect.gather [hbm4b:s1+s31], $0x80, s19, s31, $0xb8;
	[tilespmem:$0x1E900] =	vst v63  }
0x141: {  	s24 =	simm.s32 $0x28A0;
	s26 =	simm.s32 $0x7900  }
0x142: {  	[tilespmem:s26], [sflag:$0x2] =	stream.indirect.gather [hbm4b:s1+s31], $0x80, s24, s31, $0xb8;
	[tilespmem:$0x1E900] =	vst v63  }
0x143: {  	_ = 	snop  }
0x144: {  	[tilespmem:s12], [sflag:$0x2] =	stream.indirect.gather [hbm4b:s1+s31], $0x80, s6, s31, $0xb8;
	[tilespmem:$0x1E900] =	vst v63  }
0x145: {  	_ = 	snop  }
0x146: {  	[tilespmem:s14], [sflag:$0x2] =	stream.indirect.gather [hbm4b:s1+s31], $0x80, s13, s31, $0xb8;
	[tilespmem:$0x1E900] =	vst v63  }
0x147: {  	_ =	swait.ge [sflag:s15], $0x1000  }
0x148: {  	[sflag:s15] =	ssyncset.done $0x0  }
0x149: {  	[sflag:s15] =	ssyncadd.s32 $0xFFFFF000  }
0x14a: {  	_ =	swait.ge [sflag:s15], $0x1000  }
0x14b: {  	[sflag:s15] =	ssyncset.done $0x0  }
0x14c: {  	[sflag:s15] =	ssyncadd.s32 $0xFFFFF000  }
0x14d: {  	_ =	swait.ge [sflag:s15], $0x1000  }
0x14e: {  	[sflag:s15] =	ssyncset.done $0x0  }
.Ltmp7:
0x14f: {  	[sflag:s15] =	ssyncadd.s32 $0xFFFFF000;
	(pc) =	sbr.rel @p2 .LBB2_10-.Ltmp7, $4  }
0x150: {  	_ =	swait.ge [sflag:s15], $0x1000  }
0x151: {  	[sflag:s15] =	ssyncset.done $0x0  }
0x152: {  	s26 =	sadd.s32 $0x180, s4;
	[sflag:s15] =	ssyncadd.s32 $0xFFFFF000  }
0x153: {  	[spmem:s2] =	stream.indirect.scatter.add.f32 [tilespmem:s23], [sflag:$0x4], $0x80, s26, s21, $0xb8;
	[tilespmem:$0x1E900] =	vst v63  }
0x154: {  	s0 =	simm.s32 $0x0  }
0x155: {  	[tilespmem:s19], [sflag:$0x6] =	stream.linear.gather [hbm4b:s5+s0], $0x80, $0x38;
	[tilespmem:$0x1E900] =	vst v63  }
0x156: {  	_ =	swait.ge [sflag:s16], $0x4000  }
0x157: {  	[sflag:s16] =	ssyncset.done $0x0  }
0x158: {  	[sflag:s16] =	ssyncadd.s32 $0xFFFFC000  }
0x159: {  	_ =	swait.ge [sflag:s17], $0x80  }
0x15a: {  	[sflag:s17] =	ssyncset.done $0x0  }
0x15b: {  	s25 =	sadd.s32 $0x400, s25;
	[sflag:s17] =	ssyncadd.s32 $0xFFFFFF80  }
0x15c: {  	[tilespmem:s28], [sflag:$0x1] =	stream.indirect.gather [hbm4b:s1+s31], $0x80, s30, s31, $0xb8;
	[tilespmem:$0x1E900] =	vst v63  }
0x15d: {  	p2 =	seq.s32 s25, $0x9C00  }
0x15e: {  	[tilespmem:s3], [sflag:$0x1] =	stream.indirect.gather [hbm4b:s1+s31], $0x80, s7, s31, $0xb8;
	[tilespmem:$0x1E900] =	vst v63  }
.Ltmp8:
0x15f: {  	_ = 	snop;
	(pc) =	sbr.rel @!p2 .LBB2_5-.Ltmp8, $4  }
.Ltmp9:
0x160: {  	_ = 	snop;
	(pc) =	sbr.rel @p2 .LBB2_11-.Ltmp9, $4  }
0x161: {  	[tilespmem:s9], [sflag:$0x1] =	stream.indirect.gather [hbm4b:s1+s31], $0x80, s8, s31, $0xb8;
	[tilespmem:$0x1E900] =	vst v63  }
0x162: {  	s5 =	sadd.s32 $0x20, s5  }
0x163: {  	[tilespmem:s11], [sflag:$0x1] =	stream.indirect.gather [hbm4b:s1+s31], $0x80, s10, s31, $0xb8;
	[tilespmem:$0x1E900] =	vst v63  }
0x164: {  	_ = 	snop  }
.LBB2_12:
0x165: {  	_ =	sfence.sel $0x180000  }
0x166: {  	[bflag:$0x0] =	sbarrier.arrive $0xFFFF  }
0x167: {  	_ =	strace $0x9000004D  }
0x168: {  	s0 =	stileid.u32;
	[bflag:$0x2] =	sbarrier.arrive $0xFFFF  }
0x169: {  	p0 =	sne.s32 s0, $0x0;
	s0 =	rddreg [dreg:$0x3]  }
0x16a: {  	s0 =	sadd.s32 @!p0 $0x100000, s0  }
0x16b: {  	[sflag:s0] =	ssyncadd.tile.s32 @!p0 $0x1;
	_ =	shalt  }
.Lfunc_end2:
_tile_overlayer_lowered:
.L_overlay_start_2:
0x16c: {  	(tag) =	ssettag $0x2  }
0x16d: {  	s0 =	rddreg [dreg:$0x0];
	s2 =	stileid.u32  }
0x16e: {  	s1 =	rddreg [dreg:$0x1];
	p0 =	sne.s32 s2, $0x0  }
0x16f: {  	s3 =	rddreg [dreg:$0x2];
	[bflag:$0x3] =	sbarrier.arrive $0xFFFF;
	s2 =	simm.s32 @!p0 $0x1C07  }
0x170: {  	[timem:s3], [sflag:s2] =	dma.local @!p0 [hbm:s0], s1  }
0x171: {  	s0 =	simm.s32 @!p0 $0x7  }
0x172: {  	_ =	swait.ge @!p0 [sflag:s0], s1  }
0x173: {  	s1 =	ssub.s32 @!p0 $0x0, s1;
	[sflag:s0] =	ssyncset.done @!p0 $0x0  }
0x174: {  	[sflag:s0] =	ssyncadd.s32 @!p0 s1  }
0x175: {  	[bflag:$0x3] =	sbarrier.arrive $0xFFFF  }
0x176: {  	_ =	shalt  }

// kernel: kernel.19.cloned.1.call-start
scs
__scs_entry_jumppad:
0x0: {  	(pc) =	sbr.rel $0x88, $3  }
0x1: {  	(tag) =	ssettag $0x0;
	lr =	simm.s32 $0x1  }
0x2: {  	[smem:$0x3F9B] =	sst lr;
	_ =	strace $0xD0000000  }
0x3: {  	_ = 	snop  }
0x4: {  	_ = 	snop  }
0x5: {  	_ = 	snop  }
0x6: {  	_ = 	snop  }
0x7: {  	_ = 	snop  }
__scs_overlays_trampoline_lowered:
0x8: {  	[smem:$0x3FAA] =	sst s0  }
0x9: {  	[smem:$0x3FAB] =	sst s1  }
0xa: {  	[smem:$0x3FAC] =	sst s2  }
0xb: {  	[smem:$0x3FAD] =	sst s3  }
0xc: {  	[smem:$0x3FAE] =	sst s4  }
0xd: {  	[smem:$0x3FAF] =	sst s5  }
0xe: {  	[smem:$0x3FB0] =	sst s6  }
0xf: {  	[smem:$0x3FB1] =	sst s7  }
0x10: {  	[smem:$0x3FB2] =	sst s8  }
0x11: {  	[smem:$0x3FB3] =	sst s9;
	s0 =	simm.s32 @!p0 $0x0  }
0x12: {  	s1 =	sld [smem:$0x3F99];
	s0 =	simm.s32 @p0 $0x1  }
0x13: {  	[smem:$0x3FB4] =	sst s0;
	s0 =	simm.s32 @!p1 $0x0  }
0x14: {  	s2 =	sld [smem:$0x3F98];
	s0 =	simm.s32 @p1 $0x1  }
0x15: {  	[smem:$0x3FB5] =	sst s0;
	s0 =	simm.s32 @!p2 $0x0  }
0x16: {  	s3 =	sld [smem:$0x3FDB];
	s0 =	simm.s32 @p2 $0x1  }
0x17: {  	s4 =	simm.s32 $0x1BF5;
	[smem:$0x3FB7] =	sst s0  }
0x18: {  	s0 =	sld [smem:$0x3F9A];
	_ =	swait.ge [sflag:s4], $0x0  }
0x19: {  	s7 =	sld [smem:$0x3F9B]  }
0x1a: {  	s8 =	sadd.s32 $0xFFFFE003, lr  }
0x1b: {  	s9 =	sadd.s32 $0xFFFFFEF7, lr;
	s5 =	simm.s32 $0xFFFFFFFF;
	p2 =	slt.u32 s8, $0xFFFFF086  }
0x1c: {  	p1 =	slt.u32 s9, $0xF7A;
	s5 =	simm.s32 @!p2 $0x0  }
0x1d: {  	s5 =	simm.s32 @p1 $0x1;
	p0 =	seq.s32 s7, s2  }
0x1e: {  	s7 =	smul.u32 @!p0 $0xF7A, s2;
	p2 =	seq.s32 @!p0 s5, $0x0  }
0x1f: {  	s9 =	smul.u32 $0xF7A, s1;
	s8 =	simm.s32 @!p0 $0x1BF5;
	p2 =	por !p2, p0  }
0x20: {  	[sflag:s8] =	ssyncset.s32 @!p0 $0xFFFFF086;
	s6 =	sadd.s32 @!p0 s3, s7;
	s7 =	simm.s32 @!p0 $0x108  }
0x21: {  	s3 =	sadd.s32 s3, s9;
	s6 =	sadd.s32 @!p0 $0x88, s6;
	s7 =	simm.s32 @p2 $0x1082  }
0x22: {  	[simem:s7], [sflag:s8] =	dma.local @!p0 [hbm:s6], $0xF7A  }
0x23: {  	s9 =	sor.u32 $0xD0000000, s2;
	s6 =	simm.s32 $0x108;
	_ =	swait.ge @!p0 [sflag:s8], $0x0  }
0x24: {  	s3 =	sadd.s32 $0x88, s3;
	s6 =	simm.s32 @!p1 $0x1082;
	[sflag:s4] =	ssyncset.s32 $0xFFFFF086  }
0x25: {  	[simem:s6], [sflag:s4] =	dma.local [hbm:s3], $0xF7A  }
0x26: {  	[smem:$0x3F9B] =	sst s1;
	(tag) =	ssettag s2;
	_ =	strace s9  }
0x27: {  	s1 =	sld [smem:$0x3FAB]  }
0x28: {  	s2 =	sld [smem:$0x3FAC]  }
0x29: {  	s4 =	sld [smem:$0x3FAE]  }
0x2a: {  	p0 =	seq.s32 s5, $0x0;
	s5 =	sld [smem:$0x3FAF]  }
0x2b: {  	s6 =	sld [smem:$0x3FB0]  }
0x2c: {  	s7 =	sld [smem:$0x3FB1]  }
0x2d: {  	s3 =	simm.s32 $0x108;
	s8 =	sld [smem:$0x3FB2]  }
0x2e: {  	s3 =	simm.s32 @!p0 $0x1082;
	s9 =	sld [smem:$0x3FB3]  }
0x2f: {  	lr =	sadd.s32 s0, s3;
	s0 =	sld [smem:$0x3FAA]  }
0x30: {  	s3 =	sld [smem:$0x3FAD]  }
0x31: {  	[smem:$0x3FB6] =	sst s10  }
0x32: {  	s10 =	sld [smem:$0x3FB4];
	_ =	sdelay $0x3  }
0x33: {  	p0 =	seq.s32 s10, $0x1;
	s10 =	sld [smem:$0x3FB6];
	_ =	sdelay $0x3  }
0x34: {  	[smem:$0x3FB6] =	sst s10  }
0x35: {  	s10 =	sld [smem:$0x3FB5];
	_ =	sdelay $0x3  }
0x36: {  	p1 =	seq.s32 s10, $0x1;
	s10 =	sld [smem:$0x3FB6];
	_ =	sdelay $0x3  }
0x37: {  	[smem:$0x3FB6] =	sst s10  }
0x38: {  	s10 =	sld [smem:$0x3FB7]  }
0x39: {  	_ = 	snop;
	(pc) =	sbr.ind lr, $3  }
0x3a: {  	_ = 	snop  }
0x3b: {  	_ = 	snop  }
0x3c: {  	p2 =	seq.s32 s10, $0x1;
	s10 =	sld [smem:$0x3FB6]  }
0x3d: {  	_ =	shalt  }
0x3e: {  	_ =	shalt  }
0x3f: {  	_ =	shalt  }
0x40: {  	_ =	shalt  }
0x41: {  	_ =	shalt  }
0x42: {  	_ =	shalt  }
0x43: {  	_ =	shalt  }
0x44: {  	_ =	shalt  }
0x45: {  	_ =	shalt  }
0x46: {  	_ =	shalt  }
0x47: {  	_ =	shalt  }
0x48: {  	_ =	shalt  }
0x49: {  	_ =	shalt  }
0x4a: {  	_ =	shalt  }
0x4b: {  	_ =	shalt  }
0x4c: {  	_ =	shalt  }
0x4d: {  	_ =	shalt  }
0x4e: {  	_ =	shalt  }
0x4f: {  	_ =	shalt  }
0x50: {  	_ =	shalt  }
0x51: {  	_ =	shalt  }
0x52: {  	_ =	shalt  }
0x53: {  	_ =	shalt  }
0x54: {  	_ =	shalt  }
0x55: {  	_ =	shalt  }
0x56: {  	_ =	shalt  }
0x57: {  	_ =	shalt  }
0x58: {  	_ =	shalt  }
0x59: {  	_ =	shalt  }
0x5a: {  	_ =	shalt  }
0x5b: {  	_ =	shalt  }
0x5c: {  	_ =	shalt  }
0x5d: {  	_ =	shalt  }
0x5e: {  	_ =	shalt  }
0x5f: {  	_ =	shalt  }
0x60: {  	_ =	shalt  }
0x61: {  	_ =	shalt  }
0x62: {  	_ =	shalt  }
0x63: {  	_ =	shalt  }
0x64: {  	_ =	shalt  }
0x65: {  	_ =	shalt  }
0x66: {  	_ =	shalt  }
0x67: {  	_ =	shalt  }
0x68: {  	_ =	shalt  }
0x69: {  	_ =	shalt  }
0x6a: {  	_ =	shalt  }
0x6b: {  	_ =	shalt  }
0x6c: {  	_ =	shalt  }
0x6d: {  	_ =	shalt  }
0x6e: {  	_ =	shalt  }
0x6f: {  	_ =	shalt  }
0x70: {  	_ =	shalt  }
0x71: {  	_ =	shalt  }
0x72: {  	_ =	shalt  }
0x73: {  	_ =	shalt  }
0x74: {  	_ =	shalt  }
0x75: {  	_ =	shalt  }
0x76: {  	_ =	shalt  }
0x77: {  	_ =	shalt  }
0x78: {  	_ =	shalt  }
0x79: {  	_ =	shalt  }
0x7a: {  	_ =	shalt  }
0x7b: {  	_ =	shalt  }
0x7c: {  	_ =	shalt  }
0x7d: {  	_ =	shalt  }
0x7e: {  	_ =	shalt  }
0x7f: {  	_ =	shalt  }
0x80: {  	_ =	shalt  }
0x81: {  	_ =	shalt  }
0x82: {  	_ =	shalt  }
0x83: {  	_ =	shalt  }
0x84: {  	_ =	shalt  }
0x85: {  	_ =	shalt  }
0x86: {  	_ =	shalt  }
0x87: {  	_ =	shalt  }
.Lfunc_end0:
.L_simem_size_0:
called_computation.3_lowered:
.L_overlay_start_0:
0x88: {  	s2 =	sld [smem:$0x3FD9]  }
0x89: {  	s3 =	sld [smem:$0x3FFE];
	_ =	sdelay $0x1  }
0x8a: {  	s1 =	srdreg.scid  }
0x8b: {  	s0 =	sand.u32 $0x1, s1  }
0x8c: {  	s17 =	sshll.u32 s0, $0xA;
	s2 =	sadd.s32 s3, s2  }
0x8d: {  	s2 =	sadd.s32 s2, s17  }
0x8e: {  	[smem:$0x3FC2] =	sst s2  }
0x8f: {  	_ = 	snop  }
0x90: {  	s2 =	sld [smem:$0x3FD0];
	(tm) =	ssettm $0x1  }
0x91: {  	s18 =	sld [smem:$0x3FFB];
	_ =	sdelay $0x3  }
0x92: {  	_ =	strace s18  }
0x93: {  	s3 =	sld [smem:$0x3FFC];
	_ =	sdelay $0x3  }
0x94: {  	_ =	strace s3  }
0x95: {  	s3 =	sld [smem:$0x3FFD];
	_ =	sdelay $0x3  }
0x96: {  	_ =	strace s3  }
0x97: {  	_ =	strace $0x8FFFFFFF  }
0x98: {  	s19 =	sld [smem:$0x3FDB];
	_ =	sdelay $0x1  }
0x99: {  	s4 =	simm.s32 $_scs_section_size  }
0x9a: {  	s5 =	simm.s32 $_size__tile_overlayer_lowered;
	s6 =	simm.s32 $_tile_overlayer_lowered  }
0x9b: {  	s22 =	simm.s32 $0x1BFF;
	s21 =	sshll.u32 s6, $0x1;
	s3 =	sadd.s32 s4, s19  }
0x9c: {  	s7 =	simm.s32 $0x0;
	s20 =	sshll.u32 s5, $0x1;
	s5 =	sadd.s32 s21, s3  }
0x9d: {  	[timem:s7], [sflag:s22] =	dma.local [hbm:s5], s20  }
0x9e: {  	_ =	swait.ge [sflag:s22], s20  }
0x9f: {  	s4 =	ssub.s32 $0x0, s20;
	[sflag:s22] =	ssyncset.done $0x0  }
0xa0: {  	[sflag:s22] =	ssyncadd.s32 s4;
	_ =	sdelay $0x1  }
0xa1: {  	s23 =	simm.s32 $0x1B8B  }
0xa2: {  	_ =	swait.ge [sflag:s23], $0x1  }
0xa3: {  	[sflag:s23] =	ssyncset.done $0x0  }
0xa4: {  	s25 =	simm.s32 $0x1B8E;
	s24 =	sld [smem:$0x3FFE];
	[sflag:s23] =	ssyncadd.s32 $0xFFFFFFFF  }
0xa5: {  	s26 =	simm.s32 $execute0_lowered;
	[smem:$0x3FD2] =	sst s25  }
0xa6: {  	s5 =	sshll.u32 s26, $0x1;
	_ =	strace $0x8000004F;
	[dreg:$0x1] =	wrdreg $0xFFFFFFFF  }
0xa7: {  	s28 =	simm.s32 $_size_execute0_lowered;
	s3 =	sadd.s32 s3, s5;
	[dreg:$0x0] =	wrdreg $0x0  }
0xa8: {  	s5 =	sshll.u32 s28, $0x1;
	[dreg:$0x2] =	wrdreg s3  }
0xa9: {  	[dreg:$0x3] =	wrdreg s5  }
0xaa: {  	[dreg:$0x4] =	wrdreg $0xC0  }
0xab: {  	_ =	task [dreg:s7], $0x5FFFF  }
0xac: {  	[dreg:$0x1] =	wrdreg $0xFFFFFFFF  }
0xad: {  	[dreg:$0x0] =	wrdreg $0x60  }
0xae: {  	[dreg:$0x2] =	wrdreg s2  }
0xaf: {  	[dreg:$0x3] =	wrdreg s24  }
0xb0: {  	[dreg:$0x4] =	wrdreg $0xA9000  }
0xb1: {  	[dreg:$0x5] =	wrdreg $0x9  }
0xb2: {  	_ =	task.clear_ibuf [dreg:s7], $0x6FFFF;
	_ =	strace $0x9000004F  }
0xb3: {  	s29 =	simm.s32 $0x9;
	_ =	strace $0x80000051  }
0xb4: {  	_ =	swait.ge [sflag:s29], $0x1  }
0xb5: {  	[sflag:s29] =	ssyncadd.s32 $0xFFFFFFFF  }
0xb6: {  	_ =	strace $0x90000051  }
0xb7: {  	_ =	sfence  }
0xb8: {  	s30 =	sld [smem:$0x0];
	_ =	sdelay $0x2  }
0xb9: {  	s31 =	sshll.u32 s1, $0xD;
	s1 =	sshrl.u32 s1, $0x2  }
0xba: {  	s3 =	sand.u32 $0x4000, s31;
	s1 =	sadd.s32 s1, s30  }
0xbb: {  	s0 =	sor.u32 s3, s0;
	s1 =	sshll.u32 s1, $0x11  }
0xbc: {  	s0 =	sor.u32 s1, s0  }
0xbd: {  	s0 =	sadd.s32 $0x8F2B, s0  }
0xbe: {  	[sflag:s0] =	ssyncadd.remote.s32 $0x1  }
0xbf: {  	_ =	sfence.sel $0xFFFF  }
0xc0: {  	[dreg:$0x0] =	wrdreg $0xFFFFFFFF;
	(pc) =	sbr.abs _section_cstart, $3  }
0xc1: {  	[dreg:$0x1] =	wrdreg $0xFFFFFFFF  }
0xc2: {  	_ =	task.clear_ibuf [dreg:s7], $0x2FFFF;
	_ =	strace $0x9FFFFFFF  }
0xc3: {  	(tm) =	ssettm $0x7FFFFFFF  }
tec
execute0_lowered:
.L_overlay_start_1:
0x0: {  	(tag) =	ssettag $0x1  }
0x1: {  	s1 =	rddreg [dreg:$0x0]  }
0x2: {  	s0 =	rddreg [dreg:$0x1]  }
0x3: {  	s2 =	rddreg [dreg:$0x2];
	s3 =	simm.s32 $0x0  }
0x4: {  	s20 =	srdreg.scid;
	s4 =	stileid.u32;
	s28 =	simm.s32 $0x2900  }
0x5: {  	s29 =	simm.s32 $0x7;
	s30 =	simm.s32 $0x2800;
	s7 =	smul.u32 $0x50000, s4  }
0x6: {  	s31 =	simm.s32 $0x20;
	[smem:$0x7FF] =	sst s3;
	s10 =	smul.u32 $0x500, s4  }
0x7: {  	s3 =	sand.u32 $0x1, s20;
	s5 =	sadd.s32 $0x5B200, s0;
	s23 =	smul.u32 $0x2800, s4  }
0x8: {  	s8 =	sadd.s32 $0x2A00, s0;
	s11 =	sadd.s32 $0x65200, s0;
	s13 =	smul.u32 $0x13800, s4  }
0x9: {  	s24 =	sadd.s32 $0x5B220, s0;
	s0 =	sadd.s32 $0x5B230, s0;
	s25 =	smul.u32 $0x4E000, s4  }
0xa: {  	p1 =	sne.s32 s4, $0xF;
	_ =	strace $0x80000050;
	s6 =	ssub.s32 $0x2, s3  }
0xb: {  	p0 =	seq.s32 s3, $0x1;
	s3 =	smul.u32 $0x138800, s3;
	s21 =	sadd.s32 s8, s10  }
0xc: {  	s9 =	sshrl.u32 s6, $0x1;
	s15 =	sadd.s32 s5, s10;
	[dreg:$0x6] =	wrdreg s21  }
0xd: {  	s12 =	sadd.s32 $0x5000, s10;
	s22 =	sadd.s32 $0x10, s15;
	[dreg:$0x5] =	wrdreg s15  }
0xe: {  	s7 =	sshrl.u32 s7, $0x2;
	s8 =	sadd.s32 s8, s12;
	[dreg:$0x7] =	wrdreg s22  }
0xf: {  	s6 =	ssub.s32 s6, s9;
	s14 =	sadd.s32 s7, s2;
	[dreg:$0x8] =	wrdreg s8  }
0x10: {  	s7 =	sshrl.u32 s23, $0x3;
	s21 =	sadd.s32 s10, s24;
	[dreg:$0x4] =	wrdreg s14  }
0x11: {  	s23 =	sadd.s32 s12, s24;
	s24 =	sadd.s32 $0x50, s15;
	[dreg:$0x12] =	wrdreg s21  }
0x12: {  	s9 =	simm.s32 $0x4900;
	s7 =	sadd.s32 s5, s7;
	[dreg:$0x14] =	wrdreg s23  }
0x13: {  	s5 =	sadd.s32 s5, s12;
	s6 =	smax.u32 s6, $0x1;
	[dreg:$0x16] =	wrdreg s24  }
0x14: {  	s17 =	sadd.s32 $0x4000, s14;
	s18 =	sadd.s32 $0x8000, s14;
	[dreg:$0x9] =	wrdreg s5  }
0x15: {  	s19 =	sadd.s32 $0xC000, s14;
	s20 =	sadd.s32 $0x10000, s14;
	[dreg:$0xd] =	wrdreg s6  }
0x16: {  	s22 =	sadd.s32 s10, s0;
	s0 =	sadd.s32 s12, s0;
	[dreg:$0xe] =	wrdreg s17  }
0x17: {  	s8 =	simm.s32 $0x2840;
	s10 =	simm.s32 $0x2860;
	[dreg:$0xf] =	wrdreg s18  }
0x18: {  	s21 =	simm.s32 $0x80;
	s23 =	simm.s32 $0x6900;
	[dreg:$0x10] =	wrdreg s19  }
0x19: {  	s12 =	simm.s32 $0x8900;
	s14 =	simm.s32 $0x9900;
	[dreg:$0x11] =	wrdreg s20  }
0x1a: {  	s26 =	sadd.s32 $0x5010, s7;
	s7 =	sadd.s32 s13, s3;
	[dreg:$0x13] =	wrdreg s22  }
0x1b: {  	s13 =	sshrl.u32 s25, $0x2;
	s3 =	sshrl.u32 s3, $0x3;
	[dreg:$0x15] =	wrdreg s0  }
0x1c: {  	s19 =	simm.s32 $0x2880;
	s20 =	simm.s32 $0x1;
	s22 =	simm.s32 $0x6  }
0x1d: {  	s6 =	simm.s32 $0x28C0;
	s17 =	simm.s32 $0x5;
	s18 =	simm.s32 $0x4  }
0x1e: {  	[dreg:$0xa] =	wrdreg s26;
	s5 =	sshrl.u32 s7, $0x3;
	s16 =	sadd.s32 s13, s2  }
0x1f: {  	s3 =	sadd.s32 s11, s3;
	s26 =	sadd.s32 $0x5050, s15;
	s13 =	simm.s32 $0x28E0  }
.Ltmp0:
0x20: {  	s5 =	sadd.s32 s11, s5;
	[dreg:$0x19] =	wrdreg s26;
	(pc) =	sbr.rel .LBB2_1-.Ltmp0, $4  }
0x21: {  	s15 =	simm.s32 $0x2;
	s3 =	sadd.s32 $0x27000, s3;
	[dreg:$0xb] =	wrdreg s5  }
0x22: {  	s25 =	sshrl.u32 s16, $0x3;
	[dreg:$0xc] =	wrdreg s3;
	s3 =	sadd.s32 $0x138000, s2  }
0x23: {  	s11 =	simm.s32 $0x5900;
	[dreg:$0x17] =	wrdreg s25;
	s0 =	sshrl.u32 @!p1 s3, $0x3  }
0x24: {  	v0 =	vimm.f32 $0.0e+00;
	s16 =	simm.s32 $0x3;
	s3 =	simm.s32 $0x0;
	[dreg:$0x18] =	wrdreg s0  }
.LBB2_10:
0x25: {  	_ =	swait.ge [sflag:s16], $0x4000  }
0x26: {  	[sflag:s16] =	ssyncset.done $0x0  }
0x27: {  	[sflag:s16] =	ssyncadd.s32 $0xFFFFC000  }
.LBB2_11:
0x28: {  	_ =	swait.ge [sflag:s18], $0x4000  }
0x29: {  	[sflag:s18] =	ssyncset.done $0x0  }
0x2a: {  	[sflag:s18] =	ssyncadd.s32 $0xFFFFC000  }
0x2b: {  	s0 =	stileid.u32;
	[bflag:$0x0] =	sbarrier.arrive $0xFFFF  }
0x2c: {  	s0 =	sshll.u32 s0, $0x6;
	s4 =	rddreg [dreg:$0xb]  }
0x2d: {  	s0 =	sor.u32 $0x1C07, s0;
	s5 =	rddreg [dreg:$0x17]  }
0x2e: {  	[hbm:s4], [sflag:s0] =	dma.local [spmem:s5], $0x2700  }
0x2f: {  	_ =	swait.ge [sflag:s29], $0x2700  }
0x30: {  	[sflag:s29] =	ssyncset.done $0x0;
	s4 =	rddreg [dreg:$0xc]  }
0x31: {  	s5 =	rddreg [dreg:$0x18];
	[sflag:s29] =	ssyncadd.s32 $0xFFFFD900  }
0x32: {  	[hbm:s4], [sflag:s0] =	dma.local @!p1 [spmem:s5], $0x100  }
0x33: {  	s0 =	simm.s32 @!p1 $0x7  }
0x34: {  	_ =	swait.ge @!p1 [sflag:s0], $0x100  }
0x35: {  	s3 =	rddreg [dreg:$0x1a]  }
0x36: {  	s26 =	rddreg [dreg:$0xd];
	s3 =	sadd.s32 $0x1, s3  }
0x37: {  	p2 =	sne.s32 s3, s26  }
.Ltmp1:
0x38: {  	_ = 	snop;
	(pc) =	sbr.rel @!p2 .LBB2_12-.Ltmp1, $3  }
0x39: {  	_ =	sdelay $0x1  }
0x3a: {  	[sflag:s0] =	ssyncset.done @!p1 $0x0  }
0x3b: {  	[sflag:s0] =	ssyncadd.s32 @!p1 $0xFFFFFF00  }
.LBB2_1:
0x3c: {  	s5 =	simm.s32 $0x0;
	s25 =	simm.s32 $0x200  }
.LBB2_2:
0x3d: {  	p2 =	sne.s32 s25, $0xFE00;
	[tilespmem:s5+$0x2970] =	vst v0  }
0x3e: {  	[tilespmem:s5+$0x2900] =	vst v0  }
0x3f: {  	[tilespmem:s5+$0x2910] =	vst v0  }
.Ltmp2:
0x40: {  	[tilespmem:s5+$0x2920] =	vst v0;
	(pc) =	sbr.rel @p2 .LBB2_2-.Ltmp2, $4  }
0x41: {  	[tilespmem:s5+$0x2930] =	vst v0  }
0x42: {  	[tilespmem:s5+$0x2940] =	vst v0  }
0x43: {  	[tilespmem:s5+$0x2950] =	vst v0  }
0x44: {  	[tilespmem:s5+$0x2960] =	vst v0;
	s5 =	sshra.s32 s25, $0x2;
	s25 =	sadd.s32 $0x200, s25  }
0x45: {  	[tilespmem:s5+$0x2970] =	vst v0  }
0x46: {  	[tilespmem:s5+$0x2900] =	vst v0  }
0x47: {  	[tilespmem:s5+$0x2910] =	vst v0  }
0x48: {  	[tilespmem:s5+$0x2920] =	vst v0  }
0x49: {  	[tilespmem:s5+$0x2930] =	vst v0  }
0x4a: {  	[tilespmem:s5+$0x2940] =	vst v0  }
0x4b: {  	[dreg:$0x1a] =	wrdreg s3;
	[tilespmem:s5+$0x2950] =	vst v0  }
0x4c: {  	[tilespmem:s5+$0x2960] =	vst v0;
	s0 =	rddreg [dreg:$0x4]  }
0x4d: {  	[spmem:s0] =	stream.linear.scatter [tilespmem:s28], [sflag:$0x7], $0x4000, $0x38;
	[tilespmem:$0x1E900] =	vst v63  }
0x4e: {  	_ =	swait.ge [sflag:s29], $0x4000  }
0x4f: {  	[sflag:s29] =	ssyncset.done $0x0  }
0x50: {  	s7 =	rddreg [dreg:$0xe];
	[sflag:s29] =	ssyncadd.s32 $0xFFFFC000  }
0x51: {  	[spmem:s7] =	stream.linear.scatter [tilespmem:s28], [sflag:$0x7], $0x4000, $0x38;
	[tilespmem:$0x1E900] =	vst v63  }
0x52: {  	_ =	swait.ge [sflag:s29], $0x4000  }
0x53: {  	[sflag:s29] =	ssyncset.done $0x0  }
0x54: {  	s24 =	rddreg [dreg:$0xf];
	[sflag:s29] =	ssyncadd.s32 $0xFFFFC000  }
0x55: {  	[spmem:s24] =	stream.linear.scatter [tilespmem:s28], [sflag:$0x7], $0x4000, $0x38;
	[tilespmem:$0x1E900] =	vst v63  }
0x56: {  	_ =	swait.ge [sflag:s29], $0x4000  }
0x57: {  	[sflag:s29] =	ssyncset.done $0x0  }
0x58: {  	s25 =	rddreg [dreg:$0x10];
	[sflag:s29] =	ssyncadd.s32 $0xFFFFC000  }
0x59: {  	[spmem:s25] =	stream.linear.scatter [tilespmem:s28], [sflag:$0x7], $0x4000, $0x38;
	[tilespmem:$0x1E900] =	vst v63  }
0x5a: {  	_ =	swait.ge [sflag:s29], $0x4000  }
0x5b: {  	[sflag:s29] =	ssyncset.done $0x0  }
0x5c: {  	s26 =	rddreg [dreg:$0x11];
	[sflag:s29] =	ssyncadd.s32 $0xFFFFC000  }
0x5d: {  	[spmem:s26] =	stream.linear.scatter [tilespmem:s28], [sflag:$0x7], $0x4000, $0x38;
	[tilespmem:$0x1E900] =	vst v63  }
.Ltmp3:
0x5e: {  	_ =	swait.ge [sflag:s29], $0x4000;
	(pc) =	sbr.rel @!p0 .LBB2_4-.Ltmp3, $4  }
0x5f: {  	[sflag:s29] =	ssyncset.done $0x0  }
0x60: {  	[sflag:s29] =	ssyncadd.s32 $0xFFFFC000  }
0x61: {  	[bflag:$0x0] =	sbarrier.arrive $0xFFFF  }
0x62: {  	s25 =	simm.s32 $0x0  }
0x63: {  	s0 =	rddreg [dreg:$0x8]  }
0x64: {  	[tilespmem:s25], [sflag:$0x7] =	stream.linear.gather [hbm4b:s0+s25], $0x2800, $0x38;
	[tilespmem:$0x1E900] =	vst v63  }
0x65: {  	_ =	swait.ge [sflag:s29], $0x2800  }
0x66: {  	[sflag:s29] =	ssyncset.done $0x0  }
0x67: {  	s26 =	rddreg [dreg:$0x9];
	[sflag:s29] =	ssyncadd.s32 $0xFFFFD800  }
0x68: {  	[tilespmem:s30], [sflag:$0x7] =	stream.linear.gather [hbm4b:s26+s25], $0x80, $0x38;
	[tilespmem:$0x1E900] =	vst v63  }
0x69: {  	_ =	swait.ge [sflag:s29], $0x80  }
0x6a: {  	[sflag:s29] =	ssyncset.done $0x0  }
0x6b: {  	[sflag:s29] =	ssyncadd.s32 $0xFFFFFF80  }
0x6c: {  	[tilespmem:s28], [sflag:$0x1] =	stream.indirect.gather [hbm4b:s1+s31], $0x80, s30, s31, $0xb8;
	[tilespmem:$0x1E900] =	vst v63  }
0x6d: {  	s4 =	simm.s32 $0x2820;
	s5 =	simm.s32 $0x3900  }
0x6e: {  	[tilespmem:s5], [sflag:$0x1] =	stream.indirect.gather [hbm4b:s1+s31], $0x80, s4, s31, $0xb8;
	[tilespmem:$0x1E900] =	vst v63  }
0x6f: {  	_ = 	snop  }
0x70: {  	[tilespmem:s9], [sflag:$0x1] =	stream.indirect.gather [hbm4b:s1+s31], $0x80, s8, s31, $0xb8;
	[tilespmem:$0x1E900] =	vst v63  }
0x71: {  	_ = 	snop  }
0x72: {  	[tilespmem:s11], [sflag:$0x1] =	stream.indirect.gather [hbm4b:s1+s31], $0x80, s10, s31, $0xb8;
	[tilespmem:$0x1E900] =	vst v63  }
0x73: {  	s3 =	rddreg [dreg:$0xa]  }
0x74: {  	[tilespmem:s19], [sflag:$0x6] =	stream.linear.gather [hbm4b:s3+s25], $0x80, $0x38;
	[tilespmem:$0x1E900] =	vst v63  }
0x75: {  	_ =	swait.ge [sflag:s20], $0x1000  }
0x76: {  	[sflag:s20] =	ssyncset.done $0x0  }
0x77: {  	[sflag:s20] =	ssyncadd.s32 $0xFFFFF000  }
0x78: {  	_ =	swait.ge [sflag:s20], $0x1000  }
0x79: {  	[sflag:s20] =	ssyncset.done $0x0  }
0x7a: {  	[sflag:s20] =	ssyncadd.s32 $0xFFFFF000  }
0x7b: {  	_ =	swait.ge [sflag:s20], $0x1000  }
0x7c: {  	[sflag:s20] =	ssyncset.done $0x0  }
0x7d: {  	[sflag:s20] =	ssyncadd.s32 $0xFFFFF000  }
0x7e: {  	_ =	swait.ge [sflag:s20], $0x1000  }
0x7f: {  	[sflag:s20] =	ssyncset.done $0x0  }
0x80: {  	[sflag:s20] =	ssyncadd.s32 $0xFFFFF000  }
0x81: {  	[spmem:s2] =	stream.indirect.scatter.add.f32 [tilespmem:s28], [sflag:$0x3], $0x80, s25, s21, $0xb8;
	[tilespmem:$0x1E900] =	vst v63  }
0x82: {  	s7 =	rddreg [dreg:$0x14]  }
0x83: {  	[tilespmem:s30], [sflag:$0x5] =	stream.linear.gather [hbm4b:s7+s25], $0x80, $0x38;
	[tilespmem:$0x1E900] =	vst v63  }
0x84: {  	_ =	swait.ge [sflag:s22], $0x80  }
0x85: {  	[sflag:s22] =	ssyncset.done $0x0  }
0x86: {  	[sflag:s22] =	ssyncadd.s32 $0xFFFFFF80  }
0x87: {  	[tilespmem:s23], [sflag:$0x2] =	stream.indirect.gather [hbm4b:s1+s31], $0x80, s19, s31, $0xb8;
	[tilespmem:$0x1E900] =	vst v63  }
0x88: {  	s24 =	simm.s32 $0x28A0;
	s3 =	simm.s32 $0x7900  }
0x89: {  	[tilespmem:s3], [sflag:$0x2] =	stream.indirect.gather [hbm4b:s1+s31], $0x80, s24, s31, $0xb8;
	[tilespmem:$0x1E900] =	vst v63  }
0x8a: {  	_ = 	snop  }
0x8b: {  	[tilespmem:s12], [sflag:$0x2] =	stream.indirect.gather [hbm4b:s1+s31], $0x80, s6, s31, $0xb8;
	[tilespmem:$0x1E900] =	vst v63  }
0x8c: {  	_ = 	snop  }
0x8d: {  	[tilespmem:s14], [sflag:$0x2] =	stream.indirect.gather [hbm4b:s1+s31], $0x80, s13, s31, $0xb8;
	[tilespmem:$0x1E900] =	vst v63  }
0x8e: {  	_ =	swait.ge [sflag:s15], $0x1000  }
0x8f: {  	[sflag:s15] =	ssyncset.done $0x0  }
0x90: {  	[sflag:s15] =	ssyncadd.s32 $0xFFFFF000  }
0x91: {  	_ =	swait.ge [sflag:s15], $0x1000  }
0x92: {  	[sflag:s15] =	ssyncset.done $0x0  }
0x93: {  	[sflag:s15] =	ssyncadd.s32 $0xFFFFF000  }
0x94: {  	_ =	swait.ge [sflag:s15], $0x1000  }
0x95: {  	[sflag:s15] =	ssyncset.done $0x0  }
0x96: {  	[sflag:s15] =	ssyncadd.s32 $0xFFFFF000  }
0x97: {  	_ =	swait.ge [sflag:s15], $0x1000  }
0x98: {  	[sflag:s15] =	ssyncset.done $0x0  }
0x99: {  	[sflag:s15] =	ssyncadd.s32 $0xFFFFF000  }
0x9a: {  	[spmem:s2] =	stream.indirect.scatter.add.f32 [tilespmem:s23], [sflag:$0x4], $0x80, s21, s21, $0xb8;
	[tilespmem:$0x1E900] =	vst v63  }
0x9b: {  	s26 =	rddreg [dreg:$0x15]  }
0x9c: {  	[tilespmem:s19], [sflag:$0x6] =	stream.linear.gather [hbm4b:s26+s25], $0x80, $0x38;
	[tilespmem:$0x1E900] =	vst v63  }
0x9d: {  	_ =	swait.ge [sflag:s16], $0x4000  }
0x9e: {  	[sflag:s16] =	ssyncset.done $0x0  }
0x9f: {  	[sflag:s16] =	ssyncadd.s32 $0xFFFFC000  }
0xa0: {  	_ =	swait.ge [sflag:s17], $0x80  }
0xa1: {  	[sflag:s17] =	ssyncset.done $0x0  }
0xa2: {  	[sflag:s17] =	ssyncadd.s32 $0xFFFFFF80  }
0xa3: {  	[tilespmem:s28], [sflag:$0x1] =	stream.indirect.gather [hbm4b:s1+s31], $0x80, s30, s31, $0xb8;
	[tilespmem:$0x1E900] =	vst v63  }
0xa4: {  	_ = 	snop  }
0xa5: {  	[tilespmem:s5], [sflag:$0x1] =	stream.indirect.gather [hbm4b:s1+s31], $0x80, s4, s31, $0xb8;
	[tilespmem:$0x1E900] =	vst v63  }
0xa6: {  	_ = 	snop  }
0xa7: {  	[tilespmem:s9], [sflag:$0x1] =	stream.indirect.gather [hbm4b:s1+s31], $0x80, s8, s31, $0xb8;
	[tilespmem:$0x1E900] =	vst v63  }
0xa8: {  	s7 =	simm.s32 $0x2820;
	s3 =	simm.s32 $0x3900;
	s5 =	rddreg [dreg:$0x19]  }
0xa9: {  	[tilespmem:s11], [sflag:$0x1] =	stream.indirect.gather [hbm4b:s1+s31], $0x80, s10, s31, $0xb8;
	[tilespmem:$0x1E900] =	vst v63  }
.LBB2_8:
0xaa: {  	_ =	swait.ge [sflag:s20], $0x1000  }
0xab: {  	[sflag:s20] =	ssyncset.done $0x0  }
0xac: {  	[sflag:s20] =	ssyncadd.s32 $0xFFFFF000  }
0xad: {  	_ =	swait.ge [sflag:s20], $0x1000  }
0xae: {  	[sflag:s20] =	ssyncset.done $0x0  }
0xaf: {  	[sflag:s20] =	ssyncadd.s32 $0xFFFFF000  }
0xb0: {  	_ =	swait.ge [sflag:s20], $0x1000  }
0xb1: {  	[sflag:s20] =	ssyncset.done $0x0  }
0xb2: {  	[sflag:s20] =	ssyncadd.s32 $0xFFFFF000  }
0xb3: {  	_ =	swait.ge [sflag:s20], $0x1000  }
0xb4: {  	s0 =	sshra.s32 s25, $0x2;
	[sflag:s20] =	ssyncset.done $0x0  }
0xb5: {  	p2 =	seq.s32 s25, $0x9800;
	s4 =	sadd.s32 $0x100, s0;
	[sflag:s20] =	ssyncadd.s32 $0xFFFFF000  }
0xb6: {  	[spmem:s2] =	stream.indirect.scatter.add.f32 [tilespmem:s28], [sflag:$0x3], $0x80, s4, s21, $0xb8;
	[tilespmem:$0x1E900] =	vst v63  }
0xb7: {  	s24 =	simm.s32 @!p2 $0x0;
	s26 =	simm.s32 @!p2 $0x2800;
	s4 =	sadd.s32 @!p2 $0xFFFFFFF0, s5  }
0xb8: {  	[tilespmem:s26], [sflag:$0x5] =	stream.linear.gather @!p2 [hbm4b:s4+s24], $0x80, $0x38;
	[tilespmem:$0x1E900] =	vst v63  }
0xb9: {  	_ =	swait.ge [sflag:s18], $0x4000  }
0xba: {  	[sflag:s18] =	ssyncset.done $0x0  }
0xbb: {  	[sflag:s18] =	ssyncadd.s32 $0xFFFFC000  }
0xbc: {  	_ =	swait.ge [sflag:s22], $0x80  }
0xbd: {  	[sflag:s22] =	ssyncset.done $0x0  }
0xbe: {  	[sflag:s22] =	ssyncadd.s32 $0xFFFFFF80  }
0xbf: {  	[tilespmem:s23], [sflag:$0x2] =	stream.indirect.gather [hbm4b:s1+s31], $0x80, s19, s31, $0xb8;
	[tilespmem:$0x1E900] =	vst v63  }
0xc0: {  	s24 =	simm.s32 $0x28A0;
	s26 =	simm.s32 $0x7900  }
0xc1: {  	[tilespmem:s26], [sflag:$0x2] =	stream.indirect.gather [hbm4b:s1+s31], $0x80, s24, s31, $0xb8;
	[tilespmem:$0x1E900] =	vst v63  }
0xc2: {  	_ = 	snop  }
0xc3: {  	[tilespmem:s12], [sflag:$0x2] =	stream.indirect.gather [hbm4b:s1+s31], $0x80, s6, s31, $0xb8;
	[tilespmem:$0x1E900] =	vst v63  }
0xc4: {  	_ = 	snop  }
0xc5: {  	[tilespmem:s14], [sflag:$0x2] =	stream.indirect.gather [hbm4b:s1+s31], $0x80, s13, s31, $0xb8;
	[tilespmem:$0x1E900] =	vst v63  }
0xc6: {  	_ =	swait.ge [sflag:s15], $0x1000  }
0xc7: {  	[sflag:s15] =	ssyncset.done $0x0  }
0xc8: {  	[sflag:s15] =	ssyncadd.s32 $0xFFFFF000  }
0xc9: {  	_ =	swait.ge [sflag:s15], $0x1000  }
0xca: {  	[sflag:s15] =	ssyncset.done $0x0  }
0xcb: {  	[sflag:s15] =	ssyncadd.s32 $0xFFFFF000  }
0xcc: {  	_ =	swait.ge [sflag:s15], $0x1000  }
0xcd: {  	[sflag:s15] =	ssyncset.done $0x0  }
.Ltmp4:
0xce: {  	[sflag:s15] =	ssyncadd.s32 $0xFFFFF000;
	(pc) =	sbr.rel @p2 .LBB2_10-.Ltmp4, $4  }
0xcf: {  	_ =	swait.ge [sflag:s15], $0x1000  }
0xd0: {  	[sflag:s15] =	ssyncset.done $0x0  }
0xd1: {  	s0 =	sadd.s32 $0x180, s0;
	[sflag:s15] =	ssyncadd.s32 $0xFFFFF000  }
0xd2: {  	[spmem:s2] =	stream.indirect.scatter.add.f32 [tilespmem:s23], [sflag:$0x4], $0x80, s0, s21, $0xb8;
	[tilespmem:$0x1E900] =	vst v63  }
0xd3: {  	s0 =	simm.s32 $0x0  }
0xd4: {  	[tilespmem:s19], [sflag:$0x6] =	stream.linear.gather [hbm4b:s5+s0], $0x80, $0x38;
	[tilespmem:$0x1E900] =	vst v63  }
0xd5: {  	_ =	swait.ge [sflag:s16], $0x4000  }
0xd6: {  	[sflag:s16] =	ssyncset.done $0x0  }
0xd7: {  	[sflag:s16] =	ssyncadd.s32 $0xFFFFC000  }
0xd8: {  	_ =	swait.ge [sflag:s17], $0x80  }
0xd9: {  	[sflag:s17] =	ssyncset.done $0x0  }
0xda: {  	s25 =	sadd.s32 $0x400, s25;
	[sflag:s17] =	ssyncadd.s32 $0xFFFFFF80  }
0xdb: {  	[tilespmem:s28], [sflag:$0x1] =	stream.indirect.gather [hbm4b:s1+s31], $0x80, s30, s31, $0xb8;
	[tilespmem:$0x1E900] =	vst v63  }
0xdc: {  	p2 =	seq.s32 s25, $0x9C00  }
0xdd: {  	[tilespmem:s3], [sflag:$0x1] =	stream.indirect.gather [hbm4b:s1+s31], $0x80, s7, s31, $0xb8;
	[tilespmem:$0x1E900] =	vst v63  }
.Ltmp5:
0xde: {  	_ = 	snop;
	(pc) =	sbr.rel @!p2 .LBB2_8-.Ltmp5, $4  }
.Ltmp6:
0xdf: {  	_ = 	snop;
	(pc) =	sbr.rel @p2 .LBB2_11-.Ltmp6, $4  }
0xe0: {  	[tilespmem:s9], [sflag:$0x1] =	stream.indirect.gather [hbm4b:s1+s31], $0x80, s8, s31, $0xb8;
	[tilespmem:$0x1E900] =	vst v63  }
0xe1: {  	s5 =	sadd.s32 $0x20, s5  }
0xe2: {  	[tilespmem:s11], [sflag:$0x1] =	stream.indirect.gather [hbm4b:s1+s31], $0x80, s10, s31, $0xb8;
	[tilespmem:$0x1E900] =	vst v63  }
0xe3: {  	_ = 	snop  }
.LBB2_4:
0xe4: {  	s0 =	rddreg [dreg:$0x6]  }
0xe5: {  	[tilespmem:s25], [sflag:$0x7] =	stream.linear.gather [hbm4b:s0+s25], $0x2800, $0x38;
	[tilespmem:$0x1E900] =	vst v63  }
0xe6: {  	_ =	swait.ge [sflag:s29], $0x2800  }
0xe7: {  	[sflag:s29] =	ssyncset.done $0x0  }
0xe8: {  	s26 =	rddreg [dreg:$0x5];
	[sflag:s29] =	ssyncadd.s32 $0xFFFFD800  }
0xe9: {  	[tilespmem:s30], [sflag:$0x7] =	stream.linear.gather [hbm4b:s26+s25], $0x80, $0x38;
	[tilespmem:$0x1E900] =	vst v63  }
0xea: {  	_ =	swait.ge [sflag:s29], $0x80  }
0xeb: {  	[sflag:s29] =	ssyncset.done $0x0  }
0xec: {  	[sflag:s29] =	ssyncadd.s32 $0xFFFFFF80  }
0xed: {  	[tilespmem:s28], [sflag:$0x1] =	stream.indirect.gather [hbm4b:s1+s31], $0x80, s30, s31, $0xb8;
	[tilespmem:$0x1E900] =	vst v63  }
0xee: {  	s4 =	simm.s32 $0x2820;
	s5 =	simm.s32 $0x3900  }
0xef: {  	[tilespmem:s5], [sflag:$0x1] =	stream.indirect.gather [hbm4b:s1+s31], $0x80, s4, s31, $0xb8;
	[tilespmem:$0x1E900] =	vst v63  }
0xf0: {  	_ = 	snop  }
0xf1: {  	[tilespmem:s9], [sflag:$0x1] =	stream.indirect.gather [hbm4b:s1+s31], $0x80, s8, s31, $0xb8;
	[tilespmem:$0x1E900] =	vst v63  }
0xf2: {  	_ = 	snop  }
0xf3: {  	[tilespmem:s11], [sflag:$0x1] =	stream.indirect.gather [hbm4b:s1+s31], $0x80, s10, s31, $0xb8;
	[tilespmem:$0x1E900] =	vst v63  }
0xf4: {  	s3 =	rddreg [dreg:$0x7]  }
0xf5: {  	[tilespmem:s19], [sflag:$0x6] =	stream.linear.gather [hbm4b:s3+s25], $0x80, $0x38;
	[tilespmem:$0x1E900] =	vst v63  }
0xf6: {  	_ =	swait.ge [sflag:s20], $0x1000  }
0xf7: {  	[sflag:s20] =	ssyncset.done $0x0  }
0xf8: {  	[sflag:s20] =	ssyncadd.s32 $0xFFFFF000  }
0xf9: {  	_ =	swait.ge [sflag:s20], $0x1000  }
0xfa: {  	[sflag:s20] =	ssyncset.done $0x0  }
0xfb: {  	[sflag:s20] =	ssyncadd.s32 $0xFFFFF000  }
0xfc: {  	_ =	swait.ge [sflag:s20], $0x1000  }
0xfd: {  	[sflag:s20] =	ssyncset.done $0x0  }
0xfe: {  	[sflag:s20] =	ssyncadd.s32 $0xFFFFF000  }
0xff: {  	_ =	swait.ge [sflag:s20], $0x1000  }
0x100: {  	[sflag:s20] =	ssyncset.done $0x0  }
0x101: {  	[sflag:s20] =	ssyncadd.s32 $0xFFFFF000  }
0x102: {  	[spmem:s2] =	stream.indirect.scatter.add.f32 [tilespmem:s28], [sflag:$0x3], $0x80, s25, s21, $0xb8;
	[tilespmem:$0x1E900] =	vst v63  }
0x103: {  	s7 =	rddreg [dreg:$0x12]  }
0x104: {  	[tilespmem:s30], [sflag:$0x5] =	stream.linear.gather [hbm4b:s7+s25], $0x80, $0x38;
	[tilespmem:$0x1E900] =	vst v63  }
0x105: {  	_ =	swait.ge [sflag:s22], $0x80  }
0x106: {  	[sflag:s22] =	ssyncset.done $0x0  }
0x107: {  	[sflag:s22] =	ssyncadd.s32 $0xFFFFFF80  }
0x108: {  	[tilespmem:s23], [sflag:$0x2] =	stream.indirect.gather [hbm4b:s1+s31], $0x80, s19, s31, $0xb8;
	[tilespmem:$0x1E900] =	vst v63  }
0x109: {  	s24 =	simm.s32 $0x28A0;
	s3 =	simm.s32 $0x7900  }
0x10a: {  	[tilespmem:s3], [sflag:$0x2] =	stream.indirect.gather [hbm4b:s1+s31], $0x80, s24, s31, $0xb8;
	[tilespmem:$0x1E900] =	vst v63  }
0x10b: {  	_ = 	snop  }
0x10c: {  	[tilespmem:s12], [sflag:$0x2] =	stream.indirect.gather [hbm4b:s1+s31], $0x80, s6, s31, $0xb8;
	[tilespmem:$0x1E900] =	vst v63  }
0x10d: {  	_ = 	snop  }
0x10e: {  	[tilespmem:s14], [sflag:$0x2] =	stream.indirect.gather [hbm4b:s1+s31], $0x80, s13, s31, $0xb8;
	[tilespmem:$0x1E900] =	vst v63  }
0x10f: {  	_ =	swait.ge [sflag:s15], $0x1000  }
0x110: {  	[sflag:s15] =	ssyncset.done $0x0  }
0x111: {  	[sflag:s15] =	ssyncadd.s32 $0xFFFFF000  }
0x112: {  	_ =	swait.ge [sflag:s15], $0x1000  }
0x113: {  	[sflag:s15] =	ssyncset.done $0x0  }
0x114: {  	[sflag:s15] =	ssyncadd.s32 $0xFFFFF000  }
0x115: {  	_ =	swait.ge [sflag:s15], $0x1000  }
0x116: {  	[sflag:s15] =	ssyncset.done $0x0  }
0x117: {  	[sflag:s15] =	ssyncadd.s32 $0xFFFFF000  }
0x118: {  	_ =	swait.ge [sflag:s15], $0x1000  }
0x119: {  	[sflag:s15] =	ssyncset.done $0x0  }
0x11a: {  	[sflag:s15] =	ssyncadd.s32 $0xFFFFF000  }
0x11b: {  	[spmem:s2] =	stream.indirect.scatter.add.f32 [tilespmem:s23], [sflag:$0x4], $0x80, s21, s21, $0xb8;
	[tilespmem:$0x1E900] =	vst v63  }
0x11c: {  	s26 =	rddreg [dreg:$0x13]  }
0x11d: {  	[tilespmem:s19], [sflag:$0x6] =	stream.linear.gather [hbm4b:s26+s25], $0x80, $0x38;
	[tilespmem:$0x1E900] =	vst v63  }
0x11e: {  	_ =	swait.ge [sflag:s16], $0x4000  }
0x11f: {  	[sflag:s16] =	ssyncset.done $0x0  }
0x120: {  	[sflag:s16] =	ssyncadd.s32 $0xFFFFC000  }
0x121: {  	_ =	swait.ge [sflag:s17], $0x80  }
0x122: {  	[sflag:s17] =	ssyncset.done $0x0  }
0x123: {  	[sflag:s17] =	ssyncadd.s32 $0xFFFFFF80  }
0x124: {  	[tilespmem:s28], [sflag:$0x1] =	stream.indirect.gather [hbm4b:s1+s31], $0x80, s30, s31, $0xb8;
	[tilespmem:$0x1E900] =	vst v63  }
0x125: {  	_ = 	snop  }
0x126: {  	[tilespmem:s5], [sflag:$0x1] =	stream.indirect.gather [hbm4b:s1+s31], $0x80, s4, s31, $0xb8;
	[tilespmem:$0x1E900] =	vst v63  }
0x127: {  	_ = 	snop  }
0x128: {  	[tilespmem:s9], [sflag:$0x1] =	stream.indirect.gather [hbm4b:s1+s31], $0x80, s8, s31, $0xb8;
	[tilespmem:$0x1E900] =	vst v63  }
0x129: {  	s7 =	simm.s32 $0x2820;
	s3 =	simm.s32 $0x3900;
	s5 =	rddreg [dreg:$0x16]  }
0x12a: {  	[tilespmem:s11], [sflag:$0x1] =	stream.indirect.gather [hbm4b:s1+s31], $0x80, s10, s31, $0xb8;
	[tilespmem:$0x1E900] =	vst v63  }
.LBB2_5:
0x12b: {  	_ =	swait.ge [sflag:s20], $0x1000  }
0x12c: {  	[sflag:s20] =	ssyncset.done $0x0  }
0x12d: {  	[sflag:s20] =	ssyncadd.s32 $0xFFFFF000  }
0x12e: {  	_ =	swait.ge [sflag:s20], $0x1000  }
0x12f: {  	[sflag:s20] =	ssyncset.done $0x0  }
0x130: {  	[sflag:s20] =	ssyncadd.s32 $0xFFFFF000  }
0x131: {  	_ =	swait.ge [sflag:s20], $0x1000  }
0x132: {  	[sflag:s20] =	ssyncset.done $0x0  }
0x133: {  	[sflag:s20] =	ssyncadd.s32 $0xFFFFF000  }
0x134: {  	_ =	swait.ge [sflag:s20], $0x1000  }
0x135: {  	s4 =	sshra.s32 s25, $0x2;
	[sflag:s20] =	ssyncset.done $0x0  }
0x136: {  	p2 =	seq.s32 s25, $0x9800;
	s24 =	sadd.s32 $0x100, s4;
	[sflag:s20] =	ssyncadd.s32 $0xFFFFF000  }
0x137: {  	[spmem:s2] =	stream.indirect.scatter.add.f32 [tilespmem:s28], [sflag:$0x3], $0x80, s24, s21, $0xb8;
	[tilespmem:$0x1E900] =	vst v63  }
0x138: {  	s0 =	simm.s32 @!p2 $0x0;
	s26 =	simm.s32 @!p2 $0x2800;
	s24 =	sadd.s32 @!p2 $0xFFFFFFF0, s5  }
0x139: {  	[tilespmem:s26], [sflag:$0x5] =	stream.linear.gather @!p2 [hbm4b:s24+s0], $0x80, $0x38;
	[tilespmem:$0x1E900] =	vst v63  }
0x13a: {  	_ =	swait.ge [sflag:s18], $0x4000  }
0x13b: {  	[sflag:s18] =	ssyncset.done $0x0  }
0x13c: {  	[sflag:s18] =	ssyncadd.s32 $0xFFFFC000  }
0x13d: {  	_ =	swait.ge [sflag:s22], $0x80  }
0x13e: {  	[sflag:s22] =	ssyncset.done $0x0  }
0x13f: {  	[sflag:s22] =	ssyncadd.s32 $0xFFFFFF80  }
0x140: {  	[tilespmem:s23], [sflag:$0x2] =	stream.indirect.gather [hbm4b:s1+s31], $0x80, s19, s31, $0xb8;
	[tilespmem:$0x1E900] =	vst v63  }
0x141: {  	s24 =	simm.s32 $0x28A0;
	s26 =	simm.s32 $0x7900  }
0x142: {  	[tilespmem:s26], [sflag:$0x2] =	stream.indirect.gather [hbm4b:s1+s31], $0x80, s24, s31, $0xb8;
	[tilespmem:$0x1E900] =	vst v63  }
0x143: {  	_ = 	snop  }
0x144: {  	[tilespmem:s12], [sflag:$0x2] =	stream.indirect.gather [hbm4b:s1+s31], $0x80, s6, s31, $0xb8;
	[tilespmem:$0x1E900] =	vst v63  }
0x145: {  	_ = 	snop  }
0x146: {  	[tilespmem:s14], [sflag:$0x2] =	stream.indirect.gather [hbm4b:s1+s31], $0x80, s13, s31, $0xb8;
	[tilespmem:$0x1E900] =	vst v63  }
0x147: {  	_ =	swait.ge [sflag:s15], $0x1000  }
0x148: {  	[sflag:s15] =	ssyncset.done $0x0  }
0x149: {  	[sflag:s15] =	ssyncadd.s32 $0xFFFFF000  }
0x14a: {  	_ =	swait.ge [sflag:s15], $0x1000  }
0x14b: {  	[sflag:s15] =	ssyncset.done $0x0  }
0x14c: {  	[sflag:s15] =	ssyncadd.s32 $0xFFFFF000  }
0x14d: {  	_ =	swait.ge [sflag:s15], $0x1000  }
0x14e: {  	[sflag:s15] =	ssyncset.done $0x0  }
.Ltmp7:
0x14f: {  	[sflag:s15] =	ssyncadd.s32 $0xFFFFF000;
	(pc) =	sbr.rel @p2 .LBB2_10-.Ltmp7, $4  }
0x150: {  	_ =	swait.ge [sflag:s15], $0x1000  }
0x151: {  	[sflag:s15] =	ssyncset.done $0x0  }
0x152: {  	s26 =	sadd.s32 $0x180, s4;
	[sflag:s15] =	ssyncadd.s32 $0xFFFFF000  }
0x153: {  	[spmem:s2] =	stream.indirect.scatter.add.f32 [tilespmem:s23], [sflag:$0x4], $0x80, s26, s21, $0xb8;
	[tilespmem:$0x1E900] =	vst v63  }
0x154: {  	s0 =	simm.s32 $0x0  }
0x155: {  	[tilespmem:s19], [sflag:$0x6] =	stream.linear.gather [hbm4b:s5+s0], $0x80, $0x38;
	[tilespmem:$0x1E900] =	vst v63  }
0x156: {  	_ =	swait.ge [sflag:s16], $0x4000  }
0x157: {  	[sflag:s16] =	ssyncset.done $0x0  }
0x158: {  	[sflag:s16] =	ssyncadd.s32 $0xFFFFC000  }
0x159: {  	_ =	swait.ge [sflag:s17], $0x80  }
0x15a: {  	[sflag:s17] =	ssyncset.done $0x0  }
0x15b: {  	s25 =	sadd.s32 $0x400, s25;
	[sflag:s17] =	ssyncadd.s32 $0xFFFFFF80  }
0x15c: {  	[tilespmem:s28], [sflag:$0x1] =	stream.indirect.gather [hbm4b:s1+s31], $0x80, s30, s31, $0xb8;
	[tilespmem:$0x1E900] =	vst v63  }
0x15d: {  	p2 =	seq.s32 s25, $0x9C00  }
0x15e: {  	[tilespmem:s3], [sflag:$0x1] =	stream.indirect.gather [hbm4b:s1+s31], $0x80, s7, s31, $0xb8;
	[tilespmem:$0x1E900] =	vst v63  }
.Ltmp8:
0x15f: {  	_ = 	snop;
	(pc) =	sbr.rel @!p2 .LBB2_5-.Ltmp8, $4  }
.Ltmp9:
0x160: {  	_ = 	snop;
	(pc) =	sbr.rel @p2 .LBB2_11-.Ltmp9, $4  }
0x161: {  	[tilespmem:s9], [sflag:$0x1] =	stream.indirect.gather [hbm4b:s1+s31], $0x80, s8, s31, $0xb8;
	[tilespmem:$0x1E900] =	vst v63  }
0x162: {  	s5 =	sadd.s32 $0x20, s5  }
0x163: {  	[tilespmem:s11], [sflag:$0x1] =	stream.indirect.gather [hbm4b:s1+s31], $0x80, s10, s31, $0xb8;
	[tilespmem:$0x1E900] =	vst v63  }
0x164: {  	_ = 	snop  }
.LBB2_12:
0x165: {  	_ =	sfence.sel $0x180000  }
0x166: {  	[bflag:$0x0] =	sbarrier.arrive $0xFFFF  }
0x167: {  	_ =	strace $0x90000050  }
0x168: {  	s0 =	stileid.u32;
	[bflag:$0x2] =	sbarrier.arrive $0xFFFF  }
0x169: {  	p0 =	sne.s32 s0, $0x0;
	s0 =	rddreg [dreg:$0x3]  }
0x16a: {  	s0 =	sadd.s32 @!p0 $0x100000, s0  }
0x16b: {  	[sflag:s0] =	ssyncadd.tile.s32 @!p0 $0x1;
	_ =	shalt  }
.Lfunc_end2:
_tile_overlayer_lowered:
.L_overlay_start_2:
0x16c: {  	(tag) =	ssettag $0x2  }
0x16d: {  	s0 =	rddreg [dreg:$0x0];
	s2 =	stileid.u32  }
0x16e: {  	s1 =	rddreg [dreg:$0x1];
	p0 =	sne.s32 s2, $0x0  }
0x16f: {  	s3 =	rddreg [dreg:$0x2];
	[bflag:$0x3] =	sbarrier.arrive $0xFFFF;
	s2 =	simm.s32 @!p0 $0x1C07  }
0x170: {  	[timem:s3], [sflag:s2] =	dma.local @!p0 [hbm:s0], s1  }
0x171: {  	s0 =	simm.s32 @!p0 $0x7  }
0x172: {  	_ =	swait.ge @!p0 [sflag:s0], s1  }
0x173: {  	s1 =	ssub.s32 @!p0 $0x0, s1;
	[sflag:s0] =	ssyncset.done @!p0 $0x0  }
0x174: {  	[sflag:s0] =	ssyncadd.s32 @!p0 s1  }
0x175: {  	[bflag:$0x3] =	sbarrier.arrive $0xFFFF  }
0x176: {  	_ =	shalt  }

</sc_bundles>
